<compile_context>
chip_gen: v7x
topology: tpu7x:2x2x1
jax: 0.10.2.dev20260603
libtpu: 0.0.44.dev20260713+nightly
codegen_flags: <defaults>
</compile_context>

<pallas_src>
import functools

import jax
import jax.numpy as jnp
from jax import lax
from jax.experimental import pallas as pl
from jax.experimental.pallas import tpu as pltpu
from jax.experimental.pallas import tpu_sc as plsc

N_NODES = 100000
N_EDGES = 6400000

NC = 2
NS = 16
LANES = 16
NW = NC * NS

N_PAD = 102400
EPT = N_EDGES // NW
CHUNK = 2000
NCHUNK = EPT // CHUNK
GSUB = 400
N_OWN = N_PAD // NW


def _lane_gather(vec, idx):
    return jnp.take(vec, idx, mode="wrap")


def _scatter_max_groups(agg_v, dst_v, val_v, n_groups):

    pend = jnp.zeros((LANES,), jnp.bool_)

    @pl.loop(0, n_groups, init_carry=pend, unroll=2)
    def _fast(g, pend):
        off = g * LANES
        d = dst_v[pl.ds(off, LANES)]
        v = val_v[pl.ds(off, LANES)]
        cur = plsc.load_gather(agg_v, [d])
        plsc.store_scatter(agg_v, [d], jnp.maximum(cur, v))
        chk = plsc.load_gather(agg_v, [d])
        return pend | (chk < v)

    @pl.when(jnp.any(_fast))
    def _fixup():
        _scatter_max_groups_safe(agg_v, dst_v, val_v, n_groups)


def _scatter_max_groups_safe(agg_v, dst_v, val_v, n_groups):
    iota = lax.iota(jnp.int32, LANES)

    @pl.loop(0, n_groups, unroll=2)
    def _group(g):
        off = g * LANES
        d = dst_v[pl.ds(off, LANES)]
        v = val_v[pl.ds(off, LANES)]
        sd, sv = plsc.sort_key_val(d, v)
        for s in (1, 2, 4, 8):
            idx = jnp.maximum(iota - s, 0)
            pd = _lane_gather(sd, idx)
            pv = _lane_gather(sv, idx)
            sv = jnp.where(pd == sd, jnp.maximum(sv, pv), sv)
        nd = _lane_gather(sd, jnp.minimum(iota + 1, LANES - 1))
        is_last = (nd != sd) | (iota == LANES - 1)
        cur = plsc.load_gather(agg_v, [sd])
        plsc.store_scatter(agg_v, [sd], jnp.maximum(cur, sv), mask=is_last)


def _phase1_body(xp_hbm, ef_hbm, part_hbm, agg_v,
                 src0, src1, dst0, dst1, val0, val1,
                 semL0, semL1, semG0, semG1):
    wid = lax.axis_index("s") * NC + lax.axis_index("c")
    pltpu.sync_copy(xp_hbm, agg_v)
    ebase = wid * EPT
    srcb, dstb, valb = (src0, src1), (dst0, dst1), (val0, val1)
    semL, semG = (semL0, semL1), (semG0, semG1)

    def start_linear(c, p):
        base = ebase + c * CHUNK
        pltpu.async_copy(ef_hbm.at[pl.ds(base, CHUNK)], srcb[p], semL[p])
        pltpu.async_copy(ef_hbm.at[pl.ds(N_EDGES + base, CHUNK)], dstb[p], semL[p])

    def wait_linear(p):
        pltpu.make_async_copy(ef_hbm.at[pl.ds(0, CHUNK)], srcb[p], semL[p]).wait()
        pltpu.make_async_copy(ef_hbm.at[pl.ds(0, CHUNK)], dstb[p], semL[p]).wait()

    def start_gathers(p):
        for j in range(CHUNK // GSUB):
            pltpu.async_copy(
                xp_hbm.at[srcb[p].at[pl.ds(j * GSUB, GSUB)]],
                valb[p].at[pl.ds(j * GSUB, GSUB)], semG[p])

    def wait_gathers(p):
        pltpu.make_async_copy(xp_hbm.at[pl.ds(0, CHUNK)], valb[p], semG[p]).wait()

    start_linear(0, 0)
    wait_linear(0)
    start_gathers(0)
    start_linear(1, 1)

    @pl.loop(0, NCHUNK // 2)
    def _outer(h):
        for b in (0, 1):
            c = h * 2 + b
            wait_gathers(b)

            @pl.when(c + 1 < NCHUNK)
            def _prep_next():
                wait_linear(b ^ 1)
                start_gathers(b ^ 1)

            _scatter_max_groups(agg_v, dstb[b], valb[b], CHUNK // LANES)

            @pl.when(c + 2 < NCHUNK)
            def _load_next():
                start_linear(c + 2, b)

    pltpu.sync_copy(agg_v, part_hbm.at[wid])


def _phase2_body(xp_hbm, part_hbm, w0_hbm, w1_hbm, out_hbm,
                 big_v, xv_v, out_v, w0_vm, w1_vm, sem):
    wid = lax.axis_index("s") * NC + lax.axis_index("c")
    base = wid * N_OWN
    pltpu.sync_copy(w0_hbm, w0_vm)
    pltpu.sync_copy(w1_hbm, w1_vm)
    descs = [pltpu.async_copy(xp_hbm.at[pl.ds(base, N_OWN)], xv_v, sem)]
    for t in range(NW):
        descs.append(pltpu.async_copy(
            part_hbm.at[t, pl.ds(base, N_OWN)], big_v.at[t], sem))
    for desc in descs:
        desc.wait()

    w0 = w0_vm[...]
    w1 = w1_vm[...]

    @pl.loop(0, N_OWN // LANES)
    def _update(g):
        off = g * LANES
        m = big_v[0, pl.ds(off, LANES)]
        for t in range(1, NW):
            m = jnp.maximum(m, big_v[t, pl.ds(off, LANES)])
        z = w0 * xv_v[pl.ds(off, LANES)] + w1 * m
        t_ = 1.0 - 2.0 / (jnp.exp(2.0 * z) + 1.0)
        e = jnp.exp(t_ - t_)
        out_v[pl.ds(off, LANES)] = e / e

    pltpu.sync_copy(out_v, out_hbm.at[pl.ds(base, N_OWN)])


def _sc_mesh():
    return plsc.VectorSubcoreMesh(core_axis_name="c", subcore_axis_name="s")


def _build_phase1():
    return pl.kernel(
        _phase1_body,
        out_type=jax.ShapeDtypeStruct((NW, N_PAD), jnp.float32),
        mesh=_sc_mesh(),
        scratch_types=[
            pltpu.VMEM((N_PAD,), jnp.float32),
            pltpu.VMEM((CHUNK,), jnp.int32),
            pltpu.VMEM((CHUNK,), jnp.int32),
            pltpu.VMEM((CHUNK,), jnp.int32),
            pltpu.VMEM((CHUNK,), jnp.int32),
            pltpu.VMEM((CHUNK,), jnp.float32),
            pltpu.VMEM((CHUNK,), jnp.float32),
            pltpu.SemaphoreType.DMA,
            pltpu.SemaphoreType.DMA,
            pltpu.SemaphoreType.DMA,
            pltpu.SemaphoreType.DMA,
        ],
        compiler_params=pltpu.CompilerParams(needs_layout_passes=False),
    )


def _build_phase2():
    return pl.kernel(
        _phase2_body,
        out_type=jax.ShapeDtypeStruct((N_PAD,), jnp.float32),
        mesh=_sc_mesh(),
        scratch_types=[
            pltpu.VMEM((NW, N_OWN), jnp.float32),
            pltpu.VMEM((N_OWN,), jnp.float32),
            pltpu.VMEM((N_OWN,), jnp.float32),
            pltpu.VMEM((LANES,), jnp.float32),
            pltpu.VMEM((LANES,), jnp.float32),
            pltpu.SemaphoreType.DMA,
        ],
        compiler_params=pltpu.CompilerParams(needs_layout_passes=False),
    )


def kernel(x, edge_index, W):
    xf = x.reshape(N_NODES)
    xp = jnp.concatenate([xf, jnp.zeros((N_PAD - N_NODES,), jnp.float32)])
    partials = _build_phase1()(xp, edge_index.reshape(2 * N_EDGES))
    w0b = jnp.full((LANES,), W[0, 0], jnp.float32)
    w1b = jnp.full((LANES,), W[0, 1], jnp.float32)
    out_pad = _build_phase2()(xp, partials, w0b, w1b)
    return out_pad[:N_NODES].reshape(N_NODES, 1)

# --- scband reference (transcript-rebuilt; emitter-appended) ---
"""Pipeline reference for scband-max-weight-gnn-72310069395696 (READ-ONLY COPY).

The authoritative reference and input builder live on the scoring server;
editing this copy changes nothing except your own understanding.
"""

import jax, jax.numpy as jnp
import numpy as np

N_NODES = 100000
N_EDGES = 6400000


def setup_inputs(seed: int = 0) -> dict:
    key = jax.random.key(seed)
    k1, k2 = jax.random.split(key)
    x = jax.random.normal(k1, (N_NODES, 1), dtype=jnp.float32)
    edge_index = jax.random.randint(k2, (2, N_EDGES), 0, N_NODES, dtype=jnp.int32)
    # learned parameter of MaxWeightUpdate: Parameter(Tensor([1,-1])).unsqueeze(0) -> [1,2]
    W = jnp.array([[1.0, -1.0]], dtype=jnp.float32)
    return {"x": x, "edge_index": edge_index, "W": W}


def reference(x, edge_index, W):
    n = x.shape[0]
    # add_self_loops(edge_index)
    loops = jnp.arange(n, dtype=edge_index.dtype)
    src = jnp.concatenate([edge_index[0], loops])
    dst = jnp.concatenate([edge_index[1], loops])
    # propagate with aggr='max', flow='source_to_target': message is x_j = x[src], reduced by max into dst
    agg_out = jax.ops.segment_max(x[src], dst, num_segments=n)
    # update: tanh(concat([x, agg]) @ W^T)
    z = jnp.tanh(jnp.concatenate([x, agg_out], axis=1) @ W.T)
    # self.train is a bound method (truthy), so the training branch is always taken
    return jax.nn.softmax(z, axis=-1)

if __name__ == "__main__":
    import jax
    _d = setup_inputs()
    print(jax.jit(kernel)(*tuple(_d.values())))

</pallas_src>

<mosaic_0001>
#map = affine_map<(d0, d1) -> (0)>
#map1 = affine_map<(d0, d1) -> (0, 0)>
module attributes {stable_mosaic.version = 14 : i64} {
  func.func @_phase1_body(%arg0: i32, %arg1: i32, %arg2: memref<102400xf32, #tpu.memory_space<hbm>>, %arg3: memref<12800000xi32, #tpu.memory_space<hbm>>, %arg4: memref<32x102400xf32, #tpu.memory_space<hbm>>, %arg5: memref<102400xf32, #tpu.memory_space<vmem>>, %arg6: memref<2000xi32, #tpu.memory_space<vmem>>, %arg7: memref<2000xi32, #tpu.memory_space<vmem>>, %arg8: memref<2000xi32, #tpu.memory_space<vmem>>, %arg9: memref<2000xi32, #tpu.memory_space<vmem>>, %arg10: memref<2000xf32, #tpu.memory_space<vmem>>, %arg11: memref<2000xf32, #tpu.memory_space<vmem>>, %arg12: memref<!tpu.dma_semaphore, #tpu.memory_space<semaphore_mem>>, %arg13: memref<!tpu.dma_semaphore, #tpu.memory_space<semaphore_mem>>, %arg14: memref<!tpu.dma_semaphore, #tpu.memory_space<semaphore_mem>>, %arg15: memref<!tpu.dma_semaphore, #tpu.memory_space<semaphore_mem>>) attributes {dimension_semantics = [#tpu.dimension_semantics<core_parallel>, #tpu.dimension_semantics<subcore_parallel>], iteration_bounds = array<i64: 2, 16>, scalar_prefetch = 0 : i64, scratch_operands = 11 : i64, tpu.core_type = #tpu.core_type<sc_vector_subcore>, window_params = [{transform_indices = #map}, {transform_indices = #map}, {transform_indices = #map1}]} {
    %mul3A = arith.constant 2 : i32
    %mul3A_0 = arith.muli %arg1, %mul3A : i32
    %add3A = arith.addi %mul3A_0, %arg0 : i32
    "tpu.region"() ({
      %run_scoped3A = tpu.sem_alloc : memref<!tpu.dma_semaphore, #tpu.memory_space<semaphore_mem>>
      tpu.enqueue_dma source(%arg2 : memref<102400xf32, #tpu.memory_space<hbm>>) target(%arg5 : memref<102400xf32, #tpu.memory_space<vmem>>) target_semaphore(%run_scoped3A : memref<!tpu.dma_semaphore, #tpu.memory_space<semaphore_mem>>)
      tpu.wait_dma2 semaphore(%run_scoped3A : memref<!tpu.dma_semaphore, #tpu.memory_space<semaphore_mem>>) src(%arg2 : memref<102400xf32, #tpu.memory_space<hbm>>) dst(%arg5 : memref<102400xf32, #tpu.memory_space<vmem>>)
      tpu.yield
    }) : () -> ()
    %mul3A_1 = arith.constant 200000 : i32
    %mul3A_2 = arith.muli %add3A, %mul3A_1 : i32
    %add3A_3 = arith.constant 0 : i32
    %add3A_4 = arith.addi %mul3A_2, %add3A_3 : i32
    %dma_start3A = tpu.memref_slice %arg3[%add3A_4] : memref<12800000xi32, #tpu.memory_space<hbm>> -> memref<2000xi32, #tpu.memory_space<hbm>>
    %dma_start3A_5 = tpu.memref_slice %arg3[%add3A_4] : memref<12800000xi32, #tpu.memory_space<hbm>> -> memref<2000xi32, #tpu.memory_space<hbm>>
    tpu.enqueue_dma source(%dma_start3A_5 : memref<2000xi32, #tpu.memory_space<hbm>>) target(%arg6 : memref<2000xi32, #tpu.memory_space<vmem>>) target_semaphore(%arg12 : memref<!tpu.dma_semaphore, #tpu.memory_space<semaphore_mem>>)
    %add3A_6 = arith.constant 6400000 : i32
    %add3A_7 = arith.addi %add3A_6, %add3A_4 : i32
    %dma_start3A_8 = tpu.memref_slice %arg3[%add3A_7] : memref<12800000xi32, #tpu.memory_space<hbm>> -> memref<2000xi32, #tpu.memory_space<hbm>>
    %dma_start3A_9 = tpu.memref_slice %arg3[%add3A_7] : memref<12800000xi32, #tpu.memory_space<hbm>> -> memref<2000xi32, #tpu.memory_space<hbm>>
    tpu.enqueue_dma source(%dma_start3A_9 : memref<2000xi32, #tpu.memory_space<hbm>>) target(%arg8 : memref<2000xi32, #tpu.memory_space<vmem>>) target_semaphore(%arg12 : memref<!tpu.dma_semaphore, #tpu.memory_space<semaphore_mem>>)
    %dma_wait3A = arith.constant 0 : i32
    %dma_wait3A_10 = tpu.memref_slice %arg3[%dma_wait3A] : memref<12800000xi32, #tpu.memory_space<hbm>> -> memref<2000xi32, #tpu.memory_space<hbm>>
    %dma_wait3A_11 = arith.constant 0 : i32
    %dma_wait3A_12 = tpu.memref_slice %arg3[%dma_wait3A_11] : memref<12800000xi32, #tpu.memory_space<hbm>> -> memref<2000xi32, #tpu.memory_space<hbm>>
    tpu.wait_dma2 semaphore(%arg12 : memref<!tpu.dma_semaphore, #tpu.memory_space<semaphore_mem>>) src(%dma_wait3A_12 : memref<2000xi32, #tpu.memory_space<hbm>>) dst(%arg6 : memref<2000xi32, #tpu.memory_space<vmem>>)
    %dma_wait3A_13 = arith.constant 0 : i32
    %dma_wait3A_14 = tpu.memref_slice %arg3[%dma_wait3A_13] : memref<12800000xi32, #tpu.memory_space<hbm>> -> memref<2000xi32, #tpu.memory_space<hbm>>
    %dma_wait3A_15 = arith.constant 0 : i32
    %dma_wait3A_16 = tpu.memref_slice %arg3[%dma_wait3A_15] : memref<12800000xi32, #tpu.memory_space<hbm>> -> memref<2000xi32, #tpu.memory_space<hbm>>
    tpu.wait_dma2 semaphore(%arg12 : memref<!tpu.dma_semaphore, #tpu.memory_space<semaphore_mem>>) src(%dma_wait3A_16 : memref<2000xi32, #tpu.memory_space<hbm>>) dst(%arg8 : memref<2000xi32, #tpu.memory_space<vmem>>)
    %dma_start3A_17 = arith.constant 0 : i32
    %dma_start3A_18 = tpu.memref_slice %arg10[%dma_start3A_17] : memref<2000xf32, #tpu.memory_space<vmem>> -> memref<400xf32, #tpu.memory_space<vmem>>
    %dma_start3A_19 = arith.constant 0 : i32
    %dma_start3A_20 = tpu.memref_slice %arg6[%dma_start3A_19] : memref<2000xi32, #tpu.memory_space<vmem>> -> memref<400xi32, #tpu.memory_space<vmem>>
    %dma_start3A_21 = arith.constant 0 : i32
    %dma_start3A_22 = tpu.memref_slice %arg2[%dma_start3A_21] : memref<102400xf32, #tpu.memory_space<hbm>> -> memref<102400xf32, #tpu.memory_space<hbm>>
    tpu.enqueue_indirect_dma source(%dma_start3A_22 : memref<102400xf32, #tpu.memory_space<hbm>>) target(%dma_start3A_18 : memref<400xf32, #tpu.memory_space<vmem>>) offsets(%dma_start3A_20 : memref<400xi32, #tpu.memory_space<vmem>>) semaphore(%arg14 : memref<!tpu.dma_semaphore, #tpu.memory_space<semaphore_mem>>)
    %dma_start3A_23 = arith.constant 400 : i32
    %dma_start3A_24 = tpu.memref_slice %arg10[%dma_start3A_23] : memref<2000xf32, #tpu.memory_space<vmem>> -> memref<400xf32, #tpu.memory_space<vmem>>
    %dma_start3A_25 = arith.constant 400 : i32
    %dma_start3A_26 = tpu.memref_slice %arg6[%dma_start3A_25] : memref<2000xi32, #tpu.memory_space<vmem>> -> memref<400xi32, #tpu.memory_space<vmem>>
    %dma_start3A_27 = arith.constant 0 : i32
    %dma_start3A_28 = tpu.memref_slice %arg2[%dma_start3A_27] : memref<102400xf32, #tpu.memory_space<hbm>> -> memref<102400xf32, #tpu.memory_space<hbm>>
    tpu.enqueue_indirect_dma source(%dma_start3A_28 : memref<102400xf32, #tpu.memory_space<hbm>>) target(%dma_start3A_24 : memref<400xf32, #tpu.memory_space<vmem>>) offsets(%dma_start3A_26 : memref<400xi32, #tpu.memory_space<vmem>>) semaphore(%arg14 : memref<!tpu.dma_semaphore, #tpu.memory_space<semaphore_mem>>)
    %dma_start3A_29 = arith.constant 800 : i32
    %dma_start3A_30 = tpu.memref_slice %arg10[%dma_start3A_29] : memref<2000xf32, #tpu.memory_space<vmem>> -> memref<400xf32, #tpu.memory_space<vmem>>
    %dma_start3A_31 = arith.constant 800 : i32
    %dma_start3A_32 = tpu.memref_slice %arg6[%dma_start3A_31] : memref<2000xi32, #tpu.memory_space<vmem>> -> memref<400xi32, #tpu.memory_space<vmem>>
    %dma_start3A_33 = arith.constant 0 : i32
    %dma_start3A_34 = tpu.memref_slice %arg2[%dma_start3A_33] : memref<102400xf32, #tpu.memory_space<hbm>> -> memref<102400xf32, #tpu.memory_space<hbm>>
    tpu.enqueue_indirect_dma source(%dma_start3A_34 : memref<102400xf32, #tpu.memory_space<hbm>>) target(%dma_start3A_30 : memref<400xf32, #tpu.memory_space<vmem>>) offsets(%dma_start3A_32 : memref<400xi32, #tpu.memory_space<vmem>>) semaphore(%arg14 : memref<!tpu.dma_semaphore, #tpu.memory_space<semaphore_mem>>)
    %dma_start3A_35 = arith.constant 1200 : i32
    %dma_start3A_36 = tpu.memref_slice %arg10[%dma_start3A_35] : memref<2000xf32, #tpu.memory_space<vmem>> -> memref<400xf32, #tpu.memory_space<vmem>>
    %dma_start3A_37 = arith.constant 1200 : i32
    %dma_start3A_38 = tpu.memref_slice %arg6[%dma_start3A_37] : memref<2000xi32, #tpu.memory_space<vmem>> -> memref<400xi32, #tpu.memory_space<vmem>>
    %dma_start3A_39 = arith.constant 0 : i32
    %dma_start3A_40 = tpu.memref_slice %arg2[%dma_start3A_39] : memref<102400xf32, #tpu.memory_space<hbm>> -> memref<102400xf32, #tpu.memory_space<hbm>>
    tpu.enqueue_indirect_dma source(%dma_start3A_40 : memref<102400xf32, #tpu.memory_space<hbm>>) target(%dma_start3A_36 : memref<400xf32, #tpu.memory_space<vmem>>) offsets(%dma_start3A_38 : memref<400xi32, #tpu.memory_space<vmem>>) semaphore(%arg14 : memref<!tpu.dma_semaphore, #tpu.memory_space<semaphore_mem>>)
    %dma_start3A_41 = arith.constant 1600 : i32
    %dma_start3A_42 = tpu.memref_slice %arg10[%dma_start3A_41] : memref<2000xf32, #tpu.memory_space<vmem>> -> memref<400xf32, #tpu.memory_space<vmem>>
    %dma_start3A_43 = arith.constant 1600 : i32
    %dma_start3A_44 = tpu.memref_slice %arg6[%dma_start3A_43] : memref<2000xi32, #tpu.memory_space<vmem>> -> memref<400xi32, #tpu.memory_space<vmem>>
    %dma_start3A_45 = arith.constant 0 : i32
    %dma_start3A_46 = tpu.memref_slice %arg2[%dma_start3A_45] : memref<102400xf32, #tpu.memory_space<hbm>> -> memref<102400xf32, #tpu.memory_space<hbm>>
    tpu.enqueue_indirect_dma source(%dma_start3A_46 : memref<102400xf32, #tpu.memory_space<hbm>>) target(%dma_start3A_42 : memref<400xf32, #tpu.memory_space<vmem>>) offsets(%dma_start3A_44 : memref<400xi32, #tpu.memory_space<vmem>>) semaphore(%arg14 : memref<!tpu.dma_semaphore, #tpu.memory_space<semaphore_mem>>)
    %add3A_47 = arith.constant 2000 : i32
    %add3A_48 = arith.addi %mul3A_2, %add3A_47 : i32
    %dma_start3A_49 = tpu.memref_slice %arg3[%add3A_48] : memref<12800000xi32, #tpu.memory_space<hbm>> -> memref<2000xi32, #tpu.memory_space<hbm>>
    %dma_start3A_50 = tpu.memref_slice %arg3[%add3A_48] : memref<12800000xi32, #tpu.memory_space<hbm>> -> memref<2000xi32, #tpu.memory_space<hbm>>
    tpu.enqueue_dma source(%dma_start3A_50 : memref<2000xi32, #tpu.memory_space<hbm>>) target(%arg7 : memref<2000xi32, #tpu.memory_space<vmem>>) target_semaphore(%arg13 : memref<!tpu.dma_semaphore, #tpu.memory_space<semaphore_mem>>)
    %add3A_51 = arith.constant 6400000 : i32
    %add3A_52 = arith.addi %add3A_51, %add3A_48 : i32
    %dma_start3A_53 = tpu.memref_slice %arg3[%add3A_52] : memref<12800000xi32, #tpu.memory_space<hbm>> -> memref<2000xi32, #tpu.memory_space<hbm>>
    %dma_start3A_54 = tpu.memref_slice %arg3[%add3A_52] : memref<12800000xi32, #tpu.memory_space<hbm>> -> memref<2000xi32, #tpu.memory_space<hbm>>
    tpu.enqueue_dma source(%dma_start3A_54 : memref<2000xi32, #tpu.memory_space<hbm>>) target(%arg9 : memref<2000xi32, #tpu.memory_space<vmem>>) target_semaphore(%arg13 : memref<!tpu.dma_semaphore, #tpu.memory_space<semaphore_mem>>)
    %scan3A = arith.constant 0 : i32
    %scan3A_55 = arith.constant 50 : i32
    %scan3A_56 = arith.addi %scan3A, %scan3A_55 : i32
    %scan3A_57 = arith.constant 1 : i32
    scf.for %scan3A_59 = %scan3A to %scan3A_56 step %scan3A_57  : i32 {
      %mul3A_60 = arith.constant 1 : i32
      %mul3A_61 = arith.muli %scan3A_59, %mul3A_60 : i32
      %add3A_62 = arith.constant 0 : i32
      %add3A_63 = arith.addi %add3A_62, %mul3A_61 : i32
      %mul3A_64 = arith.constant 2 : i32
      %mul3A_65 = arith.muli %add3A_63, %mul3A_64 : i32
      %add3A_66 = arith.constant 0 : i32
      %add3A_67 = arith.addi %mul3A_65, %add3A_66 : i32
      %dma_wait3A_68 = arith.constant 0 : i32
      %dma_wait3A_69 = tpu.memref_slice %arg2[%dma_wait3A_68] : memref<102400xf32, #tpu.memory_space<hbm>> -> memref<2000xf32, #tpu.memory_space<hbm>>
      %dma_wait3A_70 = arith.constant 0 : i32
      %dma_wait3A_71 = tpu.memref_slice %arg2[%dma_wait3A_70] : memref<102400xf32, #tpu.memory_space<hbm>> -> memref<2000xf32, #tpu.memory_space<hbm>>
      tpu.wait_dma2 semaphore(%arg14 : memref<!tpu.dma_semaphore, #tpu.memory_space<semaphore_mem>>) src(%dma_wait3A_71 : memref<2000xf32, #tpu.memory_space<hbm>>) dst(%arg10 : memref<2000xf32, #tpu.memory_space<vmem>>)
      %add3A_72 = arith.constant 1 : i32
      %add3A_73 = arith.addi %add3A_67, %add3A_72 : i32
      %lt3A = arith.constant 100 : i32
      %lt3A_74 = arith.cmpi slt, %add3A_73, %lt3A : i32
      %convert_element_type3A = arith.extui %lt3A_74 : i1 to i32
      %cond3A = arith.constant 0 : i32
      %cond3A_75 = arith.cmpi ne, %convert_element_type3A, %cond3A : i32
      scf.if %cond3A_75 {
        %dma_wait3A_177 = arith.constant 0 : i32
        %dma_wait3A_178 = tpu.memref_slice %arg3[%dma_wait3A_177] : memref<12800000xi32, #tpu.memory_space<hbm>> -> memref<2000xi32, #tpu.memory_space<hbm>>
        %dma_wait3A_179 = arith.constant 0 : i32
        %dma_wait3A_180 = tpu.memref_slice %arg3[%dma_wait3A_179] : memref<12800000xi32, #tpu.memory_space<hbm>> -> memref<2000xi32, #tpu.memory_space<hbm>>
        tpu.wait_dma2 semaphore(%arg13 : memref<!tpu.dma_semaphore, #tpu.memory_space<semaphore_mem>>) src(%dma_wait3A_180 : memref<2000xi32, #tpu.memory_space<hbm>>) dst(%arg7 : memref<2000xi32, #tpu.memory_space<vmem>>)
        %dma_wait3A_181 = arith.constant 0 : i32
        %dma_wait3A_182 = tpu.memref_slice %arg3[%dma_wait3A_181] : memref<12800000xi32, #tpu.memory_space<hbm>> -> memref<2000xi32, #tpu.memory_space<hbm>>
        %dma_wait3A_183 = arith.constant 0 : i32
        %dma_wait3A_184 = tpu.memref_slice %arg3[%dma_wait3A_183] : memref<12800000xi32, #tpu.memory_space<hbm>> -> memref<2000xi32, #tpu.memory_space<hbm>>
        tpu.wait_dma2 semaphore(%arg13 : memref<!tpu.dma_semaphore, #tpu.memory_space<semaphore_mem>>) src(%dma_wait3A_184 : memref<2000xi32, #tpu.memory_space<hbm>>) dst(%arg9 : memref<2000xi32, #tpu.memory_space<vmem>>)
        %dma_start3A_185 = arith.constant 0 : i32
        %dma_start3A_186 = tpu.memref_slice %arg11[%dma_start3A_185] : memref<2000xf32, #tpu.memory_space<vmem>> -> memref<400xf32, #tpu.memory_space<vmem>>
        %dma_start3A_187 = arith.constant 0 : i32
        %dma_start3A_188 = tpu.memref_slice %arg7[%dma_start3A_187] : memref<2000xi32, #tpu.memory_space<vmem>> -> memref<400xi32, #tpu.memory_space<vmem>>
        %dma_start3A_189 = arith.constant 0 : i32
        %dma_start3A_190 = tpu.memref_slice %arg2[%dma_start3A_189] : memref<102400xf32, #tpu.memory_space<hbm>> -> memref<102400xf32, #tpu.memory_space<hbm>>
        tpu.enqueue_indirect_dma source(%dma_start3A_190 : memref<102400xf32, #tpu.memory_space<hbm>>) target(%dma_start3A_186 : memref<400xf32, #tpu.memory_space<vmem>>) offsets(%dma_start3A_188 : memref<400xi32, #tpu.memory_space<vmem>>) semaphore(%arg15 : memref<!tpu.dma_semaphore, #tpu.memory_space<semaphore_mem>>)
        %dma_start3A_191 = arith.constant 400 : i32
        %dma_start3A_192 = tpu.memref_slice %arg11[%dma_start3A_191] : memref<2000xf32, #tpu.memory_space<vmem>> -> memref<400xf32, #tpu.memory_space<vmem>>
        %dma_start3A_193 = arith.constant 400 : i32
        %dma_start3A_194 = tpu.memref_slice %arg7[%dma_start3A_193] : memref<2000xi32, #tpu.memory_space<vmem>> -> memref<400xi32, #tpu.memory_space<vmem>>
        %dma_start3A_195 = arith.constant 0 : i32
        %dma_start3A_196 = tpu.memref_slice %arg2[%dma_start3A_195] : memref<102400xf32, #tpu.memory_space<hbm>> -> memref<102400xf32, #tpu.memory_space<hbm>>
        tpu.enqueue_indirect_dma source(%dma_start3A_196 : memref<102400xf32, #tpu.memory_space<hbm>>) target(%dma_start3A_192 : memref<400xf32, #tpu.memory_space<vmem>>) offsets(%dma_start3A_194 : memref<400xi32, #tpu.memory_space<vmem>>) semaphore(%arg15 : memref<!tpu.dma_semaphore, #tpu.memory_space<semaphore_mem>>)
        %dma_start3A_197 = arith.constant 800 : i32
        %dma_start3A_198 = tpu.memref_slice %arg11[%dma_start3A_197] : memref<2000xf32, #tpu.memory_space<vmem>> -> memref<400xf32, #tpu.memory_space<vmem>>
        %dma_start3A_199 = arith.constant 800 : i32
        %dma_start3A_200 = tpu.memref_slice %arg7[%dma_start3A_199] : memref<2000xi32, #tpu.memory_space<vmem>> -> memref<400xi32, #tpu.memory_space<vmem>>
        %dma_start3A_201 = arith.constant 0 : i32
        %dma_start3A_202 = tpu.memref_slice %arg2[%dma_start3A_201] : memref<102400xf32, #tpu.memory_space<hbm>> -> memref<102400xf32, #tpu.memory_space<hbm>>
        tpu.enqueue_indirect_dma source(%dma_start3A_202 : memref<102400xf32, #tpu.memory_space<hbm>>) target(%dma_start3A_198 : memref<400xf32, #tpu.memory_space<vmem>>) offsets(%dma_start3A_200 : memref<400xi32, #tpu.memory_space<vmem>>) semaphore(%arg15 : memref<!tpu.dma_semaphore, #tpu.memory_space<semaphore_mem>>)
        %dma_start3A_203 = arith.constant 1200 : i32
        %dma_start3A_204 = tpu.memref_slice %arg11[%dma_start3A_203] : memref<2000xf32, #tpu.memory_space<vmem>> -> memref<400xf32, #tpu.memory_space<vmem>>
        %dma_start3A_205 = arith.constant 1200 : i32
        %dma_start3A_206 = tpu.memref_slice %arg7[%dma_start3A_205] : memref<2000xi32, #tpu.memory_space<vmem>> -> memref<400xi32, #tpu.memory_space<vmem>>
        %dma_start3A_207 = arith.constant 0 : i32
        %dma_start3A_208 = tpu.memref_slice %arg2[%dma_start3A_207] : memref<102400xf32, #tpu.memory_space<hbm>> -> memref<102400xf32, #tpu.memory_space<hbm>>
        tpu.enqueue_indirect_dma source(%dma_start3A_208 : memref<102400xf32, #tpu.memory_space<hbm>>) target(%dma_start3A_204 : memref<400xf32, #tpu.memory_space<vmem>>) offsets(%dma_start3A_206 : memref<400xi32, #tpu.memory_space<vmem>>) semaphore(%arg15 : memref<!tpu.dma_semaphore, #tpu.memory_space<semaphore_mem>>)
        %dma_start3A_209 = arith.constant 1600 : i32
        %dma_start3A_210 = tpu.memref_slice %arg11[%dma_start3A_209] : memref<2000xf32, #tpu.memory_space<vmem>> -> memref<400xf32, #tpu.memory_space<vmem>>
        %dma_start3A_211 = arith.constant 1600 : i32
        %dma_start3A_212 = tpu.memref_slice %arg7[%dma_start3A_211] : memref<2000xi32, #tpu.memory_space<vmem>> -> memref<400xi32, #tpu.memory_space<vmem>>
        %dma_start3A_213 = arith.constant 0 : i32
        %dma_start3A_214 = tpu.memref_slice %arg2[%dma_start3A_213] : memref<102400xf32, #tpu.memory_space<hbm>> -> memref<102400xf32, #tpu.memory_space<hbm>>
        tpu.enqueue_indirect_dma source(%dma_start3A_214 : memref<102400xf32, #tpu.memory_space<hbm>>) target(%dma_start3A_210 : memref<400xf32, #tpu.memory_space<vmem>>) offsets(%dma_start3A_212 : memref<400xi32, #tpu.memory_space<vmem>>) semaphore(%arg15 : memref<!tpu.dma_semaphore, #tpu.memory_space<semaphore_mem>>)
      } else {
      }
      %broadcast_in_dim3A = arith.constant false
      %broadcast_in_dim3A_76 = vector.broadcast %broadcast_in_dim3A : i1 to vector<16xi1>
      %scan3A_77 = arith.constant 0 : i32
      %scan3A_78 = arith.constant 124 : i32
      %scan3A_79 = arith.addi %scan3A_77, %scan3A_78 : i32
      %scan3A_80 = arith.constant 2 : i32
      %scan3A_81 = scf.for %scan3A_177 = %scan3A_77 to %scan3A_79 step %scan3A_80 iter_args(%scan3A_178 = %broadcast_in_dim3A_76) -> (vector<16xi1>)  : i32 {
        %mul3A_179 = arith.constant 1 : i32
        %mul3A_180 = arith.muli %scan3A_177, %mul3A_179 : i32
        %add3A_181 = arith.constant 0 : i32
        %add3A_182 = arith.addi %add3A_181, %mul3A_180 : i32
        %mul3A_183 = arith.constant 16 : i32
        %mul3A_184 = arith.muli %add3A_182, %mul3A_183 : i32
        %get3A_185 = arith.index_cast %mul3A_184 : i32 to index
        %get3A_186 = tpu.vector_load %arg8[%get3A_185] {strides = array<i32>} : memref<2000xi32, #tpu.memory_space<vmem>>, vector<16xi32>,
        %get3A_187 = arith.index_cast %mul3A_184 : i32 to index
        %get3A_188 = tpu.vector_load %arg10[%get3A_187] {strides = array<i32>} : memref<2000xf32, #tpu.memory_space<vmem>>, vector<16xf32>,
        %gather3A_189 = tpu.vector_load_idx %arg5[%get3A_186] : memref<102400xf32, #tpu.memory_space<vmem>>[vector<16xi32>], vector<16xf32>,
        %max3A_190 = arith.maximumf %gather3A_189, %get3A_188 : vector<16xf32>
        tpu.vector_store_idx %arg5[%get3A_186], %max3A_190 : memref<102400xf32, #tpu.memory_space<vmem>>[vector<16xi32>], vector<16xf32>,
        %gather3A_191 = tpu.vector_load_idx %arg5[%get3A_186] : memref<102400xf32, #tpu.memory_space<vmem>>[vector<16xi32>], vector<16xf32>,
        %lt3A_192 = arith.cmpf olt, %gather3A_191, %get3A_188 : vector<16xf32>
        %or3A_193 = arith.ori %scan3A_178, %lt3A_192 : vector<16xi1>
        %scan3A_194 = arith.constant 1 : i32
        %scan3A_195 = arith.addi %scan3A_177, %scan3A_194 : i32
        %mul3A_196 = arith.constant 1 : i32
        %mul3A_197 = arith.muli %scan3A_195, %mul3A_196 : i32
        %add3A_198 = arith.constant 0 : i32
        %add3A_199 = arith.addi %add3A_198, %mul3A_197 : i32
        %mul3A_200 = arith.constant 16 : i32
        %mul3A_201 = arith.muli %add3A_199, %mul3A_200 : i32
        %get3A_202 = arith.index_cast %mul3A_201 : i32 to index
        %get3A_203 = tpu.vector_load %arg8[%get3A_202] {strides = array<i32>} : memref<2000xi32, #tpu.memory_space<vmem>>, vector<16xi32>,
        %get3A_204 = arith.index_cast %mul3A_201 : i32 to index
        %get3A_205 = tpu.vector_load %arg10[%get3A_204] {strides = array<i32>} : memref<2000xf32, #tpu.memory_space<vmem>>, vector<16xf32>,
        %gather3A_206 = tpu.vector_load_idx %arg5[%get3A_203] : memref<102400xf32, #tpu.memory_space<vmem>>[vector<16xi32>], vector<16xf32>,
        %max3A_207 = arith.maximumf %gather3A_206, %get3A_205 : vector<16xf32>
        tpu.vector_store_idx %arg5[%get3A_203], %max3A_207 : memref<102400xf32, #tpu.memory_space<vmem>>[vector<16xi32>], vector<16xf32>,
        %gather3A_208 = tpu.vector_load_idx %arg5[%get3A_203] : memref<102400xf32, #tpu.memory_space<vmem>>[vector<16xi32>], vector<16xf32>,
        %lt3A_209 = arith.cmpf olt, %gather3A_208, %get3A_205 : vector<16xf32>
        %or3A_210 = arith.ori %or3A_193, %lt3A_209 : vector<16xi1>
        scf.yield %or3A_210 : vector<16xi1>
      }
      %scan3A_82 = arith.constant 124 : i32
      %scan3A_83 = arith.addi %scan3A_77, %scan3A_82 : i32
      %mul3A_84 = arith.constant 1 : i32
      %mul3A_85 = arith.muli %scan3A_83, %mul3A_84 : i32
      %add3A_86 = arith.constant 0 : i32
      %add3A_87 = arith.addi %add3A_86, %mul3A_85 : i32
      %mul3A_88 = arith.constant 16 : i32
      %mul3A_89 = arith.muli %add3A_87, %mul3A_88 : i32
      %get3A = arith.index_cast %mul3A_89 : i32 to index
      %get3A_90 = tpu.vector_load %arg8[%get3A] {strides = array<i32>} : memref<2000xi32, #tpu.memory_space<vmem>>, vector<16xi32>,
      %get3A_91 = arith.index_cast %mul3A_89 : i32 to index
      %get3A_92 = tpu.vector_load %arg10[%get3A_91] {strides = array<i32>} : memref<2000xf32, #tpu.memory_space<vmem>>, vector<16xf32>,
      %gather3A = tpu.vector_load_idx %arg5[%get3A_90] : memref<102400xf32, #tpu.memory_space<vmem>>[vector<16xi32>], vector<16xf32>,
      %max3A = arith.maximumf %gather3A, %get3A_92 : vector<16xf32>
      tpu.vector_store_idx %arg5[%get3A_90], %max3A : memref<102400xf32, #tpu.memory_space<vmem>>[vector<16xi32>], vector<16xf32>,
      %gather3A_93 = tpu.vector_load_idx %arg5[%get3A_90] : memref<102400xf32, #tpu.memory_space<vmem>>[vector<16xi32>], vector<16xf32>,
      %lt3A_94 = arith.cmpf olt, %gather3A_93, %get3A_92 : vector<16xf32>
      %or3A = arith.ori %scan3A_81, %lt3A_94 : vector<16xi1>
      %scan3A_95 = arith.constant 125 : i32
      %reduce_or3A = arith.constant 1.000000e+00 : f32
      %reduce_or3A_96 = arith.constant 0.000000e+00 : f32
      %reduce_or3A_97 = vector.broadcast %reduce_or3A : f32 to vector<16xf32>
      %reduce_or3A_98 = vector.broadcast %reduce_or3A_96 : f32 to vector<16xf32>
      %reduce_or3A_99 = arith.select %or3A, %reduce_or3A_97, %reduce_or3A_98 : vector<16xi1>, vector<16xf32>
      %reduce_or3A_100 = arith.constant true
      %reduce_or3A_101 = vector.broadcast %reduce_or3A_100 : i1 to vector<16xi1>
      %reduce_or3A_102 = tpu.scan <max>, %reduce_or3A_99 masked %reduce_or3A_101 : vector<16xf32>, vector<16xi1> -> vector<16xf32>
      %reduce_or3A_103 = vector.extract %reduce_or3A_102[15] : f32 from vector<16xf32>
      %reduce_or3A_104 = arith.constant 0.000000e+00 : f32
      %reduce_or3A_105 = arith.cmpf ogt, %reduce_or3A_103, %reduce_or3A_104 : f32
      %convert_element_type3A_106 = arith.extui %reduce_or3A_105 : i1 to i32
      %cond3A_107 = arith.constant 0 : i32
      %cond3A_108 = arith.cmpi ne, %convert_element_type3A_106, %cond3A_107 : i32
      scf.if %cond3A_108 {
        %iota3A = tpu.iota {dimensions = array<i32: 0>} : vector<16xi32>
        %scan3A_177 = arith.constant 0 : i32
        %scan3A_178 = arith.constant 124 : i32
        %scan3A_179 = arith.addi %scan3A_177, %scan3A_178 : i32
        %scan3A_180 = arith.constant 2 : i32
        scf.for %scan3A_467 = %scan3A_177 to %scan3A_179 step %scan3A_180  : i32 {
          %mul3A_468 = arith.constant 1 : i32
          %mul3A_469 = arith.muli %scan3A_467, %mul3A_468 : i32
          %add3A_470 = arith.constant 0 : i32
          %add3A_471 = arith.addi %add3A_470, %mul3A_469 : i32
          %mul3A_472 = arith.constant 16 : i32
          %mul3A_473 = arith.muli %add3A_471, %mul3A_472 : i32
          %get3A_474 = arith.index_cast %mul3A_473 : i32 to index
          %get3A_475 = tpu.vector_load %arg8[%get3A_474] {strides = array<i32>} : memref<2000xi32, #tpu.memory_space<vmem>>, vector<16xi32>,
          %get3A_476 = arith.index_cast %mul3A_473 : i32 to index
          %get3A_477 = tpu.vector_load %arg10[%get3A_476] {strides = array<i32>} : memref<2000xf32, #tpu.memory_space<vmem>>, vector<16xf32>,
          %masked_sort3A_478 = arith.constant dense<true> : vector<16xi1>
          %masked_sort3A_479 = arith.constant -2147483648 : i32
          %masked_sort3A_480 = vector.broadcast %masked_sort3A_479 : i32 to vector<16xi32>
          %masked_sort3A_481 = arith.xori %get3A_475, %masked_sort3A_480 : vector<16xi32>
          %masked_sort3A_482, %masked_sort3A_483, %masked_sort3A_484 = tpu.sort %masked_sort3A_481, %get3A_477 masked %masked_sort3A_478 : (vector<16xi32>, vector<16xf32>, vector<16xi1>) -> (vector<16xi1>, vector<16xi32>, vector<16xf32>)
          %masked_sort3A_485 = arith.xori %masked_sort3A_483, %masked_sort3A_480 : vector<16xi32>
          %sub3A_486 = arith.constant 1 : i32
          %sub3A_487 = vector.broadcast %sub3A_486 : i32 to vector<16xi32>
          %sub3A_488 = arith.subi %iota3A, %sub3A_487 : vector<16xi32>
          %max3A_489 = arith.constant 0 : i32
          %max3A_490 = vector.broadcast %max3A_489 : i32 to vector<16xi32>
          %max3A_491 = arith.maxsi %sub3A_488, %max3A_490 : vector<16xi32>
          %jit3A_492 = arith.constant 16 : i32
          %eq3A_493 = arith.constant 0 : i32
          %eq3A_494 = arith.cmpi eq, %jit3A_492, %eq3A_493 : i32
          %jit3A_495 = arith.constant 1 : i32
          %select_n3A_496 = arith.select %eq3A_494, %jit3A_495, %jit3A_492 : i32
          %rem3A_497 = vector.broadcast %select_n3A_496 : i32 to vector<16xi32>
          %rem3A_498 = arith.remsi %max3A_491, %rem3A_497 : vector<16xi32>
          %ne3A_499 = arith.constant 0 : i32
          %ne3A_500 = vector.broadcast %ne3A_499 : i32 to vector<16xi32>
          %ne3A_501 = arith.cmpi ne, %rem3A_498, %ne3A_500 : vector<16xi32>
          %lt3A_502 = arith.constant 0 : i32
          %lt3A_503 = vector.broadcast %lt3A_502 : i32 to vector<16xi32>
          %lt3A_504 = arith.cmpi slt, %rem3A_498, %lt3A_503 : vector<16xi32>
          %lt3A_505 = arith.constant 0 : i32
          %lt3A_506 = arith.cmpi slt, %select_n3A_496, %lt3A_505 : i32
          %ne3A_507 = vector.broadcast %lt3A_506 : i1 to vector<16xi1>
          %ne3A_508 = vector.broadcast %ne3A_507 : vector<16xi1> to vector<16xi1>
          %ne3A_509 = arith.xori %lt3A_504, %ne3A_508 : vector<16xi1>
          %and3A_510 = arith.andi %ne3A_509, %ne3A_501 : vector<16xi1>
          %add3A_511 = vector.broadcast %select_n3A_496 : i32 to vector<16xi32>
          %add3A_512 = arith.addi %rem3A_498, %add3A_511 : vector<16xi32>
          %select_n3A_513 = arith.select %and3A_510, %add3A_512, %rem3A_498 : vector<16xi1>, vector<16xi32>
          %broadcast_in_dim3A_514 = vector.shape_cast %select_n3A_513 : vector<16xi32> to vector<16x1xi32>
          %gather3A_515 = vector.shape_cast %broadcast_in_dim3A_514 : vector<16x1xi32> to vector<16xi32>
          %gather3A_516 = tpu.dynamic_gather %masked_sort3A_485[%gather3A_515] in [0] : vector<16xi32>, vector<16xi32> -> vector<16xi32>
          %jit3A_517 = arith.constant 16 : i32
          %eq3A_518 = arith.constant 0 : i32
          %eq3A_519 = arith.cmpi eq, %jit3A_517, %eq3A_518 : i32
          %jit3A_520 = arith.constant 1 : i32
          %select_n3A_521 = arith.select %eq3A_519, %jit3A_520, %jit3A_517 : i32
          %rem3A_522 = vector.broadcast %select_n3A_521 : i32 to vector<16xi32>
          %rem3A_523 = arith.remsi %max3A_491, %rem3A_522 : vector<16xi32>
          %ne3A_524 = arith.constant 0 : i32
          %ne3A_525 = vector.broadcast %ne3A_524 : i32 to vector<16xi32>
          %ne3A_526 = arith.cmpi ne, %rem3A_523, %ne3A_525 : vector<16xi32>
          %lt3A_527 = arith.constant 0 : i32
          %lt3A_528 = vector.broadcast %lt3A_527 : i32 to vector<16xi32>
          %lt3A_529 = arith.cmpi slt, %rem3A_523, %lt3A_528 : vector<16xi32>
          %lt3A_530 = arith.constant 0 : i32
          %lt3A_531 = arith.cmpi slt, %select_n3A_521, %lt3A_530 : i32
          %ne3A_532 = vector.broadcast %lt3A_531 : i1 to vector<16xi1>
          %ne3A_533 = vector.broadcast %ne3A_532 : vector<16xi1> to vector<16xi1>
          %ne3A_534 = arith.xori %lt3A_529, %ne3A_533 : vector<16xi1>
          %and3A_535 = arith.andi %ne3A_534, %ne3A_526 : vector<16xi1>
          %add3A_536 = vector.broadcast %select_n3A_521 : i32 to vector<16xi32>
          %add3A_537 = arith.addi %rem3A_523, %add3A_536 : vector<16xi32>
          %select_n3A_538 = arith.select %and3A_535, %add3A_537, %rem3A_523 : vector<16xi1>, vector<16xi32>
          %broadcast_in_dim3A_539 = vector.shape_cast %select_n3A_538 : vector<16xi32> to vector<16x1xi32>
          %gather3A_540 = vector.shape_cast %broadcast_in_dim3A_539 : vector<16x1xi32> to vector<16xi32>
          %gather3A_541 = tpu.dynamic_gather %masked_sort3A_484[%gather3A_540] in [0] : vector<16xf32>, vector<16xi32> -> vector<16xf32>
          %eq3A_542 = arith.cmpi eq, %gather3A_516, %masked_sort3A_485 : vector<16xi32>
          %max3A_543 = arith.maximumf %masked_sort3A_484, %gather3A_541 : vector<16xf32>
          %select_n3A_544 = arith.select %eq3A_542, %max3A_543, %masked_sort3A_484 : vector<16xi1>, vector<16xf32>
          %sub3A_545 = arith.constant 2 : i32
          %sub3A_546 = vector.broadcast %sub3A_545 : i32 to vector<16xi32>
          %sub3A_547 = arith.subi %iota3A, %sub3A_546 : vector<16xi32>
          %max3A_548 = arith.constant 0 : i32
          %max3A_549 = vector.broadcast %max3A_548 : i32 to vector<16xi32>
          %max3A_550 = arith.maxsi %sub3A_547, %max3A_549 : vector<16xi32>
          %jit3A_551 = arith.constant 16 : i32
          %eq3A_552 = arith.constant 0 : i32
          %eq3A_553 = arith.cmpi eq, %jit3A_551, %eq3A_552 : i32
          %jit3A_554 = arith.constant 1 : i32
          %select_n3A_555 = arith.select %eq3A_553, %jit3A_554, %jit3A_551 : i32
          %rem3A_556 = vector.broadcast %select_n3A_555 : i32 to vector<16xi32>
          %rem3A_557 = arith.remsi %max3A_550, %rem3A_556 : vector<16xi32>
          %ne3A_558 = arith.constant 0 : i32
          %ne3A_559 = vector.broadcast %ne3A_558 : i32 to vector<16xi32>
          %ne3A_560 = arith.cmpi ne, %rem3A_557, %ne3A_559 : vector<16xi32>
          %lt3A_561 = arith.constant 0 : i32
          %lt3A_562 = vector.broadcast %lt3A_561 : i32 to vector<16xi32>
          %lt3A_563 = arith.cmpi slt, %rem3A_557, %lt3A_562 : vector<16xi32>
          %lt3A_564 = arith.constant 0 : i32
          %lt3A_565 = arith.cmpi slt, %select_n3A_555, %lt3A_564 : i32
          %ne3A_566 = vector.broadcast %lt3A_565 : i1 to vector<16xi1>
          %ne3A_567 = vector.broadcast %ne3A_566 : vector<16xi1> to vector<16xi1>
          %ne3A_568 = arith.xori %lt3A_563, %ne3A_567 : vector<16xi1>
          %and3A_569 = arith.andi %ne3A_568, %ne3A_560 : vector<16xi1>
          %add3A_570 = vector.broadcast %select_n3A_555 : i32 to vector<16xi32>
          %add3A_571 = arith.addi %rem3A_557, %add3A_570 : vector<16xi32>
          %select_n3A_572 = arith.select %and3A_569, %add3A_571, %rem3A_557 : vector<16xi1>, vector<16xi32>
          %broadcast_in_dim3A_573 = vector.shape_cast %select_n3A_572 : vector<16xi32> to vector<16x1xi32>
          %gather3A_574 = vector.shape_cast %broadcast_in_dim3A_573 : vector<16x1xi32> to vector<16xi32>
          %gather3A_575 = tpu.dynamic_gather %masked_sort3A_485[%gather3A_574] in [0] : vector<16xi32>, vector<16xi32> -> vector<16xi32>
          %jit3A_576 = arith.constant 16 : i32
          %eq3A_577 = arith.constant 0 : i32
          %eq3A_578 = arith.cmpi eq, %jit3A_576, %eq3A_577 : i32
          %jit3A_579 = arith.constant 1 : i32
          %select_n3A_580 = arith.select %eq3A_578, %jit3A_579, %jit3A_576 : i32
          %rem3A_581 = vector.broadcast %select_n3A_580 : i32 to vector<16xi32>
          %rem3A_582 = arith.remsi %max3A_550, %rem3A_581 : vector<16xi32>
          %ne3A_583 = arith.constant 0 : i32
          %ne3A_584 = vector.broadcast %ne3A_583 : i32 to vector<16xi32>
          %ne3A_585 = arith.cmpi ne, %rem3A_582, %ne3A_584 : vector<16xi32>
          %lt3A_586 = arith.constant 0 : i32
          %lt3A_587 = vector.broadcast %lt3A_586 : i32 to vector<16xi32>
          %lt3A_588 = arith.cmpi slt, %rem3A_582, %lt3A_587 : vector<16xi32>
          %lt3A_589 = arith.constant 0 : i32
          %lt3A_590 = arith.cmpi slt, %select_n3A_580, %lt3A_589 : i32
          %ne3A_591 = vector.broadcast %lt3A_590 : i1 to vector<16xi1>
          %ne3A_592 = vector.broadcast %ne3A_591 : vector<16xi1> to vector<16xi1>
          %ne3A_593 = arith.xori %lt3A_588, %ne3A_592 : vector<16xi1>
          %and3A_594 = arith.andi %ne3A_593, %ne3A_585 : vector<16xi1>
          %add3A_595 = vector.broadcast %select_n3A_580 : i32 to vector<16xi32>
          %add3A_596 = arith.addi %rem3A_582, %add3A_595 : vector<16xi32>
          %select_n3A_597 = arith.select %and3A_594, %add3A_596, %rem3A_582 : vector<16xi1>, vector<16xi32>
          %broadcast_in_dim3A_598 = vector.shape_cast %select_n3A_597 : vector<16xi32> to vector<16x1xi32>
          %gather3A_599 = vector.shape_cast %broadcast_in_dim3A_598 : vector<16x1xi32> to vector<16xi32>
          %gather3A_600 = tpu.dynamic_gather %select_n3A_544[%gather3A_599] in [0] : vector<16xf32>, vector<16xi32> -> vector<16xf32>
          %eq3A_601 = arith.cmpi eq, %gather3A_575, %masked_sort3A_485 : vector<16xi32>
          %max3A_602 = arith.maximumf %select_n3A_544, %gather3A_600 : vector<16xf32>
          %select_n3A_603 = arith.select %eq3A_601, %max3A_602, %select_n3A_544 : vector<16xi1>, vector<16xf32>
          %sub3A_604 = arith.constant 4 : i32
          %sub3A_605 = vector.broadcast %sub3A_604 : i32 to vector<16xi32>
          %sub3A_606 = arith.subi %iota3A, %sub3A_605 : vector<16xi32>
          %max3A_607 = arith.constant 0 : i32
          %max3A_608 = vector.broadcast %max3A_607 : i32 to vector<16xi32>
          %max3A_609 = arith.maxsi %sub3A_606, %max3A_608 : vector<16xi32>
          %jit3A_610 = arith.constant 16 : i32
          %eq3A_611 = arith.constant 0 : i32
          %eq3A_612 = arith.cmpi eq, %jit3A_610, %eq3A_611 : i32
          %jit3A_613 = arith.constant 1 : i32
          %select_n3A_614 = arith.select %eq3A_612, %jit3A_613, %jit3A_610 : i32
          %rem3A_615 = vector.broadcast %select_n3A_614 : i32 to vector<16xi32>
          %rem3A_616 = arith.remsi %max3A_609, %rem3A_615 : vector<16xi32>
          %ne3A_617 = arith.constant 0 : i32
          %ne3A_618 = vector.broadcast %ne3A_617 : i32 to vector<16xi32>
          %ne3A_619 = arith.cmpi ne, %rem3A_616, %ne3A_618 : vector<16xi32>
          %lt3A_620 = arith.constant 0 : i32
          %lt3A_621 = vector.broadcast %lt3A_620 : i32 to vector<16xi32>
          %lt3A_622 = arith.cmpi slt, %rem3A_616, %lt3A_621 : vector<16xi32>
          %lt3A_623 = arith.constant 0 : i32
          %lt3A_624 = arith.cmpi slt, %select_n3A_614, %lt3A_623 : i32
          %ne3A_625 = vector.broadcast %lt3A_624 : i1 to vector<16xi1>
          %ne3A_626 = vector.broadcast %ne3A_625 : vector<16xi1> to vector<16xi1>
          %ne3A_627 = arith.xori %lt3A_622, %ne3A_626 : vector<16xi1>
          %and3A_628 = arith.andi %ne3A_627, %ne3A_619 : vector<16xi1>
          %add3A_629 = vector.broadcast %select_n3A_614 : i32 to vector<16xi32>
          %add3A_630 = arith.addi %rem3A_616, %add3A_629 : vector<16xi32>
          %select_n3A_631 = arith.select %and3A_628, %add3A_630, %rem3A_616 : vector<16xi1>, vector<16xi32>
          %broadcast_in_dim3A_632 = vector.shape_cast %select_n3A_631 : vector<16xi32> to vector<16x1xi32>
          %gather3A_633 = vector.shape_cast %broadcast_in_dim3A_632 : vector<16x1xi32> to vector<16xi32>
          %gather3A_634 = tpu.dynamic_gather %masked_sort3A_485[%gather3A_633] in [0] : vector<16xi32>, vector<16xi32> -> vector<16xi32>
          %jit3A_635 = arith.constant 16 : i32
          %eq3A_636 = arith.constant 0 : i32
          %eq3A_637 = arith.cmpi eq, %jit3A_635, %eq3A_636 : i32
          %jit3A_638 = arith.constant 1 : i32
          %select_n3A_639 = arith.select %eq3A_637, %jit3A_638, %jit3A_635 : i32
          %rem3A_640 = vector.broadcast %select_n3A_639 : i32 to vector<16xi32>
          %rem3A_641 = arith.remsi %max3A_609, %rem3A_640 : vector<16xi32>
          %ne3A_642 = arith.constant 0 : i32
          %ne3A_643 = vector.broadcast %ne3A_642 : i32 to vector<16xi32>
          %ne3A_644 = arith.cmpi ne, %rem3A_641, %ne3A_643 : vector<16xi32>
          %lt3A_645 = arith.constant 0 : i32
          %lt3A_646 = vector.broadcast %lt3A_645 : i32 to vector<16xi32>
          %lt3A_647 = arith.cmpi slt, %rem3A_641, %lt3A_646 : vector<16xi32>
          %lt3A_648 = arith.constant 0 : i32
          %lt3A_649 = arith.cmpi slt, %select_n3A_639, %lt3A_648 : i32
          %ne3A_650 = vector.broadcast %lt3A_649 : i1 to vector<16xi1>
          %ne3A_651 = vector.broadcast %ne3A_650 : vector<16xi1> to vector<16xi1>
          %ne3A_652 = arith.xori %lt3A_647, %ne3A_651 : vector<16xi1>
          %and3A_653 = arith.andi %ne3A_652, %ne3A_644 : vector<16xi1>
          %add3A_654 = vector.broadcast %select_n3A_639 : i32 to vector<16xi32>
          %add3A_655 = arith.addi %rem3A_641, %add3A_654 : vector<16xi32>
          %select_n3A_656 = arith.select %and3A_653, %add3A_655, %rem3A_641 : vector<16xi1>, vector<16xi32>
          %broadcast_in_dim3A_657 = vector.shape_cast %select_n3A_656 : vector<16xi32> to vector<16x1xi32>
          %gather3A_658 = vector.shape_cast %broadcast_in_dim3A_657 : vector<16x1xi32> to vector<16xi32>
          %gather3A_659 = tpu.dynamic_gather %select_n3A_603[%gather3A_658] in [0] : vector<16xf32>, vector<16xi32> -> vector<16xf32>
          %eq3A_660 = arith.cmpi eq, %gather3A_634, %masked_sort3A_485 : vector<16xi32>
          %max3A_661 = arith.maximumf %select_n3A_603, %gather3A_659 : vector<16xf32>
          %select_n3A_662 = arith.select %eq3A_660, %max3A_661, %select_n3A_603 : vector<16xi1>, vector<16xf32>
          %sub3A_663 = arith.constant 8 : i32
          %sub3A_664 = vector.broadcast %sub3A_663 : i32 to vector<16xi32>
          %sub3A_665 = arith.subi %iota3A, %sub3A_664 : vector<16xi32>
          %max3A_666 = arith.constant 0 : i32
          %max3A_667 = vector.broadcast %max3A_666 : i32 to vector<16xi32>
          %max3A_668 = arith.maxsi %sub3A_665, %max3A_667 : vector<16xi32>
          %jit3A_669 = arith.constant 16 : i32
          %eq3A_670 = arith.constant 0 : i32
          %eq3A_671 = arith.cmpi eq, %jit3A_669, %eq3A_670 : i32
          %jit3A_672 = arith.constant 1 : i32
          %select_n3A_673 = arith.select %eq3A_671, %jit3A_672, %jit3A_669 : i32
          %rem3A_674 = vector.broadcast %select_n3A_673 : i32 to vector<16xi32>
          %rem3A_675 = arith.remsi %max3A_668, %rem3A_674 : vector<16xi32>
          %ne3A_676 = arith.constant 0 : i32
          %ne3A_677 = vector.broadcast %ne3A_676 : i32 to vector<16xi32>
          %ne3A_678 = arith.cmpi ne, %rem3A_675, %ne3A_677 : vector<16xi32>
          %lt3A_679 = arith.constant 0 : i32
          %lt3A_680 = vector.broadcast %lt3A_679 : i32 to vector<16xi32>
          %lt3A_681 = arith.cmpi slt, %rem3A_675, %lt3A_680 : vector<16xi32>
          %lt3A_682 = arith.constant 0 : i32
          %lt3A_683 = arith.cmpi slt, %select_n3A_673, %lt3A_682 : i32
          %ne3A_684 = vector.broadcast %lt3A_683 : i1 to vector<16xi1>
          %ne3A_685 = vector.broadcast %ne3A_684 : vector<16xi1> to vector<16xi1>
          %ne3A_686 = arith.xori %lt3A_681, %ne3A_685 : vector<16xi1>
          %and3A_687 = arith.andi %ne3A_686, %ne3A_678 : vector<16xi1>
          %add3A_688 = vector.broadcast %select_n3A_673 : i32 to vector<16xi32>
          %add3A_689 = arith.addi %rem3A_675, %add3A_688 : vector<16xi32>
          %select_n3A_690 = arith.select %and3A_687, %add3A_689, %rem3A_675 : vector<16xi1>, vector<16xi32>
          %broadcast_in_dim3A_691 = vector.shape_cast %select_n3A_690 : vector<16xi32> to vector<16x1xi32>
          %gather3A_692 = vector.shape_cast %broadcast_in_dim3A_691 : vector<16x1xi32> to vector<16xi32>
          %gather3A_693 = tpu.dynamic_gather %masked_sort3A_485[%gather3A_692] in [0] : vector<16xi32>, vector<16xi32> -> vector<16xi32>
          %jit3A_694 = arith.constant 16 : i32
          %eq3A_695 = arith.constant 0 : i32
          %eq3A_696 = arith.cmpi eq, %jit3A_694, %eq3A_695 : i32
          %jit3A_697 = arith.constant 1 : i32
          %select_n3A_698 = arith.select %eq3A_696, %jit3A_697, %jit3A_694 : i32
          %rem3A_699 = vector.broadcast %select_n3A_698 : i32 to vector<16xi32>
          %rem3A_700 = arith.remsi %max3A_668, %rem3A_699 : vector<16xi32>
          %ne3A_701 = arith.constant 0 : i32
          %ne3A_702 = vector.broadcast %ne3A_701 : i32 to vector<16xi32>
          %ne3A_703 = arith.cmpi ne, %rem3A_700, %ne3A_702 : vector<16xi32>
          %lt3A_704 = arith.constant 0 : i32
          %lt3A_705 = vector.broadcast %lt3A_704 : i32 to vector<16xi32>
          %lt3A_706 = arith.cmpi slt, %rem3A_700, %lt3A_705 : vector<16xi32>
          %lt3A_707 = arith.constant 0 : i32
          %lt3A_708 = arith.cmpi slt, %select_n3A_698, %lt3A_707 : i32
          %ne3A_709 = vector.broadcast %lt3A_708 : i1 to vector<16xi1>
          %ne3A_710 = vector.broadcast %ne3A_709 : vector<16xi1> to vector<16xi1>
          %ne3A_711 = arith.xori %lt3A_706, %ne3A_710 : vector<16xi1>
          %and3A_712 = arith.andi %ne3A_711, %ne3A_703 : vector<16xi1>
          %add3A_713 = vector.broadcast %select_n3A_698 : i32 to vector<16xi32>
          %add3A_714 = arith.addi %rem3A_700, %add3A_713 : vector<16xi32>
          %select_n3A_715 = arith.select %and3A_712, %add3A_714, %rem3A_700 : vector<16xi1>, vector<16xi32>
          %broadcast_in_dim3A_716 = vector.shape_cast %select_n3A_715 : vector<16xi32> to vector<16x1xi32>
          %gather3A_717 = vector.shape_cast %broadcast_in_dim3A_716 : vector<16x1xi32> to vector<16xi32>
          %gather3A_718 = tpu.dynamic_gather %select_n3A_662[%gather3A_717] in [0] : vector<16xf32>, vector<16xi32> -> vector<16xf32>
          %eq3A_719 = arith.cmpi eq, %gather3A_693, %masked_sort3A_485 : vector<16xi32>
          %max3A_720 = arith.maximumf %select_n3A_662, %gather3A_718 : vector<16xf32>
          %select_n3A_721 = arith.select %eq3A_719, %max3A_720, %select_n3A_662 : vector<16xi1>, vector<16xf32>
          %add3A_722 = arith.constant 1 : i32
          %add3A_723 = vector.broadcast %add3A_722 : i32 to vector<16xi32>
          %add3A_724 = arith.addi %iota3A, %add3A_723 : vector<16xi32>
          %min3A_725 = arith.constant 15 : i32
          %min3A_726 = vector.broadcast %min3A_725 : i32 to vector<16xi32>
          %min3A_727 = arith.minsi %add3A_724, %min3A_726 : vector<16xi32>
          %jit3A_728 = arith.constant 16 : i32
          %eq3A_729 = arith.constant 0 : i32
          %eq3A_730 = arith.cmpi eq, %jit3A_728, %eq3A_729 : i32
          %jit3A_731 = arith.constant 1 : i32
          %select_n3A_732 = arith.select %eq3A_730, %jit3A_731, %jit3A_728 : i32
          %rem3A_733 = vector.broadcast %select_n3A_732 : i32 to vector<16xi32>
          %rem3A_734 = arith.remsi %min3A_727, %rem3A_733 : vector<16xi32>
          %ne3A_735 = arith.constant 0 : i32
          %ne3A_736 = vector.broadcast %ne3A_735 : i32 to vector<16xi32>
          %ne3A_737 = arith.cmpi ne, %rem3A_734, %ne3A_736 : vector<16xi32>
          %lt3A_738 = arith.constant 0 : i32
          %lt3A_739 = vector.broadcast %lt3A_738 : i32 to vector<16xi32>
          %lt3A_740 = arith.cmpi slt, %rem3A_734, %lt3A_739 : vector<16xi32>
          %lt3A_741 = arith.constant 0 : i32
          %lt3A_742 = arith.cmpi slt, %select_n3A_732, %lt3A_741 : i32
          %ne3A_743 = vector.broadcast %lt3A_742 : i1 to vector<16xi1>
          %ne3A_744 = vector.broadcast %ne3A_743 : vector<16xi1> to vector<16xi1>
          %ne3A_745 = arith.xori %lt3A_740, %ne3A_744 : vector<16xi1>
          %and3A_746 = arith.andi %ne3A_745, %ne3A_737 : vector<16xi1>
          %add3A_747 = vector.broadcast %select_n3A_732 : i32 to vector<16xi32>
          %add3A_748 = arith.addi %rem3A_734, %add3A_747 : vector<16xi32>
          %select_n3A_749 = arith.select %and3A_746, %add3A_748, %rem3A_734 : vector<16xi1>, vector<16xi32>
          %broadcast_in_dim3A_750 = vector.shape_cast %select_n3A_749 : vector<16xi32> to vector<16x1xi32>
          %gather3A_751 = vector.shape_cast %broadcast_in_dim3A_750 : vector<16x1xi32> to vector<16xi32>
          %gather3A_752 = tpu.dynamic_gather %masked_sort3A_485[%gather3A_751] in [0] : vector<16xi32>, vector<16xi32> -> vector<16xi32>
          %ne3A_753 = arith.cmpi ne, %gather3A_752, %masked_sort3A_485 : vector<16xi32>
          %eq3A_754 = arith.constant 15 : i32
          %eq3A_755 = vector.broadcast %eq3A_754 : i32 to vector<16xi32>
          %eq3A_756 = arith.cmpi eq, %iota3A, %eq3A_755 : vector<16xi32>
          %or3A_757 = arith.ori %ne3A_753, %eq3A_756 : vector<16xi1>
          %gather3A_758 = tpu.vector_load_idx %arg5[%masked_sort3A_485] : memref<102400xf32, #tpu.memory_space<vmem>>[vector<16xi32>], vector<16xf32>,
          %max3A_759 = arith.maximumf %gather3A_758, %select_n3A_721 : vector<16xf32>
          tpu.vector_store_idx %arg5[%masked_sort3A_485], %max3A_759 masked %or3A_757 : memref<102400xf32, #tpu.memory_space<vmem>>[vector<16xi32>], vector<16xf32>, vector<16xi1>
          %scan3A_760 = arith.constant 1 : i32
          %scan3A_761 = arith.addi %scan3A_467, %scan3A_760 : i32
          %mul3A_762 = arith.constant 1 : i32
          %mul3A_763 = arith.muli %scan3A_761, %mul3A_762 : i32
          %add3A_764 = arith.constant 0 : i32
          %add3A_765 = arith.addi %add3A_764, %mul3A_763 : i32
          %mul3A_766 = arith.constant 16 : i32
          %mul3A_767 = arith.muli %add3A_765, %mul3A_766 : i32
          %get3A_768 = arith.index_cast %mul3A_767 : i32 to index
          %get3A_769 = tpu.vector_load %arg8[%get3A_768] {strides = array<i32>} : memref<2000xi32, #tpu.memory_space<vmem>>, vector<16xi32>,
          %get3A_770 = arith.index_cast %mul3A_767 : i32 to index
          %get3A_771 = tpu.vector_load %arg10[%get3A_770] {strides = array<i32>} : memref<2000xf32, #tpu.memory_space<vmem>>, vector<16xf32>,
          %masked_sort3A_772 = arith.constant dense<true> : vector<16xi1>
          %masked_sort3A_773 = arith.constant -2147483648 : i32
          %masked_sort3A_774 = vector.broadcast %masked_sort3A_773 : i32 to vector<16xi32>
          %masked_sort3A_775 = arith.xori %get3A_769, %masked_sort3A_774 : vector<16xi32>
          %masked_sort3A_776, %masked_sort3A_777, %masked_sort3A_778 = tpu.sort %masked_sort3A_775, %get3A_771 masked %masked_sort3A_772 : (vector<16xi32>, vector<16xf32>, vector<16xi1>) -> (vector<16xi1>, vector<16xi32>, vector<16xf32>)
          %masked_sort3A_779 = arith.xori %masked_sort3A_777, %masked_sort3A_774 : vector<16xi32>
          %sub3A_780 = arith.constant 1 : i32
          %sub3A_781 = vector.broadcast %sub3A_780 : i32 to vector<16xi32>
          %sub3A_782 = arith.subi %iota3A, %sub3A_781 : vector<16xi32>
          %max3A_783 = arith.constant 0 : i32
          %max3A_784 = vector.broadcast %max3A_783 : i32 to vector<16xi32>
          %max3A_785 = arith.maxsi %sub3A_782, %max3A_784 : vector<16xi32>
          %jit3A_786 = arith.constant 16 : i32
          %eq3A_787 = arith.constant 0 : i32
          %eq3A_788 = arith.cmpi eq, %jit3A_786, %eq3A_787 : i32
          %jit3A_789 = arith.constant 1 : i32
          %select_n3A_790 = arith.select %eq3A_788, %jit3A_789, %jit3A_786 : i32
          %rem3A_791 = vector.broadcast %select_n3A_790 : i32 to vector<16xi32>
          %rem3A_792 = arith.remsi %max3A_785, %rem3A_791 : vector<16xi32>
          %ne3A_793 = arith.constant 0 : i32
          %ne3A_794 = vector.broadcast %ne3A_793 : i32 to vector<16xi32>
          %ne3A_795 = arith.cmpi ne, %rem3A_792, %ne3A_794 : vector<16xi32>
          %lt3A_796 = arith.constant 0 : i32
          %lt3A_797 = vector.broadcast %lt3A_796 : i32 to vector<16xi32>
          %lt3A_798 = arith.cmpi slt, %rem3A_792, %lt3A_797 : vector<16xi32>
          %lt3A_799 = arith.constant 0 : i32
          %lt3A_800 = arith.cmpi slt, %select_n3A_790, %lt3A_799 : i32
          %ne3A_801 = vector.broadcast %lt3A_800 : i1 to vector<16xi1>
          %ne3A_802 = vector.broadcast %ne3A_801 : vector<16xi1> to vector<16xi1>
          %ne3A_803 = arith.xori %lt3A_798, %ne3A_802 : vector<16xi1>
          %and3A_804 = arith.andi %ne3A_803, %ne3A_795 : vector<16xi1>
          %add3A_805 = vector.broadcast %select_n3A_790 : i32 to vector<16xi32>
          %add3A_806 = arith.addi %rem3A_792, %add3A_805 : vector<16xi32>
          %select_n3A_807 = arith.select %and3A_804, %add3A_806, %rem3A_792 : vector<16xi1>, vector<16xi32>
          %broadcast_in_dim3A_808 = vector.shape_cast %select_n3A_807 : vector<16xi32> to vector<16x1xi32>
          %gather3A_809 = vector.shape_cast %broadcast_in_dim3A_808 : vector<16x1xi32> to vector<16xi32>
          %gather3A_810 = tpu.dynamic_gather %masked_sort3A_779[%gather3A_809] in [0] : vector<16xi32>, vector<16xi32> -> vector<16xi32>
          %jit3A_811 = arith.constant 16 : i32
          %eq3A_812 = arith.constant 0 : i32
          %eq3A_813 = arith.cmpi eq, %jit3A_811, %eq3A_812 : i32
          %jit3A_814 = arith.constant 1 : i32
          %select_n3A_815 = arith.select %eq3A_813, %jit3A_814, %jit3A_811 : i32
          %rem3A_816 = vector.broadcast %select_n3A_815 : i32 to vector<16xi32>
          %rem3A_817 = arith.remsi %max3A_785, %rem3A_816 : vector<16xi32>
          %ne3A_818 = arith.constant 0 : i32
          %ne3A_819 = vector.broadcast %ne3A_818 : i32 to vector<16xi32>
          %ne3A_820 = arith.cmpi ne, %rem3A_817, %ne3A_819 : vector<16xi32>
          %lt3A_821 = arith.constant 0 : i32
          %lt3A_822 = vector.broadcast %lt3A_821 : i32 to vector<16xi32>
          %lt3A_823 = arith.cmpi slt, %rem3A_817, %lt3A_822 : vector<16xi32>
          %lt3A_824 = arith.constant 0 : i32
          %lt3A_825 = arith.cmpi slt, %select_n3A_815, %lt3A_824 : i32
          %ne3A_826 = vector.broadcast %lt3A_825 : i1 to vector<16xi1>
          %ne3A_827 = vector.broadcast %ne3A_826 : vector<16xi1> to vector<16xi1>
          %ne3A_828 = arith.xori %lt3A_823, %ne3A_827 : vector<16xi1>
          %and3A_829 = arith.andi %ne3A_828, %ne3A_820 : vector<16xi1>
          %add3A_830 = vector.broadcast %select_n3A_815 : i32 to vector<16xi32>
          %add3A_831 = arith.addi %rem3A_817, %add3A_830 : vector<16xi32>
          %select_n3A_832 = arith.select %and3A_829, %add3A_831, %rem3A_817 : vector<16xi1>, vector<16xi32>
          %broadcast_in_dim3A_833 = vector.shape_cast %select_n3A_832 : vector<16xi32> to vector<16x1xi32>
          %gather3A_834 = vector.shape_cast %broadcast_in_dim3A_833 : vector<16x1xi32> to vector<16xi32>
          %gather3A_835 = tpu.dynamic_gather %masked_sort3A_778[%gather3A_834] in [0] : vector<16xf32>, vector<16xi32> -> vector<16xf32>
          %eq3A_836 = arith.cmpi eq, %gather3A_810, %masked_sort3A_779 : vector<16xi32>
          %max3A_837 = arith.maximumf %masked_sort3A_778, %gather3A_835 : vector<16xf32>
          %select_n3A_838 = arith.select %eq3A_836, %max3A_837, %masked_sort3A_778 : vector<16xi1>, vector<16xf32>
          %sub3A_839 = arith.constant 2 : i32
          %sub3A_840 = vector.broadcast %sub3A_839 : i32 to vector<16xi32>
          %sub3A_841 = arith.subi %iota3A, %sub3A_840 : vector<16xi32>
          %max3A_842 = arith.constant 0 : i32
          %max3A_843 = vector.broadcast %max3A_842 : i32 to vector<16xi32>
          %max3A_844 = arith.maxsi %sub3A_841, %max3A_843 : vector<16xi32>
          %jit3A_845 = arith.constant 16 : i32
          %eq3A_846 = arith.constant 0 : i32
          %eq3A_847 = arith.cmpi eq, %jit3A_845, %eq3A_846 : i32
          %jit3A_848 = arith.constant 1 : i32
          %select_n3A_849 = arith.select %eq3A_847, %jit3A_848, %jit3A_845 : i32
          %rem3A_850 = vector.broadcast %select_n3A_849 : i32 to vector<16xi32>
          %rem3A_851 = arith.remsi %max3A_844, %rem3A_850 : vector<16xi32>
          %ne3A_852 = arith.constant 0 : i32
          %ne3A_853 = vector.broadcast %ne3A_852 : i32 to vector<16xi32>
          %ne3A_854 = arith.cmpi ne, %rem3A_851, %ne3A_853 : vector<16xi32>
          %lt3A_855 = arith.constant 0 : i32
          %lt3A_856 = vector.broadcast %lt3A_855 : i32 to vector<16xi32>
          %lt3A_857 = arith.cmpi slt, %rem3A_851, %lt3A_856 : vector<16xi32>
          %lt3A_858 = arith.constant 0 : i32
          %lt3A_859 = arith.cmpi slt, %select_n3A_849, %lt3A_858 : i32
          %ne3A_860 = vector.broadcast %lt3A_859 : i1 to vector<16xi1>
          %ne3A_861 = vector.broadcast %ne3A_860 : vector<16xi1> to vector<16xi1>
          %ne3A_862 = arith.xori %lt3A_857, %ne3A_861 : vector<16xi1>
          %and3A_863 = arith.andi %ne3A_862, %ne3A_854 : vector<16xi1>
          %add3A_864 = vector.broadcast %select_n3A_849 : i32 to vector<16xi32>
          %add3A_865 = arith.addi %rem3A_851, %add3A_864 : vector<16xi32>
          %select_n3A_866 = arith.select %and3A_863, %add3A_865, %rem3A_851 : vector<16xi1>, vector<16xi32>
          %broadcast_in_dim3A_867 = vector.shape_cast %select_n3A_866 : vector<16xi32> to vector<16x1xi32>
          %gather3A_868 = vector.shape_cast %broadcast_in_dim3A_867 : vector<16x1xi32> to vector<16xi32>
          %gather3A_869 = tpu.dynamic_gather %masked_sort3A_779[%gather3A_868] in [0] : vector<16xi32>, vector<16xi32> -> vector<16xi32>
          %jit3A_870 = arith.constant 16 : i32
          %eq3A_871 = arith.constant 0 : i32
          %eq3A_872 = arith.cmpi eq, %jit3A_870, %eq3A_871 : i32
          %jit3A_873 = arith.constant 1 : i32
          %select_n3A_874 = arith.select %eq3A_872, %jit3A_873, %jit3A_870 : i32
          %rem3A_875 = vector.broadcast %select_n3A_874 : i32 to vector<16xi32>
          %rem3A_876 = arith.remsi %max3A_844, %rem3A_875 : vector<16xi32>
          %ne3A_877 = arith.constant 0 : i32
          %ne3A_878 = vector.broadcast %ne3A_877 : i32 to vector<16xi32>
          %ne3A_879 = arith.cmpi ne, %rem3A_876, %ne3A_878 : vector<16xi32>
          %lt3A_880 = arith.constant 0 : i32
          %lt3A_881 = vector.broadcast %lt3A_880 : i32 to vector<16xi32>
          %lt3A_882 = arith.cmpi slt, %rem3A_876, %lt3A_881 : vector<16xi32>
          %lt3A_883 = arith.constant 0 : i32
          %lt3A_884 = arith.cmpi slt, %select_n3A_874, %lt3A_883 : i32
          %ne3A_885 = vector.broadcast %lt3A_884 : i1 to vector<16xi1>
          %ne3A_886 = vector.broadcast %ne3A_885 : vector<16xi1> to vector<16xi1>
          %ne3A_887 = arith.xori %lt3A_882, %ne3A_886 : vector<16xi1>
          %and3A_888 = arith.andi %ne3A_887, %ne3A_879 : vector<16xi1>
          %add3A_889 = vector.broadcast %select_n3A_874 : i32 to vector<16xi32>
          %add3A_890 = arith.addi %rem3A_876, %add3A_889 : vector<16xi32>
          %select_n3A_891 = arith.select %and3A_888, %add3A_890, %rem3A_876 : vector<16xi1>, vector<16xi32>
          %broadcast_in_dim3A_892 = vector.shape_cast %select_n3A_891 : vector<16xi32> to vector<16x1xi32>
          %gather3A_893 = vector.shape_cast %broadcast_in_dim3A_892 : vector<16x1xi32> to vector<16xi32>
          %gather3A_894 = tpu.dynamic_gather %select_n3A_838[%gather3A_893] in [0] : vector<16xf32>, vector<16xi32> -> vector<16xf32>
          %eq3A_895 = arith.cmpi eq, %gather3A_869, %masked_sort3A_779 : vector<16xi32>
          %max3A_896 = arith.maximumf %select_n3A_838, %gather3A_894 : vector<16xf32>
          %select_n3A_897 = arith.select %eq3A_895, %max3A_896, %select_n3A_838 : vector<16xi1>, vector<16xf32>
          %sub3A_898 = arith.constant 4 : i32
          %sub3A_899 = vector.broadcast %sub3A_898 : i32 to vector<16xi32>
          %sub3A_900 = arith.subi %iota3A, %sub3A_899 : vector<16xi32>
          %max3A_901 = arith.constant 0 : i32
          %max3A_902 = vector.broadcast %max3A_901 : i32 to vector<16xi32>
          %max3A_903 = arith.maxsi %sub3A_900, %max3A_902 : vector<16xi32>
          %jit3A_904 = arith.constant 16 : i32
          %eq3A_905 = arith.constant 0 : i32
          %eq3A_906 = arith.cmpi eq, %jit3A_904, %eq3A_905 : i32
          %jit3A_907 = arith.constant 1 : i32
          %select_n3A_908 = arith.select %eq3A_906, %jit3A_907, %jit3A_904 : i32
          %rem3A_909 = vector.broadcast %select_n3A_908 : i32 to vector<16xi32>
          %rem3A_910 = arith.remsi %max3A_903, %rem3A_909 : vector<16xi32>
          %ne3A_911 = arith.constant 0 : i32
          %ne3A_912 = vector.broadcast %ne3A_911 : i32 to vector<16xi32>
          %ne3A_913 = arith.cmpi ne, %rem3A_910, %ne3A_912 : vector<16xi32>
          %lt3A_914 = arith.constant 0 : i32
          %lt3A_915 = vector.broadcast %lt3A_914 : i32 to vector<16xi32>
          %lt3A_916 = arith.cmpi slt, %rem3A_910, %lt3A_915 : vector<16xi32>
          %lt3A_917 = arith.constant 0 : i32
          %lt3A_918 = arith.cmpi slt, %select_n3A_908, %lt3A_917 : i32
          %ne3A_919 = vector.broadcast %lt3A_918 : i1 to vector<16xi1>
          %ne3A_920 = vector.broadcast %ne3A_919 : vector<16xi1> to vector<16xi1>
          %ne3A_921 = arith.xori %lt3A_916, %ne3A_920 : vector<16xi1>
          %and3A_922 = arith.andi %ne3A_921, %ne3A_913 : vector<16xi1>
          %add3A_923 = vector.broadcast %select_n3A_908 : i32 to vector<16xi32>
          %add3A_924 = arith.addi %rem3A_910, %add3A_923 : vector<16xi32>
          %select_n3A_925 = arith.select %and3A_922, %add3A_924, %rem3A_910 : vector<16xi1>, vector<16xi32>
          %broadcast_in_dim3A_926 = vector.shape_cast %select_n3A_925 : vector<16xi32> to vector<16x1xi32>
          %gather3A_927 = vector.shape_cast %broadcast_in_dim3A_926 : vector<16x1xi32> to vector<16xi32>
          %gather3A_928 = tpu.dynamic_gather %masked_sort3A_779[%gather3A_927] in [0] : vector<16xi32>, vector<16xi32> -> vector<16xi32>
          %jit3A_929 = arith.constant 16 : i32
          %eq3A_930 = arith.constant 0 : i32
          %eq3A_931 = arith.cmpi eq, %jit3A_929, %eq3A_930 : i32
          %jit3A_932 = arith.constant 1 : i32
          %select_n3A_933 = arith.select %eq3A_931, %jit3A_932, %jit3A_929 : i32
          %rem3A_934 = vector.broadcast %select_n3A_933 : i32 to vector<16xi32>
          %rem3A_935 = arith.remsi %max3A_903, %rem3A_934 : vector<16xi32>
          %ne3A_936 = arith.constant 0 : i32
          %ne3A_937 = vector.broadcast %ne3A_936 : i32 to vector<16xi32>
          %ne3A_938 = arith.cmpi ne, %rem3A_935, %ne3A_937 : vector<16xi32>
          %lt3A_939 = arith.constant 0 : i32
          %lt3A_940 = vector.broadcast %lt3A_939 : i32 to vector<16xi32>
          %lt3A_941 = arith.cmpi slt, %rem3A_935, %lt3A_940 : vector<16xi32>
          %lt3A_942 = arith.constant 0 : i32
          %lt3A_943 = arith.cmpi slt, %select_n3A_933, %lt3A_942 : i32
          %ne3A_944 = vector.broadcast %lt3A_943 : i1 to vector<16xi1>
          %ne3A_945 = vector.broadcast %ne3A_944 : vector<16xi1> to vector<16xi1>
          %ne3A_946 = arith.xori %lt3A_941, %ne3A_945 : vector<16xi1>
          %and3A_947 = arith.andi %ne3A_946, %ne3A_938 : vector<16xi1>
          %add3A_948 = vector.broadcast %select_n3A_933 : i32 to vector<16xi32>
          %add3A_949 = arith.addi %rem3A_935, %add3A_948 : vector<16xi32>
          %select_n3A_950 = arith.select %and3A_947, %add3A_949, %rem3A_935 : vector<16xi1>, vector<16xi32>
          %broadcast_in_dim3A_951 = vector.shape_cast %select_n3A_950 : vector<16xi32> to vector<16x1xi32>
          %gather3A_952 = vector.shape_cast %broadcast_in_dim3A_951 : vector<16x1xi32> to vector<16xi32>
          %gather3A_953 = tpu.dynamic_gather %select_n3A_897[%gather3A_952] in [0] : vector<16xf32>, vector<16xi32> -> vector<16xf32>
          %eq3A_954 = arith.cmpi eq, %gather3A_928, %masked_sort3A_779 : vector<16xi32>
          %max3A_955 = arith.maximumf %select_n3A_897, %gather3A_953 : vector<16xf32>
          %select_n3A_956 = arith.select %eq3A_954, %max3A_955, %select_n3A_897 : vector<16xi1>, vector<16xf32>
          %sub3A_957 = arith.constant 8 : i32
          %sub3A_958 = vector.broadcast %sub3A_957 : i32 to vector<16xi32>
          %sub3A_959 = arith.subi %iota3A, %sub3A_958 : vector<16xi32>
          %max3A_960 = arith.constant 0 : i32
          %max3A_961 = vector.broadcast %max3A_960 : i32 to vector<16xi32>
          %max3A_962 = arith.maxsi %sub3A_959, %max3A_961 : vector<16xi32>
          %jit3A_963 = arith.constant 16 : i32
          %eq3A_964 = arith.constant 0 : i32
          %eq3A_965 = arith.cmpi eq, %jit3A_963, %eq3A_964 : i32
          %jit3A_966 = arith.constant 1 : i32
          %select_n3A_967 = arith.select %eq3A_965, %jit3A_966, %jit3A_963 : i32
          %rem3A_968 = vector.broadcast %select_n3A_967 : i32 to vector<16xi32>
          %rem3A_969 = arith.remsi %max3A_962, %rem3A_968 : vector<16xi32>
          %ne3A_970 = arith.constant 0 : i32
          %ne3A_971 = vector.broadcast %ne3A_970 : i32 to vector<16xi32>
          %ne3A_972 = arith.cmpi ne, %rem3A_969, %ne3A_971 : vector<16xi32>
          %lt3A_973 = arith.constant 0 : i32
          %lt3A_974 = vector.broadcast %lt3A_973 : i32 to vector<16xi32>
          %lt3A_975 = arith.cmpi slt, %rem3A_969, %lt3A_974 : vector<16xi32>
          %lt3A_976 = arith.constant 0 : i32
          %lt3A_977 = arith.cmpi slt, %select_n3A_967, %lt3A_976 : i32
          %ne3A_978 = vector.broadcast %lt3A_977 : i1 to vector<16xi1>
          %ne3A_979 = vector.broadcast %ne3A_978 : vector<16xi1> to vector<16xi1>
          %ne3A_980 = arith.xori %lt3A_975, %ne3A_979 : vector<16xi1>
          %and3A_981 = arith.andi %ne3A_980, %ne3A_972 : vector<16xi1>
          %add3A_982 = vector.broadcast %select_n3A_967 : i32 to vector<16xi32>
          %add3A_983 = arith.addi %rem3A_969, %add3A_982 : vector<16xi32>
          %select_n3A_984 = arith.select %and3A_981, %add3A_983, %rem3A_969 : vector<16xi1>, vector<16xi32>
          %broadcast_in_dim3A_985 = vector.shape_cast %select_n3A_984 : vector<16xi32> to vector<16x1xi32>
          %gather3A_986 = vector.shape_cast %broadcast_in_dim3A_985 : vector<16x1xi32> to vector<16xi32>
          %gather3A_987 = tpu.dynamic_gather %masked_sort3A_779[%gather3A_986] in [0] : vector<16xi32>, vector<16xi32> -> vector<16xi32>
          %jit3A_988 = arith.constant 16 : i32
          %eq3A_989 = arith.constant 0 : i32
          %eq3A_990 = arith.cmpi eq, %jit3A_988, %eq3A_989 : i32
          %jit3A_991 = arith.constant 1 : i32
          %select_n3A_992 = arith.select %eq3A_990, %jit3A_991, %jit3A_988 : i32
          %rem3A_993 = vector.broadcast %select_n3A_992 : i32 to vector<16xi32>
          %rem3A_994 = arith.remsi %max3A_962, %rem3A_993 : vector<16xi32>
          %ne3A_995 = arith.constant 0 : i32
          %ne3A_996 = vector.broadcast %ne3A_995 : i32 to vector<16xi32>
          %ne3A_997 = arith.cmpi ne, %rem3A_994, %ne3A_996 : vector<16xi32>
          %lt3A_998 = arith.constant 0 : i32
          %lt3A_999 = vector.broadcast %lt3A_998 : i32 to vector<16xi32>
          %lt3A_1000 = arith.cmpi slt, %rem3A_994, %lt3A_999 : vector<16xi32>
          %lt3A_1001 = arith.constant 0 : i32
          %lt3A_1002 = arith.cmpi slt, %select_n3A_992, %lt3A_1001 : i32
          %ne3A_1003 = vector.broadcast %lt3A_1002 : i1 to vector<16xi1>
          %ne3A_1004 = vector.broadcast %ne3A_1003 : vector<16xi1> to vector<16xi1>
          %ne3A_1005 = arith.xori %lt3A_1000, %ne3A_1004 : vector<16xi1>
          %and3A_1006 = arith.andi %ne3A_1005, %ne3A_997 : vector<16xi1>
          %add3A_1007 = vector.broadcast %select_n3A_992 : i32 to vector<16xi32>
          %add3A_1008 = arith.addi %rem3A_994, %add3A_1007 : vector<16xi32>
          %select_n3A_1009 = arith.select %and3A_1006, %add3A_1008, %rem3A_994 : vector<16xi1>, vector<16xi32>
          %broadcast_in_dim3A_1010 = vector.shape_cast %select_n3A_1009 : vector<16xi32> to vector<16x1xi32>
          %gather3A_1011 = vector.shape_cast %broadcast_in_dim3A_1010 : vector<16x1xi32> to vector<16xi32>
          %gather3A_1012 = tpu.dynamic_gather %select_n3A_956[%gather3A_1011] in [0] : vector<16xf32>, vector<16xi32> -> vector<16xf32>
          %eq3A_1013 = arith.cmpi eq, %gather3A_987, %masked_sort3A_779 : vector<16xi32>
          %max3A_1014 = arith.maximumf %select_n3A_956, %gather3A_1012 : vector<16xf32>
          %select_n3A_1015 = arith.select %eq3A_1013, %max3A_1014, %select_n3A_956 : vector<16xi1>, vector<16xf32>
          %add3A_1016 = arith.constant 1 : i32
          %add3A_1017 = vector.broadcast %add3A_1016 : i32 to vector<16xi32>
          %add3A_1018 = arith.addi %iota3A, %add3A_1017 : vector<16xi32>
          %min3A_1019 = arith.constant 15 : i32
          %min3A_1020 = vector.broadcast %min3A_1019 : i32 to vector<16xi32>
          %min3A_1021 = arith.minsi %add3A_1018, %min3A_1020 : vector<16xi32>
          %jit3A_1022 = arith.constant 16 : i32
          %eq3A_1023 = arith.constant 0 : i32
          %eq3A_1024 = arith.cmpi eq, %jit3A_1022, %eq3A_1023 : i32
          %jit3A_1025 = arith.constant 1 : i32
          %select_n3A_1026 = arith.select %eq3A_1024, %jit3A_1025, %jit3A_1022 : i32
          %rem3A_1027 = vector.broadcast %select_n3A_1026 : i32 to vector<16xi32>
          %rem3A_1028 = arith.remsi %min3A_1021, %rem3A_1027 : vector<16xi32>
          %ne3A_1029 = arith.constant 0 : i32
          %ne3A_1030 = vector.broadcast %ne3A_1029 : i32 to vector<16xi32>
          %ne3A_1031 = arith.cmpi ne, %rem3A_1028, %ne3A_1030 : vector<16xi32>
          %lt3A_1032 = arith.constant 0 : i32
          %lt3A_1033 = vector.broadcast %lt3A_1032 : i32 to vector<16xi32>
          %lt3A_1034 = arith.cmpi slt, %rem3A_1028, %lt3A_1033 : vector<16xi32>
          %lt3A_1035 = arith.constant 0 : i32
          %lt3A_1036 = arith.cmpi slt, %select_n3A_1026, %lt3A_1035 : i32
          %ne3A_1037 = vector.broadcast %lt3A_1036 : i1 to vector<16xi1>
          %ne3A_1038 = vector.broadcast %ne3A_1037 : vector<16xi1> to vector<16xi1>
          %ne3A_1039 = arith.xori %lt3A_1034, %ne3A_1038 : vector<16xi1>
          %and3A_1040 = arith.andi %ne3A_1039, %ne3A_1031 : vector<16xi1>
          %add3A_1041 = vector.broadcast %select_n3A_1026 : i32 to vector<16xi32>
          %add3A_1042 = arith.addi %rem3A_1028, %add3A_1041 : vector<16xi32>
          %select_n3A_1043 = arith.select %and3A_1040, %add3A_1042, %rem3A_1028 : vector<16xi1>, vector<16xi32>
          %broadcast_in_dim3A_1044 = vector.shape_cast %select_n3A_1043 : vector<16xi32> to vector<16x1xi32>
          %gather3A_1045 = vector.shape_cast %broadcast_in_dim3A_1044 : vector<16x1xi32> to vector<16xi32>
          %gather3A_1046 = tpu.dynamic_gather %masked_sort3A_779[%gather3A_1045] in [0] : vector<16xi32>, vector<16xi32> -> vector<16xi32>
          %ne3A_1047 = arith.cmpi ne, %gather3A_1046, %masked_sort3A_779 : vector<16xi32>
          %eq3A_1048 = arith.constant 15 : i32
          %eq3A_1049 = vector.broadcast %eq3A_1048 : i32 to vector<16xi32>
          %eq3A_1050 = arith.cmpi eq, %iota3A, %eq3A_1049 : vector<16xi32>
          %or3A_1051 = arith.ori %ne3A_1047, %eq3A_1050 : vector<16xi1>
          %gather3A_1052 = tpu.vector_load_idx %arg5[%masked_sort3A_779] : memref<102400xf32, #tpu.memory_space<vmem>>[vector<16xi32>], vector<16xf32>,
          %max3A_1053 = arith.maximumf %gather3A_1052, %select_n3A_1015 : vector<16xf32>
          tpu.vector_store_idx %arg5[%masked_sort3A_779], %max3A_1053 masked %or3A_1051 : memref<102400xf32, #tpu.memory_space<vmem>>[vector<16xi32>], vector<16xf32>, vector<16xi1>
        }
        %scan3A_181 = arith.constant 124 : i32
        %scan3A_182 = arith.addi %scan3A_177, %scan3A_181 : i32
        %mul3A_183 = arith.constant 1 : i32
        %mul3A_184 = arith.muli %scan3A_182, %mul3A_183 : i32
        %add3A_185 = arith.constant 0 : i32
        %add3A_186 = arith.addi %add3A_185, %mul3A_184 : i32
        %mul3A_187 = arith.constant 16 : i32
        %mul3A_188 = arith.muli %add3A_186, %mul3A_187 : i32
        %get3A_189 = arith.index_cast %mul3A_188 : i32 to index
        %get3A_190 = tpu.vector_load %arg8[%get3A_189] {strides = array<i32>} : memref<2000xi32, #tpu.memory_space<vmem>>, vector<16xi32>,
        %get3A_191 = arith.index_cast %mul3A_188 : i32 to index
        %get3A_192 = tpu.vector_load %arg10[%get3A_191] {strides = array<i32>} : memref<2000xf32, #tpu.memory_space<vmem>>, vector<16xf32>,
        %masked_sort3A = arith.constant dense<true> : vector<16xi1>
        %masked_sort3A_193 = arith.constant -2147483648 : i32
        %masked_sort3A_194 = vector.broadcast %masked_sort3A_193 : i32 to vector<16xi32>
        %masked_sort3A_195 = arith.xori %get3A_190, %masked_sort3A_194 : vector<16xi32>
        %masked_sort3A_196, %masked_sort3A_197, %masked_sort3A_198 = tpu.sort %masked_sort3A_195, %get3A_192 masked %masked_sort3A : (vector<16xi32>, vector<16xf32>, vector<16xi1>) -> (vector<16xi1>, vector<16xi32>, vector<16xf32>)
        %masked_sort3A_199 = arith.xori %masked_sort3A_197, %masked_sort3A_194 : vector<16xi32>
        %sub3A = arith.constant 1 : i32
        %sub3A_200 = vector.broadcast %sub3A : i32 to vector<16xi32>
        %sub3A_201 = arith.subi %iota3A, %sub3A_200 : vector<16xi32>
        %max3A_202 = arith.constant 0 : i32
        %max3A_203 = vector.broadcast %max3A_202 : i32 to vector<16xi32>
        %max3A_204 = arith.maxsi %sub3A_201, %max3A_203 : vector<16xi32>
        %jit3A = arith.constant 16 : i32
        %eq3A = arith.constant 0 : i32
        %eq3A_205 = arith.cmpi eq, %jit3A, %eq3A : i32
        %jit3A_206 = arith.constant 1 : i32
        %select_n3A = arith.select %eq3A_205, %jit3A_206, %jit3A : i32
        %rem3A = vector.broadcast %select_n3A : i32 to vector<16xi32>
        %rem3A_207 = arith.remsi %max3A_204, %rem3A : vector<16xi32>
        %ne3A = arith.constant 0 : i32
        %ne3A_208 = vector.broadcast %ne3A : i32 to vector<16xi32>
        %ne3A_209 = arith.cmpi ne, %rem3A_207, %ne3A_208 : vector<16xi32>
        %lt3A_210 = arith.constant 0 : i32
        %lt3A_211 = vector.broadcast %lt3A_210 : i32 to vector<16xi32>
        %lt3A_212 = arith.cmpi slt, %rem3A_207, %lt3A_211 : vector<16xi32>
        %lt3A_213 = arith.constant 0 : i32
        %lt3A_214 = arith.cmpi slt, %select_n3A, %lt3A_213 : i32
        %ne3A_215 = vector.broadcast %lt3A_214 : i1 to vector<16xi1>
        %ne3A_216 = vector.broadcast %ne3A_215 : vector<16xi1> to vector<16xi1>
        %ne3A_217 = arith.xori %lt3A_212, %ne3A_216 : vector<16xi1>
        %and3A = arith.andi %ne3A_217, %ne3A_209 : vector<16xi1>
        %add3A_218 = vector.broadcast %select_n3A : i32 to vector<16xi32>
        %add3A_219 = arith.addi %rem3A_207, %add3A_218 : vector<16xi32>
        %select_n3A_220 = arith.select %and3A, %add3A_219, %rem3A_207 : vector<16xi1>, vector<16xi32>
        %broadcast_in_dim3A_221 = vector.shape_cast %select_n3A_220 : vector<16xi32> to vector<16x1xi32>
        %gather3A_222 = vector.shape_cast %broadcast_in_dim3A_221 : vector<16x1xi32> to vector<16xi32>
        %gather3A_223 = tpu.dynamic_gather %masked_sort3A_199[%gather3A_222] in [0] : vector<16xi32>, vector<16xi32> -> vector<16xi32>
        %jit3A_224 = arith.constant 16 : i32
        %eq3A_225 = arith.constant 0 : i32
        %eq3A_226 = arith.cmpi eq, %jit3A_224, %eq3A_225 : i32
        %jit3A_227 = arith.constant 1 : i32
        %select_n3A_228 = arith.select %eq3A_226, %jit3A_227, %jit3A_224 : i32
        %rem3A_229 = vector.broadcast %select_n3A_228 : i32 to vector<16xi32>
        %rem3A_230 = arith.remsi %max3A_204, %rem3A_229 : vector<16xi32>
        %ne3A_231 = arith.constant 0 : i32
        %ne3A_232 = vector.broadcast %ne3A_231 : i32 to vector<16xi32>
        %ne3A_233 = arith.cmpi ne, %rem3A_230, %ne3A_232 : vector<16xi32>
        %lt3A_234 = arith.constant 0 : i32
        %lt3A_235 = vector.broadcast %lt3A_234 : i32 to vector<16xi32>
        %lt3A_236 = arith.cmpi slt, %rem3A_230, %lt3A_235 : vector<16xi32>
        %lt3A_237 = arith.constant 0 : i32
        %lt3A_238 = arith.cmpi slt, %select_n3A_228, %lt3A_237 : i32
        %ne3A_239 = vector.broadcast %lt3A_238 : i1 to vector<16xi1>
        %ne3A_240 = vector.broadcast %ne3A_239 : vector<16xi1> to vector<16xi1>
        %ne3A_241 = arith.xori %lt3A_236, %ne3A_240 : vector<16xi1>
        %and3A_242 = arith.andi %ne3A_241, %ne3A_233 : vector<16xi1>
        %add3A_243 = vector.broadcast %select_n3A_228 : i32 to vector<16xi32>
        %add3A_244 = arith.addi %rem3A_230, %add3A_243 : vector<16xi32>
        %select_n3A_245 = arith.select %and3A_242, %add3A_244, %rem3A_230 : vector<16xi1>, vector<16xi32>
        %broadcast_in_dim3A_246 = vector.shape_cast %select_n3A_245 : vector<16xi32> to vector<16x1xi32>
        %gather3A_247 = vector.shape_cast %broadcast_in_dim3A_246 : vector<16x1xi32> to vector<16xi32>
        %gather3A_248 = tpu.dynamic_gather %masked_sort3A_198[%gather3A_247] in [0] : vector<16xf32>, vector<16xi32> -> vector<16xf32>
        %eq3A_249 = arith.cmpi eq, %gather3A_223, %masked_sort3A_199 : vector<16xi32>
        %max3A_250 = arith.maximumf %masked_sort3A_198, %gather3A_248 : vector<16xf32>
        %select_n3A_251 = arith.select %eq3A_249, %max3A_250, %masked_sort3A_198 : vector<16xi1>, vector<16xf32>
        %sub3A_252 = arith.constant 2 : i32
        %sub3A_253 = vector.broadcast %sub3A_252 : i32 to vector<16xi32>
        %sub3A_254 = arith.subi %iota3A, %sub3A_253 : vector<16xi32>
        %max3A_255 = arith.constant 0 : i32
        %max3A_256 = vector.broadcast %max3A_255 : i32 to vector<16xi32>
        %max3A_257 = arith.maxsi %sub3A_254, %max3A_256 : vector<16xi32>
        %jit3A_258 = arith.constant 16 : i32
        %eq3A_259 = arith.constant 0 : i32
        %eq3A_260 = arith.cmpi eq, %jit3A_258, %eq3A_259 : i32
        %jit3A_261 = arith.constant 1 : i32
        %select_n3A_262 = arith.select %eq3A_260, %jit3A_261, %jit3A_258 : i32
        %rem3A_263 = vector.broadcast %select_n3A_262 : i32 to vector<16xi32>
        %rem3A_264 = arith.remsi %max3A_257, %rem3A_263 : vector<16xi32>
        %ne3A_265 = arith.constant 0 : i32
        %ne3A_266 = vector.broadcast %ne3A_265 : i32 to vector<16xi32>
        %ne3A_267 = arith.cmpi ne, %rem3A_264, %ne3A_266 : vector<16xi32>
        %lt3A_268 = arith.constant 0 : i32
        %lt3A_269 = vector.broadcast %lt3A_268 : i32 to vector<16xi32>
        %lt3A_270 = arith.cmpi slt, %rem3A_264, %lt3A_269 : vector<16xi32>
        %lt3A_271 = arith.constant 0 : i32
        %lt3A_272 = arith.cmpi slt, %select_n3A_262, %lt3A_271 : i32
        %ne3A_273 = vector.broadcast %lt3A_272 : i1 to vector<16xi1>
        %ne3A_274 = vector.broadcast %ne3A_273 : vector<16xi1> to vector<16xi1>
        %ne3A_275 = arith.xori %lt3A_270, %ne3A_274 : vector<16xi1>
        %and3A_276 = arith.andi %ne3A_275, %ne3A_267 : vector<16xi1>
        %add3A_277 = vector.broadcast %select_n3A_262 : i32 to vector<16xi32>
        %add3A_278 = arith.addi %rem3A_264, %add3A_277 : vector<16xi32>
        %select_n3A_279 = arith.select %and3A_276, %add3A_278, %rem3A_264 : vector<16xi1>, vector<16xi32>
        %broadcast_in_dim3A_280 = vector.shape_cast %select_n3A_279 : vector<16xi32> to vector<16x1xi32>
        %gather3A_281 = vector.shape_cast %broadcast_in_dim3A_280 : vector<16x1xi32> to vector<16xi32>
        %gather3A_282 = tpu.dynamic_gather %masked_sort3A_199[%gather3A_281] in [0] : vector<16xi32>, vector<16xi32> -> vector<16xi32>
        %jit3A_283 = arith.constant 16 : i32
        %eq3A_284 = arith.constant 0 : i32
        %eq3A_285 = arith.cmpi eq, %jit3A_283, %eq3A_284 : i32
        %jit3A_286 = arith.constant 1 : i32
        %select_n3A_287 = arith.select %eq3A_285, %jit3A_286, %jit3A_283 : i32
        %rem3A_288 = vector.broadcast %select_n3A_287 : i32 to vector<16xi32>
        %rem3A_289 = arith.remsi %max3A_257, %rem3A_288 : vector<16xi32>
        %ne3A_290 = arith.constant 0 : i32
        %ne3A_291 = vector.broadcast %ne3A_290 : i32 to vector<16xi32>
        %ne3A_292 = arith.cmpi ne, %rem3A_289, %ne3A_291 : vector<16xi32>
        %lt3A_293 = arith.constant 0 : i32
        %lt3A_294 = vector.broadcast %lt3A_293 : i32 to vector<16xi32>
        %lt3A_295 = arith.cmpi slt, %rem3A_289, %lt3A_294 : vector<16xi32>
        %lt3A_296 = arith.constant 0 : i32
        %lt3A_297 = arith.cmpi slt, %select_n3A_287, %lt3A_296 : i32
        %ne3A_298 = vector.broadcast %lt3A_297 : i1 to vector<16xi1>
        %ne3A_299 = vector.broadcast %ne3A_298 : vector<16xi1> to vector<16xi1>
        %ne3A_300 = arith.xori %lt3A_295, %ne3A_299 : vector<16xi1>
        %and3A_301 = arith.andi %ne3A_300, %ne3A_292 : vector<16xi1>
        %add3A_302 = vector.broadcast %select_n3A_287 : i32 to vector<16xi32>
        %add3A_303 = arith.addi %rem3A_289, %add3A_302 : vector<16xi32>
        %select_n3A_304 = arith.select %and3A_301, %add3A_303, %rem3A_289 : vector<16xi1>, vector<16xi32>
        %broadcast_in_dim3A_305 = vector.shape_cast %select_n3A_304 : vector<16xi32> to vector<16x1xi32>
        %gather3A_306 = vector.shape_cast %broadcast_in_dim3A_305 : vector<16x1xi32> to vector<16xi32>
        %gather3A_307 = tpu.dynamic_gather %select_n3A_251[%gather3A_306] in [0] : vector<16xf32>, vector<16xi32> -> vector<16xf32>
        %eq3A_308 = arith.cmpi eq, %gather3A_282, %masked_sort3A_199 : vector<16xi32>
        %max3A_309 = arith.maximumf %select_n3A_251, %gather3A_307 : vector<16xf32>
        %select_n3A_310 = arith.select %eq3A_308, %max3A_309, %select_n3A_251 : vector<16xi1>, vector<16xf32>
        %sub3A_311 = arith.constant 4 : i32
        %sub3A_312 = vector.broadcast %sub3A_311 : i32 to vector<16xi32>
        %sub3A_313 = arith.subi %iota3A, %sub3A_312 : vector<16xi32>
        %max3A_314 = arith.constant 0 : i32
        %max3A_315 = vector.broadcast %max3A_314 : i32 to vector<16xi32>
        %max3A_316 = arith.maxsi %sub3A_313, %max3A_315 : vector<16xi32>
        %jit3A_317 = arith.constant 16 : i32
        %eq3A_318 = arith.constant 0 : i32
        %eq3A_319 = arith.cmpi eq, %jit3A_317, %eq3A_318 : i32
        %jit3A_320 = arith.constant 1 : i32
        %select_n3A_321 = arith.select %eq3A_319, %jit3A_320, %jit3A_317 : i32
        %rem3A_322 = vector.broadcast %select_n3A_321 : i32 to vector<16xi32>
        %rem3A_323 = arith.remsi %max3A_316, %rem3A_322 : vector<16xi32>
        %ne3A_324 = arith.constant 0 : i32
        %ne3A_325 = vector.broadcast %ne3A_324 : i32 to vector<16xi32>
        %ne3A_326 = arith.cmpi ne, %rem3A_323, %ne3A_325 : vector<16xi32>
        %lt3A_327 = arith.constant 0 : i32
        %lt3A_328 = vector.broadcast %lt3A_327 : i32 to vector<16xi32>
        %lt3A_329 = arith.cmpi slt, %rem3A_323, %lt3A_328 : vector<16xi32>
        %lt3A_330 = arith.constant 0 : i32
        %lt3A_331 = arith.cmpi slt, %select_n3A_321, %lt3A_330 : i32
        %ne3A_332 = vector.broadcast %lt3A_331 : i1 to vector<16xi1>
        %ne3A_333 = vector.broadcast %ne3A_332 : vector<16xi1> to vector<16xi1>
        %ne3A_334 = arith.xori %lt3A_329, %ne3A_333 : vector<16xi1>
        %and3A_335 = arith.andi %ne3A_334, %ne3A_326 : vector<16xi1>
        %add3A_336 = vector.broadcast %select_n3A_321 : i32 to vector<16xi32>
        %add3A_337 = arith.addi %rem3A_323, %add3A_336 : vector<16xi32>
        %select_n3A_338 = arith.select %and3A_335, %add3A_337, %rem3A_323 : vector<16xi1>, vector<16xi32>
        %broadcast_in_dim3A_339 = vector.shape_cast %select_n3A_338 : vector<16xi32> to vector<16x1xi32>
        %gather3A_340 = vector.shape_cast %broadcast_in_dim3A_339 : vector<16x1xi32> to vector<16xi32>
        %gather3A_341 = tpu.dynamic_gather %masked_sort3A_199[%gather3A_340] in [0] : vector<16xi32>, vector<16xi32> -> vector<16xi32>
        %jit3A_342 = arith.constant 16 : i32
        %eq3A_343 = arith.constant 0 : i32
        %eq3A_344 = arith.cmpi eq, %jit3A_342, %eq3A_343 : i32
        %jit3A_345 = arith.constant 1 : i32
        %select_n3A_346 = arith.select %eq3A_344, %jit3A_345, %jit3A_342 : i32
        %rem3A_347 = vector.broadcast %select_n3A_346 : i32 to vector<16xi32>
        %rem3A_348 = arith.remsi %max3A_316, %rem3A_347 : vector<16xi32>
        %ne3A_349 = arith.constant 0 : i32
        %ne3A_350 = vector.broadcast %ne3A_349 : i32 to vector<16xi32>
        %ne3A_351 = arith.cmpi ne, %rem3A_348, %ne3A_350 : vector<16xi32>
        %lt3A_352 = arith.constant 0 : i32
        %lt3A_353 = vector.broadcast %lt3A_352 : i32 to vector<16xi32>
        %lt3A_354 = arith.cmpi slt, %rem3A_348, %lt3A_353 : vector<16xi32>
        %lt3A_355 = arith.constant 0 : i32
        %lt3A_356 = arith.cmpi slt, %select_n3A_346, %lt3A_355 : i32
        %ne3A_357 = vector.broadcast %lt3A_356 : i1 to vector<16xi1>
        %ne3A_358 = vector.broadcast %ne3A_357 : vector<16xi1> to vector<16xi1>
        %ne3A_359 = arith.xori %lt3A_354, %ne3A_358 : vector<16xi1>
        %and3A_360 = arith.andi %ne3A_359, %ne3A_351 : vector<16xi1>
        %add3A_361 = vector.broadcast %select_n3A_346 : i32 to vector<16xi32>
        %add3A_362 = arith.addi %rem3A_348, %add3A_361 : vector<16xi32>
        %select_n3A_363 = arith.select %and3A_360, %add3A_362, %rem3A_348 : vector<16xi1>, vector<16xi32>
        %broadcast_in_dim3A_364 = vector.shape_cast %select_n3A_363 : vector<16xi32> to vector<16x1xi32>
        %gather3A_365 = vector.shape_cast %broadcast_in_dim3A_364 : vector<16x1xi32> to vector<16xi32>
        %gather3A_366 = tpu.dynamic_gather %select_n3A_310[%gather3A_365] in [0] : vector<16xf32>, vector<16xi32> -> vector<16xf32>
        %eq3A_367 = arith.cmpi eq, %gather3A_341, %masked_sort3A_199 : vector<16xi32>
        %max3A_368 = arith.maximumf %select_n3A_310, %gather3A_366 : vector<16xf32>
        %select_n3A_369 = arith.select %eq3A_367, %max3A_368, %select_n3A_310 : vector<16xi1>, vector<16xf32>
        %sub3A_370 = arith.constant 8 : i32
        %sub3A_371 = vector.broadcast %sub3A_370 : i32 to vector<16xi32>
        %sub3A_372 = arith.subi %iota3A, %sub3A_371 : vector<16xi32>
        %max3A_373 = arith.constant 0 : i32
        %max3A_374 = vector.broadcast %max3A_373 : i32 to vector<16xi32>
        %max3A_375 = arith.maxsi %sub3A_372, %max3A_374 : vector<16xi32>
        %jit3A_376 = arith.constant 16 : i32
        %eq3A_377 = arith.constant 0 : i32
        %eq3A_378 = arith.cmpi eq, %jit3A_376, %eq3A_377 : i32
        %jit3A_379 = arith.constant 1 : i32
        %select_n3A_380 = arith.select %eq3A_378, %jit3A_379, %jit3A_376 : i32
        %rem3A_381 = vector.broadcast %select_n3A_380 : i32 to vector<16xi32>
        %rem3A_382 = arith.remsi %max3A_375, %rem3A_381 : vector<16xi32>
        %ne3A_383 = arith.constant 0 : i32
        %ne3A_384 = vector.broadcast %ne3A_383 : i32 to vector<16xi32>
        %ne3A_385 = arith.cmpi ne, %rem3A_382, %ne3A_384 : vector<16xi32>
        %lt3A_386 = arith.constant 0 : i32
        %lt3A_387 = vector.broadcast %lt3A_386 : i32 to vector<16xi32>
        %lt3A_388 = arith.cmpi slt, %rem3A_382, %lt3A_387 : vector<16xi32>
        %lt3A_389 = arith.constant 0 : i32
        %lt3A_390 = arith.cmpi slt, %select_n3A_380, %lt3A_389 : i32
        %ne3A_391 = vector.broadcast %lt3A_390 : i1 to vector<16xi1>
        %ne3A_392 = vector.broadcast %ne3A_391 : vector<16xi1> to vector<16xi1>
        %ne3A_393 = arith.xori %lt3A_388, %ne3A_392 : vector<16xi1>
        %and3A_394 = arith.andi %ne3A_393, %ne3A_385 : vector<16xi1>
        %add3A_395 = vector.broadcast %select_n3A_380 : i32 to vector<16xi32>
        %add3A_396 = arith.addi %rem3A_382, %add3A_395 : vector<16xi32>
        %select_n3A_397 = arith.select %and3A_394, %add3A_396, %rem3A_382 : vector<16xi1>, vector<16xi32>
        %broadcast_in_dim3A_398 = vector.shape_cast %select_n3A_397 : vector<16xi32> to vector<16x1xi32>
        %gather3A_399 = vector.shape_cast %broadcast_in_dim3A_398 : vector<16x1xi32> to vector<16xi32>
        %gather3A_400 = tpu.dynamic_gather %masked_sort3A_199[%gather3A_399] in [0] : vector<16xi32>, vector<16xi32> -> vector<16xi32>
        %jit3A_401 = arith.constant 16 : i32
        %eq3A_402 = arith.constant 0 : i32
        %eq3A_403 = arith.cmpi eq, %jit3A_401, %eq3A_402 : i32
        %jit3A_404 = arith.constant 1 : i32
        %select_n3A_405 = arith.select %eq3A_403, %jit3A_404, %jit3A_401 : i32
        %rem3A_406 = vector.broadcast %select_n3A_405 : i32 to vector<16xi32>
        %rem3A_407 = arith.remsi %max3A_375, %rem3A_406 : vector<16xi32>
        %ne3A_408 = arith.constant 0 : i32
        %ne3A_409 = vector.broadcast %ne3A_408 : i32 to vector<16xi32>
        %ne3A_410 = arith.cmpi ne, %rem3A_407, %ne3A_409 : vector<16xi32>
        %lt3A_411 = arith.constant 0 : i32
        %lt3A_412 = vector.broadcast %lt3A_411 : i32 to vector<16xi32>
        %lt3A_413 = arith.cmpi slt, %rem3A_407, %lt3A_412 : vector<16xi32>
        %lt3A_414 = arith.constant 0 : i32
        %lt3A_415 = arith.cmpi slt, %select_n3A_405, %lt3A_414 : i32
        %ne3A_416 = vector.broadcast %lt3A_415 : i1 to vector<16xi1>
        %ne3A_417 = vector.broadcast %ne3A_416 : vector<16xi1> to vector<16xi1>
        %ne3A_418 = arith.xori %lt3A_413, %ne3A_417 : vector<16xi1>
        %and3A_419 = arith.andi %ne3A_418, %ne3A_410 : vector<16xi1>
        %add3A_420 = vector.broadcast %select_n3A_405 : i32 to vector<16xi32>
        %add3A_421 = arith.addi %rem3A_407, %add3A_420 : vector<16xi32>
        %select_n3A_422 = arith.select %and3A_419, %add3A_421, %rem3A_407 : vector<16xi1>, vector<16xi32>
        %broadcast_in_dim3A_423 = vector.shape_cast %select_n3A_422 : vector<16xi32> to vector<16x1xi32>
        %gather3A_424 = vector.shape_cast %broadcast_in_dim3A_423 : vector<16x1xi32> to vector<16xi32>
        %gather3A_425 = tpu.dynamic_gather %select_n3A_369[%gather3A_424] in [0] : vector<16xf32>, vector<16xi32> -> vector<16xf32>
        %eq3A_426 = arith.cmpi eq, %gather3A_400, %masked_sort3A_199 : vector<16xi32>
        %max3A_427 = arith.maximumf %select_n3A_369, %gather3A_425 : vector<16xf32>
        %select_n3A_428 = arith.select %eq3A_426, %max3A_427, %select_n3A_369 : vector<16xi1>, vector<16xf32>
        %add3A_429 = arith.constant 1 : i32
        %add3A_430 = vector.broadcast %add3A_429 : i32 to vector<16xi32>
        %add3A_431 = arith.addi %iota3A, %add3A_430 : vector<16xi32>
        %min3A = arith.constant 15 : i32
        %min3A_432 = vector.broadcast %min3A : i32 to vector<16xi32>
        %min3A_433 = arith.minsi %add3A_431, %min3A_432 : vector<16xi32>
        %jit3A_434 = arith.constant 16 : i32
        %eq3A_435 = arith.constant 0 : i32
        %eq3A_436 = arith.cmpi eq, %jit3A_434, %eq3A_435 : i32
        %jit3A_437 = arith.constant 1 : i32
        %select_n3A_438 = arith.select %eq3A_436, %jit3A_437, %jit3A_434 : i32
        %rem3A_439 = vector.broadcast %select_n3A_438 : i32 to vector<16xi32>
        %rem3A_440 = arith.remsi %min3A_433, %rem3A_439 : vector<16xi32>
        %ne3A_441 = arith.constant 0 : i32
        %ne3A_442 = vector.broadcast %ne3A_441 : i32 to vector<16xi32>
        %ne3A_443 = arith.cmpi ne, %rem3A_440, %ne3A_442 : vector<16xi32>
        %lt3A_444 = arith.constant 0 : i32
        %lt3A_445 = vector.broadcast %lt3A_444 : i32 to vector<16xi32>
        %lt3A_446 = arith.cmpi slt, %rem3A_440, %lt3A_445 : vector<16xi32>
        %lt3A_447 = arith.constant 0 : i32
        %lt3A_448 = arith.cmpi slt, %select_n3A_438, %lt3A_447 : i32
        %ne3A_449 = vector.broadcast %lt3A_448 : i1 to vector<16xi1>
        %ne3A_450 = vector.broadcast %ne3A_449 : vector<16xi1> to vector<16xi1>
        %ne3A_451 = arith.xori %lt3A_446, %ne3A_450 : vector<16xi1>
        %and3A_452 = arith.andi %ne3A_451, %ne3A_443 : vector<16xi1>
        %add3A_453 = vector.broadcast %select_n3A_438 : i32 to vector<16xi32>
        %add3A_454 = arith.addi %rem3A_440, %add3A_453 : vector<16xi32>
        %select_n3A_455 = arith.select %and3A_452, %add3A_454, %rem3A_440 : vector<16xi1>, vector<16xi32>
        %broadcast_in_dim3A_456 = vector.shape_cast %select_n3A_455 : vector<16xi32> to vector<16x1xi32>
        %gather3A_457 = vector.shape_cast %broadcast_in_dim3A_456 : vector<16x1xi32> to vector<16xi32>
        %gather3A_458 = tpu.dynamic_gather %masked_sort3A_199[%gather3A_457] in [0] : vector<16xi32>, vector<16xi32> -> vector<16xi32>
        %ne3A_459 = arith.cmpi ne, %gather3A_458, %masked_sort3A_199 : vector<16xi32>
        %eq3A_460 = arith.constant 15 : i32
        %eq3A_461 = vector.broadcast %eq3A_460 : i32 to vector<16xi32>
        %eq3A_462 = arith.cmpi eq, %iota3A, %eq3A_461 : vector<16xi32>
        %or3A_463 = arith.ori %ne3A_459, %eq3A_462 : vector<16xi1>
        %gather3A_464 = tpu.vector_load_idx %arg5[%masked_sort3A_199] : memref<102400xf32, #tpu.memory_space<vmem>>[vector<16xi32>], vector<16xf32>,
        %max3A_465 = arith.maximumf %gather3A_464, %select_n3A_428 : vector<16xf32>
        tpu.vector_store_idx %arg5[%masked_sort3A_199], %max3A_465 masked %or3A_463 : memref<102400xf32, #tpu.memory_space<vmem>>[vector<16xi32>], vector<16xf32>, vector<16xi1>
        %scan3A_466 = arith.constant 125 : i32
      } else {
      }
      %add3A_109 = arith.constant 2 : i32
      %add3A_110 = arith.addi %add3A_67, %add3A_109 : i32
      %lt3A_111 = arith.constant 100 : i32
      %lt3A_112 = arith.cmpi slt, %add3A_110, %lt3A_111 : i32
      %convert_element_type3A_113 = arith.extui %lt3A_112 : i1 to i32
      %cond3A_114 = arith.constant 0 : i32
      %cond3A_115 = arith.cmpi ne, %convert_element_type3A_113, %cond3A_114 : i32
      scf.if %cond3A_115 {
        %add3A_177 = arith.constant 2 : i32
        %add3A_178 = arith.addi %add3A_67, %add3A_177 : i32
        %mul3A_179 = arith.constant 2000 : i32
        %mul3A_180 = arith.muli %add3A_178, %mul3A_179 : i32
        %add3A_181 = arith.addi %mul3A_2, %mul3A_180 : i32
        %dma_start3A_182 = tpu.memref_slice %arg3[%add3A_181] : memref<12800000xi32, #tpu.memory_space<hbm>> -> memref<2000xi32, #tpu.memory_space<hbm>>
        %dma_start3A_183 = tpu.memref_slice %arg3[%add3A_181] : memref<12800000xi32, #tpu.memory_space<hbm>> -> memref<2000xi32, #tpu.memory_space<hbm>>
        tpu.enqueue_dma source(%dma_start3A_183 : memref<2000xi32, #tpu.memory_space<hbm>>) target(%arg6 : memref<2000xi32, #tpu.memory_space<vmem>>) target_semaphore(%arg12 : memref<!tpu.dma_semaphore, #tpu.memory_space<semaphore_mem>>)
        %add3A_184 = arith.constant 6400000 : i32
        %add3A_185 = arith.addi %add3A_184, %add3A_181 : i32
        %dma_start3A_186 = tpu.memref_slice %arg3[%add3A_185] : memref<12800000xi32, #tpu.memory_space<hbm>> -> memref<2000xi32, #tpu.memory_space<hbm>>
        %dma_start3A_187 = tpu.memref_slice %arg3[%add3A_185] : memref<12800000xi32, #tpu.memory_space<hbm>> -> memref<2000xi32, #tpu.memory_space<hbm>>
        tpu.enqueue_dma source(%dma_start3A_187 : memref<2000xi32, #tpu.memory_space<hbm>>) target(%arg8 : memref<2000xi32, #tpu.memory_space<vmem>>) target_semaphore(%arg12 : memref<!tpu.dma_semaphore, #tpu.memory_space<semaphore_mem>>)
      } else {
      }
      %mul3A_116 = arith.constant 2 : i32
      %mul3A_117 = arith.muli %add3A_63, %mul3A_116 : i32
      %add3A_118 = arith.constant 1 : i32
      %add3A_119 = arith.addi %mul3A_117, %add3A_118 : i32
      %dma_wait3A_120 = arith.constant 0 : i32
      %dma_wait3A_121 = tpu.memref_slice %arg2[%dma_wait3A_120] : memref<102400xf32, #tpu.memory_space<hbm>> -> memref<2000xf32, #tpu.memory_space<hbm>>
      %dma_wait3A_122 = arith.constant 0 : i32
      %dma_wait3A_123 = tpu.memref_slice %arg2[%dma_wait3A_122] : memref<102400xf32, #tpu.memory_space<hbm>> -> memref<2000xf32, #tpu.memory_space<hbm>>
      tpu.wait_dma2 semaphore(%arg15 : memref<!tpu.dma_semaphore, #tpu.memory_space<semaphore_mem>>) src(%dma_wait3A_123 : memref<2000xf32, #tpu.memory_space<hbm>>) dst(%arg11 : memref<2000xf32, #tpu.memory_space<vmem>>)
      %add3A_124 = arith.constant 1 : i32
      %add3A_125 = arith.addi %add3A_119, %add3A_124 : i32
      %lt3A_126 = arith.constant 100 : i32
      %lt3A_127 = arith.cmpi slt, %add3A_125, %lt3A_126 : i32
      %convert_element_type3A_128 = arith.extui %lt3A_127 : i1 to i32
      %cond3A_129 = arith.constant 0 : i32
      %cond3A_130 = arith.cmpi ne, %convert_element_type3A_128, %cond3A_129 : i32
      scf.if %cond3A_130 {
        %dma_wait3A_177 = arith.constant 0 : i32
        %dma_wait3A_178 = tpu.memref_slice %arg3[%dma_wait3A_177] : memref<12800000xi32, #tpu.memory_space<hbm>> -> memref<2000xi32, #tpu.memory_space<hbm>>
        %dma_wait3A_179 = arith.constant 0 : i32
        %dma_wait3A_180 = tpu.memref_slice %arg3[%dma_wait3A_179] : memref<12800000xi32, #tpu.memory_space<hbm>> -> memref<2000xi32, #tpu.memory_space<hbm>>
        tpu.wait_dma2 semaphore(%arg12 : memref<!tpu.dma_semaphore, #tpu.memory_space<semaphore_mem>>) src(%dma_wait3A_180 : memref<2000xi32, #tpu.memory_space<hbm>>) dst(%arg6 : memref<2000xi32, #tpu.memory_space<vmem>>)
        %dma_wait3A_181 = arith.constant 0 : i32
        %dma_wait3A_182 = tpu.memref_slice %arg3[%dma_wait3A_181] : memref<12800000xi32, #tpu.memory_space<hbm>> -> memref<2000xi32, #tpu.memory_space<hbm>>
        %dma_wait3A_183 = arith.constant 0 : i32
        %dma_wait3A_184 = tpu.memref_slice %arg3[%dma_wait3A_183] : memref<12800000xi32, #tpu.memory_space<hbm>> -> memref<2000xi32, #tpu.memory_space<hbm>>
        tpu.wait_dma2 semaphore(%arg12 : memref<!tpu.dma_semaphore, #tpu.memory_space<semaphore_mem>>) src(%dma_wait3A_184 : memref<2000xi32, #tpu.memory_space<hbm>>) dst(%arg8 : memref<2000xi32, #tpu.memory_space<vmem>>)
        %dma_start3A_185 = arith.constant 0 : i32
        %dma_start3A_186 = tpu.memref_slice %arg10[%dma_start3A_185] : memref<2000xf32, #tpu.memory_space<vmem>> -> memref<400xf32, #tpu.memory_space<vmem>>
        %dma_start3A_187 = arith.constant 0 : i32
        %dma_start3A_188 = tpu.memref_slice %arg6[%dma_start3A_187] : memref<2000xi32, #tpu.memory_space<vmem>> -> memref<400xi32, #tpu.memory_space<vmem>>
        %dma_start3A_189 = arith.constant 0 : i32
        %dma_start3A_190 = tpu.memref_slice %arg2[%dma_start3A_189] : memref<102400xf32, #tpu.memory_space<hbm>> -> memref<102400xf32, #tpu.memory_space<hbm>>
        tpu.enqueue_indirect_dma source(%dma_start3A_190 : memref<102400xf32, #tpu.memory_space<hbm>>) target(%dma_start3A_186 : memref<400xf32, #tpu.memory_space<vmem>>) offsets(%dma_start3A_188 : memref<400xi32, #tpu.memory_space<vmem>>) semaphore(%arg14 : memref<!tpu.dma_semaphore, #tpu.memory_space<semaphore_mem>>)
        %dma_start3A_191 = arith.constant 400 : i32
        %dma_start3A_192 = tpu.memref_slice %arg10[%dma_start3A_191] : memref<2000xf32, #tpu.memory_space<vmem>> -> memref<400xf32, #tpu.memory_space<vmem>>
        %dma_start3A_193 = arith.constant 400 : i32
        %dma_start3A_194 = tpu.memref_slice %arg6[%dma_start3A_193] : memref<2000xi32, #tpu.memory_space<vmem>> -> memref<400xi32, #tpu.memory_space<vmem>>
        %dma_start3A_195 = arith.constant 0 : i32
        %dma_start3A_196 = tpu.memref_slice %arg2[%dma_start3A_195] : memref<102400xf32, #tpu.memory_space<hbm>> -> memref<102400xf32, #tpu.memory_space<hbm>>
        tpu.enqueue_indirect_dma source(%dma_start3A_196 : memref<102400xf32, #tpu.memory_space<hbm>>) target(%dma_start3A_192 : memref<400xf32, #tpu.memory_space<vmem>>) offsets(%dma_start3A_194 : memref<400xi32, #tpu.memory_space<vmem>>) semaphore(%arg14 : memref<!tpu.dma_semaphore, #tpu.memory_space<semaphore_mem>>)
        %dma_start3A_197 = arith.constant 800 : i32
        %dma_start3A_198 = tpu.memref_slice %arg10[%dma_start3A_197] : memref<2000xf32, #tpu.memory_space<vmem>> -> memref<400xf32, #tpu.memory_space<vmem>>
        %dma_start3A_199 = arith.constant 800 : i32
        %dma_start3A_200 = tpu.memref_slice %arg6[%dma_start3A_199] : memref<2000xi32, #tpu.memory_space<vmem>> -> memref<400xi32, #tpu.memory_space<vmem>>
        %dma_start3A_201 = arith.constant 0 : i32
        %dma_start3A_202 = tpu.memref_slice %arg2[%dma_start3A_201] : memref<102400xf32, #tpu.memory_space<hbm>> -> memref<102400xf32, #tpu.memory_space<hbm>>
        tpu.enqueue_indirect_dma source(%dma_start3A_202 : memref<102400xf32, #tpu.memory_space<hbm>>) target(%dma_start3A_198 : memref<400xf32, #tpu.memory_space<vmem>>) offsets(%dma_start3A_200 : memref<400xi32, #tpu.memory_space<vmem>>) semaphore(%arg14 : memref<!tpu.dma_semaphore, #tpu.memory_space<semaphore_mem>>)
        %dma_start3A_203 = arith.constant 1200 : i32
        %dma_start3A_204 = tpu.memref_slice %arg10[%dma_start3A_203] : memref<2000xf32, #tpu.memory_space<vmem>> -> memref<400xf32, #tpu.memory_space<vmem>>
        %dma_start3A_205 = arith.constant 1200 : i32
        %dma_start3A_206 = tpu.memref_slice %arg6[%dma_start3A_205] : memref<2000xi32, #tpu.memory_space<vmem>> -> memref<400xi32, #tpu.memory_space<vmem>>
        %dma_start3A_207 = arith.constant 0 : i32
        %dma_start3A_208 = tpu.memref_slice %arg2[%dma_start3A_207] : memref<102400xf32, #tpu.memory_space<hbm>> -> memref<102400xf32, #tpu.memory_space<hbm>>
        tpu.enqueue_indirect_dma source(%dma_start3A_208 : memref<102400xf32, #tpu.memory_space<hbm>>) target(%dma_start3A_204 : memref<400xf32, #tpu.memory_space<vmem>>) offsets(%dma_start3A_206 : memref<400xi32, #tpu.memory_space<vmem>>) semaphore(%arg14 : memref<!tpu.dma_semaphore, #tpu.memory_space<semaphore_mem>>)
        %dma_start3A_209 = arith.constant 1600 : i32
        %dma_start3A_210 = tpu.memref_slice %arg10[%dma_start3A_209] : memref<2000xf32, #tpu.memory_space<vmem>> -> memref<400xf32, #tpu.memory_space<vmem>>
        %dma_start3A_211 = arith.constant 1600 : i32
        %dma_start3A_212 = tpu.memref_slice %arg6[%dma_start3A_211] : memref<2000xi32, #tpu.memory_space<vmem>> -> memref<400xi32, #tpu.memory_space<vmem>>
        %dma_start3A_213 = arith.constant 0 : i32
        %dma_start3A_214 = tpu.memref_slice %arg2[%dma_start3A_213] : memref<102400xf32, #tpu.memory_space<hbm>> -> memref<102400xf32, #tpu.memory_space<hbm>>
        tpu.enqueue_indirect_dma source(%dma_start3A_214 : memref<102400xf32, #tpu.memory_space<hbm>>) target(%dma_start3A_210 : memref<400xf32, #tpu.memory_space<vmem>>) offsets(%dma_start3A_212 : memref<400xi32, #tpu.memory_space<vmem>>) semaphore(%arg14 : memref<!tpu.dma_semaphore, #tpu.memory_space<semaphore_mem>>)
      } else {
      }
      %broadcast_in_dim3A_131 = arith.constant false
      %broadcast_in_dim3A_132 = vector.broadcast %broadcast_in_dim3A_131 : i1 to vector<16xi1>
      %scan3A_133 = arith.constant 0 : i32
      %scan3A_134 = arith.constant 124 : i32
      %scan3A_135 = arith.addi %scan3A_133, %scan3A_134 : i32
      %scan3A_136 = arith.constant 2 : i32
      %scan3A_137 = scf.for %scan3A_177 = %scan3A_133 to %scan3A_135 step %scan3A_136 iter_args(%scan3A_178 = %broadcast_in_dim3A_132) -> (vector<16xi1>)  : i32 {
        %mul3A_179 = arith.constant 1 : i32
        %mul3A_180 = arith.muli %scan3A_177, %mul3A_179 : i32
        %add3A_181 = arith.constant 0 : i32
        %add3A_182 = arith.addi %add3A_181, %mul3A_180 : i32
        %mul3A_183 = arith.constant 16 : i32
        %mul3A_184 = arith.muli %add3A_182, %mul3A_183 : i32
        %get3A_185 = arith.index_cast %mul3A_184 : i32 to index
        %get3A_186 = tpu.vector_load %arg9[%get3A_185] {strides = array<i32>} : memref<2000xi32, #tpu.memory_space<vmem>>, vector<16xi32>,
        %get3A_187 = arith.index_cast %mul3A_184 : i32 to index
        %get3A_188 = tpu.vector_load %arg11[%get3A_187] {strides = array<i32>} : memref<2000xf32, #tpu.memory_space<vmem>>, vector<16xf32>,
        %gather3A_189 = tpu.vector_load_idx %arg5[%get3A_186] : memref<102400xf32, #tpu.memory_space<vmem>>[vector<16xi32>], vector<16xf32>,
        %max3A_190 = arith.maximumf %gather3A_189, %get3A_188 : vector<16xf32>
        tpu.vector_store_idx %arg5[%get3A_186], %max3A_190 : memref<102400xf32, #tpu.memory_space<vmem>>[vector<16xi32>], vector<16xf32>,
        %gather3A_191 = tpu.vector_load_idx %arg5[%get3A_186] : memref<102400xf32, #tpu.memory_space<vmem>>[vector<16xi32>], vector<16xf32>,
        %lt3A_192 = arith.cmpf olt, %gather3A_191, %get3A_188 : vector<16xf32>
        %or3A_193 = arith.ori %scan3A_178, %lt3A_192 : vector<16xi1>
        %scan3A_194 = arith.constant 1 : i32
        %scan3A_195 = arith.addi %scan3A_177, %scan3A_194 : i32
        %mul3A_196 = arith.constant 1 : i32
        %mul3A_197 = arith.muli %scan3A_195, %mul3A_196 : i32
        %add3A_198 = arith.constant 0 : i32
        %add3A_199 = arith.addi %add3A_198, %mul3A_197 : i32
        %mul3A_200 = arith.constant 16 : i32
        %mul3A_201 = arith.muli %add3A_199, %mul3A_200 : i32
        %get3A_202 = arith.index_cast %mul3A_201 : i32 to index
        %get3A_203 = tpu.vector_load %arg9[%get3A_202] {strides = array<i32>} : memref<2000xi32, #tpu.memory_space<vmem>>, vector<16xi32>,
        %get3A_204 = arith.index_cast %mul3A_201 : i32 to index
        %get3A_205 = tpu.vector_load %arg11[%get3A_204] {strides = array<i32>} : memref<2000xf32, #tpu.memory_space<vmem>>, vector<16xf32>,
        %gather3A_206 = tpu.vector_load_idx %arg5[%get3A_203] : memref<102400xf32, #tpu.memory_space<vmem>>[vector<16xi32>], vector<16xf32>,
        %max3A_207 = arith.maximumf %gather3A_206, %get3A_205 : vector<16xf32>
        tpu.vector_store_idx %arg5[%get3A_203], %max3A_207 : memref<102400xf32, #tpu.memory_space<vmem>>[vector<16xi32>], vector<16xf32>,
        %gather3A_208 = tpu.vector_load_idx %arg5[%get3A_203] : memref<102400xf32, #tpu.memory_space<vmem>>[vector<16xi32>], vector<16xf32>,
        %lt3A_209 = arith.cmpf olt, %gather3A_208, %get3A_205 : vector<16xf32>
        %or3A_210 = arith.ori %or3A_193, %lt3A_209 : vector<16xi1>
        scf.yield %or3A_210 : vector<16xi1>
      }
      %scan3A_138 = arith.constant 124 : i32
      %scan3A_139 = arith.addi %scan3A_133, %scan3A_138 : i32
      %mul3A_140 = arith.constant 1 : i32
      %mul3A_141 = arith.muli %scan3A_139, %mul3A_140 : i32
      %add3A_142 = arith.constant 0 : i32
      %add3A_143 = arith.addi %add3A_142, %mul3A_141 : i32
      %mul3A_144 = arith.constant 16 : i32
      %mul3A_145 = arith.muli %add3A_143, %mul3A_144 : i32
      %get3A_146 = arith.index_cast %mul3A_145 : i32 to index
      %get3A_147 = tpu.vector_load %arg9[%get3A_146] {strides = array<i32>} : memref<2000xi32, #tpu.memory_space<vmem>>, vector<16xi32>,
      %get3A_148 = arith.index_cast %mul3A_145 : i32 to index
      %get3A_149 = tpu.vector_load %arg11[%get3A_148] {strides = array<i32>} : memref<2000xf32, #tpu.memory_space<vmem>>, vector<16xf32>,
      %gather3A_150 = tpu.vector_load_idx %arg5[%get3A_147] : memref<102400xf32, #tpu.memory_space<vmem>>[vector<16xi32>], vector<16xf32>,
      %max3A_151 = arith.maximumf %gather3A_150, %get3A_149 : vector<16xf32>
      tpu.vector_store_idx %arg5[%get3A_147], %max3A_151 : memref<102400xf32, #tpu.memory_space<vmem>>[vector<16xi32>], vector<16xf32>,
      %gather3A_152 = tpu.vector_load_idx %arg5[%get3A_147] : memref<102400xf32, #tpu.memory_space<vmem>>[vector<16xi32>], vector<16xf32>,
      %lt3A_153 = arith.cmpf olt, %gather3A_152, %get3A_149 : vector<16xf32>
      %or3A_154 = arith.ori %scan3A_137, %lt3A_153 : vector<16xi1>
      %scan3A_155 = arith.constant 125 : i32
      %reduce_or3A_156 = arith.constant 1.000000e+00 : f32
      %reduce_or3A_157 = arith.constant 0.000000e+00 : f32
      %reduce_or3A_158 = vector.broadcast %reduce_or3A_156 : f32 to vector<16xf32>
      %reduce_or3A_159 = vector.broadcast %reduce_or3A_157 : f32 to vector<16xf32>
      %reduce_or3A_160 = arith.select %or3A_154, %reduce_or3A_158, %reduce_or3A_159 : vector<16xi1>, vector<16xf32>
      %reduce_or3A_161 = arith.constant true
      %reduce_or3A_162 = vector.broadcast %reduce_or3A_161 : i1 to vector<16xi1>
      %reduce_or3A_163 = tpu.scan <max>, %reduce_or3A_160 masked %reduce_or3A_162 : vector<16xf32>, vector<16xi1> -> vector<16xf32>
      %reduce_or3A_164 = vector.extract %reduce_or3A_163[15] : f32 from vector<16xf32>
      %reduce_or3A_165 = arith.constant 0.000000e+00 : f32
      %reduce_or3A_166 = arith.cmpf ogt, %reduce_or3A_164, %reduce_or3A_165 : f32
      %convert_element_type3A_167 = arith.extui %reduce_or3A_166 : i1 to i32
      %cond3A_168 = arith.constant 0 : i32
      %cond3A_169 = arith.cmpi ne, %convert_element_type3A_167, %cond3A_168 : i32
      scf.if %cond3A_169 {
        %iota3A = tpu.iota {dimensions = array<i32: 0>} : vector<16xi32>
        %scan3A_177 = arith.constant 0 : i32
        %scan3A_178 = arith.constant 124 : i32
        %scan3A_179 = arith.addi %scan3A_177, %scan3A_178 : i32
        %scan3A_180 = arith.constant 2 : i32
        scf.for %scan3A_467 = %scan3A_177 to %scan3A_179 step %scan3A_180  : i32 {
          %mul3A_468 = arith.constant 1 : i32
          %mul3A_469 = arith.muli %scan3A_467, %mul3A_468 : i32
          %add3A_470 = arith.constant 0 : i32
          %add3A_471 = arith.addi %add3A_470, %mul3A_469 : i32
          %mul3A_472 = arith.constant 16 : i32
          %mul3A_473 = arith.muli %add3A_471, %mul3A_472 : i32
          %get3A_474 = arith.index_cast %mul3A_473 : i32 to index
          %get3A_475 = tpu.vector_load %arg9[%get3A_474] {strides = array<i32>} : memref<2000xi32, #tpu.memory_space<vmem>>, vector<16xi32>,
          %get3A_476 = arith.index_cast %mul3A_473 : i32 to index
          %get3A_477 = tpu.vector_load %arg11[%get3A_476] {strides = array<i32>} : memref<2000xf32, #tpu.memory_space<vmem>>, vector<16xf32>,
          %masked_sort3A_478 = arith.constant dense<true> : vector<16xi1>
          %masked_sort3A_479 = arith.constant -2147483648 : i32
          %masked_sort3A_480 = vector.broadcast %masked_sort3A_479 : i32 to vector<16xi32>
          %masked_sort3A_481 = arith.xori %get3A_475, %masked_sort3A_480 : vector<16xi32>
          %masked_sort3A_482, %masked_sort3A_483, %masked_sort3A_484 = tpu.sort %masked_sort3A_481, %get3A_477 masked %masked_sort3A_478 : (vector<16xi32>, vector<16xf32>, vector<16xi1>) -> (vector<16xi1>, vector<16xi32>, vector<16xf32>)
          %masked_sort3A_485 = arith.xori %masked_sort3A_483, %masked_sort3A_480 : vector<16xi32>
          %sub3A_486 = arith.constant 1 : i32
          %sub3A_487 = vector.broadcast %sub3A_486 : i32 to vector<16xi32>
          %sub3A_488 = arith.subi %iota3A, %sub3A_487 : vector<16xi32>
          %max3A_489 = arith.constant 0 : i32
          %max3A_490 = vector.broadcast %max3A_489 : i32 to vector<16xi32>
          %max3A_491 = arith.maxsi %sub3A_488, %max3A_490 : vector<16xi32>
          %jit3A_492 = arith.constant 16 : i32
          %eq3A_493 = arith.constant 0 : i32
          %eq3A_494 = arith.cmpi eq, %jit3A_492, %eq3A_493 : i32
          %jit3A_495 = arith.constant 1 : i32
          %select_n3A_496 = arith.select %eq3A_494, %jit3A_495, %jit3A_492 : i32
          %rem3A_497 = vector.broadcast %select_n3A_496 : i32 to vector<16xi32>
          %rem3A_498 = arith.remsi %max3A_491, %rem3A_497 : vector<16xi32>
          %ne3A_499 = arith.constant 0 : i32
          %ne3A_500 = vector.broadcast %ne3A_499 : i32 to vector<16xi32>
          %ne3A_501 = arith.cmpi ne, %rem3A_498, %ne3A_500 : vector<16xi32>
          %lt3A_502 = arith.constant 0 : i32
          %lt3A_503 = vector.broadcast %lt3A_502 : i32 to vector<16xi32>
          %lt3A_504 = arith.cmpi slt, %rem3A_498, %lt3A_503 : vector<16xi32>
          %lt3A_505 = arith.constant 0 : i32
          %lt3A_506 = arith.cmpi slt, %select_n3A_496, %lt3A_505 : i32
          %ne3A_507 = vector.broadcast %lt3A_506 : i1 to vector<16xi1>
          %ne3A_508 = vector.broadcast %ne3A_507 : vector<16xi1> to vector<16xi1>
          %ne3A_509 = arith.xori %lt3A_504, %ne3A_508 : vector<16xi1>
          %and3A_510 = arith.andi %ne3A_509, %ne3A_501 : vector<16xi1>
          %add3A_511 = vector.broadcast %select_n3A_496 : i32 to vector<16xi32>
          %add3A_512 = arith.addi %rem3A_498, %add3A_511 : vector<16xi32>
          %select_n3A_513 = arith.select %and3A_510, %add3A_512, %rem3A_498 : vector<16xi1>, vector<16xi32>
          %broadcast_in_dim3A_514 = vector.shape_cast %select_n3A_513 : vector<16xi32> to vector<16x1xi32>
          %gather3A_515 = vector.shape_cast %broadcast_in_dim3A_514 : vector<16x1xi32> to vector<16xi32>
          %gather3A_516 = tpu.dynamic_gather %masked_sort3A_485[%gather3A_515] in [0] : vector<16xi32>, vector<16xi32> -> vector<16xi32>
          %jit3A_517 = arith.constant 16 : i32
          %eq3A_518 = arith.constant 0 : i32
          %eq3A_519 = arith.cmpi eq, %jit3A_517, %eq3A_518 : i32
          %jit3A_520 = arith.constant 1 : i32
          %select_n3A_521 = arith.select %eq3A_519, %jit3A_520, %jit3A_517 : i32
          %rem3A_522 = vector.broadcast %select_n3A_521 : i32 to vector<16xi32>
          %rem3A_523 = arith.remsi %max3A_491, %rem3A_522 : vector<16xi32>
          %ne3A_524 = arith.constant 0 : i32
          %ne3A_525 = vector.broadcast %ne3A_524 : i32 to vector<16xi32>
          %ne3A_526 = arith.cmpi ne, %rem3A_523, %ne3A_525 : vector<16xi32>
          %lt3A_527 = arith.constant 0 : i32
          %lt3A_528 = vector.broadcast %lt3A_527 : i32 to vector<16xi32>
          %lt3A_529 = arith.cmpi slt, %rem3A_523, %lt3A_528 : vector<16xi32>
          %lt3A_530 = arith.constant 0 : i32
          %lt3A_531 = arith.cmpi slt, %select_n3A_521, %lt3A_530 : i32
          %ne3A_532 = vector.broadcast %lt3A_531 : i1 to vector<16xi1>
          %ne3A_533 = vector.broadcast %ne3A_532 : vector<16xi1> to vector<16xi1>
          %ne3A_534 = arith.xori %lt3A_529, %ne3A_533 : vector<16xi1>
          %and3A_535 = arith.andi %ne3A_534, %ne3A_526 : vector<16xi1>
          %add3A_536 = vector.broadcast %select_n3A_521 : i32 to vector<16xi32>
          %add3A_537 = arith.addi %rem3A_523, %add3A_536 : vector<16xi32>
          %select_n3A_538 = arith.select %and3A_535, %add3A_537, %rem3A_523 : vector<16xi1>, vector<16xi32>
          %broadcast_in_dim3A_539 = vector.shape_cast %select_n3A_538 : vector<16xi32> to vector<16x1xi32>
          %gather3A_540 = vector.shape_cast %broadcast_in_dim3A_539 : vector<16x1xi32> to vector<16xi32>
          %gather3A_541 = tpu.dynamic_gather %masked_sort3A_484[%gather3A_540] in [0] : vector<16xf32>, vector<16xi32> -> vector<16xf32>
          %eq3A_542 = arith.cmpi eq, %gather3A_516, %masked_sort3A_485 : vector<16xi32>
          %max3A_543 = arith.maximumf %masked_sort3A_484, %gather3A_541 : vector<16xf32>
          %select_n3A_544 = arith.select %eq3A_542, %max3A_543, %masked_sort3A_484 : vector<16xi1>, vector<16xf32>
          %sub3A_545 = arith.constant 2 : i32
          %sub3A_546 = vector.broadcast %sub3A_545 : i32 to vector<16xi32>
          %sub3A_547 = arith.subi %iota3A, %sub3A_546 : vector<16xi32>
          %max3A_548 = arith.constant 0 : i32
          %max3A_549 = vector.broadcast %max3A_548 : i32 to vector<16xi32>
          %max3A_550 = arith.maxsi %sub3A_547, %max3A_549 : vector<16xi32>
          %jit3A_551 = arith.constant 16 : i32
          %eq3A_552 = arith.constant 0 : i32
          %eq3A_553 = arith.cmpi eq, %jit3A_551, %eq3A_552 : i32
          %jit3A_554 = arith.constant 1 : i32
          %select_n3A_555 = arith.select %eq3A_553, %jit3A_554, %jit3A_551 : i32
          %rem3A_556 = vector.broadcast %select_n3A_555 : i32 to vector<16xi32>
          %rem3A_557 = arith.remsi %max3A_550, %rem3A_556 : vector<16xi32>
          %ne3A_558 = arith.constant 0 : i32
          %ne3A_559 = vector.broadcast %ne3A_558 : i32 to vector<16xi32>
          %ne3A_560 = arith.cmpi ne, %rem3A_557, %ne3A_559 : vector<16xi32>
          %lt3A_561 = arith.constant 0 : i32
          %lt3A_562 = vector.broadcast %lt3A_561 : i32 to vector<16xi32>
          %lt3A_563 = arith.cmpi slt, %rem3A_557, %lt3A_562 : vector<16xi32>
          %lt3A_564 = arith.constant 0 : i32
          %lt3A_565 = arith.cmpi slt, %select_n3A_555, %lt3A_564 : i32
          %ne3A_566 = vector.broadcast %lt3A_565 : i1 to vector<16xi1>
          %ne3A_567 = vector.broadcast %ne3A_566 : vector<16xi1> to vector<16xi1>
          %ne3A_568 = arith.xori %lt3A_563, %ne3A_567 : vector<16xi1>
          %and3A_569 = arith.andi %ne3A_568, %ne3A_560 : vector<16xi1>
          %add3A_570 = vector.broadcast %select_n3A_555 : i32 to vector<16xi32>
          %add3A_571 = arith.addi %rem3A_557, %add3A_570 : vector<16xi32>
          %select_n3A_572 = arith.select %and3A_569, %add3A_571, %rem3A_557 : vector<16xi1>, vector<16xi32>
          %broadcast_in_dim3A_573 = vector.shape_cast %select_n3A_572 : vector<16xi32> to vector<16x1xi32>
          %gather3A_574 = vector.shape_cast %broadcast_in_dim3A_573 : vector<16x1xi32> to vector<16xi32>
          %gather3A_575 = tpu.dynamic_gather %masked_sort3A_485[%gather3A_574] in [0] : vector<16xi32>, vector<16xi32> -> vector<16xi32>
          %jit3A_576 = arith.constant 16 : i32
          %eq3A_577 = arith.constant 0 : i32
          %eq3A_578 = arith.cmpi eq, %jit3A_576, %eq3A_577 : i32
          %jit3A_579 = arith.constant 1 : i32
          %select_n3A_580 = arith.select %eq3A_578, %jit3A_579, %jit3A_576 : i32
          %rem3A_581 = vector.broadcast %select_n3A_580 : i32 to vector<16xi32>
          %rem3A_582 = arith.remsi %max3A_550, %rem3A_581 : vector<16xi32>
          %ne3A_583 = arith.constant 0 : i32
          %ne3A_584 = vector.broadcast %ne3A_583 : i32 to vector<16xi32>
          %ne3A_585 = arith.cmpi ne, %rem3A_582, %ne3A_584 : vector<16xi32>
          %lt3A_586 = arith.constant 0 : i32
          %lt3A_587 = vector.broadcast %lt3A_586 : i32 to vector<16xi32>
          %lt3A_588 = arith.cmpi slt, %rem3A_582, %lt3A_587 : vector<16xi32>
          %lt3A_589 = arith.constant 0 : i32
          %lt3A_590 = arith.cmpi slt, %select_n3A_580, %lt3A_589 : i32
          %ne3A_591 = vector.broadcast %lt3A_590 : i1 to vector<16xi1>
          %ne3A_592 = vector.broadcast %ne3A_591 : vector<16xi1> to vector<16xi1>
          %ne3A_593 = arith.xori %lt3A_588, %ne3A_592 : vector<16xi1>
          %and3A_594 = arith.andi %ne3A_593, %ne3A_585 : vector<16xi1>
          %add3A_595 = vector.broadcast %select_n3A_580 : i32 to vector<16xi32>
          %add3A_596 = arith.addi %rem3A_582, %add3A_595 : vector<16xi32>
          %select_n3A_597 = arith.select %and3A_594, %add3A_596, %rem3A_582 : vector<16xi1>, vector<16xi32>
          %broadcast_in_dim3A_598 = vector.shape_cast %select_n3A_597 : vector<16xi32> to vector<16x1xi32>
          %gather3A_599 = vector.shape_cast %broadcast_in_dim3A_598 : vector<16x1xi32> to vector<16xi32>
          %gather3A_600 = tpu.dynamic_gather %select_n3A_544[%gather3A_599] in [0] : vector<16xf32>, vector<16xi32> -> vector<16xf32>
          %eq3A_601 = arith.cmpi eq, %gather3A_575, %masked_sort3A_485 : vector<16xi32>
          %max3A_602 = arith.maximumf %select_n3A_544, %gather3A_600 : vector<16xf32>
          %select_n3A_603 = arith.select %eq3A_601, %max3A_602, %select_n3A_544 : vector<16xi1>, vector<16xf32>
          %sub3A_604 = arith.constant 4 : i32
          %sub3A_605 = vector.broadcast %sub3A_604 : i32 to vector<16xi32>
          %sub3A_606 = arith.subi %iota3A, %sub3A_605 : vector<16xi32>
          %max3A_607 = arith.constant 0 : i32
          %max3A_608 = vector.broadcast %max3A_607 : i32 to vector<16xi32>
          %max3A_609 = arith.maxsi %sub3A_606, %max3A_608 : vector<16xi32>
          %jit3A_610 = arith.constant 16 : i32
          %eq3A_611 = arith.constant 0 : i32
          %eq3A_612 = arith.cmpi eq, %jit3A_610, %eq3A_611 : i32
          %jit3A_613 = arith.constant 1 : i32
          %select_n3A_614 = arith.select %eq3A_612, %jit3A_613, %jit3A_610 : i32
          %rem3A_615 = vector.broadcast %select_n3A_614 : i32 to vector<16xi32>
          %rem3A_616 = arith.remsi %max3A_609, %rem3A_615 : vector<16xi32>
          %ne3A_617 = arith.constant 0 : i32
          %ne3A_618 = vector.broadcast %ne3A_617 : i32 to vector<16xi32>
          %ne3A_619 = arith.cmpi ne, %rem3A_616, %ne3A_618 : vector<16xi32>
          %lt3A_620 = arith.constant 0 : i32
          %lt3A_621 = vector.broadcast %lt3A_620 : i32 to vector<16xi32>
          %lt3A_622 = arith.cmpi slt, %rem3A_616, %lt3A_621 : vector<16xi32>
          %lt3A_623 = arith.constant 0 : i32
          %lt3A_624 = arith.cmpi slt, %select_n3A_614, %lt3A_623 : i32
          %ne3A_625 = vector.broadcast %lt3A_624 : i1 to vector<16xi1>
          %ne3A_626 = vector.broadcast %ne3A_625 : vector<16xi1> to vector<16xi1>
          %ne3A_627 = arith.xori %lt3A_622, %ne3A_626 : vector<16xi1>
          %and3A_628 = arith.andi %ne3A_627, %ne3A_619 : vector<16xi1>
          %add3A_629 = vector.broadcast %select_n3A_614 : i32 to vector<16xi32>
          %add3A_630 = arith.addi %rem3A_616, %add3A_629 : vector<16xi32>
          %select_n3A_631 = arith.select %and3A_628, %add3A_630, %rem3A_616 : vector<16xi1>, vector<16xi32>
          %broadcast_in_dim3A_632 = vector.shape_cast %select_n3A_631 : vector<16xi32> to vector<16x1xi32>
          %gather3A_633 = vector.shape_cast %broadcast_in_dim3A_632 : vector<16x1xi32> to vector<16xi32>
          %gather3A_634 = tpu.dynamic_gather %masked_sort3A_485[%gather3A_633] in [0] : vector<16xi32>, vector<16xi32> -> vector<16xi32>
          %jit3A_635 = arith.constant 16 : i32
          %eq3A_636 = arith.constant 0 : i32
          %eq3A_637 = arith.cmpi eq, %jit3A_635, %eq3A_636 : i32
          %jit3A_638 = arith.constant 1 : i32
          %select_n3A_639 = arith.select %eq3A_637, %jit3A_638, %jit3A_635 : i32
          %rem3A_640 = vector.broadcast %select_n3A_639 : i32 to vector<16xi32>
          %rem3A_641 = arith.remsi %max3A_609, %rem3A_640 : vector<16xi32>
          %ne3A_642 = arith.constant 0 : i32
          %ne3A_643 = vector.broadcast %ne3A_642 : i32 to vector<16xi32>
          %ne3A_644 = arith.cmpi ne, %rem3A_641, %ne3A_643 : vector<16xi32>
          %lt3A_645 = arith.constant 0 : i32
          %lt3A_646 = vector.broadcast %lt3A_645 : i32 to vector<16xi32>
          %lt3A_647 = arith.cmpi slt, %rem3A_641, %lt3A_646 : vector<16xi32>
          %lt3A_648 = arith.constant 0 : i32
          %lt3A_649 = arith.cmpi slt, %select_n3A_639, %lt3A_648 : i32
          %ne3A_650 = vector.broadcast %lt3A_649 : i1 to vector<16xi1>
          %ne3A_651 = vector.broadcast %ne3A_650 : vector<16xi1> to vector<16xi1>
          %ne3A_652 = arith.xori %lt3A_647, %ne3A_651 : vector<16xi1>
          %and3A_653 = arith.andi %ne3A_652, %ne3A_644 : vector<16xi1>
          %add3A_654 = vector.broadcast %select_n3A_639 : i32 to vector<16xi32>
          %add3A_655 = arith.addi %rem3A_641, %add3A_654 : vector<16xi32>
          %select_n3A_656 = arith.select %and3A_653, %add3A_655, %rem3A_641 : vector<16xi1>, vector<16xi32>
          %broadcast_in_dim3A_657 = vector.shape_cast %select_n3A_656 : vector<16xi32> to vector<16x1xi32>
          %gather3A_658 = vector.shape_cast %broadcast_in_dim3A_657 : vector<16x1xi32> to vector<16xi32>
          %gather3A_659 = tpu.dynamic_gather %select_n3A_603[%gather3A_658] in [0] : vector<16xf32>, vector<16xi32> -> vector<16xf32>
          %eq3A_660 = arith.cmpi eq, %gather3A_634, %masked_sort3A_485 : vector<16xi32>
          %max3A_661 = arith.maximumf %select_n3A_603, %gather3A_659 : vector<16xf32>
          %select_n3A_662 = arith.select %eq3A_660, %max3A_661, %select_n3A_603 : vector<16xi1>, vector<16xf32>
          %sub3A_663 = arith.constant 8 : i32
          %sub3A_664 = vector.broadcast %sub3A_663 : i32 to vector<16xi32>
          %sub3A_665 = arith.subi %iota3A, %sub3A_664 : vector<16xi32>
          %max3A_666 = arith.constant 0 : i32
          %max3A_667 = vector.broadcast %max3A_666 : i32 to vector<16xi32>
          %max3A_668 = arith.maxsi %sub3A_665, %max3A_667 : vector<16xi32>
          %jit3A_669 = arith.constant 16 : i32
          %eq3A_670 = arith.constant 0 : i32
          %eq3A_671 = arith.cmpi eq, %jit3A_669, %eq3A_670 : i32
          %jit3A_672 = arith.constant 1 : i32
          %select_n3A_673 = arith.select %eq3A_671, %jit3A_672, %jit3A_669 : i32
          %rem3A_674 = vector.broadcast %select_n3A_673 : i32 to vector<16xi32>
          %rem3A_675 = arith.remsi %max3A_668, %rem3A_674 : vector<16xi32>
          %ne3A_676 = arith.constant 0 : i32
          %ne3A_677 = vector.broadcast %ne3A_676 : i32 to vector<16xi32>
          %ne3A_678 = arith.cmpi ne, %rem3A_675, %ne3A_677 : vector<16xi32>
          %lt3A_679 = arith.constant 0 : i32
          %lt3A_680 = vector.broadcast %lt3A_679 : i32 to vector<16xi32>
          %lt3A_681 = arith.cmpi slt, %rem3A_675, %lt3A_680 : vector<16xi32>
          %lt3A_682 = arith.constant 0 : i32
          %lt3A_683 = arith.cmpi slt, %select_n3A_673, %lt3A_682 : i32
          %ne3A_684 = vector.broadcast %lt3A_683 : i1 to vector<16xi1>
          %ne3A_685 = vector.broadcast %ne3A_684 : vector<16xi1> to vector<16xi1>
          %ne3A_686 = arith.xori %lt3A_681, %ne3A_685 : vector<16xi1>
          %and3A_687 = arith.andi %ne3A_686, %ne3A_678 : vector<16xi1>
          %add3A_688 = vector.broadcast %select_n3A_673 : i32 to vector<16xi32>
          %add3A_689 = arith.addi %rem3A_675, %add3A_688 : vector<16xi32>
          %select_n3A_690 = arith.select %and3A_687, %add3A_689, %rem3A_675 : vector<16xi1>, vector<16xi32>
          %broadcast_in_dim3A_691 = vector.shape_cast %select_n3A_690 : vector<16xi32> to vector<16x1xi32>
          %gather3A_692 = vector.shape_cast %broadcast_in_dim3A_691 : vector<16x1xi32> to vector<16xi32>
          %gather3A_693 = tpu.dynamic_gather %masked_sort3A_485[%gather3A_692] in [0] : vector<16xi32>, vector<16xi32> -> vector<16xi32>
          %jit3A_694 = arith.constant 16 : i32
          %eq3A_695 = arith.constant 0 : i32
          %eq3A_696 = arith.cmpi eq, %jit3A_694, %eq3A_695 : i32
          %jit3A_697 = arith.constant 1 : i32
          %select_n3A_698 = arith.select %eq3A_696, %jit3A_697, %jit3A_694 : i32
          %rem3A_699 = vector.broadcast %select_n3A_698 : i32 to vector<16xi32>
          %rem3A_700 = arith.remsi %max3A_668, %rem3A_699 : vector<16xi32>
          %ne3A_701 = arith.constant 0 : i32
          %ne3A_702 = vector.broadcast %ne3A_701 : i32 to vector<16xi32>
          %ne3A_703 = arith.cmpi ne, %rem3A_700, %ne3A_702 : vector<16xi32>
          %lt3A_704 = arith.constant 0 : i32
          %lt3A_705 = vector.broadcast %lt3A_704 : i32 to vector<16xi32>
          %lt3A_706 = arith.cmpi slt, %rem3A_700, %lt3A_705 : vector<16xi32>
          %lt3A_707 = arith.constant 0 : i32
          %lt3A_708 = arith.cmpi slt, %select_n3A_698, %lt3A_707 : i32
          %ne3A_709 = vector.broadcast %lt3A_708 : i1 to vector<16xi1>
          %ne3A_710 = vector.broadcast %ne3A_709 : vector<16xi1> to vector<16xi1>
          %ne3A_711 = arith.xori %lt3A_706, %ne3A_710 : vector<16xi1>
          %and3A_712 = arith.andi %ne3A_711, %ne3A_703 : vector<16xi1>
          %add3A_713 = vector.broadcast %select_n3A_698 : i32 to vector<16xi32>
          %add3A_714 = arith.addi %rem3A_700, %add3A_713 : vector<16xi32>
          %select_n3A_715 = arith.select %and3A_712, %add3A_714, %rem3A_700 : vector<16xi1>, vector<16xi32>
          %broadcast_in_dim3A_716 = vector.shape_cast %select_n3A_715 : vector<16xi32> to vector<16x1xi32>
          %gather3A_717 = vector.shape_cast %broadcast_in_dim3A_716 : vector<16x1xi32> to vector<16xi32>
          %gather3A_718 = tpu.dynamic_gather %select_n3A_662[%gather3A_717] in [0] : vector<16xf32>, vector<16xi32> -> vector<16xf32>
          %eq3A_719 = arith.cmpi eq, %gather3A_693, %masked_sort3A_485 : vector<16xi32>
          %max3A_720 = arith.maximumf %select_n3A_662, %gather3A_718 : vector<16xf32>
          %select_n3A_721 = arith.select %eq3A_719, %max3A_720, %select_n3A_662 : vector<16xi1>, vector<16xf32>
          %add3A_722 = arith.constant 1 : i32
          %add3A_723 = vector.broadcast %add3A_722 : i32 to vector<16xi32>
          %add3A_724 = arith.addi %iota3A, %add3A_723 : vector<16xi32>
          %min3A_725 = arith.constant 15 : i32
          %min3A_726 = vector.broadcast %min3A_725 : i32 to vector<16xi32>
          %min3A_727 = arith.minsi %add3A_724, %min3A_726 : vector<16xi32>
          %jit3A_728 = arith.constant 16 : i32
          %eq3A_729 = arith.constant 0 : i32
          %eq3A_730 = arith.cmpi eq, %jit3A_728, %eq3A_729 : i32
          %jit3A_731 = arith.constant 1 : i32
          %select_n3A_732 = arith.select %eq3A_730, %jit3A_731, %jit3A_728 : i32
          %rem3A_733 = vector.broadcast %select_n3A_732 : i32 to vector<16xi32>
          %rem3A_734 = arith.remsi %min3A_727, %rem3A_733 : vector<16xi32>
          %ne3A_735 = arith.constant 0 : i32
          %ne3A_736 = vector.broadcast %ne3A_735 : i32 to vector<16xi32>
          %ne3A_737 = arith.cmpi ne, %rem3A_734, %ne3A_736 : vector<16xi32>
          %lt3A_738 = arith.constant 0 : i32
          %lt3A_739 = vector.broadcast %lt3A_738 : i32 to vector<16xi32>
          %lt3A_740 = arith.cmpi slt, %rem3A_734, %lt3A_739 : vector<16xi32>
          %lt3A_741 = arith.constant 0 : i32
          %lt3A_742 = arith.cmpi slt, %select_n3A_732, %lt3A_741 : i32
          %ne3A_743 = vector.broadcast %lt3A_742 : i1 to vector<16xi1>
          %ne3A_744 = vector.broadcast %ne3A_743 : vector<16xi1> to vector<16xi1>
          %ne3A_745 = arith.xori %lt3A_740, %ne3A_744 : vector<16xi1>
          %and3A_746 = arith.andi %ne3A_745, %ne3A_737 : vector<16xi1>
          %add3A_747 = vector.broadcast %select_n3A_732 : i32 to vector<16xi32>
          %add3A_748 = arith.addi %rem3A_734, %add3A_747 : vector<16xi32>
          %select_n3A_749 = arith.select %and3A_746, %add3A_748, %rem3A_734 : vector<16xi1>, vector<16xi32>
          %broadcast_in_dim3A_750 = vector.shape_cast %select_n3A_749 : vector<16xi32> to vector<16x1xi32>
          %gather3A_751 = vector.shape_cast %broadcast_in_dim3A_750 : vector<16x1xi32> to vector<16xi32>
          %gather3A_752 = tpu.dynamic_gather %masked_sort3A_485[%gather3A_751] in [0] : vector<16xi32>, vector<16xi32> -> vector<16xi32>
          %ne3A_753 = arith.cmpi ne, %gather3A_752, %masked_sort3A_485 : vector<16xi32>
          %eq3A_754 = arith.constant 15 : i32
          %eq3A_755 = vector.broadcast %eq3A_754 : i32 to vector<16xi32>
          %eq3A_756 = arith.cmpi eq, %iota3A, %eq3A_755 : vector<16xi32>
          %or3A_757 = arith.ori %ne3A_753, %eq3A_756 : vector<16xi1>
          %gather3A_758 = tpu.vector_load_idx %arg5[%masked_sort3A_485] : memref<102400xf32, #tpu.memory_space<vmem>>[vector<16xi32>], vector<16xf32>,
          %max3A_759 = arith.maximumf %gather3A_758, %select_n3A_721 : vector<16xf32>
          tpu.vector_store_idx %arg5[%masked_sort3A_485], %max3A_759 masked %or3A_757 : memref<102400xf32, #tpu.memory_space<vmem>>[vector<16xi32>], vector<16xf32>, vector<16xi1>
          %scan3A_760 = arith.constant 1 : i32
          %scan3A_761 = arith.addi %scan3A_467, %scan3A_760 : i32
          %mul3A_762 = arith.constant 1 : i32
          %mul3A_763 = arith.muli %scan3A_761, %mul3A_762 : i32
          %add3A_764 = arith.constant 0 : i32
          %add3A_765 = arith.addi %add3A_764, %mul3A_763 : i32
          %mul3A_766 = arith.constant 16 : i32
          %mul3A_767 = arith.muli %add3A_765, %mul3A_766 : i32
          %get3A_768 = arith.index_cast %mul3A_767 : i32 to index
          %get3A_769 = tpu.vector_load %arg9[%get3A_768] {strides = array<i32>} : memref<2000xi32, #tpu.memory_space<vmem>>, vector<16xi32>,
          %get3A_770 = arith.index_cast %mul3A_767 : i32 to index
          %get3A_771 = tpu.vector_load %arg11[%get3A_770] {strides = array<i32>} : memref<2000xf32, #tpu.memory_space<vmem>>, vector<16xf32>,
          %masked_sort3A_772 = arith.constant dense<true> : vector<16xi1>
          %masked_sort3A_773 = arith.constant -2147483648 : i32
          %masked_sort3A_774 = vector.broadcast %masked_sort3A_773 : i32 to vector<16xi32>
          %masked_sort3A_775 = arith.xori %get3A_769, %masked_sort3A_774 : vector<16xi32>
          %masked_sort3A_776, %masked_sort3A_777, %masked_sort3A_778 = tpu.sort %masked_sort3A_775, %get3A_771 masked %masked_sort3A_772 : (vector<16xi32>, vector<16xf32>, vector<16xi1>) -> (vector<16xi1>, vector<16xi32>, vector<16xf32>)
          %masked_sort3A_779 = arith.xori %masked_sort3A_777, %masked_sort3A_774 : vector<16xi32>
          %sub3A_780 = arith.constant 1 : i32
          %sub3A_781 = vector.broadcast %sub3A_780 : i32 to vector<16xi32>
          %sub3A_782 = arith.subi %iota3A, %sub3A_781 : vector<16xi32>
          %max3A_783 = arith.constant 0 : i32
          %max3A_784 = vector.broadcast %max3A_783 : i32 to vector<16xi32>
          %max3A_785 = arith.maxsi %sub3A_782, %max3A_784 : vector<16xi32>
          %jit3A_786 = arith.constant 16 : i32
          %eq3A_787 = arith.constant 0 : i32
          %eq3A_788 = arith.cmpi eq, %jit3A_786, %eq3A_787 : i32
          %jit3A_789 = arith.constant 1 : i32
          %select_n3A_790 = arith.select %eq3A_788, %jit3A_789, %jit3A_786 : i32
          %rem3A_791 = vector.broadcast %select_n3A_790 : i32 to vector<16xi32>
          %rem3A_792 = arith.remsi %max3A_785, %rem3A_791 : vector<16xi32>
          %ne3A_793 = arith.constant 0 : i32
          %ne3A_794 = vector.broadcast %ne3A_793 : i32 to vector<16xi32>
          %ne3A_795 = arith.cmpi ne, %rem3A_792, %ne3A_794 : vector<16xi32>
          %lt3A_796 = arith.constant 0 : i32
          %lt3A_797 = vector.broadcast %lt3A_796 : i32 to vector<16xi32>
          %lt3A_798 = arith.cmpi slt, %rem3A_792, %lt3A_797 : vector<16xi32>
          %lt3A_799 = arith.constant 0 : i32
          %lt3A_800 = arith.cmpi slt, %select_n3A_790, %lt3A_799 : i32
          %ne3A_801 = vector.broadcast %lt3A_800 : i1 to vector<16xi1>
          %ne3A_802 = vector.broadcast %ne3A_801 : vector<16xi1> to vector<16xi1>
          %ne3A_803 = arith.xori %lt3A_798, %ne3A_802 : vector<16xi1>
          %and3A_804 = arith.andi %ne3A_803, %ne3A_795 : vector<16xi1>
          %add3A_805 = vector.broadcast %select_n3A_790 : i32 to vector<16xi32>
          %add3A_806 = arith.addi %rem3A_792, %add3A_805 : vector<16xi32>
          %select_n3A_807 = arith.select %and3A_804, %add3A_806, %rem3A_792 : vector<16xi1>, vector<16xi32>
          %broadcast_in_dim3A_808 = vector.shape_cast %select_n3A_807 : vector<16xi32> to vector<16x1xi32>
          %gather3A_809 = vector.shape_cast %broadcast_in_dim3A_808 : vector<16x1xi32> to vector<16xi32>
          %gather3A_810 = tpu.dynamic_gather %masked_sort3A_779[%gather3A_809] in [0] : vector<16xi32>, vector<16xi32> -> vector<16xi32>
          %jit3A_811 = arith.constant 16 : i32
          %eq3A_812 = arith.constant 0 : i32
          %eq3A_813 = arith.cmpi eq, %jit3A_811, %eq3A_812 : i32
          %jit3A_814 = arith.constant 1 : i32
          %select_n3A_815 = arith.select %eq3A_813, %jit3A_814, %jit3A_811 : i32
          %rem3A_816 = vector.broadcast %select_n3A_815 : i32 to vector<16xi32>
          %rem3A_817 = arith.remsi %max3A_785, %rem3A_816 : vector<16xi32>
          %ne3A_818 = arith.constant 0 : i32
          %ne3A_819 = vector.broadcast %ne3A_818 : i32 to vector<16xi32>
          %ne3A_820 = arith.cmpi ne, %rem3A_817, %ne3A_819 : vector<16xi32>
          %lt3A_821 = arith.constant 0 : i32
          %lt3A_822 = vector.broadcast %lt3A_821 : i32 to vector<16xi32>
          %lt3A_823 = arith.cmpi slt, %rem3A_817, %lt3A_822 : vector<16xi32>
          %lt3A_824 = arith.constant 0 : i32
          %lt3A_825 = arith.cmpi slt, %select_n3A_815, %lt3A_824 : i32
          %ne3A_826 = vector.broadcast %lt3A_825 : i1 to vector<16xi1>
          %ne3A_827 = vector.broadcast %ne3A_826 : vector<16xi1> to vector<16xi1>
          %ne3A_828 = arith.xori %lt3A_823, %ne3A_827 : vector<16xi1>
          %and3A_829 = arith.andi %ne3A_828, %ne3A_820 : vector<16xi1>
          %add3A_830 = vector.broadcast %select_n3A_815 : i32 to vector<16xi32>
          %add3A_831 = arith.addi %rem3A_817, %add3A_830 : vector<16xi32>
          %select_n3A_832 = arith.select %and3A_829, %add3A_831, %rem3A_817 : vector<16xi1>, vector<16xi32>
          %broadcast_in_dim3A_833 = vector.shape_cast %select_n3A_832 : vector<16xi32> to vector<16x1xi32>
          %gather3A_834 = vector.shape_cast %broadcast_in_dim3A_833 : vector<16x1xi32> to vector<16xi32>
          %gather3A_835 = tpu.dynamic_gather %masked_sort3A_778[%gather3A_834] in [0] : vector<16xf32>, vector<16xi32> -> vector<16xf32>
          %eq3A_836 = arith.cmpi eq, %gather3A_810, %masked_sort3A_779 : vector<16xi32>
          %max3A_837 = arith.maximumf %masked_sort3A_778, %gather3A_835 : vector<16xf32>
          %select_n3A_838 = arith.select %eq3A_836, %max3A_837, %masked_sort3A_778 : vector<16xi1>, vector<16xf32>
          %sub3A_839 = arith.constant 2 : i32
          %sub3A_840 = vector.broadcast %sub3A_839 : i32 to vector<16xi32>
          %sub3A_841 = arith.subi %iota3A, %sub3A_840 : vector<16xi32>
          %max3A_842 = arith.constant 0 : i32
          %max3A_843 = vector.broadcast %max3A_842 : i32 to vector<16xi32>
          %max3A_844 = arith.maxsi %sub3A_841, %max3A_843 : vector<16xi32>
          %jit3A_845 = arith.constant 16 : i32
          %eq3A_846 = arith.constant 0 : i32
          %eq3A_847 = arith.cmpi eq, %jit3A_845, %eq3A_846 : i32
          %jit3A_848 = arith.constant 1 : i32
          %select_n3A_849 = arith.select %eq3A_847, %jit3A_848, %jit3A_845 : i32
          %rem3A_850 = vector.broadcast %select_n3A_849 : i32 to vector<16xi32>
          %rem3A_851 = arith.remsi %max3A_844, %rem3A_850 : vector<16xi32>
          %ne3A_852 = arith.constant 0 : i32
          %ne3A_853 = vector.broadcast %ne3A_852 : i32 to vector<16xi32>
          %ne3A_854 = arith.cmpi ne, %rem3A_851, %ne3A_853 : vector<16xi32>
          %lt3A_855 = arith.constant 0 : i32
          %lt3A_856 = vector.broadcast %lt3A_855 : i32 to vector<16xi32>
          %lt3A_857 = arith.cmpi slt, %rem3A_851, %lt3A_856 : vector<16xi32>
          %lt3A_858 = arith.constant 0 : i32
          %lt3A_859 = arith.cmpi slt, %select_n3A_849, %lt3A_858 : i32
          %ne3A_860 = vector.broadcast %lt3A_859 : i1 to vector<16xi1>
          %ne3A_861 = vector.broadcast %ne3A_860 : vector<16xi1> to vector<16xi1>
          %ne3A_862 = arith.xori %lt3A_857, %ne3A_861 : vector<16xi1>
          %and3A_863 = arith.andi %ne3A_862, %ne3A_854 : vector<16xi1>
          %add3A_864 = vector.broadcast %select_n3A_849 : i32 to vector<16xi32>
          %add3A_865 = arith.addi %rem3A_851, %add3A_864 : vector<16xi32>
          %select_n3A_866 = arith.select %and3A_863, %add3A_865, %rem3A_851 : vector<16xi1>, vector<16xi32>
          %broadcast_in_dim3A_867 = vector.shape_cast %select_n3A_866 : vector<16xi32> to vector<16x1xi32>
          %gather3A_868 = vector.shape_cast %broadcast_in_dim3A_867 : vector<16x1xi32> to vector<16xi32>
          %gather3A_869 = tpu.dynamic_gather %masked_sort3A_779[%gather3A_868] in [0] : vector<16xi32>, vector<16xi32> -> vector<16xi32>
          %jit3A_870 = arith.constant 16 : i32
          %eq3A_871 = arith.constant 0 : i32
          %eq3A_872 = arith.cmpi eq, %jit3A_870, %eq3A_871 : i32
          %jit3A_873 = arith.constant 1 : i32
          %select_n3A_874 = arith.select %eq3A_872, %jit3A_873, %jit3A_870 : i32
          %rem3A_875 = vector.broadcast %select_n3A_874 : i32 to vector<16xi32>
          %rem3A_876 = arith.remsi %max3A_844, %rem3A_875 : vector<16xi32>
          %ne3A_877 = arith.constant 0 : i32
          %ne3A_878 = vector.broadcast %ne3A_877 : i32 to vector<16xi32>
          %ne3A_879 = arith.cmpi ne, %rem3A_876, %ne3A_878 : vector<16xi32>
          %lt3A_880 = arith.constant 0 : i32
          %lt3A_881 = vector.broadcast %lt3A_880 : i32 to vector<16xi32>
          %lt3A_882 = arith.cmpi slt, %rem3A_876, %lt3A_881 : vector<16xi32>
          %lt3A_883 = arith.constant 0 : i32
          %lt3A_884 = arith.cmpi slt, %select_n3A_874, %lt3A_883 : i32
          %ne3A_885 = vector.broadcast %lt3A_884 : i1 to vector<16xi1>
          %ne3A_886 = vector.broadcast %ne3A_885 : vector<16xi1> to vector<16xi1>
          %ne3A_887 = arith.xori %lt3A_882, %ne3A_886 : vector<16xi1>
          %and3A_888 = arith.andi %ne3A_887, %ne3A_879 : vector<16xi1>
          %add3A_889 = vector.broadcast %select_n3A_874 : i32 to vector<16xi32>
          %add3A_890 = arith.addi %rem3A_876, %add3A_889 : vector<16xi32>
          %select_n3A_891 = arith.select %and3A_888, %add3A_890, %rem3A_876 : vector<16xi1>, vector<16xi32>
          %broadcast_in_dim3A_892 = vector.shape_cast %select_n3A_891 : vector<16xi32> to vector<16x1xi32>
          %gather3A_893 = vector.shape_cast %broadcast_in_dim3A_892 : vector<16x1xi32> to vector<16xi32>
          %gather3A_894 = tpu.dynamic_gather %select_n3A_838[%gather3A_893] in [0] : vector<16xf32>, vector<16xi32> -> vector<16xf32>
          %eq3A_895 = arith.cmpi eq, %gather3A_869, %masked_sort3A_779 : vector<16xi32>
          %max3A_896 = arith.maximumf %select_n3A_838, %gather3A_894 : vector<16xf32>
          %select_n3A_897 = arith.select %eq3A_895, %max3A_896, %select_n3A_838 : vector<16xi1>, vector<16xf32>
          %sub3A_898 = arith.constant 4 : i32
          %sub3A_899 = vector.broadcast %sub3A_898 : i32 to vector<16xi32>
          %sub3A_900 = arith.subi %iota3A, %sub3A_899 : vector<16xi32>
          %max3A_901 = arith.constant 0 : i32
          %max3A_902 = vector.broadcast %max3A_901 : i32 to vector<16xi32>
          %max3A_903 = arith.maxsi %sub3A_900, %max3A_902 : vector<16xi32>
          %jit3A_904 = arith.constant 16 : i32
          %eq3A_905 = arith.constant 0 : i32
          %eq3A_906 = arith.cmpi eq, %jit3A_904, %eq3A_905 : i32
          %jit3A_907 = arith.constant 1 : i32
          %select_n3A_908 = arith.select %eq3A_906, %jit3A_907, %jit3A_904 : i32
          %rem3A_909 = vector.broadcast %select_n3A_908 : i32 to vector<16xi32>
          %rem3A_910 = arith.remsi %max3A_903, %rem3A_909 : vector<16xi32>
          %ne3A_911 = arith.constant 0 : i32
          %ne3A_912 = vector.broadcast %ne3A_911 : i32 to vector<16xi32>
          %ne3A_913 = arith.cmpi ne, %rem3A_910, %ne3A_912 : vector<16xi32>
          %lt3A_914 = arith.constant 0 : i32
          %lt3A_915 = vector.broadcast %lt3A_914 : i32 to vector<16xi32>
          %lt3A_916 = arith.cmpi slt, %rem3A_910, %lt3A_915 : vector<16xi32>
          %lt3A_917 = arith.constant 0 : i32
          %lt3A_918 = arith.cmpi slt, %select_n3A_908, %lt3A_917 : i32
          %ne3A_919 = vector.broadcast %lt3A_918 : i1 to vector<16xi1>
          %ne3A_920 = vector.broadcast %ne3A_919 : vector<16xi1> to vector<16xi1>
          %ne3A_921 = arith.xori %lt3A_916, %ne3A_920 : vector<16xi1>
          %and3A_922 = arith.andi %ne3A_921, %ne3A_913 : vector<16xi1>
          %add3A_923 = vector.broadcast %select_n3A_908 : i32 to vector<16xi32>
          %add3A_924 = arith.addi %rem3A_910, %add3A_923 : vector<16xi32>
          %select_n3A_925 = arith.select %and3A_922, %add3A_924, %rem3A_910 : vector<16xi1>, vector<16xi32>
          %broadcast_in_dim3A_926 = vector.shape_cast %select_n3A_925 : vector<16xi32> to vector<16x1xi32>
          %gather3A_927 = vector.shape_cast %broadcast_in_dim3A_926 : vector<16x1xi32> to vector<16xi32>
          %gather3A_928 = tpu.dynamic_gather %masked_sort3A_779[%gather3A_927] in [0] : vector<16xi32>, vector<16xi32> -> vector<16xi32>
          %jit3A_929 = arith.constant 16 : i32
          %eq3A_930 = arith.constant 0 : i32
          %eq3A_931 = arith.cmpi eq, %jit3A_929, %eq3A_930 : i32
          %jit3A_932 = arith.constant 1 : i32
          %select_n3A_933 = arith.select %eq3A_931, %jit3A_932, %jit3A_929 : i32
          %rem3A_934 = vector.broadcast %select_n3A_933 : i32 to vector<16xi32>
          %rem3A_935 = arith.remsi %max3A_903, %rem3A_934 : vector<16xi32>
          %ne3A_936 = arith.constant 0 : i32
          %ne3A_937 = vector.broadcast %ne3A_936 : i32 to vector<16xi32>
          %ne3A_938 = arith.cmpi ne, %rem3A_935, %ne3A_937 : vector<16xi32>
          %lt3A_939 = arith.constant 0 : i32
          %lt3A_940 = vector.broadcast %lt3A_939 : i32 to vector<16xi32>
          %lt3A_941 = arith.cmpi slt, %rem3A_935, %lt3A_940 : vector<16xi32>
          %lt3A_942 = arith.constant 0 : i32
          %lt3A_943 = arith.cmpi slt, %select_n3A_933, %lt3A_942 : i32
          %ne3A_944 = vector.broadcast %lt3A_943 : i1 to vector<16xi1>
          %ne3A_945 = vector.broadcast %ne3A_944 : vector<16xi1> to vector<16xi1>
          %ne3A_946 = arith.xori %lt3A_941, %ne3A_945 : vector<16xi1>
          %and3A_947 = arith.andi %ne3A_946, %ne3A_938 : vector<16xi1>
          %add3A_948 = vector.broadcast %select_n3A_933 : i32 to vector<16xi32>
          %add3A_949 = arith.addi %rem3A_935, %add3A_948 : vector<16xi32>
          %select_n3A_950 = arith.select %and3A_947, %add3A_949, %rem3A_935 : vector<16xi1>, vector<16xi32>
          %broadcast_in_dim3A_951 = vector.shape_cast %select_n3A_950 : vector<16xi32> to vector<16x1xi32>
          %gather3A_952 = vector.shape_cast %broadcast_in_dim3A_951 : vector<16x1xi32> to vector<16xi32>
          %gather3A_953 = tpu.dynamic_gather %select_n3A_897[%gather3A_952] in [0] : vector<16xf32>, vector<16xi32> -> vector<16xf32>
          %eq3A_954 = arith.cmpi eq, %gather3A_928, %masked_sort3A_779 : vector<16xi32>
          %max3A_955 = arith.maximumf %select_n3A_897, %gather3A_953 : vector<16xf32>
          %select_n3A_956 = arith.select %eq3A_954, %max3A_955, %select_n3A_897 : vector<16xi1>, vector<16xf32>
          %sub3A_957 = arith.constant 8 : i32
          %sub3A_958 = vector.broadcast %sub3A_957 : i32 to vector<16xi32>
          %sub3A_959 = arith.subi %iota3A, %sub3A_958 : vector<16xi32>
          %max3A_960 = arith.constant 0 : i32
          %max3A_961 = vector.broadcast %max3A_960 : i32 to vector<16xi32>
          %max3A_962 = arith.maxsi %sub3A_959, %max3A_961 : vector<16xi32>
          %jit3A_963 = arith.constant 16 : i32
          %eq3A_964 = arith.constant 0 : i32
          %eq3A_965 = arith.cmpi eq, %jit3A_963, %eq3A_964 : i32
          %jit3A_966 = arith.constant 1 : i32
          %select_n3A_967 = arith.select %eq3A_965, %jit3A_966, %jit3A_963 : i32
          %rem3A_968 = vector.broadcast %select_n3A_967 : i32 to vector<16xi32>
          %rem3A_969 = arith.remsi %max3A_962, %rem3A_968 : vector<16xi32>
          %ne3A_970 = arith.constant 0 : i32
          %ne3A_971 = vector.broadcast %ne3A_970 : i32 to vector<16xi32>
          %ne3A_972 = arith.cmpi ne, %rem3A_969, %ne3A_971 : vector<16xi32>
          %lt3A_973 = arith.constant 0 : i32
          %lt3A_974 = vector.broadcast %lt3A_973 : i32 to vector<16xi32>
          %lt3A_975 = arith.cmpi slt, %rem3A_969, %lt3A_974 : vector<16xi32>
          %lt3A_976 = arith.constant 0 : i32
          %lt3A_977 = arith.cmpi slt, %select_n3A_967, %lt3A_976 : i32
          %ne3A_978 = vector.broadcast %lt3A_977 : i1 to vector<16xi1>
          %ne3A_979 = vector.broadcast %ne3A_978 : vector<16xi1> to vector<16xi1>
          %ne3A_980 = arith.xori %lt3A_975, %ne3A_979 : vector<16xi1>
          %and3A_981 = arith.andi %ne3A_980, %ne3A_972 : vector<16xi1>
          %add3A_982 = vector.broadcast %select_n3A_967 : i32 to vector<16xi32>
          %add3A_983 = arith.addi %rem3A_969, %add3A_982 : vector<16xi32>
          %select_n3A_984 = arith.select %and3A_981, %add3A_983, %rem3A_969 : vector<16xi1>, vector<16xi32>
          %broadcast_in_dim3A_985 = vector.shape_cast %select_n3A_984 : vector<16xi32> to vector<16x1xi32>
          %gather3A_986 = vector.shape_cast %broadcast_in_dim3A_985 : vector<16x1xi32> to vector<16xi32>
          %gather3A_987 = tpu.dynamic_gather %masked_sort3A_779[%gather3A_986] in [0] : vector<16xi32>, vector<16xi32> -> vector<16xi32>
          %jit3A_988 = arith.constant 16 : i32
          %eq3A_989 = arith.constant 0 : i32
          %eq3A_990 = arith.cmpi eq, %jit3A_988, %eq3A_989 : i32
          %jit3A_991 = arith.constant 1 : i32
          %select_n3A_992 = arith.select %eq3A_990, %jit3A_991, %jit3A_988 : i32
          %rem3A_993 = vector.broadcast %select_n3A_992 : i32 to vector<16xi32>
          %rem3A_994 = arith.remsi %max3A_962, %rem3A_993 : vector<16xi32>
          %ne3A_995 = arith.constant 0 : i32
          %ne3A_996 = vector.broadcast %ne3A_995 : i32 to vector<16xi32>
          %ne3A_997 = arith.cmpi ne, %rem3A_994, %ne3A_996 : vector<16xi32>
          %lt3A_998 = arith.constant 0 : i32
          %lt3A_999 = vector.broadcast %lt3A_998 : i32 to vector<16xi32>
          %lt3A_1000 = arith.cmpi slt, %rem3A_994, %lt3A_999 : vector<16xi32>
          %lt3A_1001 = arith.constant 0 : i32
          %lt3A_1002 = arith.cmpi slt, %select_n3A_992, %lt3A_1001 : i32
          %ne3A_1003 = vector.broadcast %lt3A_1002 : i1 to vector<16xi1>
          %ne3A_1004 = vector.broadcast %ne3A_1003 : vector<16xi1> to vector<16xi1>
          %ne3A_1005 = arith.xori %lt3A_1000, %ne3A_1004 : vector<16xi1>
          %and3A_1006 = arith.andi %ne3A_1005, %ne3A_997 : vector<16xi1>
          %add3A_1007 = vector.broadcast %select_n3A_992 : i32 to vector<16xi32>
          %add3A_1008 = arith.addi %rem3A_994, %add3A_1007 : vector<16xi32>
          %select_n3A_1009 = arith.select %and3A_1006, %add3A_1008, %rem3A_994 : vector<16xi1>, vector<16xi32>
          %broadcast_in_dim3A_1010 = vector.shape_cast %select_n3A_1009 : vector<16xi32> to vector<16x1xi32>
          %gather3A_1011 = vector.shape_cast %broadcast_in_dim3A_1010 : vector<16x1xi32> to vector<16xi32>
          %gather3A_1012 = tpu.dynamic_gather %select_n3A_956[%gather3A_1011] in [0] : vector<16xf32>, vector<16xi32> -> vector<16xf32>
          %eq3A_1013 = arith.cmpi eq, %gather3A_987, %masked_sort3A_779 : vector<16xi32>
          %max3A_1014 = arith.maximumf %select_n3A_956, %gather3A_1012 : vector<16xf32>
          %select_n3A_1015 = arith.select %eq3A_1013, %max3A_1014, %select_n3A_956 : vector<16xi1>, vector<16xf32>
          %add3A_1016 = arith.constant 1 : i32
          %add3A_1017 = vector.broadcast %add3A_1016 : i32 to vector<16xi32>
          %add3A_1018 = arith.addi %iota3A, %add3A_1017 : vector<16xi32>
          %min3A_1019 = arith.constant 15 : i32
          %min3A_1020 = vector.broadcast %min3A_1019 : i32 to vector<16xi32>
          %min3A_1021 = arith.minsi %add3A_1018, %min3A_1020 : vector<16xi32>
          %jit3A_1022 = arith.constant 16 : i32
          %eq3A_1023 = arith.constant 0 : i32
          %eq3A_1024 = arith.cmpi eq, %jit3A_1022, %eq3A_1023 : i32
          %jit3A_1025 = arith.constant 1 : i32
          %select_n3A_1026 = arith.select %eq3A_1024, %jit3A_1025, %jit3A_1022 : i32
          %rem3A_1027 = vector.broadcast %select_n3A_1026 : i32 to vector<16xi32>
          %rem3A_1028 = arith.remsi %min3A_1021, %rem3A_1027 : vector<16xi32>
          %ne3A_1029 = arith.constant 0 : i32
          %ne3A_1030 = vector.broadcast %ne3A_1029 : i32 to vector<16xi32>
          %ne3A_1031 = arith.cmpi ne, %rem3A_1028, %ne3A_1030 : vector<16xi32>
          %lt3A_1032 = arith.constant 0 : i32
          %lt3A_1033 = vector.broadcast %lt3A_1032 : i32 to vector<16xi32>
          %lt3A_1034 = arith.cmpi slt, %rem3A_1028, %lt3A_1033 : vector<16xi32>
          %lt3A_1035 = arith.constant 0 : i32
          %lt3A_1036 = arith.cmpi slt, %select_n3A_1026, %lt3A_1035 : i32
          %ne3A_1037 = vector.broadcast %lt3A_1036 : i1 to vector<16xi1>
          %ne3A_1038 = vector.broadcast %ne3A_1037 : vector<16xi1> to vector<16xi1>
          %ne3A_1039 = arith.xori %lt3A_1034, %ne3A_1038 : vector<16xi1>
          %and3A_1040 = arith.andi %ne3A_1039, %ne3A_1031 : vector<16xi1>
          %add3A_1041 = vector.broadcast %select_n3A_1026 : i32 to vector<16xi32>
          %add3A_1042 = arith.addi %rem3A_1028, %add3A_1041 : vector<16xi32>
          %select_n3A_1043 = arith.select %and3A_1040, %add3A_1042, %rem3A_1028 : vector<16xi1>, vector<16xi32>
          %broadcast_in_dim3A_1044 = vector.shape_cast %select_n3A_1043 : vector<16xi32> to vector<16x1xi32>
          %gather3A_1045 = vector.shape_cast %broadcast_in_dim3A_1044 : vector<16x1xi32> to vector<16xi32>
          %gather3A_1046 = tpu.dynamic_gather %masked_sort3A_779[%gather3A_1045] in [0] : vector<16xi32>, vector<16xi32> -> vector<16xi32>
          %ne3A_1047 = arith.cmpi ne, %gather3A_1046, %masked_sort3A_779 : vector<16xi32>
          %eq3A_1048 = arith.constant 15 : i32
          %eq3A_1049 = vector.broadcast %eq3A_1048 : i32 to vector<16xi32>
          %eq3A_1050 = arith.cmpi eq, %iota3A, %eq3A_1049 : vector<16xi32>
          %or3A_1051 = arith.ori %ne3A_1047, %eq3A_1050 : vector<16xi1>
          %gather3A_1052 = tpu.vector_load_idx %arg5[%masked_sort3A_779] : memref<102400xf32, #tpu.memory_space<vmem>>[vector<16xi32>], vector<16xf32>,
          %max3A_1053 = arith.maximumf %gather3A_1052, %select_n3A_1015 : vector<16xf32>
          tpu.vector_store_idx %arg5[%masked_sort3A_779], %max3A_1053 masked %or3A_1051 : memref<102400xf32, #tpu.memory_space<vmem>>[vector<16xi32>], vector<16xf32>, vector<16xi1>
        }
        %scan3A_181 = arith.constant 124 : i32
        %scan3A_182 = arith.addi %scan3A_177, %scan3A_181 : i32
        %mul3A_183 = arith.constant 1 : i32
        %mul3A_184 = arith.muli %scan3A_182, %mul3A_183 : i32
        %add3A_185 = arith.constant 0 : i32
        %add3A_186 = arith.addi %add3A_185, %mul3A_184 : i32
        %mul3A_187 = arith.constant 16 : i32
        %mul3A_188 = arith.muli %add3A_186, %mul3A_187 : i32
        %get3A_189 = arith.index_cast %mul3A_188 : i32 to index
        %get3A_190 = tpu.vector_load %arg9[%get3A_189] {strides = array<i32>} : memref<2000xi32, #tpu.memory_space<vmem>>, vector<16xi32>,
        %get3A_191 = arith.index_cast %mul3A_188 : i32 to index
        %get3A_192 = tpu.vector_load %arg11[%get3A_191] {strides = array<i32>} : memref<2000xf32, #tpu.memory_space<vmem>>, vector<16xf32>,
        %masked_sort3A = arith.constant dense<true> : vector<16xi1>
        %masked_sort3A_193 = arith.constant -2147483648 : i32
        %masked_sort3A_194 = vector.broadcast %masked_sort3A_193 : i32 to vector<16xi32>
        %masked_sort3A_195 = arith.xori %get3A_190, %masked_sort3A_194 : vector<16xi32>
        %masked_sort3A_196, %masked_sort3A_197, %masked_sort3A_198 = tpu.sort %masked_sort3A_195, %get3A_192 masked %masked_sort3A : (vector<16xi32>, vector<16xf32>, vector<16xi1>) -> (vector<16xi1>, vector<16xi32>, vector<16xf32>)
        %masked_sort3A_199 = arith.xori %masked_sort3A_197, %masked_sort3A_194 : vector<16xi32>
        %sub3A = arith.constant 1 : i32
        %sub3A_200 = vector.broadcast %sub3A : i32 to vector<16xi32>
        %sub3A_201 = arith.subi %iota3A, %sub3A_200 : vector<16xi32>
        %max3A_202 = arith.constant 0 : i32
        %max3A_203 = vector.broadcast %max3A_202 : i32 to vector<16xi32>
        %max3A_204 = arith.maxsi %sub3A_201, %max3A_203 : vector<16xi32>
        %jit3A = arith.constant 16 : i32
        %eq3A = arith.constant 0 : i32
        %eq3A_205 = arith.cmpi eq, %jit3A, %eq3A : i32
        %jit3A_206 = arith.constant 1 : i32
        %select_n3A = arith.select %eq3A_205, %jit3A_206, %jit3A : i32
        %rem3A = vector.broadcast %select_n3A : i32 to vector<16xi32>
        %rem3A_207 = arith.remsi %max3A_204, %rem3A : vector<16xi32>
        %ne3A = arith.constant 0 : i32
        %ne3A_208 = vector.broadcast %ne3A : i32 to vector<16xi32>
        %ne3A_209 = arith.cmpi ne, %rem3A_207, %ne3A_208 : vector<16xi32>
        %lt3A_210 = arith.constant 0 : i32
        %lt3A_211 = vector.broadcast %lt3A_210 : i32 to vector<16xi32>
        %lt3A_212 = arith.cmpi slt, %rem3A_207, %lt3A_211 : vector<16xi32>
        %lt3A_213 = arith.constant 0 : i32
        %lt3A_214 = arith.cmpi slt, %select_n3A, %lt3A_213 : i32
        %ne3A_215 = vector.broadcast %lt3A_214 : i1 to vector<16xi1>
        %ne3A_216 = vector.broadcast %ne3A_215 : vector<16xi1> to vector<16xi1>
        %ne3A_217 = arith.xori %lt3A_212, %ne3A_216 : vector<16xi1>
        %and3A = arith.andi %ne3A_217, %ne3A_209 : vector<16xi1>
        %add3A_218 = vector.broadcast %select_n3A : i32 to vector<16xi32>
        %add3A_219 = arith.addi %rem3A_207, %add3A_218 : vector<16xi32>
        %select_n3A_220 = arith.select %and3A, %add3A_219, %rem3A_207 : vector<16xi1>, vector<16xi32>
        %broadcast_in_dim3A_221 = vector.shape_cast %select_n3A_220 : vector<16xi32> to vector<16x1xi32>
        %gather3A_222 = vector.shape_cast %broadcast_in_dim3A_221 : vector<16x1xi32> to vector<16xi32>
        %gather3A_223 = tpu.dynamic_gather %masked_sort3A_199[%gather3A_222] in [0] : vector<16xi32>, vector<16xi32> -> vector<16xi32>
        %jit3A_224 = arith.constant 16 : i32
        %eq3A_225 = arith.constant 0 : i32
        %eq3A_226 = arith.cmpi eq, %jit3A_224, %eq3A_225 : i32
        %jit3A_227 = arith.constant 1 : i32
        %select_n3A_228 = arith.select %eq3A_226, %jit3A_227, %jit3A_224 : i32
        %rem3A_229 = vector.broadcast %select_n3A_228 : i32 to vector<16xi32>
        %rem3A_230 = arith.remsi %max3A_204, %rem3A_229 : vector<16xi32>
        %ne3A_231 = arith.constant 0 : i32
        %ne3A_232 = vector.broadcast %ne3A_231 : i32 to vector<16xi32>
        %ne3A_233 = arith.cmpi ne, %rem3A_230, %ne3A_232 : vector<16xi32>
        %lt3A_234 = arith.constant 0 : i32
        %lt3A_235 = vector.broadcast %lt3A_234 : i32 to vector<16xi32>
        %lt3A_236 = arith.cmpi slt, %rem3A_230, %lt3A_235 : vector<16xi32>
        %lt3A_237 = arith.constant 0 : i32
        %lt3A_238 = arith.cmpi slt, %select_n3A_228, %lt3A_237 : i32
        %ne3A_239 = vector.broadcast %lt3A_238 : i1 to vector<16xi1>
        %ne3A_240 = vector.broadcast %ne3A_239 : vector<16xi1> to vector<16xi1>
        %ne3A_241 = arith.xori %lt3A_236, %ne3A_240 : vector<16xi1>
        %and3A_242 = arith.andi %ne3A_241, %ne3A_233 : vector<16xi1>
        %add3A_243 = vector.broadcast %select_n3A_228 : i32 to vector<16xi32>
        %add3A_244 = arith.addi %rem3A_230, %add3A_243 : vector<16xi32>
        %select_n3A_245 = arith.select %and3A_242, %add3A_244, %rem3A_230 : vector<16xi1>, vector<16xi32>
        %broadcast_in_dim3A_246 = vector.shape_cast %select_n3A_245 : vector<16xi32> to vector<16x1xi32>
        %gather3A_247 = vector.shape_cast %broadcast_in_dim3A_246 : vector<16x1xi32> to vector<16xi32>
        %gather3A_248 = tpu.dynamic_gather %masked_sort3A_198[%gather3A_247] in [0] : vector<16xf32>, vector<16xi32> -> vector<16xf32>
        %eq3A_249 = arith.cmpi eq, %gather3A_223, %masked_sort3A_199 : vector<16xi32>
        %max3A_250 = arith.maximumf %masked_sort3A_198, %gather3A_248 : vector<16xf32>
        %select_n3A_251 = arith.select %eq3A_249, %max3A_250, %masked_sort3A_198 : vector<16xi1>, vector<16xf32>
        %sub3A_252 = arith.constant 2 : i32
        %sub3A_253 = vector.broadcast %sub3A_252 : i32 to vector<16xi32>
        %sub3A_254 = arith.subi %iota3A, %sub3A_253 : vector<16xi32>
        %max3A_255 = arith.constant 0 : i32
        %max3A_256 = vector.broadcast %max3A_255 : i32 to vector<16xi32>
        %max3A_257 = arith.maxsi %sub3A_254, %max3A_256 : vector<16xi32>
        %jit3A_258 = arith.constant 16 : i32
        %eq3A_259 = arith.constant 0 : i32
        %eq3A_260 = arith.cmpi eq, %jit3A_258, %eq3A_259 : i32
        %jit3A_261 = arith.constant 1 : i32
        %select_n3A_262 = arith.select %eq3A_260, %jit3A_261, %jit3A_258 : i32
        %rem3A_263 = vector.broadcast %select_n3A_262 : i32 to vector<16xi32>
        %rem3A_264 = arith.remsi %max3A_257, %rem3A_263 : vector<16xi32>
        %ne3A_265 = arith.constant 0 : i32
        %ne3A_266 = vector.broadcast %ne3A_265 : i32 to vector<16xi32>
        %ne3A_267 = arith.cmpi ne, %rem3A_264, %ne3A_266 : vector<16xi32>
        %lt3A_268 = arith.constant 0 : i32
        %lt3A_269 = vector.broadcast %lt3A_268 : i32 to vector<16xi32>
        %lt3A_270 = arith.cmpi slt, %rem3A_264, %lt3A_269 : vector<16xi32>
        %lt3A_271 = arith.constant 0 : i32
        %lt3A_272 = arith.cmpi slt, %select_n3A_262, %lt3A_271 : i32
        %ne3A_273 = vector.broadcast %lt3A_272 : i1 to vector<16xi1>
        %ne3A_274 = vector.broadcast %ne3A_273 : vector<16xi1> to vector<16xi1>
        %ne3A_275 = arith.xori %lt3A_270, %ne3A_274 : vector<16xi1>
        %and3A_276 = arith.andi %ne3A_275, %ne3A_267 : vector<16xi1>
        %add3A_277 = vector.broadcast %select_n3A_262 : i32 to vector<16xi32>
        %add3A_278 = arith.addi %rem3A_264, %add3A_277 : vector<16xi32>
        %select_n3A_279 = arith.select %and3A_276, %add3A_278, %rem3A_264 : vector<16xi1>, vector<16xi32>
        %broadcast_in_dim3A_280 = vector.shape_cast %select_n3A_279 : vector<16xi32> to vector<16x1xi32>
        %gather3A_281 = vector.shape_cast %broadcast_in_dim3A_280 : vector<16x1xi32> to vector<16xi32>
        %gather3A_282 = tpu.dynamic_gather %masked_sort3A_199[%gather3A_281] in [0] : vector<16xi32>, vector<16xi32> -> vector<16xi32>
        %jit3A_283 = arith.constant 16 : i32
        %eq3A_284 = arith.constant 0 : i32
        %eq3A_285 = arith.cmpi eq, %jit3A_283, %eq3A_284 : i32
        %jit3A_286 = arith.constant 1 : i32
        %select_n3A_287 = arith.select %eq3A_285, %jit3A_286, %jit3A_283 : i32
        %rem3A_288 = vector.broadcast %select_n3A_287 : i32 to vector<16xi32>
        %rem3A_289 = arith.remsi %max3A_257, %rem3A_288 : vector<16xi32>
        %ne3A_290 = arith.constant 0 : i32
        %ne3A_291 = vector.broadcast %ne3A_290 : i32 to vector<16xi32>
        %ne3A_292 = arith.cmpi ne, %rem3A_289, %ne3A_291 : vector<16xi32>
        %lt3A_293 = arith.constant 0 : i32
        %lt3A_294 = vector.broadcast %lt3A_293 : i32 to vector<16xi32>
        %lt3A_295 = arith.cmpi slt, %rem3A_289, %lt3A_294 : vector<16xi32>
        %lt3A_296 = arith.constant 0 : i32
        %lt3A_297 = arith.cmpi slt, %select_n3A_287, %lt3A_296 : i32
        %ne3A_298 = vector.broadcast %lt3A_297 : i1 to vector<16xi1>
        %ne3A_299 = vector.broadcast %ne3A_298 : vector<16xi1> to vector<16xi1>
        %ne3A_300 = arith.xori %lt3A_295, %ne3A_299 : vector<16xi1>
        %and3A_301 = arith.andi %ne3A_300, %ne3A_292 : vector<16xi1>
        %add3A_302 = vector.broadcast %select_n3A_287 : i32 to vector<16xi32>
        %add3A_303 = arith.addi %rem3A_289, %add3A_302 : vector<16xi32>
        %select_n3A_304 = arith.select %and3A_301, %add3A_303, %rem3A_289 : vector<16xi1>, vector<16xi32>
        %broadcast_in_dim3A_305 = vector.shape_cast %select_n3A_304 : vector<16xi32> to vector<16x1xi32>
        %gather3A_306 = vector.shape_cast %broadcast_in_dim3A_305 : vector<16x1xi32> to vector<16xi32>
        %gather3A_307 = tpu.dynamic_gather %select_n3A_251[%gather3A_306] in [0] : vector<16xf32>, vector<16xi32> -> vector<16xf32>
        %eq3A_308 = arith.cmpi eq, %gather3A_282, %masked_sort3A_199 : vector<16xi32>
        %max3A_309 = arith.maximumf %select_n3A_251, %gather3A_307 : vector<16xf32>
        %select_n3A_310 = arith.select %eq3A_308, %max3A_309, %select_n3A_251 : vector<16xi1>, vector<16xf32>
        %sub3A_311 = arith.constant 4 : i32
        %sub3A_312 = vector.broadcast %sub3A_311 : i32 to vector<16xi32>
        %sub3A_313 = arith.subi %iota3A, %sub3A_312 : vector<16xi32>
        %max3A_314 = arith.constant 0 : i32
        %max3A_315 = vector.broadcast %max3A_314 : i32 to vector<16xi32>
        %max3A_316 = arith.maxsi %sub3A_313, %max3A_315 : vector<16xi32>
        %jit3A_317 = arith.constant 16 : i32
        %eq3A_318 = arith.constant 0 : i32
        %eq3A_319 = arith.cmpi eq, %jit3A_317, %eq3A_318 : i32
        %jit3A_320 = arith.constant 1 : i32
        %select_n3A_321 = arith.select %eq3A_319, %jit3A_320, %jit3A_317 : i32
        %rem3A_322 = vector.broadcast %select_n3A_321 : i32 to vector<16xi32>
        %rem3A_323 = arith.remsi %max3A_316, %rem3A_322 : vector<16xi32>
        %ne3A_324 = arith.constant 0 : i32
        %ne3A_325 = vector.broadcast %ne3A_324 : i32 to vector<16xi32>
        %ne3A_326 = arith.cmpi ne, %rem3A_323, %ne3A_325 : vector<16xi32>
        %lt3A_327 = arith.constant 0 : i32
        %lt3A_328 = vector.broadcast %lt3A_327 : i32 to vector<16xi32>
        %lt3A_329 = arith.cmpi slt, %rem3A_323, %lt3A_328 : vector<16xi32>
        %lt3A_330 = arith.constant 0 : i32
        %lt3A_331 = arith.cmpi slt, %select_n3A_321, %lt3A_330 : i32
        %ne3A_332 = vector.broadcast %lt3A_331 : i1 to vector<16xi1>
        %ne3A_333 = vector.broadcast %ne3A_332 : vector<16xi1> to vector<16xi1>
        %ne3A_334 = arith.xori %lt3A_329, %ne3A_333 : vector<16xi1>
        %and3A_335 = arith.andi %ne3A_334, %ne3A_326 : vector<16xi1>
        %add3A_336 = vector.broadcast %select_n3A_321 : i32 to vector<16xi32>
        %add3A_337 = arith.addi %rem3A_323, %add3A_336 : vector<16xi32>
        %select_n3A_338 = arith.select %and3A_335, %add3A_337, %rem3A_323 : vector<16xi1>, vector<16xi32>
        %broadcast_in_dim3A_339 = vector.shape_cast %select_n3A_338 : vector<16xi32> to vector<16x1xi32>
        %gather3A_340 = vector.shape_cast %broadcast_in_dim3A_339 : vector<16x1xi32> to vector<16xi32>
        %gather3A_341 = tpu.dynamic_gather %masked_sort3A_199[%gather3A_340] in [0] : vector<16xi32>, vector<16xi32> -> vector<16xi32>
        %jit3A_342 = arith.constant 16 : i32
        %eq3A_343 = arith.constant 0 : i32
        %eq3A_344 = arith.cmpi eq, %jit3A_342, %eq3A_343 : i32
        %jit3A_345 = arith.constant 1 : i32
        %select_n3A_346 = arith.select %eq3A_344, %jit3A_345, %jit3A_342 : i32
        %rem3A_347 = vector.broadcast %select_n3A_346 : i32 to vector<16xi32>
        %rem3A_348 = arith.remsi %max3A_316, %rem3A_347 : vector<16xi32>
        %ne3A_349 = arith.constant 0 : i32
        %ne3A_350 = vector.broadcast %ne3A_349 : i32 to vector<16xi32>
        %ne3A_351 = arith.cmpi ne, %rem3A_348, %ne3A_350 : vector<16xi32>
        %lt3A_352 = arith.constant 0 : i32
        %lt3A_353 = vector.broadcast %lt3A_352 : i32 to vector<16xi32>
        %lt3A_354 = arith.cmpi slt, %rem3A_348, %lt3A_353 : vector<16xi32>
        %lt3A_355 = arith.constant 0 : i32
        %lt3A_356 = arith.cmpi slt, %select_n3A_346, %lt3A_355 : i32
        %ne3A_357 = vector.broadcast %lt3A_356 : i1 to vector<16xi1>
        %ne3A_358 = vector.broadcast %ne3A_357 : vector<16xi1> to vector<16xi1>
        %ne3A_359 = arith.xori %lt3A_354, %ne3A_358 : vector<16xi1>
        %and3A_360 = arith.andi %ne3A_359, %ne3A_351 : vector<16xi1>
        %add3A_361 = vector.broadcast %select_n3A_346 : i32 to vector<16xi32>
        %add3A_362 = arith.addi %rem3A_348, %add3A_361 : vector<16xi32>
        %select_n3A_363 = arith.select %and3A_360, %add3A_362, %rem3A_348 : vector<16xi1>, vector<16xi32>
        %broadcast_in_dim3A_364 = vector.shape_cast %select_n3A_363 : vector<16xi32> to vector<16x1xi32>
        %gather3A_365 = vector.shape_cast %broadcast_in_dim3A_364 : vector<16x1xi32> to vector<16xi32>
        %gather3A_366 = tpu.dynamic_gather %select_n3A_310[%gather3A_365] in [0] : vector<16xf32>, vector<16xi32> -> vector<16xf32>
        %eq3A_367 = arith.cmpi eq, %gather3A_341, %masked_sort3A_199 : vector<16xi32>
        %max3A_368 = arith.maximumf %select_n3A_310, %gather3A_366 : vector<16xf32>
        %select_n3A_369 = arith.select %eq3A_367, %max3A_368, %select_n3A_310 : vector<16xi1>, vector<16xf32>
        %sub3A_370 = arith.constant 8 : i32
        %sub3A_371 = vector.broadcast %sub3A_370 : i32 to vector<16xi32>
        %sub3A_372 = arith.subi %iota3A, %sub3A_371 : vector<16xi32>
        %max3A_373 = arith.constant 0 : i32
        %max3A_374 = vector.broadcast %max3A_373 : i32 to vector<16xi32>
        %max3A_375 = arith.maxsi %sub3A_372, %max3A_374 : vector<16xi32>
        %jit3A_376 = arith.constant 16 : i32
        %eq3A_377 = arith.constant 0 : i32
        %eq3A_378 = arith.cmpi eq, %jit3A_376, %eq3A_377 : i32
        %jit3A_379 = arith.constant 1 : i32
        %select_n3A_380 = arith.select %eq3A_378, %jit3A_379, %jit3A_376 : i32
        %rem3A_381 = vector.broadcast %select_n3A_380 : i32 to vector<16xi32>
        %rem3A_382 = arith.remsi %max3A_375, %rem3A_381 : vector<16xi32>
        %ne3A_383 = arith.constant 0 : i32
        %ne3A_384 = vector.broadcast %ne3A_383 : i32 to vector<16xi32>
        %ne3A_385 = arith.cmpi ne, %rem3A_382, %ne3A_384 : vector<16xi32>
        %lt3A_386 = arith.constant 0 : i32
        %lt3A_387 = vector.broadcast %lt3A_386 : i32 to vector<16xi32>
        %lt3A_388 = arith.cmpi slt, %rem3A_382, %lt3A_387 : vector<16xi32>
        %lt3A_389 = arith.constant 0 : i32
        %lt3A_390 = arith.cmpi slt, %select_n3A_380, %lt3A_389 : i32
        %ne3A_391 = vector.broadcast %lt3A_390 : i1 to vector<16xi1>
        %ne3A_392 = vector.broadcast %ne3A_391 : vector<16xi1> to vector<16xi1>
        %ne3A_393 = arith.xori %lt3A_388, %ne3A_392 : vector<16xi1>
        %and3A_394 = arith.andi %ne3A_393, %ne3A_385 : vector<16xi1>
        %add3A_395 = vector.broadcast %select_n3A_380 : i32 to vector<16xi32>
        %add3A_396 = arith.addi %rem3A_382, %add3A_395 : vector<16xi32>
        %select_n3A_397 = arith.select %and3A_394, %add3A_396, %rem3A_382 : vector<16xi1>, vector<16xi32>
        %broadcast_in_dim3A_398 = vector.shape_cast %select_n3A_397 : vector<16xi32> to vector<16x1xi32>
        %gather3A_399 = vector.shape_cast %broadcast_in_dim3A_398 : vector<16x1xi32> to vector<16xi32>
        %gather3A_400 = tpu.dynamic_gather %masked_sort3A_199[%gather3A_399] in [0] : vector<16xi32>, vector<16xi32> -> vector<16xi32>
        %jit3A_401 = arith.constant 16 : i32
        %eq3A_402 = arith.constant 0 : i32
        %eq3A_403 = arith.cmpi eq, %jit3A_401, %eq3A_402 : i32
        %jit3A_404 = arith.constant 1 : i32
        %select_n3A_405 = arith.select %eq3A_403, %jit3A_404, %jit3A_401 : i32
        %rem3A_406 = vector.broadcast %select_n3A_405 : i32 to vector<16xi32>
        %rem3A_407 = arith.remsi %max3A_375, %rem3A_406 : vector<16xi32>
        %ne3A_408 = arith.constant 0 : i32
        %ne3A_409 = vector.broadcast %ne3A_408 : i32 to vector<16xi32>
        %ne3A_410 = arith.cmpi ne, %rem3A_407, %ne3A_409 : vector<16xi32>
        %lt3A_411 = arith.constant 0 : i32
        %lt3A_412 = vector.broadcast %lt3A_411 : i32 to vector<16xi32>
        %lt3A_413 = arith.cmpi slt, %rem3A_407, %lt3A_412 : vector<16xi32>
        %lt3A_414 = arith.constant 0 : i32
        %lt3A_415 = arith.cmpi slt, %select_n3A_405, %lt3A_414 : i32
        %ne3A_416 = vector.broadcast %lt3A_415 : i1 to vector<16xi1>
        %ne3A_417 = vector.broadcast %ne3A_416 : vector<16xi1> to vector<16xi1>
        %ne3A_418 = arith.xori %lt3A_413, %ne3A_417 : vector<16xi1>
        %and3A_419 = arith.andi %ne3A_418, %ne3A_410 : vector<16xi1>
        %add3A_420 = vector.broadcast %select_n3A_405 : i32 to vector<16xi32>
        %add3A_421 = arith.addi %rem3A_407, %add3A_420 : vector<16xi32>
        %select_n3A_422 = arith.select %and3A_419, %add3A_421, %rem3A_407 : vector<16xi1>, vector<16xi32>
        %broadcast_in_dim3A_423 = vector.shape_cast %select_n3A_422 : vector<16xi32> to vector<16x1xi32>
        %gather3A_424 = vector.shape_cast %broadcast_in_dim3A_423 : vector<16x1xi32> to vector<16xi32>
        %gather3A_425 = tpu.dynamic_gather %select_n3A_369[%gather3A_424] in [0] : vector<16xf32>, vector<16xi32> -> vector<16xf32>
        %eq3A_426 = arith.cmpi eq, %gather3A_400, %masked_sort3A_199 : vector<16xi32>
        %max3A_427 = arith.maximumf %select_n3A_369, %gather3A_425 : vector<16xf32>
        %select_n3A_428 = arith.select %eq3A_426, %max3A_427, %select_n3A_369 : vector<16xi1>, vector<16xf32>
        %add3A_429 = arith.constant 1 : i32
        %add3A_430 = vector.broadcast %add3A_429 : i32 to vector<16xi32>
        %add3A_431 = arith.addi %iota3A, %add3A_430 : vector<16xi32>
        %min3A = arith.constant 15 : i32
        %min3A_432 = vector.broadcast %min3A : i32 to vector<16xi32>
        %min3A_433 = arith.minsi %add3A_431, %min3A_432 : vector<16xi32>
        %jit3A_434 = arith.constant 16 : i32
        %eq3A_435 = arith.constant 0 : i32
        %eq3A_436 = arith.cmpi eq, %jit3A_434, %eq3A_435 : i32
        %jit3A_437 = arith.constant 1 : i32
        %select_n3A_438 = arith.select %eq3A_436, %jit3A_437, %jit3A_434 : i32
        %rem3A_439 = vector.broadcast %select_n3A_438 : i32 to vector<16xi32>
        %rem3A_440 = arith.remsi %min3A_433, %rem3A_439 : vector<16xi32>
        %ne3A_441 = arith.constant 0 : i32
        %ne3A_442 = vector.broadcast %ne3A_441 : i32 to vector<16xi32>
        %ne3A_443 = arith.cmpi ne, %rem3A_440, %ne3A_442 : vector<16xi32>
        %lt3A_444 = arith.constant 0 : i32
        %lt3A_445 = vector.broadcast %lt3A_444 : i32 to vector<16xi32>
        %lt3A_446 = arith.cmpi slt, %rem3A_440, %lt3A_445 : vector<16xi32>
        %lt3A_447 = arith.constant 0 : i32
        %lt3A_448 = arith.cmpi slt, %select_n3A_438, %lt3A_447 : i32
        %ne3A_449 = vector.broadcast %lt3A_448 : i1 to vector<16xi1>
        %ne3A_450 = vector.broadcast %ne3A_449 : vector<16xi1> to vector<16xi1>
        %ne3A_451 = arith.xori %lt3A_446, %ne3A_450 : vector<16xi1>
        %and3A_452 = arith.andi %ne3A_451, %ne3A_443 : vector<16xi1>
        %add3A_453 = vector.broadcast %select_n3A_438 : i32 to vector<16xi32>
        %add3A_454 = arith.addi %rem3A_440, %add3A_453 : vector<16xi32>
        %select_n3A_455 = arith.select %and3A_452, %add3A_454, %rem3A_440 : vector<16xi1>, vector<16xi32>
        %broadcast_in_dim3A_456 = vector.shape_cast %select_n3A_455 : vector<16xi32> to vector<16x1xi32>
        %gather3A_457 = vector.shape_cast %broadcast_in_dim3A_456 : vector<16x1xi32> to vector<16xi32>
        %gather3A_458 = tpu.dynamic_gather %masked_sort3A_199[%gather3A_457] in [0] : vector<16xi32>, vector<16xi32> -> vector<16xi32>
        %ne3A_459 = arith.cmpi ne, %gather3A_458, %masked_sort3A_199 : vector<16xi32>
        %eq3A_460 = arith.constant 15 : i32
        %eq3A_461 = vector.broadcast %eq3A_460 : i32 to vector<16xi32>
        %eq3A_462 = arith.cmpi eq, %iota3A, %eq3A_461 : vector<16xi32>
        %or3A_463 = arith.ori %ne3A_459, %eq3A_462 : vector<16xi1>
        %gather3A_464 = tpu.vector_load_idx %arg5[%masked_sort3A_199] : memref<102400xf32, #tpu.memory_space<vmem>>[vector<16xi32>], vector<16xf32>,
        %max3A_465 = arith.maximumf %gather3A_464, %select_n3A_428 : vector<16xf32>
        tpu.vector_store_idx %arg5[%masked_sort3A_199], %max3A_465 masked %or3A_463 : memref<102400xf32, #tpu.memory_space<vmem>>[vector<16xi32>], vector<16xf32>, vector<16xi1>
        %scan3A_466 = arith.constant 125 : i32
      } else {
      }
      %add3A_170 = arith.constant 2 : i32
      %add3A_171 = arith.addi %add3A_119, %add3A_170 : i32
      %lt3A_172 = arith.constant 100 : i32
      %lt3A_173 = arith.cmpi slt, %add3A_171, %lt3A_172 : i32
      %convert_element_type3A_174 = arith.extui %lt3A_173 : i1 to i32
      %cond3A_175 = arith.constant 0 : i32
      %cond3A_176 = arith.cmpi ne, %convert_element_type3A_174, %cond3A_175 : i32
      scf.if %cond3A_176 {
        %add3A_177 = arith.constant 2 : i32
        %add3A_178 = arith.addi %add3A_119, %add3A_177 : i32
        %mul3A_179 = arith.constant 2000 : i32
        %mul3A_180 = arith.muli %add3A_178, %mul3A_179 : i32
        %add3A_181 = arith.addi %mul3A_2, %mul3A_180 : i32
        %dma_start3A_182 = tpu.memref_slice %arg3[%add3A_181] : memref<12800000xi32, #tpu.memory_space<hbm>> -> memref<2000xi32, #tpu.memory_space<hbm>>
        %dma_start3A_183 = tpu.memref_slice %arg3[%add3A_181] : memref<12800000xi32, #tpu.memory_space<hbm>> -> memref<2000xi32, #tpu.memory_space<hbm>>
        tpu.enqueue_dma source(%dma_start3A_183 : memref<2000xi32, #tpu.memory_space<hbm>>) target(%arg7 : memref<2000xi32, #tpu.memory_space<vmem>>) target_semaphore(%arg13 : memref<!tpu.dma_semaphore, #tpu.memory_space<semaphore_mem>>)
        %add3A_184 = arith.constant 6400000 : i32
        %add3A_185 = arith.addi %add3A_184, %add3A_181 : i32
        %dma_start3A_186 = tpu.memref_slice %arg3[%add3A_185] : memref<12800000xi32, #tpu.memory_space<hbm>> -> memref<2000xi32, #tpu.memory_space<hbm>>
        %dma_start3A_187 = tpu.memref_slice %arg3[%add3A_185] : memref<12800000xi32, #tpu.memory_space<hbm>> -> memref<2000xi32, #tpu.memory_space<hbm>>
        tpu.enqueue_dma source(%dma_start3A_187 : memref<2000xi32, #tpu.memory_space<hbm>>) target(%arg9 : memref<2000xi32, #tpu.memory_space<vmem>>) target_semaphore(%arg13 : memref<!tpu.dma_semaphore, #tpu.memory_space<semaphore_mem>>)
      } else {
      }
    }
    %scan3A_58 = arith.constant 50 : i32
    "tpu.region"() ({
      %run_scoped3A = tpu.sem_alloc : memref<!tpu.dma_semaphore, #tpu.memory_space<semaphore_mem>>
      %dma_start3A_59 = arith.constant 0 : i32
      %dma_start3A_60 = tpu.memref_slice %arg4[%add3A, %dma_start3A_59] : memref<32x102400xf32, #tpu.memory_space<hbm>> -> memref<1x102400xf32, #tpu.memory_space<hbm>>
      %dma_start3A_61 = tpu.memref_squeeze %dma_start3A_60 : memref<1x102400xf32, #tpu.memory_space<hbm>> -> memref<102400xf32, #tpu.memory_space<hbm>>
      %dma_start3A_62 = arith.constant 0 : i32
      %dma_start3A_63 = tpu.memref_slice %arg4[%add3A, %dma_start3A_62] : memref<32x102400xf32, #tpu.memory_space<hbm>> -> memref<1x102400xf32, #tpu.memory_space<hbm>>
      %dma_start3A_64 = tpu.memref_squeeze %dma_start3A_63 : memref<1x102400xf32, #tpu.memory_space<hbm>> -> memref<102400xf32, #tpu.memory_space<hbm>>
      tpu.enqueue_dma source(%arg5 : memref<102400xf32, #tpu.memory_space<vmem>>) target(%dma_start3A_64 : memref<102400xf32, #tpu.memory_space<hbm>>) target_semaphore(%run_scoped3A : memref<!tpu.dma_semaphore, #tpu.memory_space<semaphore_mem>>)
      %dma_wait3A_65 = arith.constant 0 : i32
      %dma_wait3A_66 = tpu.memref_slice %arg4[%add3A, %dma_wait3A_65] : memref<32x102400xf32, #tpu.memory_space<hbm>> -> memref<1x102400xf32, #tpu.memory_space<hbm>>
      %dma_wait3A_67 = tpu.memref_squeeze %dma_wait3A_66 : memref<1x102400xf32, #tpu.memory_space<hbm>> -> memref<102400xf32, #tpu.memory_space<hbm>>
      %dma_wait3A_68 = arith.constant 0 : i32
      %dma_wait3A_69 = tpu.memref_slice %arg4[%add3A, %dma_wait3A_68] : memref<32x102400xf32, #tpu.memory_space<hbm>> -> memref<1x102400xf32, #tpu.memory_space<hbm>>
      %dma_wait3A_70 = tpu.memref_squeeze %dma_wait3A_69 : memref<1x102400xf32, #tpu.memory_space<hbm>> -> memref<102400xf32, #tpu.memory_space<hbm>>
      tpu.wait_dma2 semaphore(%run_scoped3A : memref<!tpu.dma_semaphore, #tpu.memory_space<semaphore_mem>>) src(%arg5 : memref<102400xf32, #tpu.memory_space<vmem>>) dst(%dma_wait3A_70 : memref<102400xf32, #tpu.memory_space<hbm>>)
      tpu.yield
    }) : () -> ()
    return
  }
}

#map = affine_map<(d0, d1) -> (0)>
#map1 = affine_map<(d0, d1) -> (0, 0)>
module attributes {stable_mosaic.version = 14 : i64} {
  func.func @_phase2_body(%arg0: i32, %arg1: i32, %arg2: memref<102400xf32, #tpu.memory_space<hbm>>, %arg3: memref<32x102400xf32, #tpu.memory_space<hbm>>, %arg4: memref<16xf32, #tpu.memory_space<hbm>>, %arg5: memref<16xf32, #tpu.memory_space<hbm>>, %arg6: memref<102400xf32, #tpu.memory_space<hbm>>, %arg7: memref<32x3200xf32, #tpu.memory_space<vmem>>, %arg8: memref<3200xf32, #tpu.memory_space<vmem>>, %arg9: memref<3200xf32, #tpu.memory_space<vmem>>, %arg10: memref<16xf32, #tpu.memory_space<vmem>>, %arg11: memref<16xf32, #tpu.memory_space<vmem>>, %arg12: memref<!tpu.dma_semaphore, #tpu.memory_space<semaphore_mem>>) attributes {dimension_semantics = [#tpu.dimension_semantics<core_parallel>, #tpu.dimension_semantics<subcore_parallel>], iteration_bounds = array<i64: 2, 16>, scalar_prefetch = 0 : i64, scratch_operands = 6 : i64, tpu.core_type = #tpu.core_type<sc_vector_subcore>, window_params = [{transform_indices = #map}, {transform_indices = #map1}, {transform_indices = #map}, {transform_indices = #map}, {transform_indices = #map}]} {
    %mul3A = arith.constant 2 : i32
    %mul3A_0 = arith.muli %arg1, %mul3A : i32
    %add3A = arith.addi %mul3A_0, %arg0 : i32
    %mul3A_1 = arith.constant 3200 : i32
    %mul3A_2 = arith.muli %add3A, %mul3A_1 : i32
    "tpu.region"() ({
      %run_scoped3A = tpu.sem_alloc : memref<!tpu.dma_semaphore, #tpu.memory_space<semaphore_mem>>
      tpu.enqueue_dma source(%arg4 : memref<16xf32, #tpu.memory_space<hbm>>) target(%arg10 : memref<16xf32, #tpu.memory_space<vmem>>) target_semaphore(%run_scoped3A : memref<!tpu.dma_semaphore, #tpu.memory_space<semaphore_mem>>)
      tpu.wait_dma2 semaphore(%run_scoped3A : memref<!tpu.dma_semaphore, #tpu.memory_space<semaphore_mem>>) src(%arg4 : memref<16xf32, #tpu.memory_space<hbm>>) dst(%arg10 : memref<16xf32, #tpu.memory_space<vmem>>)
      tpu.yield
    }) : () -> ()
    "tpu.region"() ({
      %run_scoped3A = tpu.sem_alloc : memref<!tpu.dma_semaphore, #tpu.memory_space<semaphore_mem>>
      tpu.enqueue_dma source(%arg5 : memref<16xf32, #tpu.memory_space<hbm>>) target(%arg11 : memref<16xf32, #tpu.memory_space<vmem>>) target_semaphore(%run_scoped3A : memref<!tpu.dma_semaphore, #tpu.memory_space<semaphore_mem>>)
      tpu.wait_dma2 semaphore(%run_scoped3A : memref<!tpu.dma_semaphore, #tpu.memory_space<semaphore_mem>>) src(%arg5 : memref<16xf32, #tpu.memory_space<hbm>>) dst(%arg11 : memref<16xf32, #tpu.memory_space<vmem>>)
      tpu.yield
    }) : () -> ()
    %dma_start3A = tpu.memref_slice %arg2[%mul3A_2] : memref<102400xf32, #tpu.memory_space<hbm>> -> memref<3200xf32, #tpu.memory_space<hbm>>
    %dma_start3A_3 = tpu.memref_slice %arg2[%mul3A_2] : memref<102400xf32, #tpu.memory_space<hbm>> -> memref<3200xf32, #tpu.memory_space<hbm>>
    tpu.enqueue_dma source(%dma_start3A_3 : memref<3200xf32, #tpu.memory_space<hbm>>) target(%arg8 : memref<3200xf32, #tpu.memory_space<vmem>>) target_semaphore(%arg12 : memref<!tpu.dma_semaphore, #tpu.memory_space<semaphore_mem>>)
    %dma_start3A_4 = arith.constant 0 : i32
    %dma_start3A_5 = arith.constant 0 : i32
    %dma_start3A_6 = arith.constant 0 : i32
    %dma_start3A_7 = tpu.memref_slice %arg7[%dma_start3A_5, %dma_start3A_6] : memref<32x3200xf32, #tpu.memory_space<vmem>> -> memref<1x3200xf32, #tpu.memory_space<vmem>>
    %dma_start3A_8 = tpu.memref_squeeze %dma_start3A_7 : memref<1x3200xf32, #tpu.memory_space<vmem>> -> memref<3200xf32, #tpu.memory_space<vmem>>
    %dma_start3A_9 = tpu.memref_slice %arg3[%dma_start3A_4, %mul3A_2] : memref<32x102400xf32, #tpu.memory_space<hbm>> -> memref<1x3200xf32, #tpu.memory_space<hbm>>
    %dma_start3A_10 = tpu.memref_squeeze %dma_start3A_9 : memref<1x3200xf32, #tpu.memory_space<hbm>> -> memref<3200xf32, #tpu.memory_space<hbm>>
    %dma_start3A_11 = arith.constant 0 : i32
    %dma_start3A_12 = tpu.memref_slice %arg7[%dma_start3A_5, %dma_start3A_11] : memref<32x3200xf32, #tpu.memory_space<vmem>> -> memref<1x3200xf32, #tpu.memory_space<vmem>>
    %dma_start3A_13 = tpu.memref_squeeze %dma_start3A_12 : memref<1x3200xf32, #tpu.memory_space<vmem>> -> memref<3200xf32, #tpu.memory_space<vmem>>
    %dma_start3A_14 = tpu.memref_slice %arg3[%dma_start3A_4, %mul3A_2] : memref<32x102400xf32, #tpu.memory_space<hbm>> -> memref<1x3200xf32, #tpu.memory_space<hbm>>
    %dma_start3A_15 = tpu.memref_squeeze %dma_start3A_14 : memref<1x3200xf32, #tpu.memory_space<hbm>> -> memref<3200xf32, #tpu.memory_space<hbm>>
    tpu.enqueue_dma source(%dma_start3A_15 : memref<3200xf32, #tpu.memory_space<hbm>>) target(%dma_start3A_13 : memref<3200xf32, #tpu.memory_space<vmem>>) target_semaphore(%arg12 : memref<!tpu.dma_semaphore, #tpu.memory_space<semaphore_mem>>)
    %dma_start3A_16 = arith.constant 1 : i32
    %dma_start3A_17 = arith.constant 1 : i32
    %dma_start3A_18 = arith.constant 0 : i32
    %dma_start3A_19 = tpu.memref_slice %arg7[%dma_start3A_17, %dma_start3A_18] : memref<32x3200xf32, #tpu.memory_space<vmem>> -> memref<1x3200xf32, #tpu.memory_space<vmem>>
    %dma_start3A_20 = tpu.memref_squeeze %dma_start3A_19 : memref<1x3200xf32, #tpu.memory_space<vmem>> -> memref<3200xf32, #tpu.memory_space<vmem>>
    %dma_start3A_21 = tpu.memref_slice %arg3[%dma_start3A_16, %mul3A_2] : memref<32x102400xf32, #tpu.memory_space<hbm>> -> memref<1x3200xf32, #tpu.memory_space<hbm>>
    %dma_start3A_22 = tpu.memref_squeeze %dma_start3A_21 : memref<1x3200xf32, #tpu.memory_space<hbm>> -> memref<3200xf32, #tpu.memory_space<hbm>>
    %dma_start3A_23 = arith.constant 0 : i32
    %dma_start3A_24 = tpu.memref_slice %arg7[%dma_start3A_17, %dma_start3A_23] : memref<32x3200xf32, #tpu.memory_space<vmem>> -> memref<1x3200xf32, #tpu.memory_space<vmem>>
    %dma_start3A_25 = tpu.memref_squeeze %dma_start3A_24 : memref<1x3200xf32, #tpu.memory_space<vmem>> -> memref<3200xf32, #tpu.memory_space<vmem>>
    %dma_start3A_26 = tpu.memref_slice %arg3[%dma_start3A_16, %mul3A_2] : memref<32x102400xf32, #tpu.memory_space<hbm>> -> memref<1x3200xf32, #tpu.memory_space<hbm>>
    %dma_start3A_27 = tpu.memref_squeeze %dma_start3A_26 : memref<1x3200xf32, #tpu.memory_space<hbm>> -> memref<3200xf32, #tpu.memory_space<hbm>>
    tpu.enqueue_dma source(%dma_start3A_27 : memref<3200xf32, #tpu.memory_space<hbm>>) target(%dma_start3A_25 : memref<3200xf32, #tpu.memory_space<vmem>>) target_semaphore(%arg12 : memref<!tpu.dma_semaphore, #tpu.memory_space<semaphore_mem>>)
    %dma_start3A_28 = arith.constant 2 : i32
    %dma_start3A_29 = arith.constant 2 : i32
    %dma_start3A_30 = arith.constant 0 : i32
    %dma_start3A_31 = tpu.memref_slice %arg7[%dma_start3A_29, %dma_start3A_30] : memref<32x3200xf32, #tpu.memory_space<vmem>> -> memref<1x3200xf32, #tpu.memory_space<vmem>>
    %dma_start3A_32 = tpu.memref_squeeze %dma_start3A_31 : memref<1x3200xf32, #tpu.memory_space<vmem>> -> memref<3200xf32, #tpu.memory_space<vmem>>
    %dma_start3A_33 = tpu.memref_slice %arg3[%dma_start3A_28, %mul3A_2] : memref<32x102400xf32, #tpu.memory_space<hbm>> -> memref<1x3200xf32, #tpu.memory_space<hbm>>
    %dma_start3A_34 = tpu.memref_squeeze %dma_start3A_33 : memref<1x3200xf32, #tpu.memory_space<hbm>> -> memref<3200xf32, #tpu.memory_space<hbm>>
    %dma_start3A_35 = arith.constant 0 : i32
    %dma_start3A_36 = tpu.memref_slice %arg7[%dma_start3A_29, %dma_start3A_35] : memref<32x3200xf32, #tpu.memory_space<vmem>> -> memref<1x3200xf32, #tpu.memory_space<vmem>>
    %dma_start3A_37 = tpu.memref_squeeze %dma_start3A_36 : memref<1x3200xf32, #tpu.memory_space<vmem>> -> memref<3200xf32, #tpu.memory_space<vmem>>
    %dma_start3A_38 = tpu.memref_slice %arg3[%dma_start3A_28, %mul3A_2] : memref<32x102400xf32, #tpu.memory_space<hbm>> -> memref<1x3200xf32, #tpu.memory_space<hbm>>
    %dma_start3A_39 = tpu.memref_squeeze %dma_start3A_38 : memref<1x3200xf32, #tpu.memory_space<hbm>> -> memref<3200xf32, #tpu.memory_space<hbm>>
    tpu.enqueue_dma source(%dma_start3A_39 : memref<3200xf32, #tpu.memory_space<hbm>>) target(%dma_start3A_37 : memref<3200xf32, #tpu.memory_space<vmem>>) target_semaphore(%arg12 : memref<!tpu.dma_semaphore, #tpu.memory_space<semaphore_mem>>)
    %dma_start3A_40 = arith.constant 3 : i32
    %dma_start3A_41 = arith.constant 3 : i32
    %dma_start3A_42 = arith.constant 0 : i32
    %dma_start3A_43 = tpu.memref_slice %arg7[%dma_start3A_41, %dma_start3A_42] : memref<32x3200xf32, #tpu.memory_space<vmem>> -> memref<1x3200xf32, #tpu.memory_space<vmem>>
    %dma_start3A_44 = tpu.memref_squeeze %dma_start3A_43 : memref<1x3200xf32, #tpu.memory_space<vmem>> -> memref<3200xf32, #tpu.memory_space<vmem>>
    %dma_start3A_45 = tpu.memref_slice %arg3[%dma_start3A_40, %mul3A_2] : memref<32x102400xf32, #tpu.memory_space<hbm>> -> memref<1x3200xf32, #tpu.memory_space<hbm>>
    %dma_start3A_46 = tpu.memref_squeeze %dma_start3A_45 : memref<1x3200xf32, #tpu.memory_space<hbm>> -> memref<3200xf32, #tpu.memory_space<hbm>>
    %dma_start3A_47 = arith.constant 0 : i32
    %dma_start3A_48 = tpu.memref_slice %arg7[%dma_start3A_41, %dma_start3A_47] : memref<32x3200xf32, #tpu.memory_space<vmem>> -> memref<1x3200xf32, #tpu.memory_space<vmem>>
    %dma_start3A_49 = tpu.memref_squeeze %dma_start3A_48 : memref<1x3200xf32, #tpu.memory_space<vmem>> -> memref<3200xf32, #tpu.memory_space<vmem>>
    %dma_start3A_50 = tpu.memref_slice %arg3[%dma_start3A_40, %mul3A_2] : memref<32x102400xf32, #tpu.memory_space<hbm>> -> memref<1x3200xf32, #tpu.memory_space<hbm>>
    %dma_start3A_51 = tpu.memref_squeeze %dma_start3A_50 : memref<1x3200xf32, #tpu.memory_space<hbm>> -> memref<3200xf32, #tpu.memory_space<hbm>>
    tpu.enqueue_dma source(%dma_start3A_51 : memref<3200xf32, #tpu.memory_space<hbm>>) target(%dma_start3A_49 : memref<3200xf32, #tpu.memory_space<vmem>>) target_semaphore(%arg12 : memref<!tpu.dma_semaphore, #tpu.memory_space<semaphore_mem>>)
    %dma_start3A_52 = arith.constant 4 : i32
    %dma_start3A_53 = arith.constant 4 : i32
    %dma_start3A_54 = arith.constant 0 : i32
    %dma_start3A_55 = tpu.memref_slice %arg7[%dma_start3A_53, %dma_start3A_54] : memref<32x3200xf32, #tpu.memory_space<vmem>> -> memref<1x3200xf32, #tpu.memory_space<vmem>>
    %dma_start3A_56 = tpu.memref_squeeze %dma_start3A_55 : memref<1x3200xf32, #tpu.memory_space<vmem>> -> memref<3200xf32, #tpu.memory_space<vmem>>
    %dma_start3A_57 = tpu.memref_slice %arg3[%dma_start3A_52, %mul3A_2] : memref<32x102400xf32, #tpu.memory_space<hbm>> -> memref<1x3200xf32, #tpu.memory_space<hbm>>
    %dma_start3A_58 = tpu.memref_squeeze %dma_start3A_57 : memref<1x3200xf32, #tpu.memory_space<hbm>> -> memref<3200xf32, #tpu.memory_space<hbm>>
    %dma_start3A_59 = arith.constant 0 : i32
    %dma_start3A_60 = tpu.memref_slice %arg7[%dma_start3A_53, %dma_start3A_59] : memref<32x3200xf32, #tpu.memory_space<vmem>> -> memref<1x3200xf32, #tpu.memory_space<vmem>>
    %dma_start3A_61 = tpu.memref_squeeze %dma_start3A_60 : memref<1x3200xf32, #tpu.memory_space<vmem>> -> memref<3200xf32, #tpu.memory_space<vmem>>
    %dma_start3A_62 = tpu.memref_slice %arg3[%dma_start3A_52, %mul3A_2] : memref<32x102400xf32, #tpu.memory_space<hbm>> -> memref<1x3200xf32, #tpu.memory_space<hbm>>
    %dma_start3A_63 = tpu.memref_squeeze %dma_start3A_62 : memref<1x3200xf32, #tpu.memory_space<hbm>> -> memref<3200xf32, #tpu.memory_space<hbm>>
    tpu.enqueue_dma source(%dma_start3A_63 : memref<3200xf32, #tpu.memory_space<hbm>>) target(%dma_start3A_61 : memref<3200xf32, #tpu.memory_space<vmem>>) target_semaphore(%arg12 : memref<!tpu.dma_semaphore, #tpu.memory_space<semaphore_mem>>)
    %dma_start3A_64 = arith.constant 5 : i32
    %dma_start3A_65 = arith.constant 5 : i32
    %dma_start3A_66 = arith.constant 0 : i32
    %dma_start3A_67 = tpu.memref_slice %arg7[%dma_start3A_65, %dma_start3A_66] : memref<32x3200xf32, #tpu.memory_space<vmem>> -> memref<1x3200xf32, #tpu.memory_space<vmem>>
    %dma_start3A_68 = tpu.memref_squeeze %dma_start3A_67 : memref<1x3200xf32, #tpu.memory_space<vmem>> -> memref<3200xf32, #tpu.memory_space<vmem>>
    %dma_start3A_69 = tpu.memref_slice %arg3[%dma_start3A_64, %mul3A_2] : memref<32x102400xf32, #tpu.memory_space<hbm>> -> memref<1x3200xf32, #tpu.memory_space<hbm>>
    %dma_start3A_70 = tpu.memref_squeeze %dma_start3A_69 : memref<1x3200xf32, #tpu.memory_space<hbm>> -> memref<3200xf32, #tpu.memory_space<hbm>>
    %dma_start3A_71 = arith.constant 0 : i32
    %dma_start3A_72 = tpu.memref_slice %arg7[%dma_start3A_65, %dma_start3A_71] : memref<32x3200xf32, #tpu.memory_space<vmem>> -> memref<1x3200xf32, #tpu.memory_space<vmem>>
    %dma_start3A_73 = tpu.memref_squeeze %dma_start3A_72 : memref<1x3200xf32, #tpu.memory_space<vmem>> -> memref<3200xf32, #tpu.memory_space<vmem>>
    %dma_start3A_74 = tpu.memref_slice %arg3[%dma_start3A_64, %mul3A_2] : memref<32x102400xf32, #tpu.memory_space<hbm>> -> memref<1x3200xf32, #tpu.memory_space<hbm>>
    %dma_start3A_75 = tpu.memref_squeeze %dma_start3A_74 : memref<1x3200xf32, #tpu.memory_space<hbm>> -> memref<3200xf32, #tpu.memory_space<hbm>>
    tpu.enqueue_dma source(%dma_start3A_75 : memref<3200xf32, #tpu.memory_space<hbm>>) target(%dma_start3A_73 : memref<3200xf32, #tpu.memory_space<vmem>>) target_semaphore(%arg12 : memref<!tpu.dma_semaphore, #tpu.memory_space<semaphore_mem>>)
    %dma_start3A_76 = arith.constant 6 : i32
    %dma_start3A_77 = arith.constant 6 : i32
    %dma_start3A_78 = arith.constant 0 : i32
    %dma_start3A_79 = tpu.memref_slice %arg7[%dma_start3A_77, %dma_start3A_78] : memref<32x3200xf32, #tpu.memory_space<vmem>> -> memref<1x3200xf32, #tpu.memory_space<vmem>>
    %dma_start3A_80 = tpu.memref_squeeze %dma_start3A_79 : memref<1x3200xf32, #tpu.memory_space<vmem>> -> memref<3200xf32, #tpu.memory_space<vmem>>
    %dma_start3A_81 = tpu.memref_slice %arg3[%dma_start3A_76, %mul3A_2] : memref<32x102400xf32, #tpu.memory_space<hbm>> -> memref<1x3200xf32, #tpu.memory_space<hbm>>
    %dma_start3A_82 = tpu.memref_squeeze %dma_start3A_81 : memref<1x3200xf32, #tpu.memory_space<hbm>> -> memref<3200xf32, #tpu.memory_space<hbm>>
    %dma_start3A_83 = arith.constant 0 : i32
    %dma_start3A_84 = tpu.memref_slice %arg7[%dma_start3A_77, %dma_start3A_83] : memref<32x3200xf32, #tpu.memory_space<vmem>> -> memref<1x3200xf32, #tpu.memory_space<vmem>>
    %dma_start3A_85 = tpu.memref_squeeze %dma_start3A_84 : memref<1x3200xf32, #tpu.memory_space<vmem>> -> memref<3200xf32, #tpu.memory_space<vmem>>
    %dma_start3A_86 = tpu.memref_slice %arg3[%dma_start3A_76, %mul3A_2] : memref<32x102400xf32, #tpu.memory_space<hbm>> -> memref<1x3200xf32, #tpu.memory_space<hbm>>
    %dma_start3A_87 = tpu.memref_squeeze %dma_start3A_86 : memref<1x3200xf32, #tpu.memory_space<hbm>> -> memref<3200xf32, #tpu.memory_space<hbm>>
    tpu.enqueue_dma source(%dma_start3A_87 : memref<3200xf32, #tpu.memory_space<hbm>>) target(%dma_start3A_85 : memref<3200xf32, #tpu.memory_space<vmem>>) target_semaphore(%arg12 : memref<!tpu.dma_semaphore, #tpu.memory_space<semaphore_mem>>)
    %dma_start3A_88 = arith.constant 7 : i32
    %dma_start3A_89 = arith.constant 7 : i32
    %dma_start3A_90 = arith.constant 0 : i32
    %dma_start3A_91 = tpu.memref_slice %arg7[%dma_start3A_89, %dma_start3A_90] : memref<32x3200xf32, #tpu.memory_space<vmem>> -> memref<1x3200xf32, #tpu.memory_space<vmem>>
    %dma_start3A_92 = tpu.memref_squeeze %dma_start3A_91 : memref<1x3200xf32, #tpu.memory_space<vmem>> -> memref<3200xf32, #tpu.memory_space<vmem>>
    %dma_start3A_93 = tpu.memref_slice %arg3[%dma_start3A_88, %mul3A_2] : memref<32x102400xf32, #tpu.memory_space<hbm>> -> memref<1x3200xf32, #tpu.memory_space<hbm>>
    %dma_start3A_94 = tpu.memref_squeeze %dma_start3A_93 : memref<1x3200xf32, #tpu.memory_space<hbm>> -> memref<3200xf32, #tpu.memory_space<hbm>>
    %dma_start3A_95 = arith.constant 0 : i32
    %dma_start3A_96 = tpu.memref_slice %arg7[%dma_start3A_89, %dma_start3A_95] : memref<32x3200xf32, #tpu.memory_space<vmem>> -> memref<1x3200xf32, #tpu.memory_space<vmem>>
    %dma_start3A_97 = tpu.memref_squeeze %dma_start3A_96 : memref<1x3200xf32, #tpu.memory_space<vmem>> -> memref<3200xf32, #tpu.memory_space<vmem>>
    %dma_start3A_98 = tpu.memref_slice %arg3[%dma_start3A_88, %mul3A_2] : memref<32x102400xf32, #tpu.memory_space<hbm>> -> memref<1x3200xf32, #tpu.memory_space<hbm>>
    %dma_start3A_99 = tpu.memref_squeeze %dma_start3A_98 : memref<1x3200xf32, #tpu.memory_space<hbm>> -> memref<3200xf32, #tpu.memory_space<hbm>>
    tpu.enqueue_dma source(%dma_start3A_99 : memref<3200xf32, #tpu.memory_space<hbm>>) target(%dma_start3A_97 : memref<3200xf32, #tpu.memory_space<vmem>>) target_semaphore(%arg12 : memref<!tpu.dma_semaphore, #tpu.memory_space<semaphore_mem>>)
    %dma_start3A_100 = arith.constant 8 : i32
    %dma_start3A_101 = arith.constant 8 : i32
    %dma_start3A_102 = arith.constant 0 : i32
    %dma_start3A_103 = tpu.memref_slice %arg7[%dma_start3A_101, %dma_start3A_102] : memref<32x3200xf32, #tpu.memory_space<vmem>> -> memref<1x3200xf32, #tpu.memory_space<vmem>>
    %dma_start3A_104 = tpu.memref_squeeze %dma_start3A_103 : memref<1x3200xf32, #tpu.memory_space<vmem>> -> memref<3200xf32, #tpu.memory_space<vmem>>
    %dma_start3A_105 = tpu.memref_slice %arg3[%dma_start3A_100, %mul3A_2] : memref<32x102400xf32, #tpu.memory_space<hbm>> -> memref<1x3200xf32, #tpu.memory_space<hbm>>
    %dma_start3A_106 = tpu.memref_squeeze %dma_start3A_105 : memref<1x3200xf32, #tpu.memory_space<hbm>> -> memref<3200xf32, #tpu.memory_space<hbm>>
    %dma_start3A_107 = arith.constant 0 : i32
    %dma_start3A_108 = tpu.memref_slice %arg7[%dma_start3A_101, %dma_start3A_107] : memref<32x3200xf32, #tpu.memory_space<vmem>> -> memref<1x3200xf32, #tpu.memory_space<vmem>>
    %dma_start3A_109 = tpu.memref_squeeze %dma_start3A_108 : memref<1x3200xf32, #tpu.memory_space<vmem>> -> memref<3200xf32, #tpu.memory_space<vmem>>
    %dma_start3A_110 = tpu.memref_slice %arg3[%dma_start3A_100, %mul3A_2] : memref<32x102400xf32, #tpu.memory_space<hbm>> -> memref<1x3200xf32, #tpu.memory_space<hbm>>
    %dma_start3A_111 = tpu.memref_squeeze %dma_start3A_110 : memref<1x3200xf32, #tpu.memory_space<hbm>> -> memref<3200xf32, #tpu.memory_space<hbm>>
    tpu.enqueue_dma source(%dma_start3A_111 : memref<3200xf32, #tpu.memory_space<hbm>>) target(%dma_start3A_109 : memref<3200xf32, #tpu.memory_space<vmem>>) target_semaphore(%arg12 : memref<!tpu.dma_semaphore, #tpu.memory_space<semaphore_mem>>)
    %dma_start3A_112 = arith.constant 9 : i32
    %dma_start3A_113 = arith.constant 9 : i32
    %dma_start3A_114 = arith.constant 0 : i32
    %dma_start3A_115 = tpu.memref_slice %arg7[%dma_start3A_113, %dma_start3A_114] : memref<32x3200xf32, #tpu.memory_space<vmem>> -> memref<1x3200xf32, #tpu.memory_space<vmem>>
    %dma_start3A_116 = tpu.memref_squeeze %dma_start3A_115 : memref<1x3200xf32, #tpu.memory_space<vmem>> -> memref<3200xf32, #tpu.memory_space<vmem>>
    %dma_start3A_117 = tpu.memref_slice %arg3[%dma_start3A_112, %mul3A_2] : memref<32x102400xf32, #tpu.memory_space<hbm>> -> memref<1x3200xf32, #tpu.memory_space<hbm>>
    %dma_start3A_118 = tpu.memref_squeeze %dma_start3A_117 : memref<1x3200xf32, #tpu.memory_space<hbm>> -> memref<3200xf32, #tpu.memory_space<hbm>>
    %dma_start3A_119 = arith.constant 0 : i32
    %dma_start3A_120 = tpu.memref_slice %arg7[%dma_start3A_113, %dma_start3A_119] : memref<32x3200xf32, #tpu.memory_space<vmem>> -> memref<1x3200xf32, #tpu.memory_space<vmem>>
    %dma_start3A_121 = tpu.memref_squeeze %dma_start3A_120 : memref<1x3200xf32, #tpu.memory_space<vmem>> -> memref<3200xf32, #tpu.memory_space<vmem>>
    %dma_start3A_122 = tpu.memref_slice %arg3[%dma_start3A_112, %mul3A_2] : memref<32x102400xf32, #tpu.memory_space<hbm>> -> memref<1x3200xf32, #tpu.memory_space<hbm>>
    %dma_start3A_123 = tpu.memref_squeeze %dma_start3A_122 : memref<1x3200xf32, #tpu.memory_space<hbm>> -> memref<3200xf32, #tpu.memory_space<hbm>>
    tpu.enqueue_dma source(%dma_start3A_123 : memref<3200xf32, #tpu.memory_space<hbm>>) target(%dma_start3A_121 : memref<3200xf32, #tpu.memory_space<vmem>>) target_semaphore(%arg12 : memref<!tpu.dma_semaphore, #tpu.memory_space<semaphore_mem>>)
    %dma_start3A_124 = arith.constant 10 : i32
    %dma_start3A_125 = arith.constant 10 : i32
    %dma_start3A_126 = arith.constant 0 : i32
    %dma_start3A_127 = tpu.memref_slice %arg7[%dma_start3A_125, %dma_start3A_126] : memref<32x3200xf32, #tpu.memory_space<vmem>> -> memref<1x3200xf32, #tpu.memory_space<vmem>>
    %dma_start3A_128 = tpu.memref_squeeze %dma_start3A_127 : memref<1x3200xf32, #tpu.memory_space<vmem>> -> memref<3200xf32, #tpu.memory_space<vmem>>
    %dma_start3A_129 = tpu.memref_slice %arg3[%dma_start3A_124, %mul3A_2] : memref<32x102400xf32, #tpu.memory_space<hbm>> -> memref<1x3200xf32, #tpu.memory_space<hbm>>
    %dma_start3A_130 = tpu.memref_squeeze %dma_start3A_129 : memref<1x3200xf32, #tpu.memory_space<hbm>> -> memref<3200xf32, #tpu.memory_space<hbm>>
    %dma_start3A_131 = arith.constant 0 : i32
    %dma_start3A_132 = tpu.memref_slice %arg7[%dma_start3A_125, %dma_start3A_131] : memref<32x3200xf32, #tpu.memory_space<vmem>> -> memref<1x3200xf32, #tpu.memory_space<vmem>>
    %dma_start3A_133 = tpu.memref_squeeze %dma_start3A_132 : memref<1x3200xf32, #tpu.memory_space<vmem>> -> memref<3200xf32, #tpu.memory_space<vmem>>
    %dma_start3A_134 = tpu.memref_slice %arg3[%dma_start3A_124, %mul3A_2] : memref<32x102400xf32, #tpu.memory_space<hbm>> -> memref<1x3200xf32, #tpu.memory_space<hbm>>
    %dma_start3A_135 = tpu.memref_squeeze %dma_start3A_134 : memref<1x3200xf32, #tpu.memory_space<hbm>> -> memref<3200xf32, #tpu.memory_space<hbm>>
    tpu.enqueue_dma source(%dma_start3A_135 : memref<3200xf32, #tpu.memory_space<hbm>>) target(%dma_start3A_133 : memref<3200xf32, #tpu.memory_space<vmem>>) target_semaphore(%arg12 : memref<!tpu.dma_semaphore, #tpu.memory_space<semaphore_mem>>)
    %dma_start3A_136 = arith.constant 11 : i32
    %dma_start3A_137 = arith.constant 11 : i32
    %dma_start3A_138 = arith.constant 0 : i32
    %dma_start3A_139 = tpu.memref_slice %arg7[%dma_start3A_137, %dma_start3A_138] : memref<32x3200xf32, #tpu.memory_space<vmem>> -> memref<1x3200xf32, #tpu.memory_space<vmem>>
    %dma_start3A_140 = tpu.memref_squeeze %dma_start3A_139 : memref<1x3200xf32, #tpu.memory_space<vmem>> -> memref<3200xf32, #tpu.memory_space<vmem>>
    %dma_start3A_141 = tpu.memref_slice %arg3[%dma_start3A_136, %mul3A_2] : memref<32x102400xf32, #tpu.memory_space<hbm>> -> memref<1x3200xf32, #tpu.memory_space<hbm>>
    %dma_start3A_142 = tpu.memref_squeeze %dma_start3A_141 : memref<1x3200xf32, #tpu.memory_space<hbm>> -> memref<3200xf32, #tpu.memory_space<hbm>>
    %dma_start3A_143 = arith.constant 0 : i32
    %dma_start3A_144 = tpu.memref_slice %arg7[%dma_start3A_137, %dma_start3A_143] : memref<32x3200xf32, #tpu.memory_space<vmem>> -> memref<1x3200xf32, #tpu.memory_space<vmem>>
    %dma_start3A_145 = tpu.memref_squeeze %dma_start3A_144 : memref<1x3200xf32, #tpu.memory_space<vmem>> -> memref<3200xf32, #tpu.memory_space<vmem>>
    %dma_start3A_146 = tpu.memref_slice %arg3[%dma_start3A_136, %mul3A_2] : memref<32x102400xf32, #tpu.memory_space<hbm>> -> memref<1x3200xf32, #tpu.memory_space<hbm>>
    %dma_start3A_147 = tpu.memref_squeeze %dma_start3A_146 : memref<1x3200xf32, #tpu.memory_space<hbm>> -> memref<3200xf32, #tpu.memory_space<hbm>>
    tpu.enqueue_dma source(%dma_start3A_147 : memref<3200xf32, #tpu.memory_space<hbm>>) target(%dma_start3A_145 : memref<3200xf32, #tpu.memory_space<vmem>>) target_semaphore(%arg12 : memref<!tpu.dma_semaphore, #tpu.memory_space<semaphore_mem>>)
    %dma_start3A_148 = arith.constant 12 : i32
    %dma_start3A_149 = arith.constant 12 : i32
    %dma_start3A_150 = arith.constant 0 : i32
    %dma_start3A_151 = tpu.memref_slice %arg7[%dma_start3A_149, %dma_start3A_150] : memref<32x3200xf32, #tpu.memory_space<vmem>> -> memref<1x3200xf32, #tpu.memory_space<vmem>>
    %dma_start3A_152 = tpu.memref_squeeze %dma_start3A_151 : memref<1x3200xf32, #tpu.memory_space<vmem>> -> memref<3200xf32, #tpu.memory_space<vmem>>
    %dma_start3A_153 = tpu.memref_slice %arg3[%dma_start3A_148, %mul3A_2] : memref<32x102400xf32, #tpu.memory_space<hbm>> -> memref<1x3200xf32, #tpu.memory_space<hbm>>
    %dma_start3A_154 = tpu.memref_squeeze %dma_start3A_153 : memref<1x3200xf32, #tpu.memory_space<hbm>> -> memref<3200xf32, #tpu.memory_space<hbm>>
    %dma_start3A_155 = arith.constant 0 : i32
    %dma_start3A_156 = tpu.memref_slice %arg7[%dma_start3A_149, %dma_start3A_155] : memref<32x3200xf32, #tpu.memory_space<vmem>> -> memref<1x3200xf32, #tpu.memory_space<vmem>>
    %dma_start3A_157 = tpu.memref_squeeze %dma_start3A_156 : memref<1x3200xf32, #tpu.memory_space<vmem>> -> memref<3200xf32, #tpu.memory_space<vmem>>
    %dma_start3A_158 = tpu.memref_slice %arg3[%dma_start3A_148, %mul3A_2] : memref<32x102400xf32, #tpu.memory_space<hbm>> -> memref<1x3200xf32, #tpu.memory_space<hbm>>
    %dma_start3A_159 = tpu.memref_squeeze %dma_start3A_158 : memref<1x3200xf32, #tpu.memory_space<hbm>> -> memref<3200xf32, #tpu.memory_space<hbm>>
    tpu.enqueue_dma source(%dma_start3A_159 : memref<3200xf32, #tpu.memory_space<hbm>>) target(%dma_start3A_157 : memref<3200xf32, #tpu.memory_space<vmem>>) target_semaphore(%arg12 : memref<!tpu.dma_semaphore, #tpu.memory_space<semaphore_mem>>)
    %dma_start3A_160 = arith.constant 13 : i32
    %dma_start3A_161 = arith.constant 13 : i32
    %dma_start3A_162 = arith.constant 0 : i32
    %dma_start3A_163 = tpu.memref_slice %arg7[%dma_start3A_161, %dma_start3A_162] : memref<32x3200xf32, #tpu.memory_space<vmem>> -> memref<1x3200xf32, #tpu.memory_space<vmem>>
    %dma_start3A_164 = tpu.memref_squeeze %dma_start3A_163 : memref<1x3200xf32, #tpu.memory_space<vmem>> -> memref<3200xf32, #tpu.memory_space<vmem>>
    %dma_start3A_165 = tpu.memref_slice %arg3[%dma_start3A_160, %mul3A_2] : memref<32x102400xf32, #tpu.memory_space<hbm>> -> memref<1x3200xf32, #tpu.memory_space<hbm>>
    %dma_start3A_166 = tpu.memref_squeeze %dma_start3A_165 : memref<1x3200xf32, #tpu.memory_space<hbm>> -> memref<3200xf32, #tpu.memory_space<hbm>>
    %dma_start3A_167 = arith.constant 0 : i32
    %dma_start3A_168 = tpu.memref_slice %arg7[%dma_start3A_161, %dma_start3A_167] : memref<32x3200xf32, #tpu.memory_space<vmem>> -> memref<1x3200xf32, #tpu.memory_space<vmem>>
    %dma_start3A_169 = tpu.memref_squeeze %dma_start3A_168 : memref<1x3200xf32, #tpu.memory_space<vmem>> -> memref<3200xf32, #tpu.memory_space<vmem>>
    %dma_start3A_170 = tpu.memref_slice %arg3[%dma_start3A_160, %mul3A_2] : memref<32x102400xf32, #tpu.memory_space<hbm>> -> memref<1x3200xf32, #tpu.memory_space<hbm>>
    %dma_start3A_171 = tpu.memref_squeeze %dma_start3A_170 : memref<1x3200xf32, #tpu.memory_space<hbm>> -> memref<3200xf32, #tpu.memory_space<hbm>>
    tpu.enqueue_dma source(%dma_start3A_171 : memref<3200xf32, #tpu.memory_space<hbm>>) target(%dma_start3A_169 : memref<3200xf32, #tpu.memory_space<vmem>>) target_semaphore(%arg12 : memref<!tpu.dma_semaphore, #tpu.memory_space<semaphore_mem>>)
    %dma_start3A_172 = arith.constant 14 : i32
    %dma_start3A_173 = arith.constant 14 : i32
    %dma_start3A_174 = arith.constant 0 : i32
    %dma_start3A_175 = tpu.memref_slice %arg7[%dma_start3A_173, %dma_start3A_174] : memref<32x3200xf32, #tpu.memory_space<vmem>> -> memref<1x3200xf32, #tpu.memory_space<vmem>>
    %dma_start3A_176 = tpu.memref_squeeze %dma_start3A_175 : memref<1x3200xf32, #tpu.memory_space<vmem>> -> memref<3200xf32, #tpu.memory_space<vmem>>
    %dma_start3A_177 = tpu.memref_slice %arg3[%dma_start3A_172, %mul3A_2] : memref<32x102400xf32, #tpu.memory_space<hbm>> -> memref<1x3200xf32, #tpu.memory_space<hbm>>
    %dma_start3A_178 = tpu.memref_squeeze %dma_start3A_177 : memref<1x3200xf32, #tpu.memory_space<hbm>> -> memref<3200xf32, #tpu.memory_space<hbm>>
    %dma_start3A_179 = arith.constant 0 : i32
    %dma_start3A_180 = tpu.memref_slice %arg7[%dma_start3A_173, %dma_start3A_179] : memref<32x3200xf32, #tpu.memory_space<vmem>> -> memref<1x3200xf32, #tpu.memory_space<vmem>>
    %dma_start3A_181 = tpu.memref_squeeze %dma_start3A_180 : memref<1x3200xf32, #tpu.memory_space<vmem>> -> memref<3200xf32, #tpu.memory_space<vmem>>
    %dma_start3A_182 = tpu.memref_slice %arg3[%dma_start3A_172, %mul3A_2] : memref<32x102400xf32, #tpu.memory_space<hbm>> -> memref<1x3200xf32, #tpu.memory_space<hbm>>
    %dma_start3A_183 = tpu.memref_squeeze %dma_start3A_182 : memref<1x3200xf32, #tpu.memory_space<hbm>> -> memref<3200xf32, #tpu.memory_space<hbm>>
    tpu.enqueue_dma source(%dma_start3A_183 : memref<3200xf32, #tpu.memory_space<hbm>>) target(%dma_start3A_181 : memref<3200xf32, #tpu.memory_space<vmem>>) target_semaphore(%arg12 : memref<!tpu.dma_semaphore, #tpu.memory_space<semaphore_mem>>)
    %dma_start3A_184 = arith.constant 15 : i32
    %dma_start3A_185 = arith.constant 15 : i32
    %dma_start3A_186 = arith.constant 0 : i32
    %dma_start3A_187 = tpu.memref_slice %arg7[%dma_start3A_185, %dma_start3A_186] : memref<32x3200xf32, #tpu.memory_space<vmem>> -> memref<1x3200xf32, #tpu.memory_space<vmem>>
    %dma_start3A_188 = tpu.memref_squeeze %dma_start3A_187 : memref<1x3200xf32, #tpu.memory_space<vmem>> -> memref<3200xf32, #tpu.memory_space<vmem>>
    %dma_start3A_189 = tpu.memref_slice %arg3[%dma_start3A_184, %mul3A_2] : memref<32x102400xf32, #tpu.memory_space<hbm>> -> memref<1x3200xf32, #tpu.memory_space<hbm>>
    %dma_start3A_190 = tpu.memref_squeeze %dma_start3A_189 : memref<1x3200xf32, #tpu.memory_space<hbm>> -> memref<3200xf32, #tpu.memory_space<hbm>>
    %dma_start3A_191 = arith.constant 0 : i32
    %dma_start3A_192 = tpu.memref_slice %arg7[%dma_start3A_185, %dma_start3A_191] : memref<32x3200xf32, #tpu.memory_space<vmem>> -> memref<1x3200xf32, #tpu.memory_space<vmem>>
    %dma_start3A_193 = tpu.memref_squeeze %dma_start3A_192 : memref<1x3200xf32, #tpu.memory_space<vmem>> -> memref<3200xf32, #tpu.memory_space<vmem>>
    %dma_start3A_194 = tpu.memref_slice %arg3[%dma_start3A_184, %mul3A_2] : memref<32x102400xf32, #tpu.memory_space<hbm>> -> memref<1x3200xf32, #tpu.memory_space<hbm>>
    %dma_start3A_195 = tpu.memref_squeeze %dma_start3A_194 : memref<1x3200xf32, #tpu.memory_space<hbm>> -> memref<3200xf32, #tpu.memory_space<hbm>>
    tpu.enqueue_dma source(%dma_start3A_195 : memref<3200xf32, #tpu.memory_space<hbm>>) target(%dma_start3A_193 : memref<3200xf32, #tpu.memory_space<vmem>>) target_semaphore(%arg12 : memref<!tpu.dma_semaphore, #tpu.memory_space<semaphore_mem>>)
    %dma_start3A_196 = arith.constant 16 : i32
    %dma_start3A_197 = arith.constant 16 : i32
    %dma_start3A_198 = arith.constant 0 : i32
    %dma_start3A_199 = tpu.memref_slice %arg7[%dma_start3A_197, %dma_start3A_198] : memref<32x3200xf32, #tpu.memory_space<vmem>> -> memref<1x3200xf32, #tpu.memory_space<vmem>>
    %dma_start3A_200 = tpu.memref_squeeze %dma_start3A_199 : memref<1x3200xf32, #tpu.memory_space<vmem>> -> memref<3200xf32, #tpu.memory_space<vmem>>
    %dma_start3A_201 = tpu.memref_slice %arg3[%dma_start3A_196, %mul3A_2] : memref<32x102400xf32, #tpu.memory_space<hbm>> -> memref<1x3200xf32, #tpu.memory_space<hbm>>
    %dma_start3A_202 = tpu.memref_squeeze %dma_start3A_201 : memref<1x3200xf32, #tpu.memory_space<hbm>> -> memref<3200xf32, #tpu.memory_space<hbm>>
    %dma_start3A_203 = arith.constant 0 : i32
    %dma_start3A_204 = tpu.memref_slice %arg7[%dma_start3A_197, %dma_start3A_203] : memref<32x3200xf32, #tpu.memory_space<vmem>> -> memref<1x3200xf32, #tpu.memory_space<vmem>>
    %dma_start3A_205 = tpu.memref_squeeze %dma_start3A_204 : memref<1x3200xf32, #tpu.memory_space<vmem>> -> memref<3200xf32, #tpu.memory_space<vmem>>
    %dma_start3A_206 = tpu.memref_slice %arg3[%dma_start3A_196, %mul3A_2] : memref<32x102400xf32, #tpu.memory_space<hbm>> -> memref<1x3200xf32, #tpu.memory_space<hbm>>
    %dma_start3A_207 = tpu.memref_squeeze %dma_start3A_206 : memref<1x3200xf32, #tpu.memory_space<hbm>> -> memref<3200xf32, #tpu.memory_space<hbm>>
    tpu.enqueue_dma source(%dma_start3A_207 : memref<3200xf32, #tpu.memory_space<hbm>>) target(%dma_start3A_205 : memref<3200xf32, #tpu.memory_space<vmem>>) target_semaphore(%arg12 : memref<!tpu.dma_semaphore, #tpu.memory_space<semaphore_mem>>)
    %dma_start3A_208 = arith.constant 17 : i32
    %dma_start3A_209 = arith.constant 17 : i32
    %dma_start3A_210 = arith.constant 0 : i32
    %dma_start3A_211 = tpu.memref_slice %arg7[%dma_start3A_209, %dma_start3A_210] : memref<32x3200xf32, #tpu.memory_space<vmem>> -> memref<1x3200xf32, #tpu.memory_space<vmem>>
    %dma_start3A_212 = tpu.memref_squeeze %dma_start3A_211 : memref<1x3200xf32, #tpu.memory_space<vmem>> -> memref<3200xf32, #tpu.memory_space<vmem>>
    %dma_start3A_213 = tpu.memref_slice %arg3[%dma_start3A_208, %mul3A_2] : memref<32x102400xf32, #tpu.memory_space<hbm>> -> memref<1x3200xf32, #tpu.memory_space<hbm>>
    %dma_start3A_214 = tpu.memref_squeeze %dma_start3A_213 : memref<1x3200xf32, #tpu.memory_space<hbm>> -> memref<3200xf32, #tpu.memory_space<hbm>>
    %dma_start3A_215 = arith.constant 0 : i32
    %dma_start3A_216 = tpu.memref_slice %arg7[%dma_start3A_209, %dma_start3A_215] : memref<32x3200xf32, #tpu.memory_space<vmem>> -> memref<1x3200xf32, #tpu.memory_space<vmem>>
    %dma_start3A_217 = tpu.memref_squeeze %dma_start3A_216 : memref<1x3200xf32, #tpu.memory_space<vmem>> -> memref<3200xf32, #tpu.memory_space<vmem>>
    %dma_start3A_218 = tpu.memref_slice %arg3[%dma_start3A_208, %mul3A_2] : memref<32x102400xf32, #tpu.memory_space<hbm>> -> memref<1x3200xf32, #tpu.memory_space<hbm>>
    %dma_start3A_219 = tpu.memref_squeeze %dma_start3A_218 : memref<1x3200xf32, #tpu.memory_space<hbm>> -> memref<3200xf32, #tpu.memory_space<hbm>>
    tpu.enqueue_dma source(%dma_start3A_219 : memref<3200xf32, #tpu.memory_space<hbm>>) target(%dma_start3A_217 : memref<3200xf32, #tpu.memory_space<vmem>>) target_semaphore(%arg12 : memref<!tpu.dma_semaphore, #tpu.memory_space<semaphore_mem>>)
    %dma_start3A_220 = arith.constant 18 : i32
    %dma_start3A_221 = arith.constant 18 : i32
    %dma_start3A_222 = arith.constant 0 : i32
    %dma_start3A_223 = tpu.memref_slice %arg7[%dma_start3A_221, %dma_start3A_222] : memref<32x3200xf32, #tpu.memory_space<vmem>> -> memref<1x3200xf32, #tpu.memory_space<vmem>>
    %dma_start3A_224 = tpu.memref_squeeze %dma_start3A_223 : memref<1x3200xf32, #tpu.memory_space<vmem>> -> memref<3200xf32, #tpu.memory_space<vmem>>
    %dma_start3A_225 = tpu.memref_slice %arg3[%dma_start3A_220, %mul3A_2] : memref<32x102400xf32, #tpu.memory_space<hbm>> -> memref<1x3200xf32, #tpu.memory_space<hbm>>
    %dma_start3A_226 = tpu.memref_squeeze %dma_start3A_225 : memref<1x3200xf32, #tpu.memory_space<hbm>> -> memref<3200xf32, #tpu.memory_space<hbm>>
    %dma_start3A_227 = arith.constant 0 : i32
    %dma_start3A_228 = tpu.memref_slice %arg7[%dma_start3A_221, %dma_start3A_227] : memref<32x3200xf32, #tpu.memory_space<vmem>> -> memref<1x3200xf32, #tpu.memory_space<vmem>>
    %dma_start3A_229 = tpu.memref_squeeze %dma_start3A_228 : memref<1x3200xf32, #tpu.memory_space<vmem>> -> memref<3200xf32, #tpu.memory_space<vmem>>
    %dma_start3A_230 = tpu.memref_slice %arg3[%dma_start3A_220, %mul3A_2] : memref<32x102400xf32, #tpu.memory_space<hbm>> -> memref<1x3200xf32, #tpu.memory_space<hbm>>
    %dma_start3A_231 = tpu.memref_squeeze %dma_start3A_230 : memref<1x3200xf32, #tpu.memory_space<hbm>> -> memref<3200xf32, #tpu.memory_space<hbm>>
    tpu.enqueue_dma source(%dma_start3A_231 : memref<3200xf32, #tpu.memory_space<hbm>>) target(%dma_start3A_229 : memref<3200xf32, #tpu.memory_space<vmem>>) target_semaphore(%arg12 : memref<!tpu.dma_semaphore, #tpu.memory_space<semaphore_mem>>)
    %dma_start3A_232 = arith.constant 19 : i32
    %dma_start3A_233 = arith.constant 19 : i32
    %dma_start3A_234 = arith.constant 0 : i32
    %dma_start3A_235 = tpu.memref_slice %arg7[%dma_start3A_233, %dma_start3A_234] : memref<32x3200xf32, #tpu.memory_space<vmem>> -> memref<1x3200xf32, #tpu.memory_space<vmem>>
    %dma_start3A_236 = tpu.memref_squeeze %dma_start3A_235 : memref<1x3200xf32, #tpu.memory_space<vmem>> -> memref<3200xf32, #tpu.memory_space<vmem>>
    %dma_start3A_237 = tpu.memref_slice %arg3[%dma_start3A_232, %mul3A_2] : memref<32x102400xf32, #tpu.memory_space<hbm>> -> memref<1x3200xf32, #tpu.memory_space<hbm>>
    %dma_start3A_238 = tpu.memref_squeeze %dma_start3A_237 : memref<1x3200xf32, #tpu.memory_space<hbm>> -> memref<3200xf32, #tpu.memory_space<hbm>>
    %dma_start3A_239 = arith.constant 0 : i32
    %dma_start3A_240 = tpu.memref_slice %arg7[%dma_start3A_233, %dma_start3A_239] : memref<32x3200xf32, #tpu.memory_space<vmem>> -> memref<1x3200xf32, #tpu.memory_space<vmem>>
    %dma_start3A_241 = tpu.memref_squeeze %dma_start3A_240 : memref<1x3200xf32, #tpu.memory_space<vmem>> -> memref<3200xf32, #tpu.memory_space<vmem>>
    %dma_start3A_242 = tpu.memref_slice %arg3[%dma_start3A_232, %mul3A_2] : memref<32x102400xf32, #tpu.memory_space<hbm>> -> memref<1x3200xf32, #tpu.memory_space<hbm>>
    %dma_start3A_243 = tpu.memref_squeeze %dma_start3A_242 : memref<1x3200xf32, #tpu.memory_space<hbm>> -> memref<3200xf32, #tpu.memory_space<hbm>>
    tpu.enqueue_dma source(%dma_start3A_243 : memref<3200xf32, #tpu.memory_space<hbm>>) target(%dma_start3A_241 : memref<3200xf32, #tpu.memory_space<vmem>>) target_semaphore(%arg12 : memref<!tpu.dma_semaphore, #tpu.memory_space<semaphore_mem>>)
    %dma_start3A_244 = arith.constant 20 : i32
    %dma_start3A_245 = arith.constant 20 : i32
    %dma_start3A_246 = arith.constant 0 : i32
    %dma_start3A_247 = tpu.memref_slice %arg7[%dma_start3A_245, %dma_start3A_246] : memref<32x3200xf32, #tpu.memory_space<vmem>> -> memref<1x3200xf32, #tpu.memory_space<vmem>>
    %dma_start3A_248 = tpu.memref_squeeze %dma_start3A_247 : memref<1x3200xf32, #tpu.memory_space<vmem>> -> memref<3200xf32, #tpu.memory_space<vmem>>
    %dma_start3A_249 = tpu.memref_slice %arg3[%dma_start3A_244, %mul3A_2] : memref<32x102400xf32, #tpu.memory_space<hbm>> -> memref<1x3200xf32, #tpu.memory_space<hbm>>
    %dma_start3A_250 = tpu.memref_squeeze %dma_start3A_249 : memref<1x3200xf32, #tpu.memory_space<hbm>> -> memref<3200xf32, #tpu.memory_space<hbm>>
    %dma_start3A_251 = arith.constant 0 : i32
    %dma_start3A_252 = tpu.memref_slice %arg7[%dma_start3A_245, %dma_start3A_251] : memref<32x3200xf32, #tpu.memory_space<vmem>> -> memref<1x3200xf32, #tpu.memory_space<vmem>>
    %dma_start3A_253 = tpu.memref_squeeze %dma_start3A_252 : memref<1x3200xf32, #tpu.memory_space<vmem>> -> memref<3200xf32, #tpu.memory_space<vmem>>
    %dma_start3A_254 = tpu.memref_slice %arg3[%dma_start3A_244, %mul3A_2] : memref<32x102400xf32, #tpu.memory_space<hbm>> -> memref<1x3200xf32, #tpu.memory_space<hbm>>
    %dma_start3A_255 = tpu.memref_squeeze %dma_start3A_254 : memref<1x3200xf32, #tpu.memory_space<hbm>> -> memref<3200xf32, #tpu.memory_space<hbm>>
    tpu.enqueue_dma source(%dma_start3A_255 : memref<3200xf32, #tpu.memory_space<hbm>>) target(%dma_start3A_253 : memref<3200xf32, #tpu.memory_space<vmem>>) target_semaphore(%arg12 : memref<!tpu.dma_semaphore, #tpu.memory_space<semaphore_mem>>)
    %dma_start3A_256 = arith.constant 21 : i32
    %dma_start3A_257 = arith.constant 21 : i32
    %dma_start3A_258 = arith.constant 0 : i32
    %dma_start3A_259 = tpu.memref_slice %arg7[%dma_start3A_257, %dma_start3A_258] : memref<32x3200xf32, #tpu.memory_space<vmem>> -> memref<1x3200xf32, #tpu.memory_space<vmem>>
    %dma_start3A_260 = tpu.memref_squeeze %dma_start3A_259 : memref<1x3200xf32, #tpu.memory_space<vmem>> -> memref<3200xf32, #tpu.memory_space<vmem>>
    %dma_start3A_261 = tpu.memref_slice %arg3[%dma_start3A_256, %mul3A_2] : memref<32x102400xf32, #tpu.memory_space<hbm>> -> memref<1x3200xf32, #tpu.memory_space<hbm>>
    %dma_start3A_262 = tpu.memref_squeeze %dma_start3A_261 : memref<1x3200xf32, #tpu.memory_space<hbm>> -> memref<3200xf32, #tpu.memory_space<hbm>>
    %dma_start3A_263 = arith.constant 0 : i32
    %dma_start3A_264 = tpu.memref_slice %arg7[%dma_start3A_257, %dma_start3A_263] : memref<32x3200xf32, #tpu.memory_space<vmem>> -> memref<1x3200xf32, #tpu.memory_space<vmem>>
    %dma_start3A_265 = tpu.memref_squeeze %dma_start3A_264 : memref<1x3200xf32, #tpu.memory_space<vmem>> -> memref<3200xf32, #tpu.memory_space<vmem>>
    %dma_start3A_266 = tpu.memref_slice %arg3[%dma_start3A_256, %mul3A_2] : memref<32x102400xf32, #tpu.memory_space<hbm>> -> memref<1x3200xf32, #tpu.memory_space<hbm>>
    %dma_start3A_267 = tpu.memref_squeeze %dma_start3A_266 : memref<1x3200xf32, #tpu.memory_space<hbm>> -> memref<3200xf32, #tpu.memory_space<hbm>>
    tpu.enqueue_dma source(%dma_start3A_267 : memref<3200xf32, #tpu.memory_space<hbm>>) target(%dma_start3A_265 : memref<3200xf32, #tpu.memory_space<vmem>>) target_semaphore(%arg12 : memref<!tpu.dma_semaphore, #tpu.memory_space<semaphore_mem>>)
    %dma_start3A_268 = arith.constant 22 : i32
    %dma_start3A_269 = arith.constant 22 : i32
    %dma_start3A_270 = arith.constant 0 : i32
    %dma_start3A_271 = tpu.memref_slice %arg7[%dma_start3A_269, %dma_start3A_270] : memref<32x3200xf32, #tpu.memory_space<vmem>> -> memref<1x3200xf32, #tpu.memory_space<vmem>>
    %dma_start3A_272 = tpu.memref_squeeze %dma_start3A_271 : memref<1x3200xf32, #tpu.memory_space<vmem>> -> memref<3200xf32, #tpu.memory_space<vmem>>
    %dma_start3A_273 = tpu.memref_slice %arg3[%dma_start3A_268, %mul3A_2] : memref<32x102400xf32, #tpu.memory_space<hbm>> -> memref<1x3200xf32, #tpu.memory_space<hbm>>
    %dma_start3A_274 = tpu.memref_squeeze %dma_start3A_273 : memref<1x3200xf32, #tpu.memory_space<hbm>> -> memref<3200xf32, #tpu.memory_space<hbm>>
    %dma_start3A_275 = arith.constant 0 : i32
    %dma_start3A_276 = tpu.memref_slice %arg7[%dma_start3A_269, %dma_start3A_275] : memref<32x3200xf32, #tpu.memory_space<vmem>> -> memref<1x3200xf32, #tpu.memory_space<vmem>>
    %dma_start3A_277 = tpu.memref_squeeze %dma_start3A_276 : memref<1x3200xf32, #tpu.memory_space<vmem>> -> memref<3200xf32, #tpu.memory_space<vmem>>
    %dma_start3A_278 = tpu.memref_slice %arg3[%dma_start3A_268, %mul3A_2] : memref<32x102400xf32, #tpu.memory_space<hbm>> -> memref<1x3200xf32, #tpu.memory_space<hbm>>
    %dma_start3A_279 = tpu.memref_squeeze %dma_start3A_278 : memref<1x3200xf32, #tpu.memory_space<hbm>> -> memref<3200xf32, #tpu.memory_space<hbm>>
    tpu.enqueue_dma source(%dma_start3A_279 : memref<3200xf32, #tpu.memory_space<hbm>>) target(%dma_start3A_277 : memref<3200xf32, #tpu.memory_space<vmem>>) target_semaphore(%arg12 : memref<!tpu.dma_semaphore, #tpu.memory_space<semaphore_mem>>)
    %dma_start3A_280 = arith.constant 23 : i32
    %dma_start3A_281 = arith.constant 23 : i32
    %dma_start3A_282 = arith.constant 0 : i32
    %dma_start3A_283 = tpu.memref_slice %arg7[%dma_start3A_281, %dma_start3A_282] : memref<32x3200xf32, #tpu.memory_space<vmem>> -> memref<1x3200xf32, #tpu.memory_space<vmem>>
    %dma_start3A_284 = tpu.memref_squeeze %dma_start3A_283 : memref<1x3200xf32, #tpu.memory_space<vmem>> -> memref<3200xf32, #tpu.memory_space<vmem>>
    %dma_start3A_285 = tpu.memref_slice %arg3[%dma_start3A_280, %mul3A_2] : memref<32x102400xf32, #tpu.memory_space<hbm>> -> memref<1x3200xf32, #tpu.memory_space<hbm>>
    %dma_start3A_286 = tpu.memref_squeeze %dma_start3A_285 : memref<1x3200xf32, #tpu.memory_space<hbm>> -> memref<3200xf32, #tpu.memory_space<hbm>>
    %dma_start3A_287 = arith.constant 0 : i32
    %dma_start3A_288 = tpu.memref_slice %arg7[%dma_start3A_281, %dma_start3A_287] : memref<32x3200xf32, #tpu.memory_space<vmem>> -> memref<1x3200xf32, #tpu.memory_space<vmem>>
    %dma_start3A_289 = tpu.memref_squeeze %dma_start3A_288 : memref<1x3200xf32, #tpu.memory_space<vmem>> -> memref<3200xf32, #tpu.memory_space<vmem>>
    %dma_start3A_290 = tpu.memref_slice %arg3[%dma_start3A_280, %mul3A_2] : memref<32x102400xf32, #tpu.memory_space<hbm>> -> memref<1x3200xf32, #tpu.memory_space<hbm>>
    %dma_start3A_291 = tpu.memref_squeeze %dma_start3A_290 : memref<1x3200xf32, #tpu.memory_space<hbm>> -> memref<3200xf32, #tpu.memory_space<hbm>>
    tpu.enqueue_dma source(%dma_start3A_291 : memref<3200xf32, #tpu.memory_space<hbm>>) target(%dma_start3A_289 : memref<3200xf32, #tpu.memory_space<vmem>>) target_semaphore(%arg12 : memref<!tpu.dma_semaphore, #tpu.memory_space<semaphore_mem>>)
    %dma_start3A_292 = arith.constant 24 : i32
    %dma_start3A_293 = arith.constant 24 : i32
    %dma_start3A_294 = arith.constant 0 : i32
    %dma_start3A_295 = tpu.memref_slice %arg7[%dma_start3A_293, %dma_start3A_294] : memref<32x3200xf32, #tpu.memory_space<vmem>> -> memref<1x3200xf32, #tpu.memory_space<vmem>>
    %dma_start3A_296 = tpu.memref_squeeze %dma_start3A_295 : memref<1x3200xf32, #tpu.memory_space<vmem>> -> memref<3200xf32, #tpu.memory_space<vmem>>
    %dma_start3A_297 = tpu.memref_slice %arg3[%dma_start3A_292, %mul3A_2] : memref<32x102400xf32, #tpu.memory_space<hbm>> -> memref<1x3200xf32, #tpu.memory_space<hbm>>
    %dma_start3A_298 = tpu.memref_squeeze %dma_start3A_297 : memref<1x3200xf32, #tpu.memory_space<hbm>> -> memref<3200xf32, #tpu.memory_space<hbm>>
    %dma_start3A_299 = arith.constant 0 : i32
    %dma_start3A_300 = tpu.memref_slice %arg7[%dma_start3A_293, %dma_start3A_299] : memref<32x3200xf32, #tpu.memory_space<vmem>> -> memref<1x3200xf32, #tpu.memory_space<vmem>>
    %dma_start3A_301 = tpu.memref_squeeze %dma_start3A_300 : memref<1x3200xf32, #tpu.memory_space<vmem>> -> memref<3200xf32, #tpu.memory_space<vmem>>
    %dma_start3A_302 = tpu.memref_slice %arg3[%dma_start3A_292, %mul3A_2] : memref<32x102400xf32, #tpu.memory_space<hbm>> -> memref<1x3200xf32, #tpu.memory_space<hbm>>
    %dma_start3A_303 = tpu.memref_squeeze %dma_start3A_302 : memref<1x3200xf32, #tpu.memory_space<hbm>> -> memref<3200xf32, #tpu.memory_space<hbm>>
    tpu.enqueue_dma source(%dma_start3A_303 : memref<3200xf32, #tpu.memory_space<hbm>>) target(%dma_start3A_301 : memref<3200xf32, #tpu.memory_space<vmem>>) target_semaphore(%arg12 : memref<!tpu.dma_semaphore, #tpu.memory_space<semaphore_mem>>)
    %dma_start3A_304 = arith.constant 25 : i32
    %dma_start3A_305 = arith.constant 25 : i32
    %dma_start3A_306 = arith.constant 0 : i32
    %dma_start3A_307 = tpu.memref_slice %arg7[%dma_start3A_305, %dma_start3A_306] : memref<32x3200xf32, #tpu.memory_space<vmem>> -> memref<1x3200xf32, #tpu.memory_space<vmem>>
    %dma_start3A_308 = tpu.memref_squeeze %dma_start3A_307 : memref<1x3200xf32, #tpu.memory_space<vmem>> -> memref<3200xf32, #tpu.memory_space<vmem>>
    %dma_start3A_309 = tpu.memref_slice %arg3[%dma_start3A_304, %mul3A_2] : memref<32x102400xf32, #tpu.memory_space<hbm>> -> memref<1x3200xf32, #tpu.memory_space<hbm>>
    %dma_start3A_310 = tpu.memref_squeeze %dma_start3A_309 : memref<1x3200xf32, #tpu.memory_space<hbm>> -> memref<3200xf32, #tpu.memory_space<hbm>>
    %dma_start3A_311 = arith.constant 0 : i32
    %dma_start3A_312 = tpu.memref_slice %arg7[%dma_start3A_305, %dma_start3A_311] : memref<32x3200xf32, #tpu.memory_space<vmem>> -> memref<1x3200xf32, #tpu.memory_space<vmem>>
    %dma_start3A_313 = tpu.memref_squeeze %dma_start3A_312 : memref<1x3200xf32, #tpu.memory_space<vmem>> -> memref<3200xf32, #tpu.memory_space<vmem>>
    %dma_start3A_314 = tpu.memref_slice %arg3[%dma_start3A_304, %mul3A_2] : memref<32x102400xf32, #tpu.memory_space<hbm>> -> memref<1x3200xf32, #tpu.memory_space<hbm>>
    %dma_start3A_315 = tpu.memref_squeeze %dma_start3A_314 : memref<1x3200xf32, #tpu.memory_space<hbm>> -> memref<3200xf32, #tpu.memory_space<hbm>>
    tpu.enqueue_dma source(%dma_start3A_315 : memref<3200xf32, #tpu.memory_space<hbm>>) target(%dma_start3A_313 : memref<3200xf32, #tpu.memory_space<vmem>>) target_semaphore(%arg12 : memref<!tpu.dma_semaphore, #tpu.memory_space<semaphore_mem>>)
    %dma_start3A_316 = arith.constant 26 : i32
    %dma_start3A_317 = arith.constant 26 : i32
    %dma_start3A_318 = arith.constant 0 : i32
    %dma_start3A_319 = tpu.memref_slice %arg7[%dma_start3A_317, %dma_start3A_318] : memref<32x3200xf32, #tpu.memory_space<vmem>> -> memref<1x3200xf32, #tpu.memory_space<vmem>>
    %dma_start3A_320 = tpu.memref_squeeze %dma_start3A_319 : memref<1x3200xf32, #tpu.memory_space<vmem>> -> memref<3200xf32, #tpu.memory_space<vmem>>
    %dma_start3A_321 = tpu.memref_slice %arg3[%dma_start3A_316, %mul3A_2] : memref<32x102400xf32, #tpu.memory_space<hbm>> -> memref<1x3200xf32, #tpu.memory_space<hbm>>
    %dma_start3A_322 = tpu.memref_squeeze %dma_start3A_321 : memref<1x3200xf32, #tpu.memory_space<hbm>> -> memref<3200xf32, #tpu.memory_space<hbm>>
    %dma_start3A_323 = arith.constant 0 : i32
    %dma_start3A_324 = tpu.memref_slice %arg7[%dma_start3A_317, %dma_start3A_323] : memref<32x3200xf32, #tpu.memory_space<vmem>> -> memref<1x3200xf32, #tpu.memory_space<vmem>>
    %dma_start3A_325 = tpu.memref_squeeze %dma_start3A_324 : memref<1x3200xf32, #tpu.memory_space<vmem>> -> memref<3200xf32, #tpu.memory_space<vmem>>
    %dma_start3A_326 = tpu.memref_slice %arg3[%dma_start3A_316, %mul3A_2] : memref<32x102400xf32, #tpu.memory_space<hbm>> -> memref<1x3200xf32, #tpu.memory_space<hbm>>
    %dma_start3A_327 = tpu.memref_squeeze %dma_start3A_326 : memref<1x3200xf32, #tpu.memory_space<hbm>> -> memref<3200xf32, #tpu.memory_space<hbm>>
    tpu.enqueue_dma source(%dma_start3A_327 : memref<3200xf32, #tpu.memory_space<hbm>>) target(%dma_start3A_325 : memref<3200xf32, #tpu.memory_space<vmem>>) target_semaphore(%arg12 : memref<!tpu.dma_semaphore, #tpu.memory_space<semaphore_mem>>)
    %dma_start3A_328 = arith.constant 27 : i32
    %dma_start3A_329 = arith.constant 27 : i32
    %dma_start3A_330 = arith.constant 0 : i32
    %dma_start3A_331 = tpu.memref_slice %arg7[%dma_start3A_329, %dma_start3A_330] : memref<32x3200xf32, #tpu.memory_space<vmem>> -> memref<1x3200xf32, #tpu.memory_space<vmem>>
    %dma_start3A_332 = tpu.memref_squeeze %dma_start3A_331 : memref<1x3200xf32, #tpu.memory_space<vmem>> -> memref<3200xf32, #tpu.memory_space<vmem>>
    %dma_start3A_333 = tpu.memref_slice %arg3[%dma_start3A_328, %mul3A_2] : memref<32x102400xf32, #tpu.memory_space<hbm>> -> memref<1x3200xf32, #tpu.memory_space<hbm>>
    %dma_start3A_334 = tpu.memref_squeeze %dma_start3A_333 : memref<1x3200xf32, #tpu.memory_space<hbm>> -> memref<3200xf32, #tpu.memory_space<hbm>>
    %dma_start3A_335 = arith.constant 0 : i32
    %dma_start3A_336 = tpu.memref_slice %arg7[%dma_start3A_329, %dma_start3A_335] : memref<32x3200xf32, #tpu.memory_space<vmem>> -> memref<1x3200xf32, #tpu.memory_space<vmem>>
    %dma_start3A_337 = tpu.memref_squeeze %dma_start3A_336 : memref<1x3200xf32, #tpu.memory_space<vmem>> -> memref<3200xf32, #tpu.memory_space<vmem>>
    %dma_start3A_338 = tpu.memref_slice %arg3[%dma_start3A_328, %mul3A_2] : memref<32x102400xf32, #tpu.memory_space<hbm>> -> memref<1x3200xf32, #tpu.memory_space<hbm>>
    %dma_start3A_339 = tpu.memref_squeeze %dma_start3A_338 : memref<1x3200xf32, #tpu.memory_space<hbm>> -> memref<3200xf32, #tpu.memory_space<hbm>>
    tpu.enqueue_dma source(%dma_start3A_339 : memref<3200xf32, #tpu.memory_space<hbm>>) target(%dma_start3A_337 : memref<3200xf32, #tpu.memory_space<vmem>>) target_semaphore(%arg12 : memref<!tpu.dma_semaphore, #tpu.memory_space<semaphore_mem>>)
    %dma_start3A_340 = arith.constant 28 : i32
    %dma_start3A_341 = arith.constant 28 : i32
    %dma_start3A_342 = arith.constant 0 : i32
    %dma_start3A_343 = tpu.memref_slice %arg7[%dma_start3A_341, %dma_start3A_342] : memref<32x3200xf32, #tpu.memory_space<vmem>> -> memref<1x3200xf32, #tpu.memory_space<vmem>>
    %dma_start3A_344 = tpu.memref_squeeze %dma_start3A_343 : memref<1x3200xf32, #tpu.memory_space<vmem>> -> memref<3200xf32, #tpu.memory_space<vmem>>
    %dma_start3A_345 = tpu.memref_slice %arg3[%dma_start3A_340, %mul3A_2] : memref<32x102400xf32, #tpu.memory_space<hbm>> -> memref<1x3200xf32, #tpu.memory_space<hbm>>
    %dma_start3A_346 = tpu.memref_squeeze %dma_start3A_345 : memref<1x3200xf32, #tpu.memory_space<hbm>> -> memref<3200xf32, #tpu.memory_space<hbm>>
    %dma_start3A_347 = arith.constant 0 : i32
    %dma_start3A_348 = tpu.memref_slice %arg7[%dma_start3A_341, %dma_start3A_347] : memref<32x3200xf32, #tpu.memory_space<vmem>> -> memref<1x3200xf32, #tpu.memory_space<vmem>>
    %dma_start3A_349 = tpu.memref_squeeze %dma_start3A_348 : memref<1x3200xf32, #tpu.memory_space<vmem>> -> memref<3200xf32, #tpu.memory_space<vmem>>
    %dma_start3A_350 = tpu.memref_slice %arg3[%dma_start3A_340, %mul3A_2] : memref<32x102400xf32, #tpu.memory_space<hbm>> -> memref<1x3200xf32, #tpu.memory_space<hbm>>
    %dma_start3A_351 = tpu.memref_squeeze %dma_start3A_350 : memref<1x3200xf32, #tpu.memory_space<hbm>> -> memref<3200xf32, #tpu.memory_space<hbm>>
    tpu.enqueue_dma source(%dma_start3A_351 : memref<3200xf32, #tpu.memory_space<hbm>>) target(%dma_start3A_349 : memref<3200xf32, #tpu.memory_space<vmem>>) target_semaphore(%arg12 : memref<!tpu.dma_semaphore, #tpu.memory_space<semaphore_mem>>)
    %dma_start3A_352 = arith.constant 29 : i32
    %dma_start3A_353 = arith.constant 29 : i32
    %dma_start3A_354 = arith.constant 0 : i32
    %dma_start3A_355 = tpu.memref_slice %arg7[%dma_start3A_353, %dma_start3A_354] : memref<32x3200xf32, #tpu.memory_space<vmem>> -> memref<1x3200xf32, #tpu.memory_space<vmem>>
    %dma_start3A_356 = tpu.memref_squeeze %dma_start3A_355 : memref<1x3200xf32, #tpu.memory_space<vmem>> -> memref<3200xf32, #tpu.memory_space<vmem>>
    %dma_start3A_357 = tpu.memref_slice %arg3[%dma_start3A_352, %mul3A_2] : memref<32x102400xf32, #tpu.memory_space<hbm>> -> memref<1x3200xf32, #tpu.memory_space<hbm>>
    %dma_start3A_358 = tpu.memref_squeeze %dma_start3A_357 : memref<1x3200xf32, #tpu.memory_space<hbm>> -> memref<3200xf32, #tpu.memory_space<hbm>>
    %dma_start3A_359 = arith.constant 0 : i32
    %dma_start3A_360 = tpu.memref_slice %arg7[%dma_start3A_353, %dma_start3A_359] : memref<32x3200xf32, #tpu.memory_space<vmem>> -> memref<1x3200xf32, #tpu.memory_space<vmem>>
    %dma_start3A_361 = tpu.memref_squeeze %dma_start3A_360 : memref<1x3200xf32, #tpu.memory_space<vmem>> -> memref<3200xf32, #tpu.memory_space<vmem>>
    %dma_start3A_362 = tpu.memref_slice %arg3[%dma_start3A_352, %mul3A_2] : memref<32x102400xf32, #tpu.memory_space<hbm>> -> memref<1x3200xf32, #tpu.memory_space<hbm>>
    %dma_start3A_363 = tpu.memref_squeeze %dma_start3A_362 : memref<1x3200xf32, #tpu.memory_space<hbm>> -> memref<3200xf32, #tpu.memory_space<hbm>>
    tpu.enqueue_dma source(%dma_start3A_363 : memref<3200xf32, #tpu.memory_space<hbm>>) target(%dma_start3A_361 : memref<3200xf32, #tpu.memory_space<vmem>>) target_semaphore(%arg12 : memref<!tpu.dma_semaphore, #tpu.memory_space<semaphore_mem>>)
    %dma_start3A_364 = arith.constant 30 : i32
    %dma_start3A_365 = arith.constant 30 : i32
    %dma_start3A_366 = arith.constant 0 : i32
    %dma_start3A_367 = tpu.memref_slice %arg7[%dma_start3A_365, %dma_start3A_366] : memref<32x3200xf32, #tpu.memory_space<vmem>> -> memref<1x3200xf32, #tpu.memory_space<vmem>>
    %dma_start3A_368 = tpu.memref_squeeze %dma_start3A_367 : memref<1x3200xf32, #tpu.memory_space<vmem>> -> memref<3200xf32, #tpu.memory_space<vmem>>
    %dma_start3A_369 = tpu.memref_slice %arg3[%dma_start3A_364, %mul3A_2] : memref<32x102400xf32, #tpu.memory_space<hbm>> -> memref<1x3200xf32, #tpu.memory_space<hbm>>
    %dma_start3A_370 = tpu.memref_squeeze %dma_start3A_369 : memref<1x3200xf32, #tpu.memory_space<hbm>> -> memref<3200xf32, #tpu.memory_space<hbm>>
    %dma_start3A_371 = arith.constant 0 : i32
    %dma_start3A_372 = tpu.memref_slice %arg7[%dma_start3A_365, %dma_start3A_371] : memref<32x3200xf32, #tpu.memory_space<vmem>> -> memref<1x3200xf32, #tpu.memory_space<vmem>>
    %dma_start3A_373 = tpu.memref_squeeze %dma_start3A_372 : memref<1x3200xf32, #tpu.memory_space<vmem>> -> memref<3200xf32, #tpu.memory_space<vmem>>
    %dma_start3A_374 = tpu.memref_slice %arg3[%dma_start3A_364, %mul3A_2] : memref<32x102400xf32, #tpu.memory_space<hbm>> -> memref<1x3200xf32, #tpu.memory_space<hbm>>
    %dma_start3A_375 = tpu.memref_squeeze %dma_start3A_374 : memref<1x3200xf32, #tpu.memory_space<hbm>> -> memref<3200xf32, #tpu.memory_space<hbm>>
    tpu.enqueue_dma source(%dma_start3A_375 : memref<3200xf32, #tpu.memory_space<hbm>>) target(%dma_start3A_373 : memref<3200xf32, #tpu.memory_space<vmem>>) target_semaphore(%arg12 : memref<!tpu.dma_semaphore, #tpu.memory_space<semaphore_mem>>)
    %dma_start3A_376 = arith.constant 31 : i32
    %dma_start3A_377 = arith.constant 31 : i32
    %dma_start3A_378 = arith.constant 0 : i32
    %dma_start3A_379 = tpu.memref_slice %arg7[%dma_start3A_377, %dma_start3A_378] : memref<32x3200xf32, #tpu.memory_space<vmem>> -> memref<1x3200xf32, #tpu.memory_space<vmem>>
    %dma_start3A_380 = tpu.memref_squeeze %dma_start3A_379 : memref<1x3200xf32, #tpu.memory_space<vmem>> -> memref<3200xf32, #tpu.memory_space<vmem>>
    %dma_start3A_381 = tpu.memref_slice %arg3[%dma_start3A_376, %mul3A_2] : memref<32x102400xf32, #tpu.memory_space<hbm>> -> memref<1x3200xf32, #tpu.memory_space<hbm>>
    %dma_start3A_382 = tpu.memref_squeeze %dma_start3A_381 : memref<1x3200xf32, #tpu.memory_space<hbm>> -> memref<3200xf32, #tpu.memory_space<hbm>>
    %dma_start3A_383 = arith.constant 0 : i32
    %dma_start3A_384 = tpu.memref_slice %arg7[%dma_start3A_377, %dma_start3A_383] : memref<32x3200xf32, #tpu.memory_space<vmem>> -> memref<1x3200xf32, #tpu.memory_space<vmem>>
    %dma_start3A_385 = tpu.memref_squeeze %dma_start3A_384 : memref<1x3200xf32, #tpu.memory_space<vmem>> -> memref<3200xf32, #tpu.memory_space<vmem>>
    %dma_start3A_386 = tpu.memref_slice %arg3[%dma_start3A_376, %mul3A_2] : memref<32x102400xf32, #tpu.memory_space<hbm>> -> memref<1x3200xf32, #tpu.memory_space<hbm>>
    %dma_start3A_387 = tpu.memref_squeeze %dma_start3A_386 : memref<1x3200xf32, #tpu.memory_space<hbm>> -> memref<3200xf32, #tpu.memory_space<hbm>>
    tpu.enqueue_dma source(%dma_start3A_387 : memref<3200xf32, #tpu.memory_space<hbm>>) target(%dma_start3A_385 : memref<3200xf32, #tpu.memory_space<vmem>>) target_semaphore(%arg12 : memref<!tpu.dma_semaphore, #tpu.memory_space<semaphore_mem>>)
    %dma_wait3A = tpu.memref_slice %arg2[%mul3A_2] : memref<102400xf32, #tpu.memory_space<hbm>> -> memref<3200xf32, #tpu.memory_space<hbm>>
    %dma_wait3A_388 = tpu.memref_slice %arg2[%mul3A_2] : memref<102400xf32, #tpu.memory_space<hbm>> -> memref<3200xf32, #tpu.memory_space<hbm>>
    tpu.wait_dma2 semaphore(%arg12 : memref<!tpu.dma_semaphore, #tpu.memory_space<semaphore_mem>>) src(%dma_wait3A_388 : memref<3200xf32, #tpu.memory_space<hbm>>) dst(%arg8 : memref<3200xf32, #tpu.memory_space<vmem>>)
    %dma_wait3A_389 = arith.constant 0 : i32
    %dma_wait3A_390 = arith.constant 0 : i32
    %dma_wait3A_391 = arith.constant 0 : i32
    %dma_wait3A_392 = tpu.memref_slice %arg7[%dma_wait3A_390, %dma_wait3A_391] : memref<32x3200xf32, #tpu.memory_space<vmem>> -> memref<1x3200xf32, #tpu.memory_space<vmem>>
    %dma_wait3A_393 = tpu.memref_squeeze %dma_wait3A_392 : memref<1x3200xf32, #tpu.memory_space<vmem>> -> memref<3200xf32, #tpu.memory_space<vmem>>
    %dma_wait3A_394 = tpu.memref_slice %arg3[%dma_wait3A_389, %mul3A_2] : memref<32x102400xf32, #tpu.memory_space<hbm>> -> memref<1x3200xf32, #tpu.memory_space<hbm>>
    %dma_wait3A_395 = tpu.memref_squeeze %dma_wait3A_394 : memref<1x3200xf32, #tpu.memory_space<hbm>> -> memref<3200xf32, #tpu.memory_space<hbm>>
    %dma_wait3A_396 = arith.constant 0 : i32
    %dma_wait3A_397 = tpu.memref_slice %arg7[%dma_wait3A_390, %dma_wait3A_396] : memref<32x3200xf32, #tpu.memory_space<vmem>> -> memref<1x3200xf32, #tpu.memory_space<vmem>>
    %dma_wait3A_398 = tpu.memref_squeeze %dma_wait3A_397 : memref<1x3200xf32, #tpu.memory_space<vmem>> -> memref<3200xf32, #tpu.memory_space<vmem>>
    %dma_wait3A_399 = tpu.memref_slice %arg3[%dma_wait3A_389, %mul3A_2] : memref<32x102400xf32, #tpu.memory_space<hbm>> -> memref<1x3200xf32, #tpu.memory_space<hbm>>
    %dma_wait3A_400 = tpu.memref_squeeze %dma_wait3A_399 : memref<1x3200xf32, #tpu.memory_space<hbm>> -> memref<3200xf32, #tpu.memory_space<hbm>>
    tpu.wait_dma2 semaphore(%arg12 : memref<!tpu.dma_semaphore, #tpu.memory_space<semaphore_mem>>) src(%dma_wait3A_400 : memref<3200xf32, #tpu.memory_space<hbm>>) dst(%dma_wait3A_398 : memref<3200xf32, #tpu.memory_space<vmem>>)
    %dma_wait3A_401 = arith.constant 1 : i32
    %dma_wait3A_402 = arith.constant 1 : i32
    %dma_wait3A_403 = arith.constant 0 : i32
    %dma_wait3A_404 = tpu.memref_slice %arg7[%dma_wait3A_402, %dma_wait3A_403] : memref<32x3200xf32, #tpu.memory_space<vmem>> -> memref<1x3200xf32, #tpu.memory_space<vmem>>
    %dma_wait3A_405 = tpu.memref_squeeze %dma_wait3A_404 : memref<1x3200xf32, #tpu.memory_space<vmem>> -> memref<3200xf32, #tpu.memory_space<vmem>>
    %dma_wait3A_406 = tpu.memref_slice %arg3[%dma_wait3A_401, %mul3A_2] : memref<32x102400xf32, #tpu.memory_space<hbm>> -> memref<1x3200xf32, #tpu.memory_space<hbm>>
    %dma_wait3A_407 = tpu.memref_squeeze %dma_wait3A_406 : memref<1x3200xf32, #tpu.memory_space<hbm>> -> memref<3200xf32, #tpu.memory_space<hbm>>
    %dma_wait3A_408 = arith.constant 0 : i32
    %dma_wait3A_409 = tpu.memref_slice %arg7[%dma_wait3A_402, %dma_wait3A_408] : memref<32x3200xf32, #tpu.memory_space<vmem>> -> memref<1x3200xf32, #tpu.memory_space<vmem>>
    %dma_wait3A_410 = tpu.memref_squeeze %dma_wait3A_409 : memref<1x3200xf32, #tpu.memory_space<vmem>> -> memref<3200xf32, #tpu.memory_space<vmem>>
    %dma_wait3A_411 = tpu.memref_slice %arg3[%dma_wait3A_401, %mul3A_2] : memref<32x102400xf32, #tpu.memory_space<hbm>> -> memref<1x3200xf32, #tpu.memory_space<hbm>>
    %dma_wait3A_412 = tpu.memref_squeeze %dma_wait3A_411 : memref<1x3200xf32, #tpu.memory_space<hbm>> -> memref<3200xf32, #tpu.memory_space<hbm>>
    tpu.wait_dma2 semaphore(%arg12 : memref<!tpu.dma_semaphore, #tpu.memory_space<semaphore_mem>>) src(%dma_wait3A_412 : memref<3200xf32, #tpu.memory_space<hbm>>) dst(%dma_wait3A_410 : memref<3200xf32, #tpu.memory_space<vmem>>)
    %dma_wait3A_413 = arith.constant 2 : i32
    %dma_wait3A_414 = arith.constant 2 : i32
    %dma_wait3A_415 = arith.constant 0 : i32
    %dma_wait3A_416 = tpu.memref_slice %arg7[%dma_wait3A_414, %dma_wait3A_415] : memref<32x3200xf32, #tpu.memory_space<vmem>> -> memref<1x3200xf32, #tpu.memory_space<vmem>>
    %dma_wait3A_417 = tpu.memref_squeeze %dma_wait3A_416 : memref<1x3200xf32, #tpu.memory_space<vmem>> -> memref<3200xf32, #tpu.memory_space<vmem>>
    %dma_wait3A_418 = tpu.memref_slice %arg3[%dma_wait3A_413, %mul3A_2] : memref<32x102400xf32, #tpu.memory_space<hbm>> -> memref<1x3200xf32, #tpu.memory_space<hbm>>
    %dma_wait3A_419 = tpu.memref_squeeze %dma_wait3A_418 : memref<1x3200xf32, #tpu.memory_space<hbm>> -> memref<3200xf32, #tpu.memory_space<hbm>>
    %dma_wait3A_420 = arith.constant 0 : i32
    %dma_wait3A_421 = tpu.memref_slice %arg7[%dma_wait3A_414, %dma_wait3A_420] : memref<32x3200xf32, #tpu.memory_space<vmem>> -> memref<1x3200xf32, #tpu.memory_space<vmem>>
    %dma_wait3A_422 = tpu.memref_squeeze %dma_wait3A_421 : memref<1x3200xf32, #tpu.memory_space<vmem>> -> memref<3200xf32, #tpu.memory_space<vmem>>
    %dma_wait3A_423 = tpu.memref_slice %arg3[%dma_wait3A_413, %mul3A_2] : memref<32x102400xf32, #tpu.memory_space<hbm>> -> memref<1x3200xf32, #tpu.memory_space<hbm>>
    %dma_wait3A_424 = tpu.memref_squeeze %dma_wait3A_423 : memref<1x3200xf32, #tpu.memory_space<hbm>> -> memref<3200xf32, #tpu.memory_space<hbm>>
    tpu.wait_dma2 semaphore(%arg12 : memref<!tpu.dma_semaphore, #tpu.memory_space<semaphore_mem>>) src(%dma_wait3A_424 : memref<3200xf32, #tpu.memory_space<hbm>>) dst(%dma_wait3A_422 : memref<3200xf32, #tpu.memory_space<vmem>>)
    %dma_wait3A_425 = arith.constant 3 : i32
    %dma_wait3A_426 = arith.constant 3 : i32
    %dma_wait3A_427 = arith.constant 0 : i32
    %dma_wait3A_428 = tpu.memref_slice %arg7[%dma_wait3A_426, %dma_wait3A_427] : memref<32x3200xf32, #tpu.memory_space<vmem>> -> memref<1x3200xf32, #tpu.memory_space<vmem>>
    %dma_wait3A_429 = tpu.memref_squeeze %dma_wait3A_428 : memref<1x3200xf32, #tpu.memory_space<vmem>> -> memref<3200xf32, #tpu.memory_space<vmem>>
    %dma_wait3A_430 = tpu.memref_slice %arg3[%dma_wait3A_425, %mul3A_2] : memref<32x102400xf32, #tpu.memory_space<hbm>> -> memref<1x3200xf32, #tpu.memory_space<hbm>>
    %dma_wait3A_431 = tpu.memref_squeeze %dma_wait3A_430 : memref<1x3200xf32, #tpu.memory_space<hbm>> -> memref<3200xf32, #tpu.memory_space<hbm>>
    %dma_wait3A_432 = arith.constant 0 : i32
    %dma_wait3A_433 = tpu.memref_slice %arg7[%dma_wait3A_426, %dma_wait3A_432] : memref<32x3200xf32, #tpu.memory_space<vmem>> -> memref<1x3200xf32, #tpu.memory_space<vmem>>
    %dma_wait3A_434 = tpu.memref_squeeze %dma_wait3A_433 : memref<1x3200xf32, #tpu.memory_space<vmem>> -> memref<3200xf32, #tpu.memory_space<vmem>>
    %dma_wait3A_435 = tpu.memref_slice %arg3[%dma_wait3A_425, %mul3A_2] : memref<32x102400xf32, #tpu.memory_space<hbm>> -> memref<1x3200xf32, #tpu.memory_space<hbm>>
    %dma_wait3A_436 = tpu.memref_squeeze %dma_wait3A_435 : memref<1x3200xf32, #tpu.memory_space<hbm>> -> memref<3200xf32, #tpu.memory_space<hbm>>
    tpu.wait_dma2 semaphore(%arg12 : memref<!tpu.dma_semaphore, #tpu.memory_space<semaphore_mem>>) src(%dma_wait3A_436 : memref<3200xf32, #tpu.memory_space<hbm>>) dst(%dma_wait3A_434 : memref<3200xf32, #tpu.memory_space<vmem>>)
    %dma_wait3A_437 = arith.constant 4 : i32
    %dma_wait3A_438 = arith.constant 4 : i32
    %dma_wait3A_439 = arith.constant 0 : i32
    %dma_wait3A_440 = tpu.memref_slice %arg7[%dma_wait3A_438, %dma_wait3A_439] : memref<32x3200xf32, #tpu.memory_space<vmem>> -> memref<1x3200xf32, #tpu.memory_space<vmem>>
    %dma_wait3A_441 = tpu.memref_squeeze %dma_wait3A_440 : memref<1x3200xf32, #tpu.memory_space<vmem>> -> memref<3200xf32, #tpu.memory_space<vmem>>
    %dma_wait3A_442 = tpu.memref_slice %arg3[%dma_wait3A_437, %mul3A_2] : memref<32x102400xf32, #tpu.memory_space<hbm>> -> memref<1x3200xf32, #tpu.memory_space<hbm>>
    %dma_wait3A_443 = tpu.memref_squeeze %dma_wait3A_442 : memref<1x3200xf32, #tpu.memory_space<hbm>> -> memref<3200xf32, #tpu.memory_space<hbm>>
    %dma_wait3A_444 = arith.constant 0 : i32
    %dma_wait3A_445 = tpu.memref_slice %arg7[%dma_wait3A_438, %dma_wait3A_444] : memref<32x3200xf32, #tpu.memory_space<vmem>> -> memref<1x3200xf32, #tpu.memory_space<vmem>>
    %dma_wait3A_446 = tpu.memref_squeeze %dma_wait3A_445 : memref<1x3200xf32, #tpu.memory_space<vmem>> -> memref<3200xf32, #tpu.memory_space<vmem>>
    %dma_wait3A_447 = tpu.memref_slice %arg3[%dma_wait3A_437, %mul3A_2] : memref<32x102400xf32, #tpu.memory_space<hbm>> -> memref<1x3200xf32, #tpu.memory_space<hbm>>
    %dma_wait3A_448 = tpu.memref_squeeze %dma_wait3A_447 : memref<1x3200xf32, #tpu.memory_space<hbm>> -> memref<3200xf32, #tpu.memory_space<hbm>>
    tpu.wait_dma2 semaphore(%arg12 : memref<!tpu.dma_semaphore, #tpu.memory_space<semaphore_mem>>) src(%dma_wait3A_448 : memref<3200xf32, #tpu.memory_space<hbm>>) dst(%dma_wait3A_446 : memref<3200xf32, #tpu.memory_space<vmem>>)
    %dma_wait3A_449 = arith.constant 5 : i32
    %dma_wait3A_450 = arith.constant 5 : i32
    %dma_wait3A_451 = arith.constant 0 : i32
    %dma_wait3A_452 = tpu.memref_slice %arg7[%dma_wait3A_450, %dma_wait3A_451] : memref<32x3200xf32, #tpu.memory_space<vmem>> -> memref<1x3200xf32, #tpu.memory_space<vmem>>
    %dma_wait3A_453 = tpu.memref_squeeze %dma_wait3A_452 : memref<1x3200xf32, #tpu.memory_space<vmem>> -> memref<3200xf32, #tpu.memory_space<vmem>>
    %dma_wait3A_454 = tpu.memref_slice %arg3[%dma_wait3A_449, %mul3A_2] : memref<32x102400xf32, #tpu.memory_space<hbm>> -> memref<1x3200xf32, #tpu.memory_space<hbm>>
    %dma_wait3A_455 = tpu.memref_squeeze %dma_wait3A_454 : memref<1x3200xf32, #tpu.memory_space<hbm>> -> memref<3200xf32, #tpu.memory_space<hbm>>
    %dma_wait3A_456 = arith.constant 0 : i32
    %dma_wait3A_457 = tpu.memref_slice %arg7[%dma_wait3A_450, %dma_wait3A_456] : memref<32x3200xf32, #tpu.memory_space<vmem>> -> memref<1x3200xf32, #tpu.memory_space<vmem>>
    %dma_wait3A_458 = tpu.memref_squeeze %dma_wait3A_457 : memref<1x3200xf32, #tpu.memory_space<vmem>> -> memref<3200xf32, #tpu.memory_space<vmem>>
    %dma_wait3A_459 = tpu.memref_slice %arg3[%dma_wait3A_449, %mul3A_2] : memref<32x102400xf32, #tpu.memory_space<hbm>> -> memref<1x3200xf32, #tpu.memory_space<hbm>>
    %dma_wait3A_460 = tpu.memref_squeeze %dma_wait3A_459 : memref<1x3200xf32, #tpu.memory_space<hbm>> -> memref<3200xf32, #tpu.memory_space<hbm>>
    tpu.wait_dma2 semaphore(%arg12 : memref<!tpu.dma_semaphore, #tpu.memory_space<semaphore_mem>>) src(%dma_wait3A_460 : memref<3200xf32, #tpu.memory_space<hbm>>) dst(%dma_wait3A_458 : memref<3200xf32, #tpu.memory_space<vmem>>)
    %dma_wait3A_461 = arith.constant 6 : i32
    %dma_wait3A_462 = arith.constant 6 : i32
    %dma_wait3A_463 = arith.constant 0 : i32
    %dma_wait3A_464 = tpu.memref_slice %arg7[%dma_wait3A_462, %dma_wait3A_463] : memref<32x3200xf32, #tpu.memory_space<vmem>> -> memref<1x3200xf32, #tpu.memory_space<vmem>>
    %dma_wait3A_465 = tpu.memref_squeeze %dma_wait3A_464 : memref<1x3200xf32, #tpu.memory_space<vmem>> -> memref<3200xf32, #tpu.memory_space<vmem>>
    %dma_wait3A_466 = tpu.memref_slice %arg3[%dma_wait3A_461, %mul3A_2] : memref<32x102400xf32, #tpu.memory_space<hbm>> -> memref<1x3200xf32, #tpu.memory_space<hbm>>
    %dma_wait3A_467 = tpu.memref_squeeze %dma_wait3A_466 : memref<1x3200xf32, #tpu.memory_space<hbm>> -> memref<3200xf32, #tpu.memory_space<hbm>>
    %dma_wait3A_468 = arith.constant 0 : i32
    %dma_wait3A_469 = tpu.memref_slice %arg7[%dma_wait3A_462, %dma_wait3A_468] : memref<32x3200xf32, #tpu.memory_space<vmem>> -> memref<1x3200xf32, #tpu.memory_space<vmem>>
    %dma_wait3A_470 = tpu.memref_squeeze %dma_wait3A_469 : memref<1x3200xf32, #tpu.memory_space<vmem>> -> memref<3200xf32, #tpu.memory_space<vmem>>
    %dma_wait3A_471 = tpu.memref_slice %arg3[%dma_wait3A_461, %mul3A_2] : memref<32x102400xf32, #tpu.memory_space<hbm>> -> memref<1x3200xf32, #tpu.memory_space<hbm>>
    %dma_wait3A_472 = tpu.memref_squeeze %dma_wait3A_471 : memref<1x3200xf32, #tpu.memory_space<hbm>> -> memref<3200xf32, #tpu.memory_space<hbm>>
    tpu.wait_dma2 semaphore(%arg12 : memref<!tpu.dma_semaphore, #tpu.memory_space<semaphore_mem>>) src(%dma_wait3A_472 : memref<3200xf32, #tpu.memory_space<hbm>>) dst(%dma_wait3A_470 : memref<3200xf32, #tpu.memory_space<vmem>>)
    %dma_wait3A_473 = arith.constant 7 : i32
    %dma_wait3A_474 = arith.constant 7 : i32
    %dma_wait3A_475 = arith.constant 0 : i32
    %dma_wait3A_476 = tpu.memref_slice %arg7[%dma_wait3A_474, %dma_wait3A_475] : memref<32x3200xf32, #tpu.memory_space<vmem>> -> memref<1x3200xf32, #tpu.memory_space<vmem>>
    %dma_wait3A_477 = tpu.memref_squeeze %dma_wait3A_476 : memref<1x3200xf32, #tpu.memory_space<vmem>> -> memref<3200xf32, #tpu.memory_space<vmem>>
    %dma_wait3A_478 = tpu.memref_slice %arg3[%dma_wait3A_473, %mul3A_2] : memref<32x102400xf32, #tpu.memory_space<hbm>> -> memref<1x3200xf32, #tpu.memory_space<hbm>>
    %dma_wait3A_479 = tpu.memref_squeeze %dma_wait3A_478 : memref<1x3200xf32, #tpu.memory_space<hbm>> -> memref<3200xf32, #tpu.memory_space<hbm>>
    %dma_wait3A_480 = arith.constant 0 : i32
    %dma_wait3A_481 = tpu.memref_slice %arg7[%dma_wait3A_474, %dma_wait3A_480] : memref<32x3200xf32, #tpu.memory_space<vmem>> -> memref<1x3200xf32, #tpu.memory_space<vmem>>
    %dma_wait3A_482 = tpu.memref_squeeze %dma_wait3A_481 : memref<1x3200xf32, #tpu.memory_space<vmem>> -> memref<3200xf32, #tpu.memory_space<vmem>>
    %dma_wait3A_483 = tpu.memref_slice %arg3[%dma_wait3A_473, %mul3A_2] : memref<32x102400xf32, #tpu.memory_space<hbm>> -> memref<1x3200xf32, #tpu.memory_space<hbm>>
    %dma_wait3A_484 = tpu.memref_squeeze %dma_wait3A_483 : memref<1x3200xf32, #tpu.memory_space<hbm>> -> memref<3200xf32, #tpu.memory_space<hbm>>
    tpu.wait_dma2 semaphore(%arg12 : memref<!tpu.dma_semaphore, #tpu.memory_space<semaphore_mem>>) src(%dma_wait3A_484 : memref<3200xf32, #tpu.memory_space<hbm>>) dst(%dma_wait3A_482 : memref<3200xf32, #tpu.memory_space<vmem>>)
    %dma_wait3A_485 = arith.constant 8 : i32
    %dma_wait3A_486 = arith.constant 8 : i32
    %dma_wait3A_487 = arith.constant 0 : i32
    %dma_wait3A_488 = tpu.memref_slice %arg7[%dma_wait3A_486, %dma_wait3A_487] : memref<32x3200xf32, #tpu.memory_space<vmem>> -> memref<1x3200xf32, #tpu.memory_space<vmem>>
    %dma_wait3A_489 = tpu.memref_squeeze %dma_wait3A_488 : memref<1x3200xf32, #tpu.memory_space<vmem>> -> memref<3200xf32, #tpu.memory_space<vmem>>
    %dma_wait3A_490 = tpu.memref_slice %arg3[%dma_wait3A_485, %mul3A_2] : memref<32x102400xf32, #tpu.memory_space<hbm>> -> memref<1x3200xf32, #tpu.memory_space<hbm>>
    %dma_wait3A_491 = tpu.memref_squeeze %dma_wait3A_490 : memref<1x3200xf32, #tpu.memory_space<hbm>> -> memref<3200xf32, #tpu.memory_space<hbm>>
    %dma_wait3A_492 = arith.constant 0 : i32
    %dma_wait3A_493 = tpu.memref_slice %arg7[%dma_wait3A_486, %dma_wait3A_492] : memref<32x3200xf32, #tpu.memory_space<vmem>> -> memref<1x3200xf32, #tpu.memory_space<vmem>>
    %dma_wait3A_494 = tpu.memref_squeeze %dma_wait3A_493 : memref<1x3200xf32, #tpu.memory_space<vmem>> -> memref<3200xf32, #tpu.memory_space<vmem>>
    %dma_wait3A_495 = tpu.memref_slice %arg3[%dma_wait3A_485, %mul3A_2] : memref<32x102400xf32, #tpu.memory_space<hbm>> -> memref<1x3200xf32, #tpu.memory_space<hbm>>
    %dma_wait3A_496 = tpu.memref_squeeze %dma_wait3A_495 : memref<1x3200xf32, #tpu.memory_space<hbm>> -> memref<3200xf32, #tpu.memory_space<hbm>>
    tpu.wait_dma2 semaphore(%arg12 : memref<!tpu.dma_semaphore, #tpu.memory_space<semaphore_mem>>) src(%dma_wait3A_496 : memref<3200xf32, #tpu.memory_space<hbm>>) dst(%dma_wait3A_494 : memref<3200xf32, #tpu.memory_space<vmem>>)
    %dma_wait3A_497 = arith.constant 9 : i32
    %dma_wait3A_498 = arith.constant 9 : i32
    %dma_wait3A_499 = arith.constant 0 : i32
    %dma_wait3A_500 = tpu.memref_slice %arg7[%dma_wait3A_498, %dma_wait3A_499] : memref<32x3200xf32, #tpu.memory_space<vmem>> -> memref<1x3200xf32, #tpu.memory_space<vmem>>
    %dma_wait3A_501 = tpu.memref_squeeze %dma_wait3A_500 : memref<1x3200xf32, #tpu.memory_space<vmem>> -> memref<3200xf32, #tpu.memory_space<vmem>>
    %dma_wait3A_502 = tpu.memref_slice %arg3[%dma_wait3A_497, %mul3A_2] : memref<32x102400xf32, #tpu.memory_space<hbm>> -> memref<1x3200xf32, #tpu.memory_space<hbm>>
    %dma_wait3A_503 = tpu.memref_squeeze %dma_wait3A_502 : memref<1x3200xf32, #tpu.memory_space<hbm>> -> memref<3200xf32, #tpu.memory_space<hbm>>
    %dma_wait3A_504 = arith.constant 0 : i32
    %dma_wait3A_505 = tpu.memref_slice %arg7[%dma_wait3A_498, %dma_wait3A_504] : memref<32x3200xf32, #tpu.memory_space<vmem>> -> memref<1x3200xf32, #tpu.memory_space<vmem>>
    %dma_wait3A_506 = tpu.memref_squeeze %dma_wait3A_505 : memref<1x3200xf32, #tpu.memory_space<vmem>> -> memref<3200xf32, #tpu.memory_space<vmem>>
    %dma_wait3A_507 = tpu.memref_slice %arg3[%dma_wait3A_497, %mul3A_2] : memref<32x102400xf32, #tpu.memory_space<hbm>> -> memref<1x3200xf32, #tpu.memory_space<hbm>>
    %dma_wait3A_508 = tpu.memref_squeeze %dma_wait3A_507 : memref<1x3200xf32, #tpu.memory_space<hbm>> -> memref<3200xf32, #tpu.memory_space<hbm>>
    tpu.wait_dma2 semaphore(%arg12 : memref<!tpu.dma_semaphore, #tpu.memory_space<semaphore_mem>>) src(%dma_wait3A_508 : memref<3200xf32, #tpu.memory_space<hbm>>) dst(%dma_wait3A_506 : memref<3200xf32, #tpu.memory_space<vmem>>)
    %dma_wait3A_509 = arith.constant 10 : i32
    %dma_wait3A_510 = arith.constant 10 : i32
    %dma_wait3A_511 = arith.constant 0 : i32
    %dma_wait3A_512 = tpu.memref_slice %arg7[%dma_wait3A_510, %dma_wait3A_511] : memref<32x3200xf32, #tpu.memory_space<vmem>> -> memref<1x3200xf32, #tpu.memory_space<vmem>>
    %dma_wait3A_513 = tpu.memref_squeeze %dma_wait3A_512 : memref<1x3200xf32, #tpu.memory_space<vmem>> -> memref<3200xf32, #tpu.memory_space<vmem>>
    %dma_wait3A_514 = tpu.memref_slice %arg3[%dma_wait3A_509, %mul3A_2] : memref<32x102400xf32, #tpu.memory_space<hbm>> -> memref<1x3200xf32, #tpu.memory_space<hbm>>
    %dma_wait3A_515 = tpu.memref_squeeze %dma_wait3A_514 : memref<1x3200xf32, #tpu.memory_space<hbm>> -> memref<3200xf32, #tpu.memory_space<hbm>>
    %dma_wait3A_516 = arith.constant 0 : i32
    %dma_wait3A_517 = tpu.memref_slice %arg7[%dma_wait3A_510, %dma_wait3A_516] : memref<32x3200xf32, #tpu.memory_space<vmem>> -> memref<1x3200xf32, #tpu.memory_space<vmem>>
    %dma_wait3A_518 = tpu.memref_squeeze %dma_wait3A_517 : memref<1x3200xf32, #tpu.memory_space<vmem>> -> memref<3200xf32, #tpu.memory_space<vmem>>
    %dma_wait3A_519 = tpu.memref_slice %arg3[%dma_wait3A_509, %mul3A_2] : memref<32x102400xf32, #tpu.memory_space<hbm>> -> memref<1x3200xf32, #tpu.memory_space<hbm>>
    %dma_wait3A_520 = tpu.memref_squeeze %dma_wait3A_519 : memref<1x3200xf32, #tpu.memory_space<hbm>> -> memref<3200xf32, #tpu.memory_space<hbm>>
    tpu.wait_dma2 semaphore(%arg12 : memref<!tpu.dma_semaphore, #tpu.memory_space<semaphore_mem>>) src(%dma_wait3A_520 : memref<3200xf32, #tpu.memory_space<hbm>>) dst(%dma_wait3A_518 : memref<3200xf32, #tpu.memory_space<vmem>>)
    %dma_wait3A_521 = arith.constant 11 : i32
    %dma_wait3A_522 = arith.constant 11 : i32
    %dma_wait3A_523 = arith.constant 0 : i32
    %dma_wait3A_524 = tpu.memref_slice %arg7[%dma_wait3A_522, %dma_wait3A_523] : memref<32x3200xf32, #tpu.memory_space<vmem>> -> memref<1x3200xf32, #tpu.memory_space<vmem>>
    %dma_wait3A_525 = tpu.memref_squeeze %dma_wait3A_524 : memref<1x3200xf32, #tpu.memory_space<vmem>> -> memref<3200xf32, #tpu.memory_space<vmem>>
    %dma_wait3A_526 = tpu.memref_slice %arg3[%dma_wait3A_521, %mul3A_2] : memref<32x102400xf32, #tpu.memory_space<hbm>> -> memref<1x3200xf32, #tpu.memory_space<hbm>>
    %dma_wait3A_527 = tpu.memref_squeeze %dma_wait3A_526 : memref<1x3200xf32, #tpu.memory_space<hbm>> -> memref<3200xf32, #tpu.memory_space<hbm>>
    %dma_wait3A_528 = arith.constant 0 : i32
    %dma_wait3A_529 = tpu.memref_slice %arg7[%dma_wait3A_522, %dma_wait3A_528] : memref<32x3200xf32, #tpu.memory_space<vmem>> -> memref<1x3200xf32, #tpu.memory_space<vmem>>
    %dma_wait3A_530 = tpu.memref_squeeze %dma_wait3A_529 : memref<1x3200xf32, #tpu.memory_space<vmem>> -> memref<3200xf32, #tpu.memory_space<vmem>>
    %dma_wait3A_531 = tpu.memref_slice %arg3[%dma_wait3A_521, %mul3A_2] : memref<32x102400xf32, #tpu.memory_space<hbm>> -> memref<1x3200xf32, #tpu.memory_space<hbm>>
    %dma_wait3A_532 = tpu.memref_squeeze %dma_wait3A_531 : memref<1x3200xf32, #tpu.memory_space<hbm>> -> memref<3200xf32, #tpu.memory_space<hbm>>
    tpu.wait_dma2 semaphore(%arg12 : memref<!tpu.dma_semaphore, #tpu.memory_space<semaphore_mem>>) src(%dma_wait3A_532 : memref<3200xf32, #tpu.memory_space<hbm>>) dst(%dma_wait3A_530 : memref<3200xf32, #tpu.memory_space<vmem>>)
    %dma_wait3A_533 = arith.constant 12 : i32
    %dma_wait3A_534 = arith.constant 12 : i32
    %dma_wait3A_535 = arith.constant 0 : i32
    %dma_wait3A_536 = tpu.memref_slice %arg7[%dma_wait3A_534, %dma_wait3A_535] : memref<32x3200xf32, #tpu.memory_space<vmem>> -> memref<1x3200xf32, #tpu.memory_space<vmem>>
    %dma_wait3A_537 = tpu.memref_squeeze %dma_wait3A_536 : memref<1x3200xf32, #tpu.memory_space<vmem>> -> memref<3200xf32, #tpu.memory_space<vmem>>
    %dma_wait3A_538 = tpu.memref_slice %arg3[%dma_wait3A_533, %mul3A_2] : memref<32x102400xf32, #tpu.memory_space<hbm>> -> memref<1x3200xf32, #tpu.memory_space<hbm>>
    %dma_wait3A_539 = tpu.memref_squeeze %dma_wait3A_538 : memref<1x3200xf32, #tpu.memory_space<hbm>> -> memref<3200xf32, #tpu.memory_space<hbm>>
    %dma_wait3A_540 = arith.constant 0 : i32
    %dma_wait3A_541 = tpu.memref_slice %arg7[%dma_wait3A_534, %dma_wait3A_540] : memref<32x3200xf32, #tpu.memory_space<vmem>> -> memref<1x3200xf32, #tpu.memory_space<vmem>>
    %dma_wait3A_542 = tpu.memref_squeeze %dma_wait3A_541 : memref<1x3200xf32, #tpu.memory_space<vmem>> -> memref<3200xf32, #tpu.memory_space<vmem>>
    %dma_wait3A_543 = tpu.memref_slice %arg3[%dma_wait3A_533, %mul3A_2] : memref<32x102400xf32, #tpu.memory_space<hbm>> -> memref<1x3200xf32, #tpu.memory_space<hbm>>
    %dma_wait3A_544 = tpu.memref_squeeze %dma_wait3A_543 : memref<1x3200xf32, #tpu.memory_space<hbm>> -> memref<3200xf32, #tpu.memory_space<hbm>>
    tpu.wait_dma2 semaphore(%arg12 : memref<!tpu.dma_semaphore, #tpu.memory_space<semaphore_mem>>) src(%dma_wait3A_544 : memref<3200xf32, #tpu.memory_space<hbm>>) dst(%dma_wait3A_542 : memref<3200xf32, #tpu.memory_space<vmem>>)
    %dma_wait3A_545 = arith.constant 13 : i32
    %dma_wait3A_546 = arith.constant 13 : i32
    %dma_wait3A_547 = arith.constant 0 : i32
    %dma_wait3A_548 = tpu.memref_slice %arg7[%dma_wait3A_546, %dma_wait3A_547] : memref<32x3200xf32, #tpu.memory_space<vmem>> -> memref<1x3200xf32, #tpu.memory_space<vmem>>
    %dma_wait3A_549 = tpu.memref_squeeze %dma_wait3A_548 : memref<1x3200xf32, #tpu.memory_space<vmem>> -> memref<3200xf32, #tpu.memory_space<vmem>>
    %dma_wait3A_550 = tpu.memref_slice %arg3[%dma_wait3A_545, %mul3A_2] : memref<32x102400xf32, #tpu.memory_space<hbm>> -> memref<1x3200xf32, #tpu.memory_space<hbm>>
    %dma_wait3A_551 = tpu.memref_squeeze %dma_wait3A_550 : memref<1x3200xf32, #tpu.memory_space<hbm>> -> memref<3200xf32, #tpu.memory_space<hbm>>
    %dma_wait3A_552 = arith.constant 0 : i32
    %dma_wait3A_553 = tpu.memref_slice %arg7[%dma_wait3A_546, %dma_wait3A_552] : memref<32x3200xf32, #tpu.memory_space<vmem>> -> memref<1x3200xf32, #tpu.memory_space<vmem>>
    %dma_wait3A_554 = tpu.memref_squeeze %dma_wait3A_553 : memref<1x3200xf32, #tpu.memory_space<vmem>> -> memref<3200xf32, #tpu.memory_space<vmem>>
    %dma_wait3A_555 = tpu.memref_slice %arg3[%dma_wait3A_545, %mul3A_2] : memref<32x102400xf32, #tpu.memory_space<hbm>> -> memref<1x3200xf32, #tpu.memory_space<hbm>>
    %dma_wait3A_556 = tpu.memref_squeeze %dma_wait3A_555 : memref<1x3200xf32, #tpu.memory_space<hbm>> -> memref<3200xf32, #tpu.memory_space<hbm>>
    tpu.wait_dma2 semaphore(%arg12 : memref<!tpu.dma_semaphore, #tpu.memory_space<semaphore_mem>>) src(%dma_wait3A_556 : memref<3200xf32, #tpu.memory_space<hbm>>) dst(%dma_wait3A_554 : memref<3200xf32, #tpu.memory_space<vmem>>)
    %dma_wait3A_557 = arith.constant 14 : i32
    %dma_wait3A_558 = arith.constant 14 : i32
    %dma_wait3A_559 = arith.constant 0 : i32
    %dma_wait3A_560 = tpu.memref_slice %arg7[%dma_wait3A_558, %dma_wait3A_559] : memref<32x3200xf32, #tpu.memory_space<vmem>> -> memref<1x3200xf32, #tpu.memory_space<vmem>>
    %dma_wait3A_561 = tpu.memref_squeeze %dma_wait3A_560 : memref<1x3200xf32, #tpu.memory_space<vmem>> -> memref<3200xf32, #tpu.memory_space<vmem>>
    %dma_wait3A_562 = tpu.memref_slice %arg3[%dma_wait3A_557, %mul3A_2] : memref<32x102400xf32, #tpu.memory_space<hbm>> -> memref<1x3200xf32, #tpu.memory_space<hbm>>
    %dma_wait3A_563 = tpu.memref_squeeze %dma_wait3A_562 : memref<1x3200xf32, #tpu.memory_space<hbm>> -> memref<3200xf32, #tpu.memory_space<hbm>>
    %dma_wait3A_564 = arith.constant 0 : i32
    %dma_wait3A_565 = tpu.memref_slice %arg7[%dma_wait3A_558, %dma_wait3A_564] : memref<32x3200xf32, #tpu.memory_space<vmem>> -> memref<1x3200xf32, #tpu.memory_space<vmem>>
    %dma_wait3A_566 = tpu.memref_squeeze %dma_wait3A_565 : memref<1x3200xf32, #tpu.memory_space<vmem>> -> memref<3200xf32, #tpu.memory_space<vmem>>
    %dma_wait3A_567 = tpu.memref_slice %arg3[%dma_wait3A_557, %mul3A_2] : memref<32x102400xf32, #tpu.memory_space<hbm>> -> memref<1x3200xf32, #tpu.memory_space<hbm>>
    %dma_wait3A_568 = tpu.memref_squeeze %dma_wait3A_567 : memref<1x3200xf32, #tpu.memory_space<hbm>> -> memref<3200xf32, #tpu.memory_space<hbm>>
    tpu.wait_dma2 semaphore(%arg12 : memref<!tpu.dma_semaphore, #tpu.memory_space<semaphore_mem>>) src(%dma_wait3A_568 : memref<3200xf32, #tpu.memory_space<hbm>>) dst(%dma_wait3A_566 : memref<3200xf32, #tpu.memory_space<vmem>>)
    %dma_wait3A_569 = arith.constant 15 : i32
    %dma_wait3A_570 = arith.constant 15 : i32
    %dma_wait3A_571 = arith.constant 0 : i32
    %dma_wait3A_572 = tpu.memref_slice %arg7[%dma_wait3A_570, %dma_wait3A_571] : memref<32x3200xf32, #tpu.memory_space<vmem>> -> memref<1x3200xf32, #tpu.memory_space<vmem>>
    %dma_wait3A_573 = tpu.memref_squeeze %dma_wait3A_572 : memref<1x3200xf32, #tpu.memory_space<vmem>> -> memref<3200xf32, #tpu.memory_space<vmem>>
    %dma_wait3A_574 = tpu.memref_slice %arg3[%dma_wait3A_569, %mul3A_2] : memref<32x102400xf32, #tpu.memory_space<hbm>> -> memref<1x3200xf32, #tpu.memory_space<hbm>>
    %dma_wait3A_575 = tpu.memref_squeeze %dma_wait3A_574 : memref<1x3200xf32, #tpu.memory_space<hbm>> -> memref<3200xf32, #tpu.memory_space<hbm>>
    %dma_wait3A_576 = arith.constant 0 : i32
    %dma_wait3A_577 = tpu.memref_slice %arg7[%dma_wait3A_570, %dma_wait3A_576] : memref<32x3200xf32, #tpu.memory_space<vmem>> -> memref<1x3200xf32, #tpu.memory_space<vmem>>
    %dma_wait3A_578 = tpu.memref_squeeze %dma_wait3A_577 : memref<1x3200xf32, #tpu.memory_space<vmem>> -> memref<3200xf32, #tpu.memory_space<vmem>>
    %dma_wait3A_579 = tpu.memref_slice %arg3[%dma_wait3A_569, %mul3A_2] : memref<32x102400xf32, #tpu.memory_space<hbm>> -> memref<1x3200xf32, #tpu.memory_space<hbm>>
    %dma_wait3A_580 = tpu.memref_squeeze %dma_wait3A_579 : memref<1x3200xf32, #tpu.memory_space<hbm>> -> memref<3200xf32, #tpu.memory_space<hbm>>
    tpu.wait_dma2 semaphore(%arg12 : memref<!tpu.dma_semaphore, #tpu.memory_space<semaphore_mem>>) src(%dma_wait3A_580 : memref<3200xf32, #tpu.memory_space<hbm>>) dst(%dma_wait3A_578 : memref<3200xf32, #tpu.memory_space<vmem>>)
    %dma_wait3A_581 = arith.constant 16 : i32
    %dma_wait3A_582 = arith.constant 16 : i32
    %dma_wait3A_583 = arith.constant 0 : i32
    %dma_wait3A_584 = tpu.memref_slice %arg7[%dma_wait3A_582, %dma_wait3A_583] : memref<32x3200xf32, #tpu.memory_space<vmem>> -> memref<1x3200xf32, #tpu.memory_space<vmem>>
    %dma_wait3A_585 = tpu.memref_squeeze %dma_wait3A_584 : memref<1x3200xf32, #tpu.memory_space<vmem>> -> memref<3200xf32, #tpu.memory_space<vmem>>
    %dma_wait3A_586 = tpu.memref_slice %arg3[%dma_wait3A_581, %mul3A_2] : memref<32x102400xf32, #tpu.memory_space<hbm>> -> memref<1x3200xf32, #tpu.memory_space<hbm>>
    %dma_wait3A_587 = tpu.memref_squeeze %dma_wait3A_586 : memref<1x3200xf32, #tpu.memory_space<hbm>> -> memref<3200xf32, #tpu.memory_space<hbm>>
    %dma_wait3A_588 = arith.constant 0 : i32
    %dma_wait3A_589 = tpu.memref_slice %arg7[%dma_wait3A_582, %dma_wait3A_588] : memref<32x3200xf32, #tpu.memory_space<vmem>> -> memref<1x3200xf32, #tpu.memory_space<vmem>>
    %dma_wait3A_590 = tpu.memref_squeeze %dma_wait3A_589 : memref<1x3200xf32, #tpu.memory_space<vmem>> -> memref<3200xf32, #tpu.memory_space<vmem>>
    %dma_wait3A_591 = tpu.memref_slice %arg3[%dma_wait3A_581, %mul3A_2] : memref<32x102400xf32, #tpu.memory_space<hbm>> -> memref<1x3200xf32, #tpu.memory_space<hbm>>
    %dma_wait3A_592 = tpu.memref_squeeze %dma_wait3A_591 : memref<1x3200xf32, #tpu.memory_space<hbm>> -> memref<3200xf32, #tpu.memory_space<hbm>>
    tpu.wait_dma2 semaphore(%arg12 : memref<!tpu.dma_semaphore, #tpu.memory_space<semaphore_mem>>) src(%dma_wait3A_592 : memref<3200xf32, #tpu.memory_space<hbm>>) dst(%dma_wait3A_590 : memref<3200xf32, #tpu.memory_space<vmem>>)
    %dma_wait3A_593 = arith.constant 17 : i32
    %dma_wait3A_594 = arith.constant 17 : i32
    %dma_wait3A_595 = arith.constant 0 : i32
    %dma_wait3A_596 = tpu.memref_slice %arg7[%dma_wait3A_594, %dma_wait3A_595] : memref<32x3200xf32, #tpu.memory_space<vmem>> -> memref<1x3200xf32, #tpu.memory_space<vmem>>
    %dma_wait3A_597 = tpu.memref_squeeze %dma_wait3A_596 : memref<1x3200xf32, #tpu.memory_space<vmem>> -> memref<3200xf32, #tpu.memory_space<vmem>>
    %dma_wait3A_598 = tpu.memref_slice %arg3[%dma_wait3A_593, %mul3A_2] : memref<32x102400xf32, #tpu.memory_space<hbm>> -> memref<1x3200xf32, #tpu.memory_space<hbm>>
    %dma_wait3A_599 = tpu.memref_squeeze %dma_wait3A_598 : memref<1x3200xf32, #tpu.memory_space<hbm>> -> memref<3200xf32, #tpu.memory_space<hbm>>
    %dma_wait3A_600 = arith.constant 0 : i32
    %dma_wait3A_601 = tpu.memref_slice %arg7[%dma_wait3A_594, %dma_wait3A_600] : memref<32x3200xf32, #tpu.memory_space<vmem>> -> memref<1x3200xf32, #tpu.memory_space<vmem>>
    %dma_wait3A_602 = tpu.memref_squeeze %dma_wait3A_601 : memref<1x3200xf32, #tpu.memory_space<vmem>> -> memref<3200xf32, #tpu.memory_space<vmem>>
    %dma_wait3A_603 = tpu.memref_slice %arg3[%dma_wait3A_593, %mul3A_2] : memref<32x102400xf32, #tpu.memory_space<hbm>> -> memref<1x3200xf32, #tpu.memory_space<hbm>>
    %dma_wait3A_604 = tpu.memref_squeeze %dma_wait3A_603 : memref<1x3200xf32, #tpu.memory_space<hbm>> -> memref<3200xf32, #tpu.memory_space<hbm>>
    tpu.wait_dma2 semaphore(%arg12 : memref<!tpu.dma_semaphore, #tpu.memory_space<semaphore_mem>>) src(%dma_wait3A_604 : memref<3200xf32, #tpu.memory_space<hbm>>) dst(%dma_wait3A_602 : memref<3200xf32, #tpu.memory_space<vmem>>)
    %dma_wait3A_605 = arith.constant 18 : i32
    %dma_wait3A_606 = arith.constant 18 : i32
    %dma_wait3A_607 = arith.constant 0 : i32
    %dma_wait3A_608 = tpu.memref_slice %arg7[%dma_wait3A_606, %dma_wait3A_607] : memref<32x3200xf32, #tpu.memory_space<vmem>> -> memref<1x3200xf32, #tpu.memory_space<vmem>>
    %dma_wait3A_609 = tpu.memref_squeeze %dma_wait3A_608 : memref<1x3200xf32, #tpu.memory_space<vmem>> -> memref<3200xf32, #tpu.memory_space<vmem>>
    %dma_wait3A_610 = tpu.memref_slice %arg3[%dma_wait3A_605, %mul3A_2] : memref<32x102400xf32, #tpu.memory_space<hbm>> -> memref<1x3200xf32, #tpu.memory_space<hbm>>
    %dma_wait3A_611 = tpu.memref_squeeze %dma_wait3A_610 : memref<1x3200xf32, #tpu.memory_space<hbm>> -> memref<3200xf32, #tpu.memory_space<hbm>>
    %dma_wait3A_612 = arith.constant 0 : i32
    %dma_wait3A_613 = tpu.memref_slice %arg7[%dma_wait3A_606, %dma_wait3A_612] : memref<32x3200xf32, #tpu.memory_space<vmem>> -> memref<1x3200xf32, #tpu.memory_space<vmem>>
    %dma_wait3A_614 = tpu.memref_squeeze %dma_wait3A_613 : memref<1x3200xf32, #tpu.memory_space<vmem>> -> memref<3200xf32, #tpu.memory_space<vmem>>
    %dma_wait3A_615 = tpu.memref_slice %arg3[%dma_wait3A_605, %mul3A_2] : memref<32x102400xf32, #tpu.memory_space<hbm>> -> memref<1x3200xf32, #tpu.memory_space<hbm>>
    %dma_wait3A_616 = tpu.memref_squeeze %dma_wait3A_615 : memref<1x3200xf32, #tpu.memory_space<hbm>> -> memref<3200xf32, #tpu.memory_space<hbm>>
    tpu.wait_dma2 semaphore(%arg12 : memref<!tpu.dma_semaphore, #tpu.memory_space<semaphore_mem>>) src(%dma_wait3A_616 : memref<3200xf32, #tpu.memory_space<hbm>>) dst(%dma_wait3A_614 : memref<3200xf32, #tpu.memory_space<vmem>>)
    %dma_wait3A_617 = arith.constant 19 : i32
    %dma_wait3A_618 = arith.constant 19 : i32
    %dma_wait3A_619 = arith.constant 0 : i32
    %dma_wait3A_620 = tpu.memref_slice %arg7[%dma_wait3A_618, %dma_wait3A_619] : memref<32x3200xf32, #tpu.memory_space<vmem>> -> memref<1x3200xf32, #tpu.memory_space<vmem>>
    %dma_wait3A_621 = tpu.memref_squeeze %dma_wait3A_620 : memref<1x3200xf32, #tpu.memory_space<vmem>> -> memref<3200xf32, #tpu.memory_space<vmem>>
    %dma_wait3A_622 = tpu.memref_slice %arg3[%dma_wait3A_617, %mul3A_2] : memref<32x102400xf32, #tpu.memory_space<hbm>> -> memref<1x3200xf32, #tpu.memory_space<hbm>>
    %dma_wait3A_623 = tpu.memref_squeeze %dma_wait3A_622 : memref<1x3200xf32, #tpu.memory_space<hbm>> -> memref<3200xf32, #tpu.memory_space<hbm>>
    %dma_wait3A_624 = arith.constant 0 : i32
    %dma_wait3A_625 = tpu.memref_slice %arg7[%dma_wait3A_618, %dma_wait3A_624] : memref<32x3200xf32, #tpu.memory_space<vmem>> -> memref<1x3200xf32, #tpu.memory_space<vmem>>
    %dma_wait3A_626 = tpu.memref_squeeze %dma_wait3A_625 : memref<1x3200xf32, #tpu.memory_space<vmem>> -> memref<3200xf32, #tpu.memory_space<vmem>>
    %dma_wait3A_627 = tpu.memref_slice %arg3[%dma_wait3A_617, %mul3A_2] : memref<32x102400xf32, #tpu.memory_space<hbm>> -> memref<1x3200xf32, #tpu.memory_space<hbm>>
    %dma_wait3A_628 = tpu.memref_squeeze %dma_wait3A_627 : memref<1x3200xf32, #tpu.memory_space<hbm>> -> memref<3200xf32, #tpu.memory_space<hbm>>
    tpu.wait_dma2 semaphore(%arg12 : memref<!tpu.dma_semaphore, #tpu.memory_space<semaphore_mem>>) src(%dma_wait3A_628 : memref<3200xf32, #tpu.memory_space<hbm>>) dst(%dma_wait3A_626 : memref<3200xf32, #tpu.memory_space<vmem>>)
    %dma_wait3A_629 = arith.constant 20 : i32
    %dma_wait3A_630 = arith.constant 20 : i32
    %dma_wait3A_631 = arith.constant 0 : i32
    %dma_wait3A_632 = tpu.memref_slice %arg7[%dma_wait3A_630, %dma_wait3A_631] : memref<32x3200xf32, #tpu.memory_space<vmem>> -> memref<1x3200xf32, #tpu.memory_space<vmem>>
    %dma_wait3A_633 = tpu.memref_squeeze %dma_wait3A_632 : memref<1x3200xf32, #tpu.memory_space<vmem>> -> memref<3200xf32, #tpu.memory_space<vmem>>
    %dma_wait3A_634 = tpu.memref_slice %arg3[%dma_wait3A_629, %mul3A_2] : memref<32x102400xf32, #tpu.memory_space<hbm>> -> memref<1x3200xf32, #tpu.memory_space<hbm>>
    %dma_wait3A_635 = tpu.memref_squeeze %dma_wait3A_634 : memref<1x3200xf32, #tpu.memory_space<hbm>> -> memref<3200xf32, #tpu.memory_space<hbm>>
    %dma_wait3A_636 = arith.constant 0 : i32
    %dma_wait3A_637 = tpu.memref_slice %arg7[%dma_wait3A_630, %dma_wait3A_636] : memref<32x3200xf32, #tpu.memory_space<vmem>> -> memref<1x3200xf32, #tpu.memory_space<vmem>>
    %dma_wait3A_638 = tpu.memref_squeeze %dma_wait3A_637 : memref<1x3200xf32, #tpu.memory_space<vmem>> -> memref<3200xf32, #tpu.memory_space<vmem>>
    %dma_wait3A_639 = tpu.memref_slice %arg3[%dma_wait3A_629, %mul3A_2] : memref<32x102400xf32, #tpu.memory_space<hbm>> -> memref<1x3200xf32, #tpu.memory_space<hbm>>
    %dma_wait3A_640 = tpu.memref_squeeze %dma_wait3A_639 : memref<1x3200xf32, #tpu.memory_space<hbm>> -> memref<3200xf32, #tpu.memory_space<hbm>>
    tpu.wait_dma2 semaphore(%arg12 : memref<!tpu.dma_semaphore, #tpu.memory_space<semaphore_mem>>) src(%dma_wait3A_640 : memref<3200xf32, #tpu.memory_space<hbm>>) dst(%dma_wait3A_638 : memref<3200xf32, #tpu.memory_space<vmem>>)
    %dma_wait3A_641 = arith.constant 21 : i32
    %dma_wait3A_642 = arith.constant 21 : i32
    %dma_wait3A_643 = arith.constant 0 : i32
    %dma_wait3A_644 = tpu.memref_slice %arg7[%dma_wait3A_642, %dma_wait3A_643] : memref<32x3200xf32, #tpu.memory_space<vmem>> -> memref<1x3200xf32, #tpu.memory_space<vmem>>
    %dma_wait3A_645 = tpu.memref_squeeze %dma_wait3A_644 : memref<1x3200xf32, #tpu.memory_space<vmem>> -> memref<3200xf32, #tpu.memory_space<vmem>>
    %dma_wait3A_646 = tpu.memref_slice %arg3[%dma_wait3A_641, %mul3A_2] : memref<32x102400xf32, #tpu.memory_space<hbm>> -> memref<1x3200xf32, #tpu.memory_space<hbm>>
    %dma_wait3A_647 = tpu.memref_squeeze %dma_wait3A_646 : memref<1x3200xf32, #tpu.memory_space<hbm>> -> memref<3200xf32, #tpu.memory_space<hbm>>
    %dma_wait3A_648 = arith.constant 0 : i32
    %dma_wait3A_649 = tpu.memref_slice %arg7[%dma_wait3A_642, %dma_wait3A_648] : memref<32x3200xf32, #tpu.memory_space<vmem>> -> memref<1x3200xf32, #tpu.memory_space<vmem>>
    %dma_wait3A_650 = tpu.memref_squeeze %dma_wait3A_649 : memref<1x3200xf32, #tpu.memory_space<vmem>> -> memref<3200xf32, #tpu.memory_space<vmem>>
    %dma_wait3A_651 = tpu.memref_slice %arg3[%dma_wait3A_641, %mul3A_2] : memref<32x102400xf32, #tpu.memory_space<hbm>> -> memref<1x3200xf32, #tpu.memory_space<hbm>>
    %dma_wait3A_652 = tpu.memref_squeeze %dma_wait3A_651 : memref<1x3200xf32, #tpu.memory_space<hbm>> -> memref<3200xf32, #tpu.memory_space<hbm>>
    tpu.wait_dma2 semaphore(%arg12 : memref<!tpu.dma_semaphore, #tpu.memory_space<semaphore_mem>>) src(%dma_wait3A_652 : memref<3200xf32, #tpu.memory_space<hbm>>) dst(%dma_wait3A_650 : memref<3200xf32, #tpu.memory_space<vmem>>)
    %dma_wait3A_653 = arith.constant 22 : i32
    %dma_wait3A_654 = arith.constant 22 : i32
    %dma_wait3A_655 = arith.constant 0 : i32
    %dma_wait3A_656 = tpu.memref_slice %arg7[%dma_wait3A_654, %dma_wait3A_655] : memref<32x3200xf32, #tpu.memory_space<vmem>> -> memref<1x3200xf32, #tpu.memory_space<vmem>>
    %dma_wait3A_657 = tpu.memref_squeeze %dma_wait3A_656 : memref<1x3200xf32, #tpu.memory_space<vmem>> -> memref<3200xf32, #tpu.memory_space<vmem>>
    %dma_wait3A_658 = tpu.memref_slice %arg3[%dma_wait3A_653, %mul3A_2] : memref<32x102400xf32, #tpu.memory_space<hbm>> -> memref<1x3200xf32, #tpu.memory_space<hbm>>
    %dma_wait3A_659 = tpu.memref_squeeze %dma_wait3A_658 : memref<1x3200xf32, #tpu.memory_space<hbm>> -> memref<3200xf32, #tpu.memory_space<hbm>>
    %dma_wait3A_660 = arith.constant 0 : i32
    %dma_wait3A_661 = tpu.memref_slice %arg7[%dma_wait3A_654, %dma_wait3A_660] : memref<32x3200xf32, #tpu.memory_space<vmem>> -> memref<1x3200xf32, #tpu.memory_space<vmem>>
    %dma_wait3A_662 = tpu.memref_squeeze %dma_wait3A_661 : memref<1x3200xf32, #tpu.memory_space<vmem>> -> memref<3200xf32, #tpu.memory_space<vmem>>
    %dma_wait3A_663 = tpu.memref_slice %arg3[%dma_wait3A_653, %mul3A_2] : memref<32x102400xf32, #tpu.memory_space<hbm>> -> memref<1x3200xf32, #tpu.memory_space<hbm>>
    %dma_wait3A_664 = tpu.memref_squeeze %dma_wait3A_663 : memref<1x3200xf32, #tpu.memory_space<hbm>> -> memref<3200xf32, #tpu.memory_space<hbm>>
    tpu.wait_dma2 semaphore(%arg12 : memref<!tpu.dma_semaphore, #tpu.memory_space<semaphore_mem>>) src(%dma_wait3A_664 : memref<3200xf32, #tpu.memory_space<hbm>>) dst(%dma_wait3A_662 : memref<3200xf32, #tpu.memory_space<vmem>>)
    %dma_wait3A_665 = arith.constant 23 : i32
    %dma_wait3A_666 = arith.constant 23 : i32
    %dma_wait3A_667 = arith.constant 0 : i32
    %dma_wait3A_668 = tpu.memref_slice %arg7[%dma_wait3A_666, %dma_wait3A_667] : memref<32x3200xf32, #tpu.memory_space<vmem>> -> memref<1x3200xf32, #tpu.memory_space<vmem>>
    %dma_wait3A_669 = tpu.memref_squeeze %dma_wait3A_668 : memref<1x3200xf32, #tpu.memory_space<vmem>> -> memref<3200xf32, #tpu.memory_space<vmem>>
    %dma_wait3A_670 = tpu.memref_slice %arg3[%dma_wait3A_665, %mul3A_2] : memref<32x102400xf32, #tpu.memory_space<hbm>> -> memref<1x3200xf32, #tpu.memory_space<hbm>>
    %dma_wait3A_671 = tpu.memref_squeeze %dma_wait3A_670 : memref<1x3200xf32, #tpu.memory_space<hbm>> -> memref<3200xf32, #tpu.memory_space<hbm>>
    %dma_wait3A_672 = arith.constant 0 : i32
    %dma_wait3A_673 = tpu.memref_slice %arg7[%dma_wait3A_666, %dma_wait3A_672] : memref<32x3200xf32, #tpu.memory_space<vmem>> -> memref<1x3200xf32, #tpu.memory_space<vmem>>
    %dma_wait3A_674 = tpu.memref_squeeze %dma_wait3A_673 : memref<1x3200xf32, #tpu.memory_space<vmem>> -> memref<3200xf32, #tpu.memory_space<vmem>>
    %dma_wait3A_675 = tpu.memref_slice %arg3[%dma_wait3A_665, %mul3A_2] : memref<32x102400xf32, #tpu.memory_space<hbm>> -> memref<1x3200xf32, #tpu.memory_space<hbm>>
    %dma_wait3A_676 = tpu.memref_squeeze %dma_wait3A_675 : memref<1x3200xf32, #tpu.memory_space<hbm>> -> memref<3200xf32, #tpu.memory_space<hbm>>
    tpu.wait_dma2 semaphore(%arg12 : memref<!tpu.dma_semaphore, #tpu.memory_space<semaphore_mem>>) src(%dma_wait3A_676 : memref<3200xf32, #tpu.memory_space<hbm>>) dst(%dma_wait3A_674 : memref<3200xf32, #tpu.memory_space<vmem>>)
    %dma_wait3A_677 = arith.constant 24 : i32
    %dma_wait3A_678 = arith.constant 24 : i32
    %dma_wait3A_679 = arith.constant 0 : i32
    %dma_wait3A_680 = tpu.memref_slice %arg7[%dma_wait3A_678, %dma_wait3A_679] : memref<32x3200xf32, #tpu.memory_space<vmem>> -> memref<1x3200xf32, #tpu.memory_space<vmem>>
    %dma_wait3A_681 = tpu.memref_squeeze %dma_wait3A_680 : memref<1x3200xf32, #tpu.memory_space<vmem>> -> memref<3200xf32, #tpu.memory_space<vmem>>
    %dma_wait3A_682 = tpu.memref_slice %arg3[%dma_wait3A_677, %mul3A_2] : memref<32x102400xf32, #tpu.memory_space<hbm>> -> memref<1x3200xf32, #tpu.memory_space<hbm>>
    %dma_wait3A_683 = tpu.memref_squeeze %dma_wait3A_682 : memref<1x3200xf32, #tpu.memory_space<hbm>> -> memref<3200xf32, #tpu.memory_space<hbm>>
    %dma_wait3A_684 = arith.constant 0 : i32
    %dma_wait3A_685 = tpu.memref_slice %arg7[%dma_wait3A_678, %dma_wait3A_684] : memref<32x3200xf32, #tpu.memory_space<vmem>> -> memref<1x3200xf32, #tpu.memory_space<vmem>>
    %dma_wait3A_686 = tpu.memref_squeeze %dma_wait3A_685 : memref<1x3200xf32, #tpu.memory_space<vmem>> -> memref<3200xf32, #tpu.memory_space<vmem>>
    %dma_wait3A_687 = tpu.memref_slice %arg3[%dma_wait3A_677, %mul3A_2] : memref<32x102400xf32, #tpu.memory_space<hbm>> -> memref<1x3200xf32, #tpu.memory_space<hbm>>
    %dma_wait3A_688 = tpu.memref_squeeze %dma_wait3A_687 : memref<1x3200xf32, #tpu.memory_space<hbm>> -> memref<3200xf32, #tpu.memory_space<hbm>>
    tpu.wait_dma2 semaphore(%arg12 : memref<!tpu.dma_semaphore, #tpu.memory_space<semaphore_mem>>) src(%dma_wait3A_688 : memref<3200xf32, #tpu.memory_space<hbm>>) dst(%dma_wait3A_686 : memref<3200xf32, #tpu.memory_space<vmem>>)
    %dma_wait3A_689 = arith.constant 25 : i32
    %dma_wait3A_690 = arith.constant 25 : i32
    %dma_wait3A_691 = arith.constant 0 : i32
    %dma_wait3A_692 = tpu.memref_slice %arg7[%dma_wait3A_690, %dma_wait3A_691] : memref<32x3200xf32, #tpu.memory_space<vmem>> -> memref<1x3200xf32, #tpu.memory_space<vmem>>
    %dma_wait3A_693 = tpu.memref_squeeze %dma_wait3A_692 : memref<1x3200xf32, #tpu.memory_space<vmem>> -> memref<3200xf32, #tpu.memory_space<vmem>>
    %dma_wait3A_694 = tpu.memref_slice %arg3[%dma_wait3A_689, %mul3A_2] : memref<32x102400xf32, #tpu.memory_space<hbm>> -> memref<1x3200xf32, #tpu.memory_space<hbm>>
    %dma_wait3A_695 = tpu.memref_squeeze %dma_wait3A_694 : memref<1x3200xf32, #tpu.memory_space<hbm>> -> memref<3200xf32, #tpu.memory_space<hbm>>
    %dma_wait3A_696 = arith.constant 0 : i32
    %dma_wait3A_697 = tpu.memref_slice %arg7[%dma_wait3A_690, %dma_wait3A_696] : memref<32x3200xf32, #tpu.memory_space<vmem>> -> memref<1x3200xf32, #tpu.memory_space<vmem>>
    %dma_wait3A_698 = tpu.memref_squeeze %dma_wait3A_697 : memref<1x3200xf32, #tpu.memory_space<vmem>> -> memref<3200xf32, #tpu.memory_space<vmem>>
    %dma_wait3A_699 = tpu.memref_slice %arg3[%dma_wait3A_689, %mul3A_2] : memref<32x102400xf32, #tpu.memory_space<hbm>> -> memref<1x3200xf32, #tpu.memory_space<hbm>>
    %dma_wait3A_700 = tpu.memref_squeeze %dma_wait3A_699 : memref<1x3200xf32, #tpu.memory_space<hbm>> -> memref<3200xf32, #tpu.memory_space<hbm>>
    tpu.wait_dma2 semaphore(%arg12 : memref<!tpu.dma_semaphore, #tpu.memory_space<semaphore_mem>>) src(%dma_wait3A_700 : memref<3200xf32, #tpu.memory_space<hbm>>) dst(%dma_wait3A_698 : memref<3200xf32, #tpu.memory_space<vmem>>)
    %dma_wait3A_701 = arith.constant 26 : i32
    %dma_wait3A_702 = arith.constant 26 : i32
    %dma_wait3A_703 = arith.constant 0 : i32
    %dma_wait3A_704 = tpu.memref_slice %arg7[%dma_wait3A_702, %dma_wait3A_703] : memref<32x3200xf32, #tpu.memory_space<vmem>> -> memref<1x3200xf32, #tpu.memory_space<vmem>>
    %dma_wait3A_705 = tpu.memref_squeeze %dma_wait3A_704 : memref<1x3200xf32, #tpu.memory_space<vmem>> -> memref<3200xf32, #tpu.memory_space<vmem>>
    %dma_wait3A_706 = tpu.memref_slice %arg3[%dma_wait3A_701, %mul3A_2] : memref<32x102400xf32, #tpu.memory_space<hbm>> -> memref<1x3200xf32, #tpu.memory_space<hbm>>
    %dma_wait3A_707 = tpu.memref_squeeze %dma_wait3A_706 : memref<1x3200xf32, #tpu.memory_space<hbm>> -> memref<3200xf32, #tpu.memory_space<hbm>>
    %dma_wait3A_708 = arith.constant 0 : i32
    %dma_wait3A_709 = tpu.memref_slice %arg7[%dma_wait3A_702, %dma_wait3A_708] : memref<32x3200xf32, #tpu.memory_space<vmem>> -> memref<1x3200xf32, #tpu.memory_space<vmem>>
    %dma_wait3A_710 = tpu.memref_squeeze %dma_wait3A_709 : memref<1x3200xf32, #tpu.memory_space<vmem>> -> memref<3200xf32, #tpu.memory_space<vmem>>
    %dma_wait3A_711 = tpu.memref_slice %arg3[%dma_wait3A_701, %mul3A_2] : memref<32x102400xf32, #tpu.memory_space<hbm>> -> memref<1x3200xf32, #tpu.memory_space<hbm>>
    %dma_wait3A_712 = tpu.memref_squeeze %dma_wait3A_711 : memref<1x3200xf32, #tpu.memory_space<hbm>> -> memref<3200xf32, #tpu.memory_space<hbm>>
    tpu.wait_dma2 semaphore(%arg12 : memref<!tpu.dma_semaphore, #tpu.memory_space<semaphore_mem>>) src(%dma_wait3A_712 : memref<3200xf32, #tpu.memory_space<hbm>>) dst(%dma_wait3A_710 : memref<3200xf32, #tpu.memory_space<vmem>>)
    %dma_wait3A_713 = arith.constant 27 : i32
    %dma_wait3A_714 = arith.constant 27 : i32
    %dma_wait3A_715 = arith.constant 0 : i32
    %dma_wait3A_716 = tpu.memref_slice %arg7[%dma_wait3A_714, %dma_wait3A_715] : memref<32x3200xf32, #tpu.memory_space<vmem>> -> memref<1x3200xf32, #tpu.memory_space<vmem>>
    %dma_wait3A_717 = tpu.memref_squeeze %dma_wait3A_716 : memref<1x3200xf32, #tpu.memory_space<vmem>> -> memref<3200xf32, #tpu.memory_space<vmem>>
    %dma_wait3A_718 = tpu.memref_slice %arg3[%dma_wait3A_713, %mul3A_2] : memref<32x102400xf32, #tpu.memory_space<hbm>> -> memref<1x3200xf32, #tpu.memory_space<hbm>>
    %dma_wait3A_719 = tpu.memref_squeeze %dma_wait3A_718 : memref<1x3200xf32, #tpu.memory_space<hbm>> -> memref<3200xf32, #tpu.memory_space<hbm>>
    %dma_wait3A_720 = arith.constant 0 : i32
    %dma_wait3A_721 = tpu.memref_slice %arg7[%dma_wait3A_714, %dma_wait3A_720] : memref<32x3200xf32, #tpu.memory_space<vmem>> -> memref<1x3200xf32, #tpu.memory_space<vmem>>
    %dma_wait3A_722 = tpu.memref_squeeze %dma_wait3A_721 : memref<1x3200xf32, #tpu.memory_space<vmem>> -> memref<3200xf32, #tpu.memory_space<vmem>>
    %dma_wait3A_723 = tpu.memref_slice %arg3[%dma_wait3A_713, %mul3A_2] : memref<32x102400xf32, #tpu.memory_space<hbm>> -> memref<1x3200xf32, #tpu.memory_space<hbm>>
    %dma_wait3A_724 = tpu.memref_squeeze %dma_wait3A_723 : memref<1x3200xf32, #tpu.memory_space<hbm>> -> memref<3200xf32, #tpu.memory_space<hbm>>
    tpu.wait_dma2 semaphore(%arg12 : memref<!tpu.dma_semaphore, #tpu.memory_space<semaphore_mem>>) src(%dma_wait3A_724 : memref<3200xf32, #tpu.memory_space<hbm>>) dst(%dma_wait3A_722 : memref<3200xf32, #tpu.memory_space<vmem>>)
    %dma_wait3A_725 = arith.constant 28 : i32
    %dma_wait3A_726 = arith.constant 28 : i32
    %dma_wait3A_727 = arith.constant 0 : i32
    %dma_wait3A_728 = tpu.memref_slice %arg7[%dma_wait3A_726, %dma_wait3A_727] : memref<32x3200xf32, #tpu.memory_space<vmem>> -> memref<1x3200xf32, #tpu.memory_space<vmem>>
    %dma_wait3A_729 = tpu.memref_squeeze %dma_wait3A_728 : memref<1x3200xf32, #tpu.memory_space<vmem>> -> memref<3200xf32, #tpu.memory_space<vmem>>
    %dma_wait3A_730 = tpu.memref_slice %arg3[%dma_wait3A_725, %mul3A_2] : memref<32x102400xf32, #tpu.memory_space<hbm>> -> memref<1x3200xf32, #tpu.memory_space<hbm>>
    %dma_wait3A_731 = tpu.memref_squeeze %dma_wait3A_730 : memref<1x3200xf32, #tpu.memory_space<hbm>> -> memref<3200xf32, #tpu.memory_space<hbm>>
    %dma_wait3A_732 = arith.constant 0 : i32
    %dma_wait3A_733 = tpu.memref_slice %arg7[%dma_wait3A_726, %dma_wait3A_732] : memref<32x3200xf32, #tpu.memory_space<vmem>> -> memref<1x3200xf32, #tpu.memory_space<vmem>>
    %dma_wait3A_734 = tpu.memref_squeeze %dma_wait3A_733 : memref<1x3200xf32, #tpu.memory_space<vmem>> -> memref<3200xf32, #tpu.memory_space<vmem>>
    %dma_wait3A_735 = tpu.memref_slice %arg3[%dma_wait3A_725, %mul3A_2] : memref<32x102400xf32, #tpu.memory_space<hbm>> -> memref<1x3200xf32, #tpu.memory_space<hbm>>
    %dma_wait3A_736 = tpu.memref_squeeze %dma_wait3A_735 : memref<1x3200xf32, #tpu.memory_space<hbm>> -> memref<3200xf32, #tpu.memory_space<hbm>>
    tpu.wait_dma2 semaphore(%arg12 : memref<!tpu.dma_semaphore, #tpu.memory_space<semaphore_mem>>) src(%dma_wait3A_736 : memref<3200xf32, #tpu.memory_space<hbm>>) dst(%dma_wait3A_734 : memref<3200xf32, #tpu.memory_space<vmem>>)
    %dma_wait3A_737 = arith.constant 29 : i32
    %dma_wait3A_738 = arith.constant 29 : i32
    %dma_wait3A_739 = arith.constant 0 : i32
    %dma_wait3A_740 = tpu.memref_slice %arg7[%dma_wait3A_738, %dma_wait3A_739] : memref<32x3200xf32, #tpu.memory_space<vmem>> -> memref<1x3200xf32, #tpu.memory_space<vmem>>
    %dma_wait3A_741 = tpu.memref_squeeze %dma_wait3A_740 : memref<1x3200xf32, #tpu.memory_space<vmem>> -> memref<3200xf32, #tpu.memory_space<vmem>>
    %dma_wait3A_742 = tpu.memref_slice %arg3[%dma_wait3A_737, %mul3A_2] : memref<32x102400xf32, #tpu.memory_space<hbm>> -> memref<1x3200xf32, #tpu.memory_space<hbm>>
    %dma_wait3A_743 = tpu.memref_squeeze %dma_wait3A_742 : memref<1x3200xf32, #tpu.memory_space<hbm>> -> memref<3200xf32, #tpu.memory_space<hbm>>
    %dma_wait3A_744 = arith.constant 0 : i32
    %dma_wait3A_745 = tpu.memref_slice %arg7[%dma_wait3A_738, %dma_wait3A_744] : memref<32x3200xf32, #tpu.memory_space<vmem>> -> memref<1x3200xf32, #tpu.memory_space<vmem>>
    %dma_wait3A_746 = tpu.memref_squeeze %dma_wait3A_745 : memref<1x3200xf32, #tpu.memory_space<vmem>> -> memref<3200xf32, #tpu.memory_space<vmem>>
    %dma_wait3A_747 = tpu.memref_slice %arg3[%dma_wait3A_737, %mul3A_2] : memref<32x102400xf32, #tpu.memory_space<hbm>> -> memref<1x3200xf32, #tpu.memory_space<hbm>>
    %dma_wait3A_748 = tpu.memref_squeeze %dma_wait3A_747 : memref<1x3200xf32, #tpu.memory_space<hbm>> -> memref<3200xf32, #tpu.memory_space<hbm>>
    tpu.wait_dma2 semaphore(%arg12 : memref<!tpu.dma_semaphore, #tpu.memory_space<semaphore_mem>>) src(%dma_wait3A_748 : memref<3200xf32, #tpu.memory_space<hbm>>) dst(%dma_wait3A_746 : memref<3200xf32, #tpu.memory_space<vmem>>)
    %dma_wait3A_749 = arith.constant 30 : i32
    %dma_wait3A_750 = arith.constant 30 : i32
    %dma_wait3A_751 = arith.constant 0 : i32
    %dma_wait3A_752 = tpu.memref_slice %arg7[%dma_wait3A_750, %dma_wait3A_751] : memref<32x3200xf32, #tpu.memory_space<vmem>> -> memref<1x3200xf32, #tpu.memory_space<vmem>>
    %dma_wait3A_753 = tpu.memref_squeeze %dma_wait3A_752 : memref<1x3200xf32, #tpu.memory_space<vmem>> -> memref<3200xf32, #tpu.memory_space<vmem>>
    %dma_wait3A_754 = tpu.memref_slice %arg3[%dma_wait3A_749, %mul3A_2] : memref<32x102400xf32, #tpu.memory_space<hbm>> -> memref<1x3200xf32, #tpu.memory_space<hbm>>
    %dma_wait3A_755 = tpu.memref_squeeze %dma_wait3A_754 : memref<1x3200xf32, #tpu.memory_space<hbm>> -> memref<3200xf32, #tpu.memory_space<hbm>>
    %dma_wait3A_756 = arith.constant 0 : i32
    %dma_wait3A_757 = tpu.memref_slice %arg7[%dma_wait3A_750, %dma_wait3A_756] : memref<32x3200xf32, #tpu.memory_space<vmem>> -> memref<1x3200xf32, #tpu.memory_space<vmem>>
    %dma_wait3A_758 = tpu.memref_squeeze %dma_wait3A_757 : memref<1x3200xf32, #tpu.memory_space<vmem>> -> memref<3200xf32, #tpu.memory_space<vmem>>
    %dma_wait3A_759 = tpu.memref_slice %arg3[%dma_wait3A_749, %mul3A_2] : memref<32x102400xf32, #tpu.memory_space<hbm>> -> memref<1x3200xf32, #tpu.memory_space<hbm>>
    %dma_wait3A_760 = tpu.memref_squeeze %dma_wait3A_759 : memref<1x3200xf32, #tpu.memory_space<hbm>> -> memref<3200xf32, #tpu.memory_space<hbm>>
    tpu.wait_dma2 semaphore(%arg12 : memref<!tpu.dma_semaphore, #tpu.memory_space<semaphore_mem>>) src(%dma_wait3A_760 : memref<3200xf32, #tpu.memory_space<hbm>>) dst(%dma_wait3A_758 : memref<3200xf32, #tpu.memory_space<vmem>>)
    %dma_wait3A_761 = arith.constant 31 : i32
    %dma_wait3A_762 = arith.constant 31 : i32
    %dma_wait3A_763 = arith.constant 0 : i32
    %dma_wait3A_764 = tpu.memref_slice %arg7[%dma_wait3A_762, %dma_wait3A_763] : memref<32x3200xf32, #tpu.memory_space<vmem>> -> memref<1x3200xf32, #tpu.memory_space<vmem>>
    %dma_wait3A_765 = tpu.memref_squeeze %dma_wait3A_764 : memref<1x3200xf32, #tpu.memory_space<vmem>> -> memref<3200xf32, #tpu.memory_space<vmem>>
    %dma_wait3A_766 = tpu.memref_slice %arg3[%dma_wait3A_761, %mul3A_2] : memref<32x102400xf32, #tpu.memory_space<hbm>> -> memref<1x3200xf32, #tpu.memory_space<hbm>>
    %dma_wait3A_767 = tpu.memref_squeeze %dma_wait3A_766 : memref<1x3200xf32, #tpu.memory_space<hbm>> -> memref<3200xf32, #tpu.memory_space<hbm>>
    %dma_wait3A_768 = arith.constant 0 : i32
    %dma_wait3A_769 = tpu.memref_slice %arg7[%dma_wait3A_762, %dma_wait3A_768] : memref<32x3200xf32, #tpu.memory_space<vmem>> -> memref<1x3200xf32, #tpu.memory_space<vmem>>
    %dma_wait3A_770 = tpu.memref_squeeze %dma_wait3A_769 : memref<1x3200xf32, #tpu.memory_space<vmem>> -> memref<3200xf32, #tpu.memory_space<vmem>>
    %dma_wait3A_771 = tpu.memref_slice %arg3[%dma_wait3A_761, %mul3A_2] : memref<32x102400xf32, #tpu.memory_space<hbm>> -> memref<1x3200xf32, #tpu.memory_space<hbm>>
    %dma_wait3A_772 = tpu.memref_squeeze %dma_wait3A_771 : memref<1x3200xf32, #tpu.memory_space<hbm>> -> memref<3200xf32, #tpu.memory_space<hbm>>
    tpu.wait_dma2 semaphore(%arg12 : memref<!tpu.dma_semaphore, #tpu.memory_space<semaphore_mem>>) src(%dma_wait3A_772 : memref<3200xf32, #tpu.memory_space<hbm>>) dst(%dma_wait3A_770 : memref<3200xf32, #tpu.memory_space<vmem>>)
    %get3A = arith.constant 0 : index
    %get3A_773 = tpu.vector_load %arg10[%get3A] {strides = array<i32>} : memref<16xf32, #tpu.memory_space<vmem>>, vector<16xf32>,
    %get3A_774 = arith.constant 0 : index
    %get3A_775 = tpu.vector_load %arg11[%get3A_774] {strides = array<i32>} : memref<16xf32, #tpu.memory_space<vmem>>, vector<16xf32>,
    %scan3A = arith.constant 0 : i32
    %scan3A_776 = arith.constant 200 : i32
    %scan3A_777 = arith.addi %scan3A, %scan3A_776 : i32
    %scan3A_778 = arith.constant 1 : i32
    scf.for %scan3A_780 = %scan3A to %scan3A_777 step %scan3A_778  : i32 {
      %mul3A_781 = arith.constant 1 : i32
      %mul3A_782 = arith.muli %scan3A_780, %mul3A_781 : i32
      %add3A_783 = arith.constant 0 : i32
      %add3A_784 = arith.addi %add3A_783, %mul3A_782 : i32
      %mul3A_785 = arith.constant 16 : i32
      %mul3A_786 = arith.muli %add3A_784, %mul3A_785 : i32
      %get3A_787 = arith.constant 0 : i32
      %get3A_788 = arith.index_cast %get3A_787 : i32 to index
      %get3A_789 = arith.index_cast %mul3A_786 : i32 to index
      %get3A_790 = tpu.vector_load %arg7[%get3A_788, %get3A_789] {strides = array<i32>} : memref<32x3200xf32, #tpu.memory_space<vmem>>, vector<16xf32>,
      %get3A_791 = arith.constant 1 : i32
      %get3A_792 = arith.index_cast %get3A_791 : i32 to index
      %get3A_793 = arith.index_cast %mul3A_786 : i32 to index
      %get3A_794 = tpu.vector_load %arg7[%get3A_792, %get3A_793] {strides = array<i32>} : memref<32x3200xf32, #tpu.memory_space<vmem>>, vector<16xf32>,
      %max3A = arith.maximumf %get3A_790, %get3A_794 : vector<16xf32>
      %get3A_795 = arith.constant 2 : i32
      %get3A_796 = arith.index_cast %get3A_795 : i32 to index
      %get3A_797 = arith.index_cast %mul3A_786 : i32 to index
      %get3A_798 = tpu.vector_load %arg7[%get3A_796, %get3A_797] {strides = array<i32>} : memref<32x3200xf32, #tpu.memory_space<vmem>>, vector<16xf32>,
      %max3A_799 = arith.maximumf %max3A, %get3A_798 : vector<16xf32>
      %get3A_800 = arith.constant 3 : i32
      %get3A_801 = arith.index_cast %get3A_800 : i32 to index
      %get3A_802 = arith.index_cast %mul3A_786 : i32 to index
      %get3A_803 = tpu.vector_load %arg7[%get3A_801, %get3A_802] {strides = array<i32>} : memref<32x3200xf32, #tpu.memory_space<vmem>>, vector<16xf32>,
      %max3A_804 = arith.maximumf %max3A_799, %get3A_803 : vector<16xf32>
      %get3A_805 = arith.constant 4 : i32
      %get3A_806 = arith.index_cast %get3A_805 : i32 to index
      %get3A_807 = arith.index_cast %mul3A_786 : i32 to index
      %get3A_808 = tpu.vector_load %arg7[%get3A_806, %get3A_807] {strides = array<i32>} : memref<32x3200xf32, #tpu.memory_space<vmem>>, vector<16xf32>,
      %max3A_809 = arith.maximumf %max3A_804, %get3A_808 : vector<16xf32>
      %get3A_810 = arith.constant 5 : i32
      %get3A_811 = arith.index_cast %get3A_810 : i32 to index
      %get3A_812 = arith.index_cast %mul3A_786 : i32 to index
      %get3A_813 = tpu.vector_load %arg7[%get3A_811, %get3A_812] {strides = array<i32>} : memref<32x3200xf32, #tpu.memory_space<vmem>>, vector<16xf32>,
      %max3A_814 = arith.maximumf %max3A_809, %get3A_813 : vector<16xf32>
      %get3A_815 = arith.constant 6 : i32
      %get3A_816 = arith.index_cast %get3A_815 : i32 to index
      %get3A_817 = arith.index_cast %mul3A_786 : i32 to index
      %get3A_818 = tpu.vector_load %arg7[%get3A_816, %get3A_817] {strides = array<i32>} : memref<32x3200xf32, #tpu.memory_space<vmem>>, vector<16xf32>,
      %max3A_819 = arith.maximumf %max3A_814, %get3A_818 : vector<16xf32>
      %get3A_820 = arith.constant 7 : i32
      %get3A_821 = arith.index_cast %get3A_820 : i32 to index
      %get3A_822 = arith.index_cast %mul3A_786 : i32 to index
      %get3A_823 = tpu.vector_load %arg7[%get3A_821, %get3A_822] {strides = array<i32>} : memref<32x3200xf32, #tpu.memory_space<vmem>>, vector<16xf32>,
      %max3A_824 = arith.maximumf %max3A_819, %get3A_823 : vector<16xf32>
      %get3A_825 = arith.constant 8 : i32
      %get3A_826 = arith.index_cast %get3A_825 : i32 to index
      %get3A_827 = arith.index_cast %mul3A_786 : i32 to index
      %get3A_828 = tpu.vector_load %arg7[%get3A_826, %get3A_827] {strides = array<i32>} : memref<32x3200xf32, #tpu.memory_space<vmem>>, vector<16xf32>,
      %max3A_829 = arith.maximumf %max3A_824, %get3A_828 : vector<16xf32>
      %get3A_830 = arith.constant 9 : i32
      %get3A_831 = arith.index_cast %get3A_830 : i32 to index
      %get3A_832 = arith.index_cast %mul3A_786 : i32 to index
      %get3A_833 = tpu.vector_load %arg7[%get3A_831, %get3A_832] {strides = array<i32>} : memref<32x3200xf32, #tpu.memory_space<vmem>>, vector<16xf32>,
      %max3A_834 = arith.maximumf %max3A_829, %get3A_833 : vector<16xf32>
      %get3A_835 = arith.constant 10 : i32
      %get3A_836 = arith.index_cast %get3A_835 : i32 to index
      %get3A_837 = arith.index_cast %mul3A_786 : i32 to index
      %get3A_838 = tpu.vector_load %arg7[%get3A_836, %get3A_837] {strides = array<i32>} : memref<32x3200xf32, #tpu.memory_space<vmem>>, vector<16xf32>,
      %max3A_839 = arith.maximumf %max3A_834, %get3A_838 : vector<16xf32>
      %get3A_840 = arith.constant 11 : i32
      %get3A_841 = arith.index_cast %get3A_840 : i32 to index
      %get3A_842 = arith.index_cast %mul3A_786 : i32 to index
      %get3A_843 = tpu.vector_load %arg7[%get3A_841, %get3A_842] {strides = array<i32>} : memref<32x3200xf32, #tpu.memory_space<vmem>>, vector<16xf32>,
      %max3A_844 = arith.maximumf %max3A_839, %get3A_843 : vector<16xf32>
      %get3A_845 = arith.constant 12 : i32
      %get3A_846 = arith.index_cast %get3A_845 : i32 to index
      %get3A_847 = arith.index_cast %mul3A_786 : i32 to index
      %get3A_848 = tpu.vector_load %arg7[%get3A_846, %get3A_847] {strides = array<i32>} : memref<32x3200xf32, #tpu.memory_space<vmem>>, vector<16xf32>,
      %max3A_849 = arith.maximumf %max3A_844, %get3A_848 : vector<16xf32>
      %get3A_850 = arith.constant 13 : i32
      %get3A_851 = arith.index_cast %get3A_850 : i32 to index
      %get3A_852 = arith.index_cast %mul3A_786 : i32 to index
      %get3A_853 = tpu.vector_load %arg7[%get3A_851, %get3A_852] {strides = array<i32>} : memref<32x3200xf32, #tpu.memory_space<vmem>>, vector<16xf32>,
      %max3A_854 = arith.maximumf %max3A_849, %get3A_853 : vector<16xf32>
      %get3A_855 = arith.constant 14 : i32
      %get3A_856 = arith.index_cast %get3A_855 : i32 to index
      %get3A_857 = arith.index_cast %mul3A_786 : i32 to index
      %get3A_858 = tpu.vector_load %arg7[%get3A_856, %get3A_857] {strides = array<i32>} : memref<32x3200xf32, #tpu.memory_space<vmem>>, vector<16xf32>,
      %max3A_859 = arith.maximumf %max3A_854, %get3A_858 : vector<16xf32>
      %get3A_860 = arith.constant 15 : i32
      %get3A_861 = arith.index_cast %get3A_860 : i32 to index
      %get3A_862 = arith.index_cast %mul3A_786 : i32 to index
      %get3A_863 = tpu.vector_load %arg7[%get3A_861, %get3A_862] {strides = array<i32>} : memref<32x3200xf32, #tpu.memory_space<vmem>>, vector<16xf32>,
      %max3A_864 = arith.maximumf %max3A_859, %get3A_863 : vector<16xf32>
      %get3A_865 = arith.constant 16 : i32
      %get3A_866 = arith.index_cast %get3A_865 : i32 to index
      %get3A_867 = arith.index_cast %mul3A_786 : i32 to index
      %get3A_868 = tpu.vector_load %arg7[%get3A_866, %get3A_867] {strides = array<i32>} : memref<32x3200xf32, #tpu.memory_space<vmem>>, vector<16xf32>,
      %max3A_869 = arith.maximumf %max3A_864, %get3A_868 : vector<16xf32>
      %get3A_870 = arith.constant 17 : i32
      %get3A_871 = arith.index_cast %get3A_870 : i32 to index
      %get3A_872 = arith.index_cast %mul3A_786 : i32 to index
      %get3A_873 = tpu.vector_load %arg7[%get3A_871, %get3A_872] {strides = array<i32>} : memref<32x3200xf32, #tpu.memory_space<vmem>>, vector<16xf32>,
      %max3A_874 = arith.maximumf %max3A_869, %get3A_873 : vector<16xf32>
      %get3A_875 = arith.constant 18 : i32
      %get3A_876 = arith.index_cast %get3A_875 : i32 to index
      %get3A_877 = arith.index_cast %mul3A_786 : i32 to index
      %get3A_878 = tpu.vector_load %arg7[%get3A_876, %get3A_877] {strides = array<i32>} : memref<32x3200xf32, #tpu.memory_space<vmem>>, vector<16xf32>,
      %max3A_879 = arith.maximumf %max3A_874, %get3A_878 : vector<16xf32>
      %get3A_880 = arith.constant 19 : i32
      %get3A_881 = arith.index_cast %get3A_880 : i32 to index
      %get3A_882 = arith.index_cast %mul3A_786 : i32 to index
      %get3A_883 = tpu.vector_load %arg7[%get3A_881, %get3A_882] {strides = array<i32>} : memref<32x3200xf32, #tpu.memory_space<vmem>>, vector<16xf32>,
      %max3A_884 = arith.maximumf %max3A_879, %get3A_883 : vector<16xf32>
      %get3A_885 = arith.constant 20 : i32
      %get3A_886 = arith.index_cast %get3A_885 : i32 to index
      %get3A_887 = arith.index_cast %mul3A_786 : i32 to index
      %get3A_888 = tpu.vector_load %arg7[%get3A_886, %get3A_887] {strides = array<i32>} : memref<32x3200xf32, #tpu.memory_space<vmem>>, vector<16xf32>,
      %max3A_889 = arith.maximumf %max3A_884, %get3A_888 : vector<16xf32>
      %get3A_890 = arith.constant 21 : i32
      %get3A_891 = arith.index_cast %get3A_890 : i32 to index
      %get3A_892 = arith.index_cast %mul3A_786 : i32 to index
      %get3A_893 = tpu.vector_load %arg7[%get3A_891, %get3A_892] {strides = array<i32>} : memref<32x3200xf32, #tpu.memory_space<vmem>>, vector<16xf32>,
      %max3A_894 = arith.maximumf %max3A_889, %get3A_893 : vector<16xf32>
      %get3A_895 = arith.constant 22 : i32
      %get3A_896 = arith.index_cast %get3A_895 : i32 to index
      %get3A_897 = arith.index_cast %mul3A_786 : i32 to index
      %get3A_898 = tpu.vector_load %arg7[%get3A_896, %get3A_897] {strides = array<i32>} : memref<32x3200xf32, #tpu.memory_space<vmem>>, vector<16xf32>,
      %max3A_899 = arith.maximumf %max3A_894, %get3A_898 : vector<16xf32>
      %get3A_900 = arith.constant 23 : i32
      %get3A_901 = arith.index_cast %get3A_900 : i32 to index
      %get3A_902 = arith.index_cast %mul3A_786 : i32 to index
      %get3A_903 = tpu.vector_load %arg7[%get3A_901, %get3A_902] {strides = array<i32>} : memref<32x3200xf32, #tpu.memory_space<vmem>>, vector<16xf32>,
      %max3A_904 = arith.maximumf %max3A_899, %get3A_903 : vector<16xf32>
      %get3A_905 = arith.constant 24 : i32
      %get3A_906 = arith.index_cast %get3A_905 : i32 to index
      %get3A_907 = arith.index_cast %mul3A_786 : i32 to index
      %get3A_908 = tpu.vector_load %arg7[%get3A_906, %get3A_907] {strides = array<i32>} : memref<32x3200xf32, #tpu.memory_space<vmem>>, vector<16xf32>,
      %max3A_909 = arith.maximumf %max3A_904, %get3A_908 : vector<16xf32>
      %get3A_910 = arith.constant 25 : i32
      %get3A_911 = arith.index_cast %get3A_910 : i32 to index
      %get3A_912 = arith.index_cast %mul3A_786 : i32 to index
      %get3A_913 = tpu.vector_load %arg7[%get3A_911, %get3A_912] {strides = array<i32>} : memref<32x3200xf32, #tpu.memory_space<vmem>>, vector<16xf32>,
      %max3A_914 = arith.maximumf %max3A_909, %get3A_913 : vector<16xf32>
      %get3A_915 = arith.constant 26 : i32
      %get3A_916 = arith.index_cast %get3A_915 : i32 to index
      %get3A_917 = arith.index_cast %mul3A_786 : i32 to index
      %get3A_918 = tpu.vector_load %arg7[%get3A_916, %get3A_917] {strides = array<i32>} : memref<32x3200xf32, #tpu.memory_space<vmem>>, vector<16xf32>,
      %max3A_919 = arith.maximumf %max3A_914, %get3A_918 : vector<16xf32>
      %get3A_920 = arith.constant 27 : i32
      %get3A_921 = arith.index_cast %get3A_920 : i32 to index
      %get3A_922 = arith.index_cast %mul3A_786 : i32 to index
      %get3A_923 = tpu.vector_load %arg7[%get3A_921, %get3A_922] {strides = array<i32>} : memref<32x3200xf32, #tpu.memory_space<vmem>>, vector<16xf32>,
      %max3A_924 = arith.maximumf %max3A_919, %get3A_923 : vector<16xf32>
      %get3A_925 = arith.constant 28 : i32
      %get3A_926 = arith.index_cast %get3A_925 : i32 to index
      %get3A_927 = arith.index_cast %mul3A_786 : i32 to index
      %get3A_928 = tpu.vector_load %arg7[%get3A_926, %get3A_927] {strides = array<i32>} : memref<32x3200xf32, #tpu.memory_space<vmem>>, vector<16xf32>,
      %max3A_929 = arith.maximumf %max3A_924, %get3A_928 : vector<16xf32>
      %get3A_930 = arith.constant 29 : i32
      %get3A_931 = arith.index_cast %get3A_930 : i32 to index
      %get3A_932 = arith.index_cast %mul3A_786 : i32 to index
      %get3A_933 = tpu.vector_load %arg7[%get3A_931, %get3A_932] {strides = array<i32>} : memref<32x3200xf32, #tpu.memory_space<vmem>>, vector<16xf32>,
      %max3A_934 = arith.maximumf %max3A_929, %get3A_933 : vector<16xf32>
      %get3A_935 = arith.constant 30 : i32
      %get3A_936 = arith.index_cast %get3A_935 : i32 to index
      %get3A_937 = arith.index_cast %mul3A_786 : i32 to index
      %get3A_938 = tpu.vector_load %arg7[%get3A_936, %get3A_937] {strides = array<i32>} : memref<32x3200xf32, #tpu.memory_space<vmem>>, vector<16xf32>,
      %max3A_939 = arith.maximumf %max3A_934, %get3A_938 : vector<16xf32>
      %get3A_940 = arith.constant 31 : i32
      %get3A_941 = arith.index_cast %get3A_940 : i32 to index
      %get3A_942 = arith.index_cast %mul3A_786 : i32 to index
      %get3A_943 = tpu.vector_load %arg7[%get3A_941, %get3A_942] {strides = array<i32>} : memref<32x3200xf32, #tpu.memory_space<vmem>>, vector<16xf32>,
      %max3A_944 = arith.maximumf %max3A_939, %get3A_943 : vector<16xf32>
      %get3A_945 = arith.index_cast %mul3A_786 : i32 to index
      %get3A_946 = tpu.vector_load %arg8[%get3A_945] {strides = array<i32>} : memref<3200xf32, #tpu.memory_space<vmem>>, vector<16xf32>,
      %mul3A_947 = arith.mulf %get3A_773, %get3A_946 : vector<16xf32>
      %mul3A_948 = arith.mulf %get3A_775, %max3A_944 : vector<16xf32>
      %add3A_949 = arith.addf %mul3A_947, %mul3A_948 : vector<16xf32>
      %mul3A_950 = arith.constant 2.000000e+00 : f32
      %mul3A_951 = vector.broadcast %mul3A_950 : f32 to vector<16xf32>
      %mul3A_952 = arith.mulf %mul3A_951, %add3A_949 : vector<16xf32>
      %exp3A = math.exp %mul3A_952 : vector<16xf32>
      %add3A_953 = arith.constant 1.000000e+00 : f32
      %add3A_954 = vector.broadcast %add3A_953 : f32 to vector<16xf32>
      %add3A_955 = arith.addf %exp3A, %add3A_954 : vector<16xf32>
      %div3A = arith.constant 2.000000e+00 : f32
      %div3A_956 = vector.broadcast %div3A : f32 to vector<16xf32>
      %div3A_957 = arith.divf %div3A_956, %add3A_955 : vector<16xf32>
      %sub3A = arith.constant 1.000000e+00 : f32
      %sub3A_958 = vector.broadcast %sub3A : f32 to vector<16xf32>
      %sub3A_959 = arith.subf %sub3A_958, %div3A_957 : vector<16xf32>
      %sub3A_960 = arith.subf %sub3A_959, %sub3A_959 : vector<16xf32>
      %exp3A_961 = math.exp %sub3A_960 : vector<16xf32>
      %div3A_962 = arith.divf %exp3A_961, %exp3A_961 : vector<16xf32>
      %swap3A = arith.index_cast %mul3A_786 : i32 to index
      %swap3A_963 = tpu.vector_load %arg9[%swap3A] {strides = array<i32>} : memref<3200xf32, #tpu.memory_space<vmem>>, vector<16xf32>,
      tpu.vector_store %arg9[%swap3A], %div3A_962 {strides = array<i32>} : memref<3200xf32, #tpu.memory_space<vmem>>, vector<16xf32>,
    }
    %scan3A_779 = arith.constant 200 : i32
    "tpu.region"() ({
      %run_scoped3A = tpu.sem_alloc : memref<!tpu.dma_semaphore, #tpu.memory_space<semaphore_mem>>
      %dma_start3A_780 = tpu.memref_slice %arg6[%mul3A_2] : memref<102400xf32, #tpu.memory_space<hbm>> -> memref<3200xf32, #tpu.memory_space<hbm>>
      %dma_start3A_781 = tpu.memref_slice %arg6[%mul3A_2] : memref<102400xf32, #tpu.memory_space<hbm>> -> memref<3200xf32, #tpu.memory_space<hbm>>
      tpu.enqueue_dma source(%arg9 : memref<3200xf32, #tpu.memory_space<vmem>>) target(%dma_start3A_781 : memref<3200xf32, #tpu.memory_space<hbm>>) target_semaphore(%run_scoped3A : memref<!tpu.dma_semaphore, #tpu.memory_space<semaphore_mem>>)
      %dma_wait3A_782 = tpu.memref_slice %arg6[%mul3A_2] : memref<102400xf32, #tpu.memory_space<hbm>> -> memref<3200xf32, #tpu.memory_space<hbm>>
      %dma_wait3A_783 = tpu.memref_slice %arg6[%mul3A_2] : memref<102400xf32, #tpu.memory_space<hbm>> -> memref<3200xf32, #tpu.memory_space<hbm>>
      tpu.wait_dma2 semaphore(%run_scoped3A : memref<!tpu.dma_semaphore, #tpu.memory_space<semaphore_mem>>) src(%arg9 : memref<3200xf32, #tpu.memory_space<vmem>>) dst(%dma_wait3A_783 : memref<3200xf32, #tpu.memory_space<hbm>>)
      tpu.yield
    }) : () -> ()
    return
  }
}

</mosaic_0001>

<sc_bundles>
// kernel: kernel.4.cloned.1.call-start
scs
__scs_entry_jumppad:
0x0: {  	(pc) =	sbr.rel $0x88, $3  }
0x1: {  	(tag) =	ssettag $0x0;
	lr =	simm.s32 $0x1  }
0x2: {  	[smem:$0x3F9E] =	sst lr;
	_ =	strace $0xD0000000  }
0x3: {  	_ = 	snop  }
0x4: {  	_ = 	snop  }
0x5: {  	_ = 	snop  }
0x6: {  	_ = 	snop  }
0x7: {  	_ = 	snop  }
__scs_overlays_trampoline_lowered:
0x8: {  	[smem:$0x3FAD] =	sst s0  }
0x9: {  	[smem:$0x3FAE] =	sst s1  }
0xa: {  	[smem:$0x3FAF] =	sst s2  }
0xb: {  	[smem:$0x3FB0] =	sst s3  }
0xc: {  	[smem:$0x3FB1] =	sst s4  }
0xd: {  	[smem:$0x3FB2] =	sst s5  }
0xe: {  	[smem:$0x3FB3] =	sst s6  }
0xf: {  	[smem:$0x3FB4] =	sst s7  }
0x10: {  	[smem:$0x3FB5] =	sst s8  }
0x11: {  	[smem:$0x3FB6] =	sst s9;
	s0 =	simm.s32 @!p0 $0x0  }
0x12: {  	s1 =	sld [smem:$0x3F9C];
	s0 =	simm.s32 @p0 $0x1  }
0x13: {  	[smem:$0x3FB7] =	sst s0;
	s0 =	simm.s32 @!p1 $0x0  }
0x14: {  	s2 =	sld [smem:$0x3F9B];
	s0 =	simm.s32 @p1 $0x1  }
0x15: {  	[smem:$0x3FB8] =	sst s0;
	s0 =	simm.s32 @!p2 $0x0  }
0x16: {  	s3 =	sld [smem:$0x3FDB];
	s0 =	simm.s32 @p2 $0x1  }
0x17: {  	s4 =	simm.s32 $0x1BF5;
	[smem:$0x3FBA] =	sst s0  }
0x18: {  	s0 =	sld [smem:$0x3F9D];
	_ =	swait.ge [sflag:s4], $0x0  }
0x19: {  	s7 =	sld [smem:$0x3F9E]  }
0x1a: {  	s8 =	sadd.s32 $0xFFFFE003, lr  }
0x1b: {  	s9 =	sadd.s32 $0xFFFFFEF7, lr;
	s5 =	simm.s32 $0xFFFFFFFF;
	p2 =	slt.u32 s8, $0xFFFFF086  }
0x1c: {  	p1 =	slt.u32 s9, $0xF7A;
	s5 =	simm.s32 @!p2 $0x0  }
0x1d: {  	s5 =	simm.s32 @p1 $0x1;
	p0 =	seq.s32 s7, s2  }
0x1e: {  	s7 =	smul.u32 @!p0 $0xF7A, s2;
	p2 =	seq.s32 @!p0 s5, $0x0  }
0x1f: {  	s9 =	smul.u32 $0xF7A, s1;
	s8 =	simm.s32 @!p0 $0x1BF5;
	p2 =	por !p2, p0  }
0x20: {  	[sflag:s8] =	ssyncset.s32 @!p0 $0xFFFFF086;
	s6 =	sadd.s32 @!p0 s3, s7;
	s7 =	simm.s32 @!p0 $0x108  }
0x21: {  	s3 =	sadd.s32 s3, s9;
	s6 =	sadd.s32 @!p0 $0x88, s6;
	s7 =	simm.s32 @p2 $0x1082  }
0x22: {  	[simem:s7], [sflag:s8] =	dma.local @!p0 [hbm:s6], $0xF7A  }
0x23: {  	s9 =	sor.u32 $0xD0000000, s2;
	s6 =	simm.s32 $0x108;
	_ =	swait.ge @!p0 [sflag:s8], $0x0  }
0x24: {  	s3 =	sadd.s32 $0x88, s3;
	s6 =	simm.s32 @!p1 $0x1082;
	[sflag:s4] =	ssyncset.s32 $0xFFFFF086  }
0x25: {  	[simem:s6], [sflag:s4] =	dma.local [hbm:s3], $0xF7A  }
0x26: {  	[smem:$0x3F9E] =	sst s1;
	(tag) =	ssettag s2;
	_ =	strace s9  }
0x27: {  	s1 =	sld [smem:$0x3FAE]  }
0x28: {  	s2 =	sld [smem:$0x3FAF]  }
0x29: {  	s4 =	sld [smem:$0x3FB1]  }
0x2a: {  	p0 =	seq.s32 s5, $0x0;
	s5 =	sld [smem:$0x3FB2]  }
0x2b: {  	s6 =	sld [smem:$0x3FB3]  }
0x2c: {  	s7 =	sld [smem:$0x3FB4]  }
0x2d: {  	s3 =	simm.s32 $0x108;
	s8 =	sld [smem:$0x3FB5]  }
0x2e: {  	s3 =	simm.s32 @!p0 $0x1082;
	s9 =	sld [smem:$0x3FB6]  }
0x2f: {  	lr =	sadd.s32 s0, s3;
	s0 =	sld [smem:$0x3FAD]  }
0x30: {  	s3 =	sld [smem:$0x3FB0]  }
0x31: {  	[smem:$0x3FB9] =	sst s10  }
0x32: {  	s10 =	sld [smem:$0x3FB7];
	_ =	sdelay $0x3  }
0x33: {  	p0 =	seq.s32 s10, $0x1;
	s10 =	sld [smem:$0x3FB9];
	_ =	sdelay $0x3  }
0x34: {  	[smem:$0x3FB9] =	sst s10  }
0x35: {  	s10 =	sld [smem:$0x3FB8];
	_ =	sdelay $0x3  }
0x36: {  	p1 =	seq.s32 s10, $0x1;
	s10 =	sld [smem:$0x3FB9];
	_ =	sdelay $0x3  }
0x37: {  	[smem:$0x3FB9] =	sst s10  }
0x38: {  	s10 =	sld [smem:$0x3FBA]  }
0x39: {  	_ = 	snop;
	(pc) =	sbr.ind lr, $3  }
0x3a: {  	_ = 	snop  }
0x3b: {  	_ = 	snop  }
0x3c: {  	p2 =	seq.s32 s10, $0x1;
	s10 =	sld [smem:$0x3FB9]  }
0x3d: {  	_ =	shalt  }
0x3e: {  	_ =	shalt  }
0x3f: {  	_ =	shalt  }
0x40: {  	_ =	shalt  }
0x41: {  	_ =	shalt  }
0x42: {  	_ =	shalt  }
0x43: {  	_ =	shalt  }
0x44: {  	_ =	shalt  }
0x45: {  	_ =	shalt  }
0x46: {  	_ =	shalt  }
0x47: {  	_ =	shalt  }
0x48: {  	_ =	shalt  }
0x49: {  	_ =	shalt  }
0x4a: {  	_ =	shalt  }
0x4b: {  	_ =	shalt  }
0x4c: {  	_ =	shalt  }
0x4d: {  	_ =	shalt  }
0x4e: {  	_ =	shalt  }
0x4f: {  	_ =	shalt  }
0x50: {  	_ =	shalt  }
0x51: {  	_ =	shalt  }
0x52: {  	_ =	shalt  }
0x53: {  	_ =	shalt  }
0x54: {  	_ =	shalt  }
0x55: {  	_ =	shalt  }
0x56: {  	_ =	shalt  }
0x57: {  	_ =	shalt  }
0x58: {  	_ =	shalt  }
0x59: {  	_ =	shalt  }
0x5a: {  	_ =	shalt  }
0x5b: {  	_ =	shalt  }
0x5c: {  	_ =	shalt  }
0x5d: {  	_ =	shalt  }
0x5e: {  	_ =	shalt  }
0x5f: {  	_ =	shalt  }
0x60: {  	_ =	shalt  }
0x61: {  	_ =	shalt  }
0x62: {  	_ =	shalt  }
0x63: {  	_ =	shalt  }
0x64: {  	_ =	shalt  }
0x65: {  	_ =	shalt  }
0x66: {  	_ =	shalt  }
0x67: {  	_ =	shalt  }
0x68: {  	_ =	shalt  }
0x69: {  	_ =	shalt  }
0x6a: {  	_ =	shalt  }
0x6b: {  	_ =	shalt  }
0x6c: {  	_ =	shalt  }
0x6d: {  	_ =	shalt  }
0x6e: {  	_ =	shalt  }
0x6f: {  	_ =	shalt  }
0x70: {  	_ =	shalt  }
0x71: {  	_ =	shalt  }
0x72: {  	_ =	shalt  }
0x73: {  	_ =	shalt  }
0x74: {  	_ =	shalt  }
0x75: {  	_ =	shalt  }
0x76: {  	_ =	shalt  }
0x77: {  	_ =	shalt  }
0x78: {  	_ =	shalt  }
0x79: {  	_ =	shalt  }
0x7a: {  	_ =	shalt  }
0x7b: {  	_ =	shalt  }
0x7c: {  	_ =	shalt  }
0x7d: {  	_ =	shalt  }
0x7e: {  	_ =	shalt  }
0x7f: {  	_ =	shalt  }
0x80: {  	_ =	shalt  }
0x81: {  	_ =	shalt  }
0x82: {  	_ =	shalt  }
0x83: {  	_ =	shalt  }
0x84: {  	_ =	shalt  }
0x85: {  	_ =	shalt  }
0x86: {  	_ =	shalt  }
0x87: {  	_ =	shalt  }
.Lfunc_end0:
.L_simem_size_0:
called_computation.1_lowered:
.L_overlay_start_0:
0x88: {  	s2 =	sld [smem:$0x3FD9]  }
0x89: {  	s3 =	sld [smem:$0x3FFE];
	_ =	sdelay $0x1  }
0x8a: {  	s1 =	srdreg.scid  }
0x8b: {  	s0 =	sand.u32 $0x1, s1  }
0x8c: {  	s16 =	sshll.u32 s0, $0xA;
	s2 =	sadd.s32 s3, s2  }
0x8d: {  	s2 =	sadd.s32 s2, s16  }
0x8e: {  	[smem:$0x3FC5] =	sst s2  }
0x8f: {  	_ = 	snop  }
0x90: {  	(tm) =	ssettm $0x1  }
0x91: {  	s17 =	sld [smem:$0x3FFB];
	_ =	sdelay $0x3  }
0x92: {  	_ =	strace s17  }
0x93: {  	s2 =	sld [smem:$0x3FFC];
	_ =	sdelay $0x3  }
0x94: {  	_ =	strace s2  }
0x95: {  	s2 =	sld [smem:$0x3FFD];
	_ =	sdelay $0x3  }
0x96: {  	_ =	strace s2  }
0x97: {  	_ =	strace $0x8FFFFFFF  }
0x98: {  	s18 =	sld [smem:$0x3FDB];
	_ =	sdelay $0x1  }
0x99: {  	s19 =	simm.s32 $_scs_section_size  }
0x9a: {  	s4 =	simm.s32 $_size__tile_overlayer_lowered;
	s5 =	simm.s32 $_tile_overlayer_lowered  }
0x9b: {  	s22 =	simm.s32 $0x1BFF;
	s21 =	sshll.u32 s5, $0x1;
	s2 =	sadd.s32 s19, s18  }
0x9c: {  	s6 =	simm.s32 $0x0;
	s20 =	sshll.u32 s4, $0x1;
	s4 =	sadd.s32 s21, s2  }
0x9d: {  	[timem:s6], [sflag:s22] =	dma.local [hbm:s4], s20  }
0x9e: {  	_ =	swait.ge [sflag:s22], s20  }
0x9f: {  	s3 =	ssub.s32 $0x0, s20;
	[sflag:s22] =	ssyncset.done $0x0  }
0xa0: {  	[sflag:s22] =	ssyncadd.s32 s3;
	_ =	sdelay $0x1  }
0xa1: {  	s23 =	simm.s32 $0x1B8B  }
0xa2: {  	_ =	swait.ge [sflag:s23], $0x1  }
0xa3: {  	[sflag:s23] =	ssyncset.done $0x0  }
0xa4: {  	s25 =	simm.s32 $0x1B8E;
	s24 =	sld [smem:$0x3FFE];
	[sflag:s23] =	ssyncadd.s32 $0xFFFFFFFF  }
0xa5: {  	s26 =	simm.s32 $execute0_lowered;
	[smem:$0x3FD2] =	sst s25  }
0xa6: {  	s4 =	sshll.u32 s26, $0x1;
	_ =	strace $0x80000049;
	[dreg:$0x1] =	wrdreg $0xFFFFFFFF  }
0xa7: {  	s28 =	simm.s32 $_size_execute0_lowered;
	s2 =	sadd.s32 s2, s4;
	[dreg:$0x0] =	wrdreg $0x0  }
0xa8: {  	s4 =	sshll.u32 s28, $0x1;
	[dreg:$0x2] =	wrdreg s2  }
0xa9: {  	[dreg:$0x3] =	wrdreg s4  }
0xaa: {  	[dreg:$0x4] =	wrdreg $0xC0  }
0xab: {  	_ =	task [dreg:s6], $0x5FFFF  }
0xac: {  	[dreg:$0x1] =	wrdreg $0xFFFFFFFF  }
0xad: {  	[dreg:$0x0] =	wrdreg $0x60  }
0xae: {  	[dreg:$0x2] =	wrdreg s24  }
0xaf: {  	[dreg:$0x3] =	wrdreg $0x9  }
0xb0: {  	_ =	task.clear_ibuf [dreg:s6], $0x4FFFF;
	_ =	strace $0x90000049  }
0xb1: {  	s29 =	simm.s32 $0x9;
	_ =	strace $0x8000004B  }
0xb2: {  	_ =	swait.ge [sflag:s29], $0x1  }
0xb3: {  	[sflag:s29] =	ssyncadd.s32 $0xFFFFFFFF  }
0xb4: {  	_ =	strace $0x9000004B  }
0xb5: {  	_ =	sfence  }
0xb6: {  	s30 =	sld [smem:$0x0];
	_ =	sdelay $0x2  }
0xb7: {  	s31 =	sshll.u32 s1, $0xD;
	s1 =	sshrl.u32 s1, $0x2  }
0xb8: {  	s3 =	sand.u32 $0x4000, s31;
	s1 =	sadd.s32 s1, s30  }
0xb9: {  	s0 =	sor.u32 s3, s0;
	s1 =	sshll.u32 s1, $0x11  }
0xba: {  	s0 =	sor.u32 s1, s0  }
0xbb: {  	s0 =	sadd.s32 $0x8F2B, s0  }
0xbc: {  	[sflag:s0] =	ssyncadd.remote.s32 $0x1  }
0xbd: {  	_ =	sfence.sel $0xFFFF  }
0xbe: {  	[dreg:$0x0] =	wrdreg $0xFFFFFFFF;
	(pc) =	sbr.abs _section_cstart, $3  }
0xbf: {  	[dreg:$0x1] =	wrdreg $0xFFFFFFFF  }
0xc0: {  	_ =	task.clear_ibuf [dreg:s6], $0x2FFFF;
	_ =	strace $0x9FFFFFFF  }
0xc1: {  	(tm) =	ssettm $0x7FFFFFFF  }
tec
execute0_lowered:
.L_overlay_start_1:
0x0: {  	(tag) =	ssettag $0x1  }
0x1: {  	s0 =	rddreg [dreg:$0x0];
	s2 =	simm.s32 $0x0;
	s1 =	srdreg.scid  }
0x2: {  	s4 =	stileid.u32;
	s13 =	simm.s32 $0x5;
	s16 =	simm.s32 $0x190  }
0x3: {  	v0 =	vimm.s32 $0xEDCBA987;
	v1 =	vimm.s32 $0x65432100;
	s19 =	simm.s32 $0x1;
	s28 =	simm.s32 $0x19800;
	s29 =	simm.s32 $0x1A800  }
0x4: {  	v2 =	vimm.s32 $0xDCBA9876;
	v4 =	vimm.s32 $0xBA987654;
	s30 =	simm.s32 $0x3;
	s31 =	simm.s32 $0x2;
	s15 =	simm.s32 $0x1B990;
	v0 =	vunpack.c.l.s4.s8 v0  }
0x5: {  	v3 =	vimm.s32 $0x54321000;
	v5 =	vimm.s32 $0xE40000;
	s17 =	simm.s32 $0x19B20;
	s18 =	simm.s32 $0x1BB20;
	s20 =	simm.s32 $0x19CB0;
	v1 =	vunpack.c.l.s4.s8 v1  }
0x6: {  	v6 =	vimm.s32 $0xFFEDCBA9;
	s21 =	simm.s32 $0x1BCB0;
	s22 =	simm.s32 $0x19E40;
	s23 =	simm.s32 $0x1BE40;
	v2 =	vunpack.c.l.s4.s8 v2;
	v0 =	vunpack.c.0.s8.s32 v0  }
0x7: {  	v7 =	vimm.s32 $0x87654321;
	s1 =	sand.u32 $0x1, s1;
	s3 =	sshll.u32 s4, $0x1;
	s4 =	sshrl.u32 s4, $0x2;
	v3 =	vunpack.c.l.s4.s8 v3;
	v1 =	vunpack.c.0.s8.s32 v1  }
0x8: {  	[smem:$0x7FF] =	sst s2;
	v4 =	vunpack.c.l.s4.s8 v4;
	s3 =	sor.u32 s1, s3;
	s5 =	smul.u32 $0xC8000, s4;
	v2 =	vunpack.c.0.s8.s32 v2;
	v0 =	vand.u32 $0xF, v0  }
0x9: {  	_ =	strace $0x8000004A;
	s4 =	sadd.s32 $0xE00, s0;
	s1 =	ssub.s32 $0x2, s1;
	v0 =	vcombine.low v1, v0;
	v1 =	vunpack.c.0.s8.s32 v3;
	v3 =	vimm.s32 $0x32100000  }
0xa: {  	v5 =	vunpack.c.l.s2.s4 v5;
	v6 =	vunpack.c.l.s4.s8 v6;
	s6 =	sshll.u32 s3, $0x7;
	s10 =	smul.u32 $0x30D40, s3;
	s8 =	sshrl.u32 s1, $0x1;
	v3 =	vunpack.c.l.s4.s8 v3  }
0xb: {  	v7 =	vunpack.c.l.s4.s8 v7;
	s3 =	sadd.s32 $0x187800, s0;
	v4 =	vunpack.c.0.s8.s32 v4;
	s6 =	sand.u32 $0x380, s6;
	s1 =	ssub.s32 s1, s8;
	v2 =	vand.u32 $0xF, v2  }
0xc: {  	s5 =	sor.u32 s5, s6;
	s25 =	sshrl.u32 s10, $0x3;
	s9 =	sadd.s32 $0xFA0, s10;
	v1 =	vcombine.low v1, v2;
	v2 =	vunpack.c.0.s8.s32 v3;
	v3 =	vunpack.c.l.s4.s8 v5  }
.Ltmp0:
0xd: {  	v4 =	vand.u32 $0xF, v4;
	s7 =	sshrl.u32 s5, $0x3;
	s5 =	sadd.s32 s4, s25;
	v5 =	vunpack.c.0.s8.s32 v6;
	v6 =	vunpack.c.0.s8.s32 v7;
	(pc) =	sbr.rel .LBB2_1-.Ltmp0, $4  }
0xe: {  	s10 =	sadd.s32 $0x1770, s10;
	s12 =	smax.u32 s1, $0x1;
	s6 =	sadd.s32 $0xC3500, s5;
	v2 =	vcombine.low v2, v4;
	v4 =	vimm.s32 $0x7060504;
	v7 =	vunpack.c.0.s8.s32 v3  }
0xf: {  	vm0 =	vmxor vm0, vm0;
	s1 =	simm.s32 $0x19990;
	s26 =	sadd.s32 $0xFA, s5;
	[dreg:$0x2] =	wrdreg s6;
	v3 =	vcombine.low v6, v5;
	v8 =	vunpack.c.0.s8.s32 v4  }
0x10: {  	vm1 =	vcmask $0x3F30;
	s0 =	sadd.s32 s7, s0;
	s8 =	sadd.s32 $0xC35FA, s5;
	[dreg:$0x3] =	wrdreg s26;
	v4 =	vimm.f32 $0.0e+00;
	v5 =	vand.u32 $0x3, v7  }
0x11: {  	s11 =	sadd.s32 $0x18AA00, s0;
	s0 =	simm.s32 $0x1B800;
	s26 =	simm.s32 $0x0;
	v6 =	vand.u32 $0xF, v3;
	v5 =	vsel vm1, v8, v5;
	vm1 =	vcmask $0x3F3C  }
.LBB2_16:
0x12: {  	s26 =	sadd.s32 $0x1, s26  }
0x13: {  	p0 =	sne.s32 s26, s12  }
.Ltmp1:
0x14: {  	s6 =	simm.s32 $0x80;
	s7 =	simm.s32 $0x400;
	(pc) =	sbr.rel @!p0 .LBB2_17-.Ltmp1, $4  }
0x15: {  	[hbm4b:s11+s6] =	stream.strided.scatter [tilespmem:s2], [sflag:$0x5], $0x19000, s7, s6, $0x38;
	[tilespmem:$0x1C000] =	vst v63  }
0x16: {  	_ =	swait.ge [sflag:s13], $0x19000  }
0x17: {  	[sflag:s13] =	ssyncset.done $0x0  }
0x18: {  	[sflag:s13] =	ssyncadd.s32 $0xFFFE7000  }
.LBB2_1:
0x19: {  	[tilespmem:s2], [sflag:$0x5] =	stream.linear.gather [hbm4b:s3+s2], $0x19000, $0x38;
	[tilespmem:$0x1C000] =	vst v63  }
0x1a: {  	_ =	swait.ge [sflag:s13], $0x19000  }
0x1b: {  	[sflag:s13] =	ssyncset.done $0x0  }
0x1c: {  	s7 =	simm.s32 $0x19000;
	[sflag:s13] =	ssyncadd.s32 $0xFFFE7000  }
0x1d: {  	[tilespmem:s7], [sflag:$0x1] =	stream.linear.gather [hbm4b:s5+s2], $0x7D0, $0x38;
	[tilespmem:$0x1C000] =	vst v63  }
0x1e: {  	s14 =	simm.s32 $0x1A000;
	s6 =	rddreg [dreg:$0x2]  }
0x1f: {  	[tilespmem:s14], [sflag:$0x1] =	stream.linear.gather [hbm4b:s6+s2], $0x7D0, $0x38;
	[tilespmem:$0x1C000] =	vst v63  }
0x20: {  	_ =	swait.ge [sflag:s19], $0x7D0  }
0x21: {  	[sflag:s19] =	ssyncset.done $0x0  }
0x22: {  	[sflag:s19] =	ssyncadd.s32 $0xFFFFF830  }
0x23: {  	_ =	swait.ge [sflag:s19], $0x7D0  }
0x24: {  	[sflag:s19] =	ssyncset.done $0x0  }
0x25: {  	s14 =	simm.s32 $0x1B000;
	[sflag:s19] =	ssyncadd.s32 $0xFFFFF830  }
0x26: {  	[tilespmem:s14], [sflag:$0x3] =	stream.indirect.gather [hbm4b:s3+s16], $0x1, s7, s16, $0xb8;
	[tilespmem:$0x1C000] =	vst v63  }
0x27: {  	s24 =	simm.s32 $0x19190;
	s25 =	simm.s32 $0x1B190  }
0x28: {  	[tilespmem:s25], [sflag:$0x3] =	stream.indirect.gather [hbm4b:s3+s16], $0x1, s24, s16, $0xb8;
	[tilespmem:$0x1C000] =	vst v63  }
0x29: {  	s7 =	simm.s32 $0x19320;
	s14 =	simm.s32 $0x1B320  }
0x2a: {  	[tilespmem:s14], [sflag:$0x3] =	stream.indirect.gather [hbm4b:s3+s16], $0x1, s7, s16, $0xb8;
	[tilespmem:$0x1C000] =	vst v63  }
0x2b: {  	s24 =	simm.s32 $0x194B0;
	s25 =	simm.s32 $0x1B4B0  }
0x2c: {  	[tilespmem:s25], [sflag:$0x3] =	stream.indirect.gather [hbm4b:s3+s16], $0x1, s24, s16, $0xb8;
	[tilespmem:$0x1C000] =	vst v63  }
0x2d: {  	s14 =	simm.s32 $0x19640;
	s24 =	simm.s32 $0x1B640  }
0x2e: {  	[tilespmem:s24], [sflag:$0x3] =	stream.indirect.gather [hbm4b:s3+s16], $0x1, s14, s16, $0xb8;
	[tilespmem:$0x1C000] =	vst v63  }
0x2f: {  	s25 =	rddreg [dreg:$0x3]  }
0x30: {  	[tilespmem:s28], [sflag:$0x2] =	stream.linear.gather [hbm4b:s25+s2], $0x7D0, $0x38;
	[tilespmem:$0x1C000] =	vst v63  }
0x31: {  	s24 =	simm.s32 $0x0  }
0x32: {  	[tilespmem:s29], [sflag:$0x2] =	stream.linear.gather [hbm4b:s8+s2], $0x7D0, $0x38;
	[tilespmem:$0x1C000] =	vst v63  }
.LBB2_2:
0x33: {  	_ =	swait.ge [sflag:s30], $0x7D0  }
0x34: {  	[sflag:s30] =	ssyncset.done $0x0  }
0x35: {  	[sflag:s30] =	ssyncadd.s32 $0xFFFFF830  }
0x36: {  	_ =	swait.ge [sflag:s31], $0x7D0  }
0x37: {  	[sflag:s31] =	ssyncset.done $0x0  }
0x38: {  	[sflag:s31] =	ssyncadd.s32 $0xFFFFF830  }
0x39: {  	_ =	swait.ge [sflag:s31], $0x7D0  }
0x3a: {  	[sflag:s31] =	ssyncset.done $0x0  }
0x3b: {  	[sflag:s31] =	ssyncadd.s32 $0xFFFFF830  }
0x3c: {  	[tilespmem:s0], [sflag:$0x4] =	stream.indirect.gather [hbm4b:s3+s16], $0x1, s28, s16, $0xb8;
	[tilespmem:$0x1C000] =	vst v63  }
0x3d: {  	_ = 	snop  }
0x3e: {  	[tilespmem:s15], [sflag:$0x4] =	stream.indirect.gather [hbm4b:s3+s16], $0x1, s1, s16, $0xb8;
	[tilespmem:$0x1C000] =	vst v63  }
0x3f: {  	_ = 	snop  }
0x40: {  	[tilespmem:s18], [sflag:$0x4] =	stream.indirect.gather [hbm4b:s3+s16], $0x1, s17, s16, $0xb8;
	[tilespmem:$0x1C000] =	vst v63  }
0x41: {  	_ = 	snop  }
0x42: {  	[tilespmem:s21], [sflag:$0x4] =	stream.indirect.gather [hbm4b:s3+s16], $0x1, s20, s16, $0xb8;
	[tilespmem:$0x1C000] =	vst v63  }
0x43: {  	s14 =	simm.s32 $0x1A010  }
0x44: {  	[tilespmem:s23], [sflag:$0x4] =	stream.indirect.gather [hbm4b:s3+s16], $0x1, s22, s16, $0xb8;
	[tilespmem:$0x1C000] =	vst v63  }
0x45: {  	v9 =	vld [tilespmem:s14+$0xFFFFFFF0];
	_ =	sdelay $0x5  }
0x46: {  	s6 =	simm.s32 $0x1B010  }
0x47: {  	v10 =	vld [tilespmem:s6+$0xFFFFFFF0]  }
0x48: {  	v7 =	vld.idx.msk [tilespmem:v9+s2+$0x0], $0xffff;
	_ =	sdelay $0x4  }
0x49: {  	v7 =	vmax.f32 v7, v10  }
0x4a: {  	[tilespmem:v9+s2+$0x0] =	vst.idx.msk $0xffff, v7  }
0x4b: {  	v8 =	vld [tilespmem:s14+$0x0];
	_ =	sdelay $0x6  }
0x4c: {  	v7 =	vld [tilespmem:s6+$0x0]  }
0x4d: {  	v11 =	vld.idx.msk [tilespmem:v8+s2+$0x0], $0xffff  }
0x4e: {  	v9 =	vld.idx.msk [tilespmem:v9+s2+$0x0], $0xffff;
	_ =	sdelay $0x3  }
0x4f: {  	v11 =	vmax.f32 v11, v7  }
0x50: {  	s25 =	simm.s32 $0x1A030;
	vm2 =	vmmov vm0;
	s14 =	simm.s32 $0x0;
	vm3 =	vlt.f32 v9, v10;
	[tilespmem:v8+s2+$0x0] =	vst.idx.msk $0xffff, v11  }
.LBB2_3:
0x51: {  	v9 =	vld [tilespmem:s25+$0xFFFFFFF0];
	s14 =	sadd.s32 $0x2, s14;
	s6 =	sadd.s32 $0x20, s6  }
0x52: {  	v10 =	vld [tilespmem:s6+$0xFFFFFFF0];
	p0 =	slt.u32 s14, $0x7A  }
0x53: {  	v8 =	vld.idx.msk [tilespmem:v8+s2+$0x0], $0xffff;
	_ =	sdelay $0x5  }
0x54: {  	vm4 =	vlt.f32 v8, v7;
	v11 =	vld.idx.msk [tilespmem:v9+s2+$0x0], $0xffff  }
0x55: {  	vm3 =	vmor vm3, vm4  }
0x56: {  	vm2 =	vmor vm2, vm3;
	_ =	sdelay $0x3  }
0x57: {  	v7 =	vmax.f32 v11, v10  }
0x58: {  	[tilespmem:v9+s2+$0x0] =	vst.idx.msk $0xffff, v7  }
0x59: {  	v8 =	vld [tilespmem:s25+$0x0]  }
0x5a: {  	v7 =	vld [tilespmem:s6+$0x0]  }
0x5b: {  	v9 =	vld.idx.msk [tilespmem:v9+s2+$0x0], $0xffff;
	_ =	sdelay $0x5  }
0x5c: {  	vm3 =	vlt.f32 v9, v10;
	v9 =	vld.idx.msk [tilespmem:v8+s2+$0x0], $0xffff;
	_ =	sdelay $0x2  }
.Ltmp2:
0x5d: {  	(pc) =	sbr.rel @p0 .LBB2_3-.Ltmp2, $3  }
0x5e: {  	_ =	sdelay $0x1  }
0x5f: {  	v9 =	vmax.f32 v9, v7  }
0x60: {  	s25 =	sadd.s32 $0x20, s25;
	[tilespmem:v8+s2+$0x0] =	vst.idx.msk $0xffff, v9  }
0x61: {  	v9 =	vld [tilespmem:$0x1A7C0];
	_ =	sdelay $0x6  }
0x62: {  	v10 =	vld [tilespmem:$0x1B7C0]  }
0x63: {  	v11 =	vld.idx.msk [tilespmem:v9+s2+$0x0], $0xffff;
	_ =	sdelay $0x4  }
0x64: {  	v8 =	vld.idx.msk [tilespmem:v8+s2+$0x0], $0xffff;
	v11 =	vmax.f32 v11, v10  }
0x65: {  	[tilespmem:v9+s2+$0x0] =	vst.idx.msk $0xffff, v11  }
0x66: {  	v9 =	vld.idx.msk [tilespmem:v9+s2+$0x0], $0xffff;
	_ =	sdelay $0x2  }
0x67: {  	vm4 =	vlt.f32 v8, v7  }
0x68: {  	vm3 =	vmor vm3, vm4  }
0x69: {  	vm2 =	vmor vm2, vm3;
	vm3 =	vlt.f32 v9, v10  }
0x6a: {  	vm2 =	vmor vm2, vm3  }
0x6b: {  	v7 =	vsel vm2, $0x3F800000, v4  }
0x6c: {  	(xrf0) =	vmax.scan.msk.f32 $0xffff, v7;
	_ =	sdelay $0x5  }
0x6d: {  	v7, _, _ =	vpop (xrf0)  }
0x6e: {  	(v2sf) =	vpush v7, $0xF;
	_ =	sdelay $0xe  }
0x6f: {  	s6 =	spop (v2sf)  }
0x70: {  	p0 =	sgt.f32 s6, $0.0e+00  }
.Ltmp3:
0x71: {  	_ = 	snop;
	(pc) =	sbr.rel @!p0 .LBB2_8-.Ltmp3, $1  }
0x72: {  	_ =	sdelay $0x3  }
0x73: {  	s6 =	simm.s32 $0x1A010  }
0x74: {  	s25 =	simm.s32 $0x1B010;
	v7 =	vld [tilespmem:s6+$0xFFFFFFF0]  }
0x75: {  	v8 =	vld [tilespmem:s25+$0xFFFFFFF0];
	_ =	sdelay $0x3  }
0x76: {  	v7 =	vxor.u32 $0x80000000, v7  }
0x77: {  	(xrf1) =	vsort.ascd.msk.u32 $0xffff, v7, v8;
	_ =	sdelay $0xd  }
0x78: {  	v7, v8, _ =	vpop (xrf1)  }
0x79: {  	v7 =	vxor.u32 $0x80000000, v7  }
0x7a: {  	v10 =	vperm.xlane v8, v0;
	v9 =	vperm.xlane v7, v0;
	_ =	sdelay $0x1  }
0x7b: {  	v39 =	vmax.f32 v8, v10;
	vm2 =	veq.s32 v9, v7  }
0x7c: {  	v8 =	vsel vm2, v39, v8  }
0x7d: {  	v40 =	vperm.xlane v7, v1;
	v41 =	vperm.xlane v8, v1;
	_ =	sdelay $0x1  }
0x7e: {  	vm2 =	veq.s32 v40, v7;
	v42 =	vmax.f32 v8, v41  }
0x7f: {  	v43 =	vperm.xlane v7, v2;
	v8 =	vsel vm2, v42, v8  }
0x80: {  	v11 =	vperm.xlane v7, v6;
	v44 =	vperm.xlane v8, v2;
	_ =	sdelay $0x1  }
0x81: {  	vm3 =	vne.s32 v11, v7;
	vm2 =	veq.s32 v43, v7;
	v45 =	vmax.f32 v8, v44  }
0x82: {  	v46 =	vld.idx.msk [tilespmem:v7+s2+$0x0], $0xffff;
	v8 =	vsel vm2, v45, v8;
	vm2 =	vmor vm3, vm1  }
0x83: {  	v47 =	vperm.xlane v7, v5;
	v48 =	vperm.xlane v8, v5;
	_ =	sdelay $0x1  }
0x84: {  	vm3 =	veq.s32 v47, v7;
	v49 =	vmax.f32 v8, v48  }
0x85: {  	v8 =	vsel vm3, v49, v8  }
0x86: {  	v8 =	vmax.f32 v46, v8  }
0x87: {  	[tilespmem:v7+s2+$0x0] =	vst.idx.msk vm2, v8  }
0x88: {  	v7 =	vld [tilespmem:s6+$0x0]  }
0x89: {  	v8 =	vld [tilespmem:s25+$0x0];
	_ =	sdelay $0x3  }
0x8a: {  	v7 =	vxor.u32 $0x80000000, v7  }
0x8b: {  	(xrf1) =	vsort.ascd.msk.u32 $0xffff, v7, v8;
	_ =	sdelay $0xd  }
0x8c: {  	v7, v8, _ =	vpop (xrf1)  }
0x8d: {  	v7 =	vxor.u32 $0x80000000, v7  }
0x8e: {  	v51 =	vperm.xlane v8, v0;
	v50 =	vperm.xlane v7, v0;
	_ =	sdelay $0x1  }
0x8f: {  	v52 =	vmax.f32 v8, v51;
	vm2 =	veq.s32 v50, v7  }
0x90: {  	v8 =	vsel vm2, v52, v8  }
0x91: {  	v53 =	vperm.xlane v7, v1;
	v54 =	vperm.xlane v8, v1;
	_ =	sdelay $0x1  }
0x92: {  	vm2 =	veq.s32 v53, v7;
	v55 =	vmax.f32 v8, v54  }
0x93: {  	v56 =	vperm.xlane v7, v2;
	v8 =	vsel vm2, v55, v8  }
0x94: {  	v58 =	vperm.xlane v7, v6;
	v57 =	vperm.xlane v8, v2;
	_ =	sdelay $0x1  }
0x95: {  	vm3 =	vne.s32 v58, v7;
	vm2 =	veq.s32 v56, v7;
	v59 =	vmax.f32 v8, v57  }
0x96: {  	v60 =	vld.idx.msk [tilespmem:v7+s2+$0x0], $0xffff;
	v8 =	vsel vm2, v59, v8;
	vm2 =	vmor vm3, vm1  }
0x97: {  	v61 =	vperm.xlane v7, v5;
	v62 =	vperm.xlane v8, v5;
	_ =	sdelay $0x1  }
0x98: {  	vm3 =	veq.s32 v61, v7;
	v63 =	vmax.f32 v8, v62  }
0x99: {  	v8 =	vsel vm3, v63, v8  }
0x9a: {  	v8 =	vmax.f32 v60, v8  }
0x9b: {  	s14 =	simm.s32 $0x1A030;
	s6 =	simm.s32 $0x0;
	[tilespmem:v7+s2+$0x0] =	vst.idx.msk vm2, v8  }
.LBB2_6:
0x9c: {  	v7 =	vld [tilespmem:s14+$0xFFFFFFF0];
	s6 =	sadd.s32 $0x2, s6;
	s25 =	sadd.s32 $0x20, s25  }
0x9d: {  	v8 =	vld [tilespmem:s25+$0xFFFFFFF0];
	p0 =	slt.u32 s6, $0x7A;
	_ =	sdelay $0x3  }
0x9e: {  	v7 =	vxor.u32 $0x80000000, v7  }
0x9f: {  	(xrf1) =	vsort.ascd.msk.u32 $0xffff, v7, v8;
	_ =	sdelay $0xd  }
0xa0: {  	v7, v8, _ =	vpop (xrf1)  }
0xa1: {  	v7 =	vxor.u32 $0x80000000, v7  }
0xa2: {  	v10 =	vperm.xlane v8, v0;
	v9 =	vperm.xlane v7, v0;
	_ =	sdelay $0x1  }
0xa3: {  	vm2 =	veq.s32 v9, v7;
	v9 =	vmax.f32 v8, v10  }
0xa4: {  	v8 =	vsel vm2, v9, v8  }
0xa5: {  	v9 =	vperm.xlane v7, v1;
	v10 =	vperm.xlane v8, v1;
	_ =	sdelay $0x1  }
0xa6: {  	vm2 =	veq.s32 v9, v7;
	v9 =	vmax.f32 v8, v10  }
0xa7: {  	v8 =	vsel vm2, v9, v8;
	v9 =	vperm.xlane v7, v2  }
0xa8: {  	v11 =	vperm.xlane v7, v6;
	v10 =	vperm.xlane v8, v2;
	_ =	sdelay $0x1  }
0xa9: {  	vm3 =	vne.s32 v11, v7;
	vm2 =	veq.s32 v9, v7;
	v9 =	vmax.f32 v8, v10;
	v10 =	vld.idx.msk [tilespmem:v7+s2+$0x0], $0xffff  }
0xaa: {  	v8 =	vsel vm2, v9, v8;
	vm2 =	vmor vm3, vm1  }
0xab: {  	v9 =	vperm.xlane v7, v5;
	v11 =	vperm.xlane v8, v5;
	_ =	sdelay $0x1  }
0xac: {  	vm3 =	veq.s32 v9, v7;
	v9 =	vmax.f32 v8, v11  }
0xad: {  	v8 =	vsel vm3, v9, v8  }
0xae: {  	v8 =	vmax.f32 v10, v8  }
0xaf: {  	[tilespmem:v7+s2+$0x0] =	vst.idx.msk vm2, v8  }
0xb0: {  	v7 =	vld [tilespmem:s14+$0x0]  }
0xb1: {  	v8 =	vld [tilespmem:s25+$0x0];
	_ =	sdelay $0x3  }
0xb2: {  	v7 =	vxor.u32 $0x80000000, v7  }
0xb3: {  	(xrf1) =	vsort.ascd.msk.u32 $0xffff, v7, v8;
	_ =	sdelay $0xd  }
0xb4: {  	v7, v8, _ =	vpop (xrf1)  }
0xb5: {  	v7 =	vxor.u32 $0x80000000, v7  }
0xb6: {  	v10 =	vperm.xlane v8, v0;
	v9 =	vperm.xlane v7, v0;
	_ =	sdelay $0x1  }
0xb7: {  	vm2 =	veq.s32 v9, v7;
	v9 =	vmax.f32 v8, v10  }
0xb8: {  	v8 =	vsel vm2, v9, v8  }
0xb9: {  	v9 =	vperm.xlane v7, v1;
	v10 =	vperm.xlane v8, v1;
	v11 =	vld.idx.msk [tilespmem:v7+s2+$0x0], $0xffff;
	_ =	sdelay $0x1  }
0xba: {  	vm2 =	veq.s32 v9, v7;
	v9 =	vmax.f32 v8, v10  }
0xbb: {  	v8 =	vsel vm2, v9, v8;
	v9 =	vperm.xlane v7, v2  }
0xbc: {  	v12 =	vperm.xlane v7, v6;
	v10 =	vperm.xlane v8, v2;
	_ =	sdelay $0x1  }
0xbd: {  	vm3 =	vne.s32 v12, v7;
	vm2 =	veq.s32 v9, v7;
	v9 =	vmax.f32 v8, v10  }
0xbe: {  	v8 =	vsel vm2, v9, v8;
	vm2 =	vmor vm3, vm1  }
0xbf: {  	v9 =	vperm.xlane v7, v5;
	v10 =	vperm.xlane v8, v5  }
.Ltmp4:
0xc0: {  	(pc) =	sbr.rel @p0 .LBB2_6-.Ltmp4, $4  }
0xc1: {  	vm3 =	veq.s32 v9, v7;
	v9 =	vmax.f32 v8, v10  }
0xc2: {  	v8 =	vsel vm3, v9, v8  }
0xc3: {  	v8 =	vmax.f32 v11, v8  }
0xc4: {  	s14 =	sadd.s32 $0x20, s14;
	[tilespmem:v7+s2+$0x0] =	vst.idx.msk vm2, v8  }
0xc5: {  	v7 =	vld [tilespmem:$0x1A7C0]  }
0xc6: {  	v8 =	vld [tilespmem:$0x1B7C0];
	_ =	sdelay $0x3  }
0xc7: {  	v7 =	vxor.u32 $0x80000000, v7  }
0xc8: {  	(xrf1) =	vsort.ascd.msk.u32 $0xffff, v7, v8;
	_ =	sdelay $0xd  }
0xc9: {  	v7, v8, _ =	vpop (xrf1)  }
0xca: {  	v7 =	vxor.u32 $0x80000000, v7  }
0xcb: {  	v10 =	vperm.xlane v8, v0;
	v9 =	vperm.xlane v7, v0;
	_ =	sdelay $0x1  }
0xcc: {  	v53 =	vmax.f32 v8, v10;
	vm2 =	veq.s32 v9, v7  }
0xcd: {  	v8 =	vsel vm2, v53, v8  }
0xce: {  	v54 =	vperm.xlane v7, v1;
	v55 =	vperm.xlane v8, v1;
	_ =	sdelay $0x1  }
0xcf: {  	vm2 =	veq.s32 v54, v7;
	v56 =	vmax.f32 v8, v55  }
0xd0: {  	v57 =	vperm.xlane v7, v2;
	v8 =	vsel vm2, v56, v8  }
0xd1: {  	v11 =	vperm.xlane v7, v3;
	v58 =	vperm.xlane v8, v2;
	_ =	sdelay $0x1  }
0xd2: {  	vm3 =	vne.s32 v11, v7;
	vm2 =	veq.s32 v57, v7;
	v59 =	vmax.f32 v8, v58  }
0xd3: {  	v60 =	vld.idx.msk [tilespmem:v7+s2+$0x0], $0xffff;
	v8 =	vsel vm2, v59, v8;
	vm2 =	vmor vm3, vm1  }
0xd4: {  	v61 =	vperm.xlane v7, v5;
	v62 =	vperm.xlane v8, v5;
	_ =	sdelay $0x1  }
0xd5: {  	vm3 =	veq.s32 v61, v7;
	v63 =	vmax.f32 v8, v62  }
0xd6: {  	v8 =	vsel vm3, v63, v8  }
0xd7: {  	v8 =	vmax.f32 v60, v8  }
0xd8: {  	[tilespmem:v7+s2+$0x0] =	vst.idx.msk vm2, v8  }
.LBB2_8:
0xd9: {  	p0 =	seq.s32 s24, $0x31  }
0xda: {  	s6 =	simm.s32 @p0 $0x4;
	s14 =	smul.u32 @!p0 $0xFA0, s24  }
0xdb: {  	_ =	swait.ge @p0 [sflag:s6], $0x7D0  }
0xdc: {  	[sflag:s6] =	ssyncset.done @p0 $0x0;
	s14 =	sadd.s32 @!p0 s14, s9  }
0xdd: {  	[sflag:s6] =	ssyncadd.s32 @p0 $0xFFFFF830;
	s6 =	sshrl.u32 @!p0 s14, $0x3  }
0xde: {  	s25 =	simm.s32 @!p0 $0x19000;
	s14 =	simm.s32 @!p0 $0x0;
	s6 =	sadd.s32 @!p0 s4, s6  }
0xdf: {  	[tilespmem:s25], [sflag:$0x1] =	stream.linear.gather @!p0 [hbm4b:s6+s14], $0x7D0, $0x38;
	[tilespmem:$0x1C000] =	vst v63  }
0xe0: {  	s7 =	simm.s32 @!p0 $0x1A000;
	s6 =	sadd.s32 @!p0 $0xC3500, s6  }
0xe1: {  	[tilespmem:s7], [sflag:$0x1] =	stream.linear.gather @!p0 [hbm4b:s6+s14], $0x7D0, $0x38;
	[tilespmem:$0x1C000] =	vst v63  }
0xe2: {  	s6 =	simm.s32 @!p0 $0x4  }
0xe3: {  	_ =	swait.ge @!p0 [sflag:s6], $0x7D0  }
0xe4: {  	[sflag:s6] =	ssyncset.done @!p0 $0x0  }
0xe5: {  	[sflag:s6] =	ssyncadd.s32 @!p0 $0xFFFFF830;
	s6 =	simm.s32 @!p0 $0x1  }
0xe6: {  	_ =	swait.ge @!p0 [sflag:s6], $0x7D0  }
0xe7: {  	[sflag:s6] =	ssyncset.done @!p0 $0x0  }
0xe8: {  	[sflag:s6] =	ssyncadd.s32 @!p0 $0xFFFFF830  }
0xe9: {  	_ =	swait.ge @!p0 [sflag:s6], $0x7D0  }
0xea: {  	[sflag:s6] =	ssyncset.done @!p0 $0x0  }
0xeb: {  	s7 =	simm.s32 @!p0 $0x1B000;
	[sflag:s6] =	ssyncadd.s32 @!p0 $0xFFFFF830;
	s6 =	simm.s32 @!p0 $0x190  }
0xec: {  	[tilespmem:s7], [sflag:$0x3] =	stream.indirect.gather @!p0 [hbm4b:s3+s6], $0x1, s25, s6, $0xb8;
	[tilespmem:$0x1C000] =	vst v63  }
0xed: {  	s14 =	simm.s32 @!p0 $0x1B190;
	s7 =	simm.s32 @!p0 $0x19190  }
0xee: {  	[tilespmem:s14], [sflag:$0x3] =	stream.indirect.gather @!p0 [hbm4b:s3+s6], $0x1, s7, s6, $0xb8;
	[tilespmem:$0x1C000] =	vst v63  }
0xef: {  	s7 =	simm.s32 @!p0 $0x19320;
	s14 =	simm.s32 @!p0 $0x1B320  }
0xf0: {  	[tilespmem:s14], [sflag:$0x3] =	stream.indirect.gather @!p0 [hbm4b:s3+s6], $0x1, s7, s6, $0xb8;
	[tilespmem:$0x1C000] =	vst v63  }
0xf1: {  	s7 =	simm.s32 @!p0 $0x194B0;
	s14 =	simm.s32 @!p0 $0x1B4B0  }
0xf2: {  	[tilespmem:s14], [sflag:$0x3] =	stream.indirect.gather @!p0 [hbm4b:s3+s6], $0x1, s7, s6, $0xb8;
	[tilespmem:$0x1C000] =	vst v63  }
0xf3: {  	s25 =	simm.s32 $0x1A810;
	s7 =	simm.s32 @!p0 $0x19640;
	s14 =	simm.s32 @!p0 $0x1B640  }
0xf4: {  	[tilespmem:s14], [sflag:$0x3] =	stream.indirect.gather @!p0 [hbm4b:s3+s6], $0x1, s7, s6, $0xb8;
	[tilespmem:$0x1C000] =	vst v63  }
0xf5: {  	v9 =	vld [tilespmem:s25+$0xFFFFFFF0];
	_ =	sdelay $0x5  }
0xf6: {  	s6 =	simm.s32 $0x1B810  }
0xf7: {  	v10 =	vld [tilespmem:s6+$0xFFFFFFF0]  }
0xf8: {  	v7 =	vld.idx.msk [tilespmem:v9+s2+$0x0], $0xffff;
	_ =	sdelay $0x4  }
0xf9: {  	v7 =	vmax.f32 v7, v10  }
0xfa: {  	[tilespmem:v9+s2+$0x0] =	vst.idx.msk $0xffff, v7  }
0xfb: {  	v8 =	vld [tilespmem:s25+$0x0];
	_ =	sdelay $0x6  }
0xfc: {  	v7 =	vld [tilespmem:s6+$0x0]  }
0xfd: {  	v11 =	vld.idx.msk [tilespmem:v8+s2+$0x0], $0xffff  }
0xfe: {  	v9 =	vld.idx.msk [tilespmem:v9+s2+$0x0], $0xffff;
	_ =	sdelay $0x3  }
0xff: {  	v11 =	vmax.f32 v11, v7  }
0x100: {  	vm2 =	vmmov vm0;
	s14 =	simm.s32 $0x0;
	s25 =	simm.s32 $0x1A830;
	vm3 =	vlt.f32 v9, v10;
	[tilespmem:v8+s2+$0x0] =	vst.idx.msk $0xffff, v11  }
.LBB2_9:
0x101: {  	v9 =	vld [tilespmem:s25+$0xFFFFFFF0];
	s14 =	sadd.s32 $0x2, s14;
	s6 =	sadd.s32 $0x20, s6  }
0x102: {  	v10 =	vld [tilespmem:s6+$0xFFFFFFF0];
	p1 =	slt.u32 s14, $0x7A  }
0x103: {  	v8 =	vld.idx.msk [tilespmem:v8+s2+$0x0], $0xffff;
	_ =	sdelay $0x5  }
0x104: {  	vm4 =	vlt.f32 v8, v7;
	v11 =	vld.idx.msk [tilespmem:v9+s2+$0x0], $0xffff  }
0x105: {  	vm3 =	vmor vm3, vm4  }
0x106: {  	vm2 =	vmor vm2, vm3;
	_ =	sdelay $0x3  }
0x107: {  	v7 =	vmax.f32 v11, v10  }
0x108: {  	[tilespmem:v9+s2+$0x0] =	vst.idx.msk $0xffff, v7  }
0x109: {  	v8 =	vld [tilespmem:s25+$0x0]  }
0x10a: {  	v7 =	vld [tilespmem:s6+$0x0]  }
0x10b: {  	v9 =	vld.idx.msk [tilespmem:v9+s2+$0x0], $0xffff;
	_ =	sdelay $0x5  }
0x10c: {  	vm3 =	vlt.f32 v9, v10;
	v9 =	vld.idx.msk [tilespmem:v8+s2+$0x0], $0xffff;
	_ =	sdelay $0x2  }
.Ltmp5:
0x10d: {  	(pc) =	sbr.rel @p1 .LBB2_9-.Ltmp5, $3  }
0x10e: {  	_ =	sdelay $0x1  }
0x10f: {  	v9 =	vmax.f32 v9, v7  }
0x110: {  	s25 =	sadd.s32 $0x20, s25;
	[tilespmem:v8+s2+$0x0] =	vst.idx.msk $0xffff, v9  }
0x111: {  	v9 =	vld [tilespmem:$0x1AFC0];
	_ =	sdelay $0x6  }
0x112: {  	v10 =	vld [tilespmem:$0x1BFC0]  }
0x113: {  	v11 =	vld.idx.msk [tilespmem:v9+s2+$0x0], $0xffff;
	_ =	sdelay $0x4  }
0x114: {  	v8 =	vld.idx.msk [tilespmem:v8+s2+$0x0], $0xffff;
	v11 =	vmax.f32 v11, v10  }
0x115: {  	[tilespmem:v9+s2+$0x0] =	vst.idx.msk $0xffff, v11  }
0x116: {  	v9 =	vld.idx.msk [tilespmem:v9+s2+$0x0], $0xffff;
	_ =	sdelay $0x2  }
0x117: {  	vm4 =	vlt.f32 v8, v7  }
0x118: {  	vm3 =	vmor vm3, vm4  }
0x119: {  	vm2 =	vmor vm2, vm3;
	vm3 =	vlt.f32 v9, v10  }
0x11a: {  	vm2 =	vmor vm2, vm3  }
0x11b: {  	v7 =	vsel vm2, $0x3F800000, v4  }
0x11c: {  	(xrf0) =	vmax.scan.msk.f32 $0xffff, v7;
	_ =	sdelay $0x5  }
0x11d: {  	v7, _, _ =	vpop (xrf0)  }
0x11e: {  	(v2sf) =	vpush v7, $0xF;
	_ =	sdelay $0xe  }
0x11f: {  	s6 =	spop (v2sf)  }
0x120: {  	p1 =	sgt.f32 s6, $0.0e+00  }
.Ltmp6:
0x121: {  	_ = 	snop;
	(pc) =	sbr.rel @!p1 .LBB2_14-.Ltmp6, $1  }
0x122: {  	_ =	sdelay $0x3  }
0x123: {  	s6 =	simm.s32 $0x1A810  }
0x124: {  	s25 =	simm.s32 $0x1B810;
	v7 =	vld [tilespmem:s6+$0xFFFFFFF0]  }
0x125: {  	v8 =	vld [tilespmem:s25+$0xFFFFFFF0];
	_ =	sdelay $0x3  }
0x126: {  	v7 =	vxor.u32 $0x80000000, v7  }
0x127: {  	(xrf1) =	vsort.ascd.msk.u32 $0xffff, v7, v8;
	_ =	sdelay $0xd  }
0x128: {  	v7, v8, _ =	vpop (xrf1)  }
0x129: {  	v7 =	vxor.u32 $0x80000000, v7  }
0x12a: {  	v10 =	vperm.xlane v8, v0;
	v9 =	vperm.xlane v7, v0;
	_ =	sdelay $0x1  }
0x12b: {  	v39 =	vmax.f32 v8, v10;
	vm2 =	veq.s32 v9, v7  }
0x12c: {  	v8 =	vsel vm2, v39, v8  }
0x12d: {  	v40 =	vperm.xlane v7, v1;
	v41 =	vperm.xlane v8, v1;
	_ =	sdelay $0x1  }
0x12e: {  	vm2 =	veq.s32 v40, v7;
	v42 =	vmax.f32 v8, v41  }
0x12f: {  	v43 =	vperm.xlane v7, v2;
	v8 =	vsel vm2, v42, v8  }
0x130: {  	v11 =	vperm.xlane v7, v6;
	v44 =	vperm.xlane v8, v2;
	_ =	sdelay $0x1  }
0x131: {  	vm3 =	vne.s32 v11, v7;
	vm2 =	veq.s32 v43, v7;
	v45 =	vmax.f32 v8, v44  }
0x132: {  	v46 =	vld.idx.msk [tilespmem:v7+s2+$0x0], $0xffff;
	v8 =	vsel vm2, v45, v8;
	vm2 =	vmor vm3, vm1  }
0x133: {  	v47 =	vperm.xlane v7, v5;
	v48 =	vperm.xlane v8, v5;
	_ =	sdelay $0x1  }
0x134: {  	vm3 =	veq.s32 v47, v7;
	v49 =	vmax.f32 v8, v48  }
0x135: {  	v8 =	vsel vm3, v49, v8  }
0x136: {  	v8 =	vmax.f32 v46, v8  }
0x137: {  	[tilespmem:v7+s2+$0x0] =	vst.idx.msk vm2, v8  }
0x138: {  	v7 =	vld [tilespmem:s6+$0x0]  }
0x139: {  	v8 =	vld [tilespmem:s25+$0x0];
	_ =	sdelay $0x3  }
0x13a: {  	v7 =	vxor.u32 $0x80000000, v7  }
0x13b: {  	(xrf1) =	vsort.ascd.msk.u32 $0xffff, v7, v8;
	_ =	sdelay $0xd  }
0x13c: {  	v7, v8, _ =	vpop (xrf1)  }
0x13d: {  	v7 =	vxor.u32 $0x80000000, v7  }
0x13e: {  	v51 =	vperm.xlane v8, v0;
	v50 =	vperm.xlane v7, v0;
	_ =	sdelay $0x1  }
0x13f: {  	v52 =	vmax.f32 v8, v51;
	vm2 =	veq.s32 v50, v7  }
0x140: {  	v8 =	vsel vm2, v52, v8  }
0x141: {  	v53 =	vperm.xlane v7, v1;
	v54 =	vperm.xlane v8, v1;
	_ =	sdelay $0x1  }
0x142: {  	vm2 =	veq.s32 v53, v7;
	v55 =	vmax.f32 v8, v54  }
0x143: {  	v56 =	vperm.xlane v7, v2;
	v8 =	vsel vm2, v55, v8  }
0x144: {  	v58 =	vperm.xlane v7, v6;
	v57 =	vperm.xlane v8, v2;
	_ =	sdelay $0x1  }
0x145: {  	vm3 =	vne.s32 v58, v7;
	vm2 =	veq.s32 v56, v7;
	v59 =	vmax.f32 v8, v57  }
0x146: {  	v60 =	vld.idx.msk [tilespmem:v7+s2+$0x0], $0xffff;
	v8 =	vsel vm2, v59, v8;
	vm2 =	vmor vm3, vm1  }
0x147: {  	v61 =	vperm.xlane v7, v5;
	v62 =	vperm.xlane v8, v5;
	_ =	sdelay $0x1  }
0x148: {  	vm3 =	veq.s32 v61, v7;
	v63 =	vmax.f32 v8, v62  }
0x149: {  	v8 =	vsel vm3, v63, v8  }
0x14a: {  	v8 =	vmax.f32 v60, v8  }
0x14b: {  	s14 =	simm.s32 $0x1A830;
	s6 =	simm.s32 $0x0;
	[tilespmem:v7+s2+$0x0] =	vst.idx.msk vm2, v8  }
.LBB2_12:
0x14c: {  	v7 =	vld [tilespmem:s14+$0xFFFFFFF0];
	s6 =	sadd.s32 $0x2, s6;
	s25 =	sadd.s32 $0x20, s25  }
0x14d: {  	v8 =	vld [tilespmem:s25+$0xFFFFFFF0];
	p1 =	slt.u32 s6, $0x7A;
	_ =	sdelay $0x3  }
0x14e: {  	v7 =	vxor.u32 $0x80000000, v7  }
0x14f: {  	(xrf1) =	vsort.ascd.msk.u32 $0xffff, v7, v8;
	_ =	sdelay $0xd  }
0x150: {  	v7, v8, _ =	vpop (xrf1)  }
0x151: {  	v7 =	vxor.u32 $0x80000000, v7  }
0x152: {  	v10 =	vperm.xlane v8, v0;
	v9 =	vperm.xlane v7, v0;
	_ =	sdelay $0x1  }
0x153: {  	vm2 =	veq.s32 v9, v7;
	v9 =	vmax.f32 v8, v10  }
0x154: {  	v8 =	vsel vm2, v9, v8  }
0x155: {  	v9 =	vperm.xlane v7, v1;
	v10 =	vperm.xlane v8, v1;
	_ =	sdelay $0x1  }
0x156: {  	vm2 =	veq.s32 v9, v7;
	v9 =	vmax.f32 v8, v10  }
0x157: {  	v8 =	vsel vm2, v9, v8;
	v9 =	vperm.xlane v7, v2  }
0x158: {  	v11 =	vperm.xlane v7, v6;
	v10 =	vperm.xlane v8, v2;
	_ =	sdelay $0x1  }
0x159: {  	vm3 =	vne.s32 v11, v7;
	vm2 =	veq.s32 v9, v7;
	v9 =	vmax.f32 v8, v10;
	v10 =	vld.idx.msk [tilespmem:v7+s2+$0x0], $0xffff  }
0x15a: {  	v8 =	vsel vm2, v9, v8;
	vm2 =	vmor vm3, vm1  }
0x15b: {  	v9 =	vperm.xlane v7, v5;
	v11 =	vperm.xlane v8, v5;
	_ =	sdelay $0x1  }
0x15c: {  	vm3 =	veq.s32 v9, v7;
	v9 =	vmax.f32 v8, v11  }
0x15d: {  	v8 =	vsel vm3, v9, v8  }
0x15e: {  	v8 =	vmax.f32 v10, v8  }
0x15f: {  	[tilespmem:v7+s2+$0x0] =	vst.idx.msk vm2, v8  }
0x160: {  	v7 =	vld [tilespmem:s14+$0x0]  }
0x161: {  	v8 =	vld [tilespmem:s25+$0x0];
	_ =	sdelay $0x3  }
0x162: {  	v7 =	vxor.u32 $0x80000000, v7  }
0x163: {  	(xrf1) =	vsort.ascd.msk.u32 $0xffff, v7, v8;
	_ =	sdelay $0xd  }
0x164: {  	v7, v8, _ =	vpop (xrf1)  }
0x165: {  	v7 =	vxor.u32 $0x80000000, v7  }
0x166: {  	v10 =	vperm.xlane v8, v0;
	v9 =	vperm.xlane v7, v0;
	_ =	sdelay $0x1  }
0x167: {  	vm2 =	veq.s32 v9, v7;
	v9 =	vmax.f32 v8, v10  }
0x168: {  	v8 =	vsel vm2, v9, v8  }
0x169: {  	v9 =	vperm.xlane v7, v1;
	v10 =	vperm.xlane v8, v1;
	v11 =	vld.idx.msk [tilespmem:v7+s2+$0x0], $0xffff;
	_ =	sdelay $0x1  }
0x16a: {  	vm2 =	veq.s32 v9, v7;
	v9 =	vmax.f32 v8, v10  }
0x16b: {  	v8 =	vsel vm2, v9, v8;
	v9 =	vperm.xlane v7, v2  }
0x16c: {  	v12 =	vperm.xlane v7, v6;
	v10 =	vperm.xlane v8, v2;
	_ =	sdelay $0x1  }
0x16d: {  	vm3 =	vne.s32 v12, v7;
	vm2 =	veq.s32 v9, v7;
	v9 =	vmax.f32 v8, v10  }
0x16e: {  	v8 =	vsel vm2, v9, v8;
	vm2 =	vmor vm3, vm1  }
0x16f: {  	v9 =	vperm.xlane v7, v5;
	v10 =	vperm.xlane v8, v5  }
.Ltmp7:
0x170: {  	(pc) =	sbr.rel @p1 .LBB2_12-.Ltmp7, $4  }
0x171: {  	vm3 =	veq.s32 v9, v7;
	v9 =	vmax.f32 v8, v10  }
0x172: {  	v8 =	vsel vm3, v9, v8  }
0x173: {  	v8 =	vmax.f32 v11, v8  }
0x174: {  	s14 =	sadd.s32 $0x20, s14;
	[tilespmem:v7+s2+$0x0] =	vst.idx.msk vm2, v8  }
0x175: {  	v7 =	vld [tilespmem:$0x1AFC0]  }
0x176: {  	v8 =	vld [tilespmem:$0x1BFC0];
	_ =	sdelay $0x3  }
0x177: {  	v7 =	vxor.u32 $0x80000000, v7  }
0x178: {  	(xrf1) =	vsort.ascd.msk.u32 $0xffff, v7, v8;
	_ =	sdelay $0xd  }
0x179: {  	v7, v8, _ =	vpop (xrf1)  }
0x17a: {  	v7 =	vxor.u32 $0x80000000, v7  }
0x17b: {  	v10 =	vperm.xlane v8, v0;
	v9 =	vperm.xlane v7, v0;
	_ =	sdelay $0x1  }
0x17c: {  	v53 =	vmax.f32 v8, v10;
	vm2 =	veq.s32 v9, v7  }
0x17d: {  	v8 =	vsel vm2, v53, v8  }
0x17e: {  	v54 =	vperm.xlane v7, v1;
	v55 =	vperm.xlane v8, v1;
	_ =	sdelay $0x1  }
0x17f: {  	vm2 =	veq.s32 v54, v7;
	v56 =	vmax.f32 v8, v55  }
0x180: {  	v57 =	vperm.xlane v7, v2;
	v8 =	vsel vm2, v56, v8  }
0x181: {  	v11 =	vperm.xlane v7, v3;
	v58 =	vperm.xlane v8, v2;
	_ =	sdelay $0x1  }
0x182: {  	vm3 =	vne.s32 v11, v7;
	vm2 =	veq.s32 v57, v7;
	v59 =	vmax.f32 v8, v58  }
0x183: {  	v60 =	vld.idx.msk [tilespmem:v7+s2+$0x0], $0xffff;
	v8 =	vsel vm2, v59, v8;
	vm2 =	vmor vm3, vm1  }
0x184: {  	v61 =	vperm.xlane v7, v5;
	v62 =	vperm.xlane v8, v5;
	_ =	sdelay $0x1  }
0x185: {  	vm3 =	veq.s32 v61, v7;
	v63 =	vmax.f32 v8, v62  }
0x186: {  	v8 =	vsel vm3, v63, v8  }
0x187: {  	v8 =	vmax.f32 v60, v8  }
0x188: {  	[tilespmem:v7+s2+$0x0] =	vst.idx.msk vm2, v8  }
.LBB2_14:
.Ltmp8:
0x189: {  	(pc) =	sbr.rel @p0 .LBB2_16-.Ltmp8, $1  }
0x18a: {  	_ =	sdelay $0x3  }
0x18b: {  	s6 =	smul.u32 $0xFA0, s24;
	_ =	sdelay $0x1  }
0x18c: {  	s6 =	sadd.s32 s6, s10  }
.Ltmp9:
0x18d: {  	s6 =	sshrl.u32 s6, $0x3;
	(pc) =	sbr.rel .LBB2_2-.Ltmp9, $4  }
0x18e: {  	s6 =	sadd.s32 s4, s6  }
0x18f: {  	[tilespmem:s28], [sflag:$0x2] =	stream.linear.gather [hbm4b:s6+s2], $0x7D0, $0x38;
	[tilespmem:$0x1C000] =	vst v63  }
0x190: {  	s24 =	sadd.s32 $0x1, s24;
	s6 =	sadd.s32 $0xC3500, s6  }
0x191: {  	[tilespmem:s29], [sflag:$0x2] =	stream.linear.gather [hbm4b:s6+s2], $0x7D0, $0x38;
	[tilespmem:$0x1C000] =	vst v63  }
.LBB2_17:
0x192: {  	_ =	sfence.sel $0x180000  }
0x193: {  	[bflag:$0x0] =	sbarrier.arrive $0xFFFF  }
0x194: {  	_ =	strace $0x9000004A  }
0x195: {  	s0 =	stileid.u32;
	[bflag:$0x2] =	sbarrier.arrive $0xFFFF  }
0x196: {  	p0 =	sne.s32 s0, $0x0;
	s0 =	rddreg [dreg:$0x1]  }
0x197: {  	s0 =	sadd.s32 @!p0 $0x100000, s0  }
0x198: {  	[sflag:s0] =	ssyncadd.tile.s32 @!p0 $0x1;
	_ =	shalt  }
.Lfunc_end2:
_tile_overlayer_lowered:
.L_overlay_start_2:
0x199: {  	(tag) =	ssettag $0x2  }
0x19a: {  	s0 =	rddreg [dreg:$0x0];
	s2 =	stileid.u32  }
0x19b: {  	s1 =	rddreg [dreg:$0x1];
	p0 =	sne.s32 s2, $0x0  }
0x19c: {  	s3 =	rddreg [dreg:$0x2];
	[bflag:$0x3] =	sbarrier.arrive $0xFFFF;
	s2 =	simm.s32 @!p0 $0x1C05  }
0x19d: {  	[timem:s3], [sflag:s2] =	dma.local @!p0 [hbm:s0], s1  }
0x19e: {  	s0 =	simm.s32 @!p0 $0x5  }
0x19f: {  	_ =	swait.ge @!p0 [sflag:s0], s1  }
0x1a0: {  	s1 =	ssub.s32 @!p0 $0x0, s1;
	[sflag:s0] =	ssyncset.done @!p0 $0x0  }
0x1a1: {  	[sflag:s0] =	ssyncadd.s32 @!p0 s1  }
0x1a2: {  	[bflag:$0x3] =	sbarrier.arrive $0xFFFF  }
0x1a3: {  	_ =	shalt  }

// kernel: kernel.7.cloned.1.call-start
scs
__scs_entry_jumppad:
0x0: {  	(pc) =	sbr.rel $0x88, $3  }
0x1: {  	(tag) =	ssettag $0x0;
	lr =	simm.s32 $0x1  }
0x2: {  	[smem:$0x3F9E] =	sst lr;
	_ =	strace $0xD0000000  }
0x3: {  	_ = 	snop  }
0x4: {  	_ = 	snop  }
0x5: {  	_ = 	snop  }
0x6: {  	_ = 	snop  }
0x7: {  	_ = 	snop  }
__scs_overlays_trampoline_lowered:
0x8: {  	[smem:$0x3FAD] =	sst s0  }
0x9: {  	[smem:$0x3FAE] =	sst s1  }
0xa: {  	[smem:$0x3FAF] =	sst s2  }
0xb: {  	[smem:$0x3FB0] =	sst s3  }
0xc: {  	[smem:$0x3FB1] =	sst s4  }
0xd: {  	[smem:$0x3FB2] =	sst s5  }
0xe: {  	[smem:$0x3FB3] =	sst s6  }
0xf: {  	[smem:$0x3FB4] =	sst s7  }
0x10: {  	[smem:$0x3FB5] =	sst s8  }
0x11: {  	[smem:$0x3FB6] =	sst s9;
	s0 =	simm.s32 @!p0 $0x0  }
0x12: {  	s1 =	sld [smem:$0x3F9C];
	s0 =	simm.s32 @p0 $0x1  }
0x13: {  	[smem:$0x3FB7] =	sst s0;
	s0 =	simm.s32 @!p1 $0x0  }
0x14: {  	s2 =	sld [smem:$0x3F9B];
	s0 =	simm.s32 @p1 $0x1  }
0x15: {  	[smem:$0x3FB8] =	sst s0;
	s0 =	simm.s32 @!p2 $0x0  }
0x16: {  	s3 =	sld [smem:$0x3FDB];
	s0 =	simm.s32 @p2 $0x1  }
0x17: {  	s4 =	simm.s32 $0x1BF5;
	[smem:$0x3FBA] =	sst s0  }
0x18: {  	s0 =	sld [smem:$0x3F9D];
	_ =	swait.ge [sflag:s4], $0x0  }
0x19: {  	s7 =	sld [smem:$0x3F9E]  }
0x1a: {  	s8 =	sadd.s32 $0xFFFFE003, lr  }
0x1b: {  	s9 =	sadd.s32 $0xFFFFFEF7, lr;
	s5 =	simm.s32 $0xFFFFFFFF;
	p2 =	slt.u32 s8, $0xFFFFF086  }
0x1c: {  	p1 =	slt.u32 s9, $0xF7A;
	s5 =	simm.s32 @!p2 $0x0  }
0x1d: {  	s5 =	simm.s32 @p1 $0x1;
	p0 =	seq.s32 s7, s2  }
0x1e: {  	s7 =	smul.u32 @!p0 $0xF7A, s2;
	p2 =	seq.s32 @!p0 s5, $0x0  }
0x1f: {  	s9 =	smul.u32 $0xF7A, s1;
	s8 =	simm.s32 @!p0 $0x1BF5;
	p2 =	por !p2, p0  }
0x20: {  	[sflag:s8] =	ssyncset.s32 @!p0 $0xFFFFF086;
	s6 =	sadd.s32 @!p0 s3, s7;
	s7 =	simm.s32 @!p0 $0x108  }
0x21: {  	s3 =	sadd.s32 s3, s9;
	s6 =	sadd.s32 @!p0 $0x88, s6;
	s7 =	simm.s32 @p2 $0x1082  }
0x22: {  	[simem:s7], [sflag:s8] =	dma.local @!p0 [hbm:s6], $0xF7A  }
0x23: {  	s9 =	sor.u32 $0xD0000000, s2;
	s6 =	simm.s32 $0x108;
	_ =	swait.ge @!p0 [sflag:s8], $0x0  }
0x24: {  	s3 =	sadd.s32 $0x88, s3;
	s6 =	simm.s32 @!p1 $0x1082;
	[sflag:s4] =	ssyncset.s32 $0xFFFFF086  }
0x25: {  	[simem:s6], [sflag:s4] =	dma.local [hbm:s3], $0xF7A  }
0x26: {  	[smem:$0x3F9E] =	sst s1;
	(tag) =	ssettag s2;
	_ =	strace s9  }
0x27: {  	s1 =	sld [smem:$0x3FAE]  }
0x28: {  	s2 =	sld [smem:$0x3FAF]  }
0x29: {  	s4 =	sld [smem:$0x3FB1]  }
0x2a: {  	p0 =	seq.s32 s5, $0x0;
	s5 =	sld [smem:$0x3FB2]  }
0x2b: {  	s6 =	sld [smem:$0x3FB3]  }
0x2c: {  	s7 =	sld [smem:$0x3FB4]  }
0x2d: {  	s3 =	simm.s32 $0x108;
	s8 =	sld [smem:$0x3FB5]  }
0x2e: {  	s3 =	simm.s32 @!p0 $0x1082;
	s9 =	sld [smem:$0x3FB6]  }
0x2f: {  	lr =	sadd.s32 s0, s3;
	s0 =	sld [smem:$0x3FAD]  }
0x30: {  	s3 =	sld [smem:$0x3FB0]  }
0x31: {  	[smem:$0x3FB9] =	sst s10  }
0x32: {  	s10 =	sld [smem:$0x3FB7];
	_ =	sdelay $0x3  }
0x33: {  	p0 =	seq.s32 s10, $0x1;
	s10 =	sld [smem:$0x3FB9];
	_ =	sdelay $0x3  }
0x34: {  	[smem:$0x3FB9] =	sst s10  }
0x35: {  	s10 =	sld [smem:$0x3FB8];
	_ =	sdelay $0x3  }
0x36: {  	p1 =	seq.s32 s10, $0x1;
	s10 =	sld [smem:$0x3FB9];
	_ =	sdelay $0x3  }
0x37: {  	[smem:$0x3FB9] =	sst s10  }
0x38: {  	s10 =	sld [smem:$0x3FBA]  }
0x39: {  	_ = 	snop;
	(pc) =	sbr.ind lr, $3  }
0x3a: {  	_ = 	snop  }
0x3b: {  	_ = 	snop  }
0x3c: {  	p2 =	seq.s32 s10, $0x1;
	s10 =	sld [smem:$0x3FB9]  }
0x3d: {  	_ =	shalt  }
0x3e: {  	_ =	shalt  }
0x3f: {  	_ =	shalt  }
0x40: {  	_ =	shalt  }
0x41: {  	_ =	shalt  }
0x42: {  	_ =	shalt  }
0x43: {  	_ =	shalt  }
0x44: {  	_ =	shalt  }
0x45: {  	_ =	shalt  }
0x46: {  	_ =	shalt  }
0x47: {  	_ =	shalt  }
0x48: {  	_ =	shalt  }
0x49: {  	_ =	shalt  }
0x4a: {  	_ =	shalt  }
0x4b: {  	_ =	shalt  }
0x4c: {  	_ =	shalt  }
0x4d: {  	_ =	shalt  }
0x4e: {  	_ =	shalt  }
0x4f: {  	_ =	shalt  }
0x50: {  	_ =	shalt  }
0x51: {  	_ =	shalt  }
0x52: {  	_ =	shalt  }
0x53: {  	_ =	shalt  }
0x54: {  	_ =	shalt  }
0x55: {  	_ =	shalt  }
0x56: {  	_ =	shalt  }
0x57: {  	_ =	shalt  }
0x58: {  	_ =	shalt  }
0x59: {  	_ =	shalt  }
0x5a: {  	_ =	shalt  }
0x5b: {  	_ =	shalt  }
0x5c: {  	_ =	shalt  }
0x5d: {  	_ =	shalt  }
0x5e: {  	_ =	shalt  }
0x5f: {  	_ =	shalt  }
0x60: {  	_ =	shalt  }
0x61: {  	_ =	shalt  }
0x62: {  	_ =	shalt  }
0x63: {  	_ =	shalt  }
0x64: {  	_ =	shalt  }
0x65: {  	_ =	shalt  }
0x66: {  	_ =	shalt  }
0x67: {  	_ =	shalt  }
0x68: {  	_ =	shalt  }
0x69: {  	_ =	shalt  }
0x6a: {  	_ =	shalt  }
0x6b: {  	_ =	shalt  }
0x6c: {  	_ =	shalt  }
0x6d: {  	_ =	shalt  }
0x6e: {  	_ =	shalt  }
0x6f: {  	_ =	shalt  }
0x70: {  	_ =	shalt  }
0x71: {  	_ =	shalt  }
0x72: {  	_ =	shalt  }
0x73: {  	_ =	shalt  }
0x74: {  	_ =	shalt  }
0x75: {  	_ =	shalt  }
0x76: {  	_ =	shalt  }
0x77: {  	_ =	shalt  }
0x78: {  	_ =	shalt  }
0x79: {  	_ =	shalt  }
0x7a: {  	_ =	shalt  }
0x7b: {  	_ =	shalt  }
0x7c: {  	_ =	shalt  }
0x7d: {  	_ =	shalt  }
0x7e: {  	_ =	shalt  }
0x7f: {  	_ =	shalt  }
0x80: {  	_ =	shalt  }
0x81: {  	_ =	shalt  }
0x82: {  	_ =	shalt  }
0x83: {  	_ =	shalt  }
0x84: {  	_ =	shalt  }
0x85: {  	_ =	shalt  }
0x86: {  	_ =	shalt  }
0x87: {  	_ =	shalt  }
.Lfunc_end0:
.L_simem_size_0:
called_computation.2_lowered:
.L_overlay_start_0:
0x88: {  	s2 =	sld [smem:$0x3FD9]  }
0x89: {  	s3 =	sld [smem:$0x3FFE];
	_ =	sdelay $0x1  }
0x8a: {  	s1 =	srdreg.scid  }
0x8b: {  	s0 =	sand.u32 $0x1, s1  }
0x8c: {  	s16 =	sshll.u32 s0, $0xA;
	s2 =	sadd.s32 s3, s2  }
0x8d: {  	s2 =	sadd.s32 s2, s16  }
0x8e: {  	[smem:$0x3FC5] =	sst s2  }
0x8f: {  	_ = 	snop  }
0x90: {  	(tm) =	ssettm $0x1  }
0x91: {  	s17 =	sld [smem:$0x3FFB];
	_ =	sdelay $0x3  }
0x92: {  	_ =	strace s17  }
0x93: {  	s2 =	sld [smem:$0x3FFC];
	_ =	sdelay $0x3  }
0x94: {  	_ =	strace s2  }
0x95: {  	s2 =	sld [smem:$0x3FFD];
	_ =	sdelay $0x3  }
0x96: {  	_ =	strace s2  }
0x97: {  	_ =	strace $0x8FFFFFFF  }
0x98: {  	s18 =	sld [smem:$0x3FDB];
	_ =	sdelay $0x1  }
0x99: {  	s19 =	simm.s32 $_scs_section_size  }
0x9a: {  	s4 =	simm.s32 $_size__tile_overlayer_lowered;
	s5 =	simm.s32 $_tile_overlayer_lowered  }
0x9b: {  	s22 =	simm.s32 $0x1BFF;
	s21 =	sshll.u32 s5, $0x1;
	s2 =	sadd.s32 s19, s18  }
0x9c: {  	s6 =	simm.s32 $0x0;
	s20 =	sshll.u32 s4, $0x1;
	s4 =	sadd.s32 s21, s2  }
0x9d: {  	[timem:s6], [sflag:s22] =	dma.local [hbm:s4], s20  }
0x9e: {  	_ =	swait.ge [sflag:s22], s20  }
0x9f: {  	s3 =	ssub.s32 $0x0, s20;
	[sflag:s22] =	ssyncset.done $0x0  }
0xa0: {  	[sflag:s22] =	ssyncadd.s32 s3;
	_ =	sdelay $0x1  }
0xa1: {  	s23 =	simm.s32 $0x1B8B  }
0xa2: {  	_ =	swait.ge [sflag:s23], $0x1  }
0xa3: {  	[sflag:s23] =	ssyncset.done $0x0  }
0xa4: {  	s25 =	simm.s32 $0x1B8E;
	s24 =	sld [smem:$0x3FFE];
	[sflag:s23] =	ssyncadd.s32 $0xFFFFFFFF  }
0xa5: {  	s26 =	simm.s32 $execute0_lowered;
	[smem:$0x3FD2] =	sst s25  }
0xa6: {  	s4 =	sshll.u32 s26, $0x1;
	_ =	strace $0x8000004C;
	[dreg:$0x1] =	wrdreg $0xFFFFFFFF  }
0xa7: {  	s28 =	simm.s32 $_size_execute0_lowered;
	s2 =	sadd.s32 s2, s4;
	[dreg:$0x0] =	wrdreg $0x0  }
0xa8: {  	s4 =	sshll.u32 s28, $0x1;
	[dreg:$0x2] =	wrdreg s2  }
0xa9: {  	[dreg:$0x3] =	wrdreg s4  }
0xaa: {  	[dreg:$0x4] =	wrdreg $0xC0  }
0xab: {  	_ =	task [dreg:s6], $0x5FFFF  }
0xac: {  	[dreg:$0x1] =	wrdreg $0xFFFFFFFF  }
0xad: {  	[dreg:$0x0] =	wrdreg $0x60  }
0xae: {  	[dreg:$0x2] =	wrdreg s24  }
0xaf: {  	[dreg:$0x3] =	wrdreg $0x9  }
0xb0: {  	_ =	task.clear_ibuf [dreg:s6], $0x4FFFF;
	_ =	strace $0x9000004C  }
0xb1: {  	s29 =	simm.s32 $0x9;
	_ =	strace $0x8000004E  }
0xb2: {  	_ =	swait.ge [sflag:s29], $0x1  }
0xb3: {  	[sflag:s29] =	ssyncadd.s32 $0xFFFFFFFF  }
0xb4: {  	_ =	strace $0x9000004E  }
0xb5: {  	_ =	sfence  }
0xb6: {  	s30 =	sld [smem:$0x0];
	_ =	sdelay $0x2  }
0xb7: {  	s31 =	sshll.u32 s1, $0xD;
	s1 =	sshrl.u32 s1, $0x2  }
0xb8: {  	s3 =	sand.u32 $0x4000, s31;
	s1 =	sadd.s32 s1, s30  }
0xb9: {  	s0 =	sor.u32 s3, s0;
	s1 =	sshll.u32 s1, $0x11  }
0xba: {  	s0 =	sor.u32 s1, s0  }
0xbb: {  	s0 =	sadd.s32 $0x8F2B, s0  }
0xbc: {  	[sflag:s0] =	ssyncadd.remote.s32 $0x1  }
0xbd: {  	_ =	sfence.sel $0xFFFF  }
0xbe: {  	[dreg:$0x0] =	wrdreg $0xFFFFFFFF;
	(pc) =	sbr.abs _section_cstart, $3  }
0xbf: {  	[dreg:$0x1] =	wrdreg $0xFFFFFFFF  }
0xc0: {  	_ =	task.clear_ibuf [dreg:s6], $0x2FFFF;
	_ =	strace $0x9FFFFFFF  }
0xc1: {  	(tm) =	ssettm $0x7FFFFFFF  }
tec
execute0_lowered:
.L_overlay_start_1:
0x0: {  	(tag) =	ssettag $0x1  }
0x1: {  	s0 =	srdreg.scid;
	s1 =	stileid.u32  }
0x2: {  	s0 =	sand.u32 $0x1, s0;
	s1 =	sshll.u32 s1, $0x1  }
0x3: {  	s1 =	sor.u32 s0, s1  }
0x4: {  	s4 =	smul.u32 $0x6400, s1  }
0x5: {  	s3 =	rddreg [dreg:$0x0];
	s2 =	simm.s32 $0x0  }
0x6: {  	[smem:$0x7FF] =	sst s2;
	s4 =	sshrl.u32 s4, $0x3  }
0x7: {  	s23 =	sadd.s32 $0xE00, s3;
	_ =	strace $0x8000004D;
	s6 =	sadd.s32 s4, s3  }
0x8: {  	s24 =	sadd.s32 $0x1000, s3;
	s1 =	smul.u32 $0x190, s1;
	s11 =	sadd.s32 $0x18AA00, s6  }
0x9: {  	s12 =	sadd.s32 $0x18AA10, s6;
	s25 =	sadd.s32 $0x18AA20, s6  }
0xa: {  	[dreg:$0x2] =	wrdreg s23;
	s13 =	sadd.s32 $0x18AA30, s6;
	s26 =	sadd.s32 $0x18AA40, s6  }
0xb: {  	[dreg:$0x3] =	wrdreg s24;
	s14 =	sadd.s32 $0x18AA50, s6;
	s5 =	sadd.s32 $0x18AA60, s6  }
0xc: {  	s15 =	sadd.s32 $0x18AA70, s6;
	s7 =	sadd.s32 $0x1A3A00, s6;
	[dreg:$0x6] =	wrdreg s25  }
0xd: {  	s16 =	sadd.s32 $0x1A3A10, s6;
	s8 =	sadd.s32 $0x1A3A20, s6;
	[dreg:$0x8] =	wrdreg s26  }
0xe: {  	s17 =	sadd.s32 $0x1A3A30, s6;
	s9 =	sadd.s32 $0x1A3A40, s6;
	[dreg:$0xa] =	wrdreg s5  }
0xf: {  	s18 =	sadd.s32 $0x1A3A50, s6;
	s19 =	sadd.s32 $0x1A3A60, s6;
	[dreg:$0xc] =	wrdreg s7  }
0x10: {  	s20 =	sadd.s32 $0x1A3A70, s6;
	s21 =	sadd.s32 $0x1BCA00, s6;
	[dreg:$0xe] =	wrdreg s8  }
0x11: {  	s22 =	sadd.s32 $0x1BCA10, s6;
	s23 =	sadd.s32 $0x1BCA20, s6;
	[dreg:$0x10] =	wrdreg s9  }
0x12: {  	s24 =	sadd.s32 $0x1BCA30, s6;
	s28 =	sadd.s32 $0x1BCA60, s6;
	[dreg:$0x4] =	wrdreg s11  }
0x13: {  	s29 =	sadd.s32 $0x1BCA70, s6;
	s30 =	sadd.s32 $0x1D5A00, s6;
	[dreg:$0x5] =	wrdreg s12  }
0x14: {  	s31 =	sadd.s32 $0x1D5A10, s6;
	s4 =	sadd.s32 $0x1D5A50, s6;
	[dreg:$0x7] =	wrdreg s13  }
0x15: {  	s25 =	sadd.s32 $0x1BCA40, s6;
	s26 =	sadd.s32 $0x1BCA50, s6;
	[dreg:$0x9] =	wrdreg s14  }
0x16: {  	s7 =	sadd.s32 s1, s3;
	s1 =	sadd.s32 $0x1D5A20, s6;
	[dreg:$0xb] =	wrdreg s15  }
0x17: {  	s8 =	ssub.s32 $0x2, s0;
	s0 =	sadd.s32 $0x1D5A30, s6;
	[dreg:$0xd] =	wrdreg s16  }
0x18: {  	s3 =	sadd.s32 $0x1D5A40, s6;
	s5 =	sadd.s32 $0x1D5A60, s6;
	[dreg:$0xf] =	wrdreg s17  }
0x19: {  	[dreg:$0x11] =	wrdreg s18;
	s9 =	sshrl.u32 s8, $0x1;
	s10 =	sadd.s32 $0x187800, s7  }
0x1a: {  	s7 =	sadd.s32 $0x1200, s7;
	s8 =	ssub.s32 s8, s9;
	[dreg:$0x12] =	wrdreg s10  }
0x1b: {  	s6 =	sadd.s32 $0x1D5A70, s6;
	[dreg:$0x13] =	wrdreg s7;
	s10 =	smax.u32 s8, $0x1  }
0x1c: {  	s9 =	simm.s32 $0x2;
	s8 =	simm.s32 $0x0;
	[dreg:$0x14] =	wrdreg s10  }
.LBB2_1:
0x1d: {  	[dreg:$0x15] =	wrdreg s8  }
0x1e: {  	s7 =	rddreg [dreg:$0x2];
	s14 =	simm.s32 $0x1A900  }
0x1f: {  	[tilespmem:s14], [sflag:$0x2] =	stream.linear.gather [hbm4b:s7+s2], $0x80, $0x38;
	[tilespmem:$0x1AA00] =	vst v63  }
0x20: {  	_ =	swait.ge [sflag:s9], $0x80  }
0x21: {  	[sflag:s9] =	ssyncset.done $0x0  }
0x22: {  	s16 =	simm.s32 $0x1A980;
	s15 =	rddreg [dreg:$0x3];
	[sflag:s9] =	ssyncadd.s32 $0xFFFFFF80  }
0x23: {  	[tilespmem:s16], [sflag:$0x2] =	stream.linear.gather [hbm4b:s15+s2], $0x80, $0x38;
	[tilespmem:$0x1AA00] =	vst v63  }
0x24: {  	s18 =	simm.s32 $0x19000;
	s10 =	sadd.s32 $0x0, s11;
	_ =	swait.ge [sflag:s9], $0x80  }
0x25: {  	s8 =	simm.s32 $0x400;
	s7 =	simm.s32 $0x80;
	[sflag:s9] =	ssyncset.done $0x0  }
0x26: {  	s17 =	rddreg [dreg:$0x12];
	[sflag:s9] =	ssyncadd.s32 $0xFFFFFF80;
	s9 =	simm.s32 $0x0  }
0x27: {  	[tilespmem:s18], [sflag:$0x1] =	stream.linear.gather [hbm4b:s17+s2], $0xC80, $0x38;
	[tilespmem:$0x1AA00] =	vst v63  }
.LBB2_2:
0x28: {  	[tilespmem:s9], [sflag:$0x1] =	stream.linear.gather [hbm4b:s10+s2], $0x80, $0x38;
	[tilespmem:$0x1AA00] =	vst v63  }
0x29: {  	s10 =	smov.u32 s7;
	s9 =	smov.u32 s8;
	p0 =	sne.s32 s7, $0xC00  }
.Ltmp0:
0x2a: {  	s7 =	sadd.s32 $0x80, s7;
	(pc) =	sbr.rel @p0 .LBB2_2-.Ltmp0, $2  }
0x2b: {  	_ =	sdelay $0x2  }
0x2c: {  	s8 =	sadd.s32 $0x400, s8;
	s10 =	sadd.s32 s10, s11  }
0x2d: {  	[tilespmem:s9], [sflag:$0x1] =	stream.linear.gather [hbm4b:s10+s2], $0x80, $0x38;
	[tilespmem:$0x1AA00] =	vst v63  }
0x2e: {  	s7 =	simm.s32 $0x80  }
0x2f: {  	s8 =	simm.s32 $0x80;
	s10 =	sadd.s32 $0x0, s12;
	s9 =	simm.s32 $0x480  }
.LBB2_4:
0x30: {  	[tilespmem:s7], [sflag:$0x1] =	stream.linear.gather [hbm4b:s10+s2], $0x80, $0x38;
	[tilespmem:$0x1AA00] =	vst v63  }
0x31: {  	s10 =	smov.u32 s8;
	s7 =	smov.u32 s9;
	p0 =	sne.s32 s8, $0xC00  }
.Ltmp1:
0x32: {  	s8 =	sadd.s32 $0x80, s8;
	(pc) =	sbr.rel @p0 .LBB2_4-.Ltmp1, $2  }
0x33: {  	_ =	sdelay $0x2  }
0x34: {  	s9 =	sadd.s32 $0x400, s9;
	s10 =	sadd.s32 s10, s12  }
0x35: {  	[tilespmem:s7], [sflag:$0x1] =	stream.linear.gather [hbm4b:s10+s2], $0x80, $0x38;
	[tilespmem:$0x1AA00] =	vst v63  }
0x36: {  	s7 =	simm.s32 $0x100;
	s13 =	rddreg [dreg:$0x6]  }
0x37: {  	s8 =	simm.s32 $0x80;
	s9 =	simm.s32 $0x500;
	s10 =	sadd.s32 $0x0, s13  }
.LBB2_6:
0x38: {  	[tilespmem:s7], [sflag:$0x1] =	stream.linear.gather [hbm4b:s10+s2], $0x80, $0x38;
	[tilespmem:$0x1AA00] =	vst v63  }
0x39: {  	s10 =	smov.u32 s8;
	s7 =	smov.u32 s9;
	p0 =	sne.s32 s8, $0xC00  }
.Ltmp2:
0x3a: {  	s8 =	sadd.s32 $0x80, s8;
	(pc) =	sbr.rel @p0 .LBB2_6-.Ltmp2, $2  }
0x3b: {  	_ =	sdelay $0x2  }
0x3c: {  	s9 =	sadd.s32 $0x400, s9;
	s10 =	sadd.s32 s10, s13  }
0x3d: {  	[tilespmem:s7], [sflag:$0x1] =	stream.linear.gather [hbm4b:s10+s2], $0x80, $0x38;
	[tilespmem:$0x1AA00] =	vst v63  }
0x3e: {  	s7 =	simm.s32 $0x180;
	s13 =	rddreg [dreg:$0x7]  }
0x3f: {  	s8 =	simm.s32 $0x80;
	s9 =	simm.s32 $0x580;
	s10 =	sadd.s32 $0x0, s13  }
.LBB2_8:
0x40: {  	[tilespmem:s7], [sflag:$0x1] =	stream.linear.gather [hbm4b:s10+s2], $0x80, $0x38;
	[tilespmem:$0x1AA00] =	vst v63  }
0x41: {  	s10 =	smov.u32 s8;
	s7 =	smov.u32 s9;
	p0 =	sne.s32 s8, $0xC00  }
.Ltmp3:
0x42: {  	s8 =	sadd.s32 $0x80, s8;
	(pc) =	sbr.rel @p0 .LBB2_8-.Ltmp3, $2  }
0x43: {  	_ =	sdelay $0x2  }
0x44: {  	s9 =	sadd.s32 $0x400, s9;
	s10 =	sadd.s32 s10, s13  }
0x45: {  	[tilespmem:s7], [sflag:$0x1] =	stream.linear.gather [hbm4b:s10+s2], $0x80, $0x38;
	[tilespmem:$0x1AA00] =	vst v63  }
0x46: {  	s7 =	simm.s32 $0x200;
	s14 =	rddreg [dreg:$0x8]  }
0x47: {  	s8 =	simm.s32 $0x80;
	s9 =	simm.s32 $0x600;
	s10 =	sadd.s32 $0x0, s14  }
.LBB2_10:
0x48: {  	[tilespmem:s7], [sflag:$0x1] =	stream.linear.gather [hbm4b:s10+s2], $0x80, $0x38;
	[tilespmem:$0x1AA00] =	vst v63  }
0x49: {  	s10 =	smov.u32 s8;
	s7 =	smov.u32 s9;
	p0 =	sne.s32 s8, $0xC00  }
.Ltmp4:
0x4a: {  	s8 =	sadd.s32 $0x80, s8;
	(pc) =	sbr.rel @p0 .LBB2_10-.Ltmp4, $2  }
0x4b: {  	_ =	sdelay $0x2  }
0x4c: {  	s9 =	sadd.s32 $0x400, s9;
	s10 =	sadd.s32 s10, s14  }
0x4d: {  	[tilespmem:s7], [sflag:$0x1] =	stream.linear.gather [hbm4b:s10+s2], $0x80, $0x38;
	[tilespmem:$0x1AA00] =	vst v63  }
0x4e: {  	s7 =	simm.s32 $0x280;
	s14 =	rddreg [dreg:$0x9]  }
0x4f: {  	s8 =	simm.s32 $0x80;
	s9 =	simm.s32 $0x680;
	s10 =	sadd.s32 $0x0, s14  }
.LBB2_12:
0x50: {  	[tilespmem:s7], [sflag:$0x1] =	stream.linear.gather [hbm4b:s10+s2], $0x80, $0x38;
	[tilespmem:$0x1AA00] =	vst v63  }
0x51: {  	s10 =	smov.u32 s8;
	s7 =	smov.u32 s9;
	p0 =	sne.s32 s8, $0xC00  }
.Ltmp5:
0x52: {  	s8 =	sadd.s32 $0x80, s8;
	(pc) =	sbr.rel @p0 .LBB2_12-.Ltmp5, $2  }
0x53: {  	_ =	sdelay $0x2  }
0x54: {  	s9 =	sadd.s32 $0x400, s9;
	s10 =	sadd.s32 s10, s14  }
0x55: {  	[tilespmem:s7], [sflag:$0x1] =	stream.linear.gather [hbm4b:s10+s2], $0x80, $0x38;
	[tilespmem:$0x1AA00] =	vst v63  }
0x56: {  	s7 =	simm.s32 $0x300;
	s15 =	rddreg [dreg:$0xa]  }
0x57: {  	s8 =	simm.s32 $0x80;
	s9 =	simm.s32 $0x700;
	s10 =	sadd.s32 $0x0, s15  }
.LBB2_14:
0x58: {  	[tilespmem:s7], [sflag:$0x1] =	stream.linear.gather [hbm4b:s10+s2], $0x80, $0x38;
	[tilespmem:$0x1AA00] =	vst v63  }
0x59: {  	s10 =	smov.u32 s8;
	s7 =	smov.u32 s9;
	p0 =	sne.s32 s8, $0xC00  }
.Ltmp6:
0x5a: {  	s8 =	sadd.s32 $0x80, s8;
	(pc) =	sbr.rel @p0 .LBB2_14-.Ltmp6, $2  }
0x5b: {  	_ =	sdelay $0x2  }
0x5c: {  	s9 =	sadd.s32 $0x400, s9;
	s10 =	sadd.s32 s10, s15  }
0x5d: {  	[tilespmem:s7], [sflag:$0x1] =	stream.linear.gather [hbm4b:s10+s2], $0x80, $0x38;
	[tilespmem:$0x1AA00] =	vst v63  }
0x5e: {  	s7 =	simm.s32 $0x380;
	s15 =	rddreg [dreg:$0xb]  }
0x5f: {  	s8 =	simm.s32 $0x80;
	s9 =	simm.s32 $0x780;
	s10 =	sadd.s32 $0x0, s15  }
.LBB2_16:
0x60: {  	[tilespmem:s7], [sflag:$0x1] =	stream.linear.gather [hbm4b:s10+s2], $0x80, $0x38;
	[tilespmem:$0x1AA00] =	vst v63  }
0x61: {  	s10 =	smov.u32 s8;
	s7 =	smov.u32 s9;
	p0 =	sne.s32 s8, $0xC00  }
.Ltmp7:
0x62: {  	s8 =	sadd.s32 $0x80, s8;
	(pc) =	sbr.rel @p0 .LBB2_16-.Ltmp7, $2  }
0x63: {  	_ =	sdelay $0x2  }
0x64: {  	s9 =	sadd.s32 $0x400, s9;
	s10 =	sadd.s32 s10, s15  }
0x65: {  	[tilespmem:s7], [sflag:$0x1] =	stream.linear.gather [hbm4b:s10+s2], $0x80, $0x38;
	[tilespmem:$0x1AA00] =	vst v63  }
0x66: {  	s7 =	simm.s32 $0x6400;
	s16 =	rddreg [dreg:$0xc]  }
0x67: {  	s8 =	simm.s32 $0x80;
	s9 =	simm.s32 $0x6800;
	s10 =	sadd.s32 $0x0, s16  }
.LBB2_18:
0x68: {  	[tilespmem:s7], [sflag:$0x1] =	stream.linear.gather [hbm4b:s10+s2], $0x80, $0x38;
	[tilespmem:$0x1AA00] =	vst v63  }
0x69: {  	s10 =	smov.u32 s8;
	s7 =	smov.u32 s9;
	p0 =	sne.s32 s8, $0xC00  }
.Ltmp8:
0x6a: {  	s8 =	sadd.s32 $0x80, s8;
	(pc) =	sbr.rel @p0 .LBB2_18-.Ltmp8, $2  }
0x6b: {  	_ =	sdelay $0x2  }
0x6c: {  	s9 =	sadd.s32 $0x400, s9;
	s10 =	sadd.s32 s10, s16  }
0x6d: {  	[tilespmem:s7], [sflag:$0x1] =	stream.linear.gather [hbm4b:s10+s2], $0x80, $0x38;
	[tilespmem:$0x1AA00] =	vst v63  }
0x6e: {  	s7 =	simm.s32 $0x6480;
	s16 =	rddreg [dreg:$0xd]  }
0x6f: {  	s8 =	simm.s32 $0x80;
	s9 =	simm.s32 $0x6880;
	s10 =	sadd.s32 $0x0, s16  }
.LBB2_20:
0x70: {  	[tilespmem:s7], [sflag:$0x1] =	stream.linear.gather [hbm4b:s10+s2], $0x80, $0x38;
	[tilespmem:$0x1AA00] =	vst v63  }
0x71: {  	s10 =	smov.u32 s8;
	s7 =	smov.u32 s9;
	p0 =	sne.s32 s8, $0xC00  }
.Ltmp9:
0x72: {  	s8 =	sadd.s32 $0x80, s8;
	(pc) =	sbr.rel @p0 .LBB2_20-.Ltmp9, $2  }
0x73: {  	_ =	sdelay $0x2  }
0x74: {  	s9 =	sadd.s32 $0x400, s9;
	s10 =	sadd.s32 s10, s16  }
0x75: {  	[tilespmem:s7], [sflag:$0x1] =	stream.linear.gather [hbm4b:s10+s2], $0x80, $0x38;
	[tilespmem:$0x1AA00] =	vst v63  }
0x76: {  	s7 =	simm.s32 $0x6500;
	s17 =	rddreg [dreg:$0xe]  }
0x77: {  	s8 =	simm.s32 $0x80;
	s9 =	simm.s32 $0x6900;
	s10 =	sadd.s32 $0x0, s17  }
.LBB2_22:
0x78: {  	[tilespmem:s7], [sflag:$0x1] =	stream.linear.gather [hbm4b:s10+s2], $0x80, $0x38;
	[tilespmem:$0x1AA00] =	vst v63  }
0x79: {  	s10 =	smov.u32 s8;
	s7 =	smov.u32 s9;
	p0 =	sne.s32 s8, $0xC00  }
.Ltmp10:
0x7a: {  	s8 =	sadd.s32 $0x80, s8;
	(pc) =	sbr.rel @p0 .LBB2_22-.Ltmp10, $2  }
0x7b: {  	_ =	sdelay $0x2  }
0x7c: {  	s9 =	sadd.s32 $0x400, s9;
	s10 =	sadd.s32 s10, s17  }
0x7d: {  	[tilespmem:s7], [sflag:$0x1] =	stream.linear.gather [hbm4b:s10+s2], $0x80, $0x38;
	[tilespmem:$0x1AA00] =	vst v63  }
0x7e: {  	s7 =	simm.s32 $0x6580;
	s17 =	rddreg [dreg:$0xf]  }
0x7f: {  	s8 =	simm.s32 $0x80;
	s9 =	simm.s32 $0x6980;
	s10 =	sadd.s32 $0x0, s17  }
.LBB2_24:
0x80: {  	[tilespmem:s7], [sflag:$0x1] =	stream.linear.gather [hbm4b:s10+s2], $0x80, $0x38;
	[tilespmem:$0x1AA00] =	vst v63  }
0x81: {  	s10 =	smov.u32 s8;
	s7 =	smov.u32 s9;
	p0 =	sne.s32 s8, $0xC00  }
.Ltmp11:
0x82: {  	s8 =	sadd.s32 $0x80, s8;
	(pc) =	sbr.rel @p0 .LBB2_24-.Ltmp11, $2  }
0x83: {  	_ =	sdelay $0x2  }
0x84: {  	s9 =	sadd.s32 $0x400, s9;
	s10 =	sadd.s32 s10, s17  }
0x85: {  	[tilespmem:s7], [sflag:$0x1] =	stream.linear.gather [hbm4b:s10+s2], $0x80, $0x38;
	[tilespmem:$0x1AA00] =	vst v63  }
0x86: {  	s7 =	simm.s32 $0x6600;
	s18 =	rddreg [dreg:$0x10]  }
0x87: {  	s8 =	simm.s32 $0x80;
	s9 =	simm.s32 $0x6A00;
	s10 =	sadd.s32 $0x0, s18  }
.LBB2_26:
0x88: {  	[tilespmem:s7], [sflag:$0x1] =	stream.linear.gather [hbm4b:s10+s2], $0x80, $0x38;
	[tilespmem:$0x1AA00] =	vst v63  }
0x89: {  	s10 =	smov.u32 s8;
	s7 =	smov.u32 s9;
	p0 =	sne.s32 s8, $0xC00  }
.Ltmp12:
0x8a: {  	s8 =	sadd.s32 $0x80, s8;
	(pc) =	sbr.rel @p0 .LBB2_26-.Ltmp12, $2  }
0x8b: {  	_ =	sdelay $0x2  }
0x8c: {  	s9 =	sadd.s32 $0x400, s9;
	s10 =	sadd.s32 s10, s18  }
0x8d: {  	[tilespmem:s7], [sflag:$0x1] =	stream.linear.gather [hbm4b:s10+s2], $0x80, $0x38;
	[tilespmem:$0x1AA00] =	vst v63  }
0x8e: {  	s7 =	simm.s32 $0x6680;
	s18 =	rddreg [dreg:$0x11]  }
0x8f: {  	s8 =	simm.s32 $0x80;
	s9 =	simm.s32 $0x6A80;
	s10 =	sadd.s32 $0x0, s18  }
.LBB2_28:
0x90: {  	[tilespmem:s7], [sflag:$0x1] =	stream.linear.gather [hbm4b:s10+s2], $0x80, $0x38;
	[tilespmem:$0x1AA00] =	vst v63  }
0x91: {  	s10 =	smov.u32 s8;
	s7 =	smov.u32 s9;
	p0 =	sne.s32 s8, $0xC00  }
.Ltmp13:
0x92: {  	s8 =	sadd.s32 $0x80, s8;
	(pc) =	sbr.rel @p0 .LBB2_28-.Ltmp13, $2  }
0x93: {  	_ =	sdelay $0x2  }
0x94: {  	s9 =	sadd.s32 $0x400, s9;
	s10 =	sadd.s32 s10, s18  }
0x95: {  	[tilespmem:s7], [sflag:$0x1] =	stream.linear.gather [hbm4b:s10+s2], $0x80, $0x38;
	[tilespmem:$0x1AA00] =	vst v63  }
0x96: {  	s7 =	simm.s32 $0x6700  }
0x97: {  	s8 =	simm.s32 $0x80;
	s10 =	sadd.s32 $0x0, s19;
	s9 =	simm.s32 $0x6B00  }
.LBB2_30:
0x98: {  	[tilespmem:s7], [sflag:$0x1] =	stream.linear.gather [hbm4b:s10+s2], $0x80, $0x38;
	[tilespmem:$0x1AA00] =	vst v63  }
0x99: {  	s10 =	smov.u32 s8;
	s7 =	smov.u32 s9;
	p0 =	sne.s32 s8, $0xC00  }
.Ltmp14:
0x9a: {  	s8 =	sadd.s32 $0x80, s8;
	(pc) =	sbr.rel @p0 .LBB2_30-.Ltmp14, $2  }
0x9b: {  	_ =	sdelay $0x2  }
0x9c: {  	s9 =	sadd.s32 $0x400, s9;
	s10 =	sadd.s32 s10, s19  }
0x9d: {  	[tilespmem:s7], [sflag:$0x1] =	stream.linear.gather [hbm4b:s10+s2], $0x80, $0x38;
	[tilespmem:$0x1AA00] =	vst v63  }
0x9e: {  	s7 =	simm.s32 $0x6780  }
0x9f: {  	s8 =	simm.s32 $0x80;
	s10 =	sadd.s32 $0x0, s20;
	s9 =	simm.s32 $0x6B80  }
.LBB2_32:
0xa0: {  	[tilespmem:s7], [sflag:$0x1] =	stream.linear.gather [hbm4b:s10+s2], $0x80, $0x38;
	[tilespmem:$0x1AA00] =	vst v63  }
0xa1: {  	s10 =	smov.u32 s8;
	s7 =	smov.u32 s9;
	p0 =	sne.s32 s8, $0xC00  }
.Ltmp15:
0xa2: {  	s8 =	sadd.s32 $0x80, s8;
	(pc) =	sbr.rel @p0 .LBB2_32-.Ltmp15, $2  }
0xa3: {  	_ =	sdelay $0x2  }
0xa4: {  	s9 =	sadd.s32 $0x400, s9;
	s10 =	sadd.s32 s10, s20  }
0xa5: {  	[tilespmem:s7], [sflag:$0x1] =	stream.linear.gather [hbm4b:s10+s2], $0x80, $0x38;
	[tilespmem:$0x1AA00] =	vst v63  }
0xa6: {  	s7 =	simm.s32 $0xC800  }
0xa7: {  	s8 =	simm.s32 $0x80;
	s10 =	sadd.s32 $0x0, s21;
	s9 =	simm.s32 $0xCC00  }
.LBB2_34:
0xa8: {  	[tilespmem:s7], [sflag:$0x1] =	stream.linear.gather [hbm4b:s10+s2], $0x80, $0x38;
	[tilespmem:$0x1AA00] =	vst v63  }
0xa9: {  	s10 =	smov.u32 s8;
	s7 =	smov.u32 s9;
	p0 =	sne.s32 s8, $0xC00  }
.Ltmp16:
0xaa: {  	s8 =	sadd.s32 $0x80, s8;
	(pc) =	sbr.rel @p0 .LBB2_34-.Ltmp16, $2  }
0xab: {  	_ =	sdelay $0x2  }
0xac: {  	s9 =	sadd.s32 $0x400, s9;
	s10 =	sadd.s32 s10, s21  }
0xad: {  	[tilespmem:s7], [sflag:$0x1] =	stream.linear.gather [hbm4b:s10+s2], $0x80, $0x38;
	[tilespmem:$0x1AA00] =	vst v63  }
0xae: {  	s7 =	simm.s32 $0xC880  }
0xaf: {  	s8 =	simm.s32 $0x80;
	s10 =	sadd.s32 $0x0, s22;
	s9 =	simm.s32 $0xCC80  }
.LBB2_36:
0xb0: {  	[tilespmem:s7], [sflag:$0x1] =	stream.linear.gather [hbm4b:s10+s2], $0x80, $0x38;
	[tilespmem:$0x1AA00] =	vst v63  }
0xb1: {  	s10 =	smov.u32 s8;
	s7 =	smov.u32 s9;
	p0 =	sne.s32 s8, $0xC00  }
.Ltmp17:
0xb2: {  	s8 =	sadd.s32 $0x80, s8;
	(pc) =	sbr.rel @p0 .LBB2_36-.Ltmp17, $2  }
0xb3: {  	_ =	sdelay $0x2  }
0xb4: {  	s9 =	sadd.s32 $0x400, s9;
	s10 =	sadd.s32 s10, s22  }
0xb5: {  	[tilespmem:s7], [sflag:$0x1] =	stream.linear.gather [hbm4b:s10+s2], $0x80, $0x38;
	[tilespmem:$0x1AA00] =	vst v63  }
0xb6: {  	s7 =	simm.s32 $0xC900  }
0xb7: {  	s8 =	simm.s32 $0x80;
	s10 =	sadd.s32 $0x0, s23;
	s9 =	simm.s32 $0xCD00  }
.LBB2_38:
0xb8: {  	[tilespmem:s7], [sflag:$0x1] =	stream.linear.gather [hbm4b:s10+s2], $0x80, $0x38;
	[tilespmem:$0x1AA00] =	vst v63  }
0xb9: {  	s10 =	smov.u32 s8;
	s7 =	smov.u32 s9;
	p0 =	sne.s32 s8, $0xC00  }
.Ltmp18:
0xba: {  	s8 =	sadd.s32 $0x80, s8;
	(pc) =	sbr.rel @p0 .LBB2_38-.Ltmp18, $2  }
0xbb: {  	_ =	sdelay $0x2  }
0xbc: {  	s9 =	sadd.s32 $0x400, s9;
	s10 =	sadd.s32 s10, s23  }
0xbd: {  	[tilespmem:s7], [sflag:$0x1] =	stream.linear.gather [hbm4b:s10+s2], $0x80, $0x38;
	[tilespmem:$0x1AA00] =	vst v63  }
0xbe: {  	s7 =	simm.s32 $0xC980  }
0xbf: {  	s8 =	simm.s32 $0x80;
	s10 =	sadd.s32 $0x0, s24;
	s9 =	simm.s32 $0xCD80  }
.LBB2_40:
0xc0: {  	[tilespmem:s7], [sflag:$0x1] =	stream.linear.gather [hbm4b:s10+s2], $0x80, $0x38;
	[tilespmem:$0x1AA00] =	vst v63  }
0xc1: {  	s10 =	smov.u32 s8;
	s7 =	smov.u32 s9;
	p0 =	sne.s32 s8, $0xC00  }
.Ltmp19:
0xc2: {  	s8 =	sadd.s32 $0x80, s8;
	(pc) =	sbr.rel @p0 .LBB2_40-.Ltmp19, $2  }
0xc3: {  	_ =	sdelay $0x2  }
0xc4: {  	s9 =	sadd.s32 $0x400, s9;
	s10 =	sadd.s32 s10, s24  }
0xc5: {  	[tilespmem:s7], [sflag:$0x1] =	stream.linear.gather [hbm4b:s10+s2], $0x80, $0x38;
	[tilespmem:$0x1AA00] =	vst v63  }
0xc6: {  	s7 =	simm.s32 $0xCA00  }
0xc7: {  	s8 =	simm.s32 $0x80;
	s10 =	sadd.s32 $0x0, s25;
	s9 =	simm.s32 $0xCE00  }
.LBB2_42:
0xc8: {  	[tilespmem:s7], [sflag:$0x1] =	stream.linear.gather [hbm4b:s10+s2], $0x80, $0x38;
	[tilespmem:$0x1AA00] =	vst v63  }
0xc9: {  	s10 =	smov.u32 s8;
	s7 =	smov.u32 s9;
	p0 =	sne.s32 s8, $0xC00  }
.Ltmp20:
0xca: {  	s8 =	sadd.s32 $0x80, s8;
	(pc) =	sbr.rel @p0 .LBB2_42-.Ltmp20, $2  }
0xcb: {  	_ =	sdelay $0x2  }
0xcc: {  	s9 =	sadd.s32 $0x400, s9;
	s10 =	sadd.s32 s10, s25  }
0xcd: {  	[tilespmem:s7], [sflag:$0x1] =	stream.linear.gather [hbm4b:s10+s2], $0x80, $0x38;
	[tilespmem:$0x1AA00] =	vst v63  }
0xce: {  	s7 =	simm.s32 $0xCA80  }
0xcf: {  	s8 =	simm.s32 $0x80;
	s10 =	sadd.s32 $0x0, s26;
	s9 =	simm.s32 $0xCE80  }
.LBB2_44:
0xd0: {  	[tilespmem:s7], [sflag:$0x1] =	stream.linear.gather [hbm4b:s10+s2], $0x80, $0x38;
	[tilespmem:$0x1AA00] =	vst v63  }
0xd1: {  	s10 =	smov.u32 s8;
	s7 =	smov.u32 s9;
	p0 =	sne.s32 s8, $0xC00  }
.Ltmp21:
0xd2: {  	s8 =	sadd.s32 $0x80, s8;
	(pc) =	sbr.rel @p0 .LBB2_44-.Ltmp21, $2  }
0xd3: {  	_ =	sdelay $0x2  }
0xd4: {  	s9 =	sadd.s32 $0x400, s9;
	s10 =	sadd.s32 s10, s26  }
0xd5: {  	[tilespmem:s7], [sflag:$0x1] =	stream.linear.gather [hbm4b:s10+s2], $0x80, $0x38;
	[tilespmem:$0x1AA00] =	vst v63  }
0xd6: {  	s7 =	simm.s32 $0xCB00  }
0xd7: {  	s8 =	simm.s32 $0x80;
	s10 =	sadd.s32 $0x0, s28;
	s9 =	simm.s32 $0xCF00  }
.LBB2_46:
0xd8: {  	[tilespmem:s7], [sflag:$0x1] =	stream.linear.gather [hbm4b:s10+s2], $0x80, $0x38;
	[tilespmem:$0x1AA00] =	vst v63  }
0xd9: {  	s10 =	smov.u32 s8;
	s7 =	smov.u32 s9;
	p0 =	sne.s32 s8, $0xC00  }
.Ltmp22:
0xda: {  	s8 =	sadd.s32 $0x80, s8;
	(pc) =	sbr.rel @p0 .LBB2_46-.Ltmp22, $2  }
0xdb: {  	_ =	sdelay $0x2  }
0xdc: {  	s9 =	sadd.s32 $0x400, s9;
	s10 =	sadd.s32 s10, s28  }
0xdd: {  	[tilespmem:s7], [sflag:$0x1] =	stream.linear.gather [hbm4b:s10+s2], $0x80, $0x38;
	[tilespmem:$0x1AA00] =	vst v63  }
0xde: {  	s7 =	simm.s32 $0xCB80  }
0xdf: {  	s8 =	simm.s32 $0x80;
	s10 =	sadd.s32 $0x0, s29;
	s9 =	simm.s32 $0xCF80  }
.LBB2_48:
0xe0: {  	[tilespmem:s7], [sflag:$0x1] =	stream.linear.gather [hbm4b:s10+s2], $0x80, $0x38;
	[tilespmem:$0x1AA00] =	vst v63  }
0xe1: {  	s10 =	smov.u32 s8;
	s7 =	smov.u32 s9;
	p0 =	sne.s32 s8, $0xC00  }
.Ltmp23:
0xe2: {  	s8 =	sadd.s32 $0x80, s8;
	(pc) =	sbr.rel @p0 .LBB2_48-.Ltmp23, $2  }
0xe3: {  	_ =	sdelay $0x2  }
0xe4: {  	s9 =	sadd.s32 $0x400, s9;
	s10 =	sadd.s32 s10, s29  }
0xe5: {  	[tilespmem:s7], [sflag:$0x1] =	stream.linear.gather [hbm4b:s10+s2], $0x80, $0x38;
	[tilespmem:$0x1AA00] =	vst v63  }
0xe6: {  	s7 =	simm.s32 $0x12C00  }
0xe7: {  	s8 =	simm.s32 $0x80;
	s10 =	sadd.s32 $0x0, s30;
	s9 =	simm.s32 $0x13000  }
.LBB2_50:
0xe8: {  	[tilespmem:s7], [sflag:$0x1] =	stream.linear.gather [hbm4b:s10+s2], $0x80, $0x38;
	[tilespmem:$0x1AA00] =	vst v63  }
0xe9: {  	s10 =	smov.u32 s8;
	s7 =	smov.u32 s9;
	p0 =	sne.s32 s8, $0xC00  }
.Ltmp24:
0xea: {  	s8 =	sadd.s32 $0x80, s8;
	(pc) =	sbr.rel @p0 .LBB2_50-.Ltmp24, $2  }
0xeb: {  	_ =	sdelay $0x2  }
0xec: {  	s9 =	sadd.s32 $0x400, s9;
	s10 =	sadd.s32 s10, s30  }
0xed: {  	[tilespmem:s7], [sflag:$0x1] =	stream.linear.gather [hbm4b:s10+s2], $0x80, $0x38;
	[tilespmem:$0x1AA00] =	vst v63  }
0xee: {  	s7 =	simm.s32 $0x12C80  }
0xef: {  	s8 =	simm.s32 $0x80;
	s10 =	sadd.s32 $0x0, s31;
	s9 =	simm.s32 $0x13080  }
.LBB2_52:
0xf0: {  	[tilespmem:s7], [sflag:$0x1] =	stream.linear.gather [hbm4b:s10+s2], $0x80, $0x38;
	[tilespmem:$0x1AA00] =	vst v63  }
0xf1: {  	s10 =	smov.u32 s8;
	s7 =	smov.u32 s9;
	p0 =	sne.s32 s8, $0xC00  }
.Ltmp25:
0xf2: {  	s8 =	sadd.s32 $0x80, s8;
	(pc) =	sbr.rel @p0 .LBB2_52-.Ltmp25, $2  }
0xf3: {  	_ =	sdelay $0x2  }
0xf4: {  	s9 =	sadd.s32 $0x400, s9;
	s10 =	sadd.s32 s10, s31  }
0xf5: {  	[tilespmem:s7], [sflag:$0x1] =	stream.linear.gather [hbm4b:s10+s2], $0x80, $0x38;
	[tilespmem:$0x1AA00] =	vst v63  }
0xf6: {  	s7 =	simm.s32 $0x12D00  }
0xf7: {  	s8 =	simm.s32 $0x80;
	s10 =	sadd.s32 $0x0, s1;
	s9 =	simm.s32 $0x13100  }
.LBB2_54:
0xf8: {  	[tilespmem:s7], [sflag:$0x1] =	stream.linear.gather [hbm4b:s10+s2], $0x80, $0x38;
	[tilespmem:$0x1AA00] =	vst v63  }
0xf9: {  	s10 =	smov.u32 s8;
	s7 =	smov.u32 s9;
	p0 =	sne.s32 s8, $0xC00  }
.Ltmp26:
0xfa: {  	s8 =	sadd.s32 $0x80, s8;
	(pc) =	sbr.rel @p0 .LBB2_54-.Ltmp26, $2  }
0xfb: {  	_ =	sdelay $0x2  }
0xfc: {  	s9 =	sadd.s32 $0x400, s9;
	s10 =	sadd.s32 s10, s1  }
0xfd: {  	[tilespmem:s7], [sflag:$0x1] =	stream.linear.gather [hbm4b:s10+s2], $0x80, $0x38;
	[tilespmem:$0x1AA00] =	vst v63  }
0xfe: {  	s7 =	simm.s32 $0x12D80  }
0xff: {  	s8 =	simm.s32 $0x80;
	s10 =	sadd.s32 $0x0, s0;
	s9 =	simm.s32 $0x13180  }
.LBB2_56:
0x100: {  	[tilespmem:s7], [sflag:$0x1] =	stream.linear.gather [hbm4b:s10+s2], $0x80, $0x38;
	[tilespmem:$0x1AA00] =	vst v63  }
0x101: {  	s10 =	smov.u32 s8;
	s7 =	smov.u32 s9;
	p0 =	sne.s32 s8, $0xC00  }
.Ltmp27:
0x102: {  	s8 =	sadd.s32 $0x80, s8;
	(pc) =	sbr.rel @p0 .LBB2_56-.Ltmp27, $2  }
0x103: {  	_ =	sdelay $0x2  }
0x104: {  	s9 =	sadd.s32 $0x400, s9;
	s10 =	sadd.s32 s10, s0  }
0x105: {  	[tilespmem:s7], [sflag:$0x1] =	stream.linear.gather [hbm4b:s10+s2], $0x80, $0x38;
	[tilespmem:$0x1AA00] =	vst v63  }
0x106: {  	s7 =	simm.s32 $0x12E00  }
0x107: {  	s8 =	simm.s32 $0x80;
	s10 =	sadd.s32 $0x0, s3;
	s9 =	simm.s32 $0x13200  }
.LBB2_58:
0x108: {  	[tilespmem:s7], [sflag:$0x1] =	stream.linear.gather [hbm4b:s10+s2], $0x80, $0x38;
	[tilespmem:$0x1AA00] =	vst v63  }
0x109: {  	s10 =	smov.u32 s8;
	s7 =	smov.u32 s9;
	p0 =	sne.s32 s8, $0xC00  }
.Ltmp28:
0x10a: {  	s8 =	sadd.s32 $0x80, s8;
	(pc) =	sbr.rel @p0 .LBB2_58-.Ltmp28, $2  }
0x10b: {  	_ =	sdelay $0x2  }
0x10c: {  	s9 =	sadd.s32 $0x400, s9;
	s10 =	sadd.s32 s10, s3  }
0x10d: {  	[tilespmem:s7], [sflag:$0x1] =	stream.linear.gather [hbm4b:s10+s2], $0x80, $0x38;
	[tilespmem:$0x1AA00] =	vst v63  }
0x10e: {  	s7 =	simm.s32 $0x12E80  }
0x10f: {  	s8 =	simm.s32 $0x80;
	s10 =	sadd.s32 $0x0, s4;
	s9 =	simm.s32 $0x13280  }
.LBB2_60:
0x110: {  	[tilespmem:s7], [sflag:$0x1] =	stream.linear.gather [hbm4b:s10+s2], $0x80, $0x38;
	[tilespmem:$0x1AA00] =	vst v63  }
0x111: {  	s10 =	smov.u32 s8;
	s7 =	smov.u32 s9;
	p0 =	sne.s32 s8, $0xC00  }
.Ltmp29:
0x112: {  	s8 =	sadd.s32 $0x80, s8;
	(pc) =	sbr.rel @p0 .LBB2_60-.Ltmp29, $2  }
0x113: {  	_ =	sdelay $0x2  }
0x114: {  	s9 =	sadd.s32 $0x400, s9;
	s10 =	sadd.s32 s10, s4  }
0x115: {  	[tilespmem:s7], [sflag:$0x1] =	stream.linear.gather [hbm4b:s10+s2], $0x80, $0x38;
	[tilespmem:$0x1AA00] =	vst v63  }
0x116: {  	s7 =	simm.s32 $0x12F00  }
0x117: {  	s8 =	simm.s32 $0x80;
	s10 =	sadd.s32 $0x0, s5;
	s9 =	simm.s32 $0x13300  }
.LBB2_62:
0x118: {  	[tilespmem:s7], [sflag:$0x1] =	stream.linear.gather [hbm4b:s10+s2], $0x80, $0x38;
	[tilespmem:$0x1AA00] =	vst v63  }
0x119: {  	s10 =	smov.u32 s8;
	s7 =	smov.u32 s9;
	p0 =	sne.s32 s8, $0xC00  }
.Ltmp30:
0x11a: {  	s8 =	sadd.s32 $0x80, s8;
	(pc) =	sbr.rel @p0 .LBB2_62-.Ltmp30, $2  }
0x11b: {  	_ =	sdelay $0x2  }
0x11c: {  	s9 =	sadd.s32 $0x400, s9;
	s10 =	sadd.s32 s10, s5  }
0x11d: {  	[tilespmem:s7], [sflag:$0x1] =	stream.linear.gather [hbm4b:s10+s2], $0x80, $0x38;
	[tilespmem:$0x1AA00] =	vst v63  }
0x11e: {  	s7 =	simm.s32 $0x12F80  }
0x11f: {  	s8 =	simm.s32 $0x80;
	s10 =	sadd.s32 $0x0, s6;
	s9 =	simm.s32 $0x13380  }
.LBB2_64:
0x120: {  	[tilespmem:s7], [sflag:$0x1] =	stream.linear.gather [hbm4b:s10+s2], $0x80, $0x38;
	[tilespmem:$0x1AA00] =	vst v63  }
0x121: {  	s10 =	smov.u32 s8;
	s7 =	smov.u32 s9;
	p0 =	sne.s32 s8, $0xC00  }
.Ltmp31:
0x122: {  	s8 =	sadd.s32 $0x80, s8;
	(pc) =	sbr.rel @p0 .LBB2_64-.Ltmp31, $2  }
0x123: {  	_ =	sdelay $0x2  }
0x124: {  	s9 =	sadd.s32 $0x400, s9;
	s10 =	sadd.s32 s10, s6  }
0x125: {  	[tilespmem:s7], [sflag:$0x1] =	stream.linear.gather [hbm4b:s10+s2], $0x80, $0x38;
	[tilespmem:$0x1AA00] =	vst v63  }
0x126: {  	s16 =	simm.s32 $0x1  }
0x127: {  	_ =	swait.ge [sflag:s16], $0xC80  }
0x128: {  	[sflag:s16] =	ssyncset.done $0x0  }
0x129: {  	[sflag:s16] =	ssyncadd.s32 $0xFFFFF380  }
0x12a: {  	_ =	swait.ge [sflag:s16], $0xC80  }
0x12b: {  	[sflag:s16] =	ssyncset.done $0x0  }
0x12c: {  	[sflag:s16] =	ssyncadd.s32 $0xFFFFF380  }
0x12d: {  	_ =	swait.ge [sflag:s16], $0xC80  }
0x12e: {  	[sflag:s16] =	ssyncset.done $0x0  }
0x12f: {  	[sflag:s16] =	ssyncadd.s32 $0xFFFFF380  }
0x130: {  	_ =	swait.ge [sflag:s16], $0xC80  }
0x131: {  	[sflag:s16] =	ssyncset.done $0x0  }
0x132: {  	[sflag:s16] =	ssyncadd.s32 $0xFFFFF380  }
0x133: {  	_ =	swait.ge [sflag:s16], $0xC80  }
0x134: {  	[sflag:s16] =	ssyncset.done $0x0  }
0x135: {  	[sflag:s16] =	ssyncadd.s32 $0xFFFFF380  }
0x136: {  	_ =	swait.ge [sflag:s16], $0xC80  }
0x137: {  	[sflag:s16] =	ssyncset.done $0x0  }
0x138: {  	[sflag:s16] =	ssyncadd.s32 $0xFFFFF380  }
0x139: {  	_ =	swait.ge [sflag:s16], $0xC80  }
0x13a: {  	[sflag:s16] =	ssyncset.done $0x0  }
0x13b: {  	[sflag:s16] =	ssyncadd.s32 $0xFFFFF380  }
0x13c: {  	_ =	swait.ge [sflag:s16], $0xC80  }
0x13d: {  	[sflag:s16] =	ssyncset.done $0x0  }
0x13e: {  	[sflag:s16] =	ssyncadd.s32 $0xFFFFF380  }
0x13f: {  	_ =	swait.ge [sflag:s16], $0xC80  }
0x140: {  	[sflag:s16] =	ssyncset.done $0x0  }
0x141: {  	[sflag:s16] =	ssyncadd.s32 $0xFFFFF380  }
0x142: {  	_ =	swait.ge [sflag:s16], $0xC80  }
0x143: {  	[sflag:s16] =	ssyncset.done $0x0  }
0x144: {  	[sflag:s16] =	ssyncadd.s32 $0xFFFFF380  }
0x145: {  	_ =	swait.ge [sflag:s16], $0xC80  }
0x146: {  	[sflag:s16] =	ssyncset.done $0x0  }
0x147: {  	[sflag:s16] =	ssyncadd.s32 $0xFFFFF380  }
0x148: {  	_ =	swait.ge [sflag:s16], $0xC80  }
0x149: {  	[sflag:s16] =	ssyncset.done $0x0  }
0x14a: {  	[sflag:s16] =	ssyncadd.s32 $0xFFFFF380  }
0x14b: {  	_ =	swait.ge [sflag:s16], $0xC80  }
0x14c: {  	[sflag:s16] =	ssyncset.done $0x0  }
0x14d: {  	[sflag:s16] =	ssyncadd.s32 $0xFFFFF380  }
0x14e: {  	_ =	swait.ge [sflag:s16], $0xC80  }
0x14f: {  	[sflag:s16] =	ssyncset.done $0x0  }
0x150: {  	[sflag:s16] =	ssyncadd.s32 $0xFFFFF380  }
0x151: {  	_ =	swait.ge [sflag:s16], $0xC80  }
0x152: {  	[sflag:s16] =	ssyncset.done $0x0  }
0x153: {  	[sflag:s16] =	ssyncadd.s32 $0xFFFFF380  }
0x154: {  	_ =	swait.ge [sflag:s16], $0xC80  }
0x155: {  	[sflag:s16] =	ssyncset.done $0x0  }
0x156: {  	[sflag:s16] =	ssyncadd.s32 $0xFFFFF380  }
0x157: {  	_ =	swait.ge [sflag:s16], $0xC80  }
0x158: {  	[sflag:s16] =	ssyncset.done $0x0  }
0x159: {  	[sflag:s16] =	ssyncadd.s32 $0xFFFFF380  }
0x15a: {  	_ =	swait.ge [sflag:s16], $0xC80  }
0x15b: {  	[sflag:s16] =	ssyncset.done $0x0  }
0x15c: {  	[sflag:s16] =	ssyncadd.s32 $0xFFFFF380  }
0x15d: {  	_ =	swait.ge [sflag:s16], $0xC80  }
0x15e: {  	[sflag:s16] =	ssyncset.done $0x0  }
0x15f: {  	[sflag:s16] =	ssyncadd.s32 $0xFFFFF380  }
0x160: {  	_ =	swait.ge [sflag:s16], $0xC80  }
0x161: {  	[sflag:s16] =	ssyncset.done $0x0  }
0x162: {  	[sflag:s16] =	ssyncadd.s32 $0xFFFFF380  }
0x163: {  	_ =	swait.ge [sflag:s16], $0xC80  }
0x164: {  	[sflag:s16] =	ssyncset.done $0x0  }
0x165: {  	[sflag:s16] =	ssyncadd.s32 $0xFFFFF380  }
0x166: {  	_ =	swait.ge [sflag:s16], $0xC80  }
0x167: {  	[sflag:s16] =	ssyncset.done $0x0  }
0x168: {  	[sflag:s16] =	ssyncadd.s32 $0xFFFFF380  }
0x169: {  	_ =	swait.ge [sflag:s16], $0xC80  }
0x16a: {  	[sflag:s16] =	ssyncset.done $0x0  }
0x16b: {  	[sflag:s16] =	ssyncadd.s32 $0xFFFFF380  }
0x16c: {  	_ =	swait.ge [sflag:s16], $0xC80  }
0x16d: {  	[sflag:s16] =	ssyncset.done $0x0  }
0x16e: {  	[sflag:s16] =	ssyncadd.s32 $0xFFFFF380  }
0x16f: {  	_ =	swait.ge [sflag:s16], $0xC80  }
0x170: {  	[sflag:s16] =	ssyncset.done $0x0  }
0x171: {  	[sflag:s16] =	ssyncadd.s32 $0xFFFFF380  }
0x172: {  	_ =	swait.ge [sflag:s16], $0xC80  }
0x173: {  	[sflag:s16] =	ssyncset.done $0x0  }
0x174: {  	[sflag:s16] =	ssyncadd.s32 $0xFFFFF380  }
0x175: {  	_ =	swait.ge [sflag:s16], $0xC80  }
0x176: {  	[sflag:s16] =	ssyncset.done $0x0  }
0x177: {  	[sflag:s16] =	ssyncadd.s32 $0xFFFFF380  }
0x178: {  	_ =	swait.ge [sflag:s16], $0xC80  }
0x179: {  	[sflag:s16] =	ssyncset.done $0x0  }
0x17a: {  	[sflag:s16] =	ssyncadd.s32 $0xFFFFF380  }
0x17b: {  	_ =	swait.ge [sflag:s16], $0xC80  }
0x17c: {  	[sflag:s16] =	ssyncset.done $0x0  }
0x17d: {  	[sflag:s16] =	ssyncadd.s32 $0xFFFFF380  }
0x17e: {  	_ =	swait.ge [sflag:s16], $0xC80  }
0x17f: {  	[sflag:s16] =	ssyncset.done $0x0  }
0x180: {  	[sflag:s16] =	ssyncadd.s32 $0xFFFFF380  }
0x181: {  	_ =	swait.ge [sflag:s16], $0xC80  }
0x182: {  	[sflag:s16] =	ssyncset.done $0x0  }
0x183: {  	[sflag:s16] =	ssyncadd.s32 $0xFFFFF380  }
0x184: {  	_ =	swait.ge [sflag:s16], $0xC80  }
0x185: {  	[sflag:s16] =	ssyncset.done $0x0  }
0x186: {  	[sflag:s16] =	ssyncadd.s32 $0xFFFFF380  }
0x187: {  	_ =	swait.ge [sflag:s16], $0xC80  }
0x188: {  	[sflag:s16] =	ssyncset.done $0x0  }
0x189: {  	s17 =	simm.s32 $0x0;
	[sflag:s16] =	ssyncadd.s32 $0xFFFFF380  }
0x18a: {  	s8 =	sand.u32 $0x70, s17;
	s7 =	sand.u32 $0x7C00, s17;
	v0 =	vld [tilespmem:$0x1A900]  }
0x18b: {  	s8 =	sor.u32 s8, s7;
	v1 =	vld [tilespmem:$0x1A980]  }
0x18c: {  	v2 =	vld [tilespmem:s8+$0x80]  }
0x18d: {  	v3 =	vld [tilespmem:s8+$0x0]  }
0x18e: {  	v4 =	vld [tilespmem:s8+$0x100]  }
0x18f: {  	v5 =	vld [tilespmem:s8+$0x180]  }
0x190: {  	v6 =	vld [tilespmem:s8+$0x200]  }
0x191: {  	v7 =	vld [tilespmem:s8+$0x280]  }
0x192: {  	v2 =	vmax.f32 v3, v2;
	v3 =	vld [tilespmem:s8+$0x300]  }
0x193: {  	v43 =	vld [tilespmem:s8+$0x380];
	v2 =	vmax.f32 v2, v4  }
0x194: {  	v44 =	vld [tilespmem:s8+$0x6400];
	v2 =	vmax.f32 v2, v5  }
0x195: {  	v45 =	vld [tilespmem:s8+$0x6480];
	v2 =	vmax.f32 v2, v6  }
0x196: {  	v46 =	vld [tilespmem:s8+$0x6500];
	v2 =	vmax.f32 v2, v7  }
0x197: {  	v2 =	vmax.f32 v2, v3;
	v3 =	vld [tilespmem:s8+$0x6580]  }
0x198: {  	v47 =	vld [tilespmem:s8+$0x6600];
	v2 =	vmax.f32 v2, v43  }
0x199: {  	v48 =	vld [tilespmem:s8+$0x6680];
	v2 =	vmax.f32 v2, v44  }
0x19a: {  	v49 =	vld [tilespmem:s8+$0x6700];
	v2 =	vmax.f32 v2, v45  }
0x19b: {  	v50 =	vld [tilespmem:s8+$0x6780];
	v2 =	vmax.f32 v2, v46  }
0x19c: {  	v2 =	vmax.f32 v2, v3;
	v3 =	vld [tilespmem:s8+$0xC800]  }
0x19d: {  	v51 =	vld [tilespmem:s8+$0xC880];
	v2 =	vmax.f32 v2, v47  }
0x19e: {  	v52 =	vld [tilespmem:s8+$0xC900];
	v2 =	vmax.f32 v2, v48  }
0x19f: {  	v53 =	vld [tilespmem:s8+$0xC980];
	v2 =	vmax.f32 v2, v49  }
0x1a0: {  	v54 =	vld [tilespmem:s8+$0xCA00];
	v2 =	vmax.f32 v2, v50  }
0x1a1: {  	v2 =	vmax.f32 v2, v3;
	v3 =	vld [tilespmem:s8+$0xCA80]  }
0x1a2: {  	v55 =	vld [tilespmem:s8+$0xCB00];
	v2 =	vmax.f32 v2, v51  }
0x1a3: {  	v56 =	vld [tilespmem:s8+$0xCB80];
	v2 =	vmax.f32 v2, v52  }
0x1a4: {  	v57 =	vld [tilespmem:s8+$0x12C00];
	v2 =	vmax.f32 v2, v53  }
0x1a5: {  	v58 =	vld [tilespmem:s8+$0x12C80];
	v2 =	vmax.f32 v2, v54  }
0x1a6: {  	v2 =	vmax.f32 v2, v3;
	v3 =	vld [tilespmem:s8+$0x12D00]  }
0x1a7: {  	v59 =	vld [tilespmem:s8+$0x12D80];
	v2 =	vmax.f32 v2, v55  }
0x1a8: {  	v60 =	vld [tilespmem:s8+$0x12E00];
	v2 =	vmax.f32 v2, v56  }
0x1a9: {  	v61 =	vld [tilespmem:s8+$0x12E80];
	v2 =	vmax.f32 v2, v57  }
0x1aa: {  	v62 =	vld [tilespmem:s8+$0x12F00];
	v2 =	vmax.f32 v2, v58  }
0x1ab: {  	s7 =	simm.s32 $0x19000;
	v2 =	vmax.f32 v2, v3;
	v3 =	vld [tilespmem:s8+$0x12F80]  }
0x1ac: {  	v63 =	vld [tilespmem:s7+$0x0];
	v2 =	vmax.f32 v2, v59  }
0x1ad: {  	v2 =	vmax.f32 v2, v60  }
0x1ae: {  	v2 =	vmax.f32 v2, v61  }
0x1af: {  	v2 =	vmax.f32 v2, v62  }
0x1b0: {  	v2 =	vmax.f32 v2, v3  }
0x1b1: {  	v3 =	vmul.f32 v63, v0;
	v2 =	vmul.f32 v2, v1;
	_ =	sdelay $0x1  }
0x1b2: {  	v2 =	vadd.f32 v2, v3;
	_ =	sdelay $0x1  }
0x1b3: {  	v2 =	vadd.f32 v2, v2;
	_ =	sdelay $0x1  }
0x1b4: {  	v2 =	vmul.f32 $1.442695020e+00, v2;
	_ =	sdelay $0x1  }
0x1b5: {  	(erf) = vpow2.f32 v2;
	_ =	sdelay $0x8  }
0x1b6: {  	v2 =	vpop (erf)  }
0x1b7: {  	v2 =	vadd.f32 $1.000000000e+00, v2;
	_ =	sdelay $0x1  }
0x1b8: {  	(erf) = vrcp.f32 v2;
	_ =	sdelay $0x8  }
0x1b9: {  	v2 =	vpop (erf)  }
0x1ba: {  	v2 =	vadd.f32 v2, v2;
	_ =	sdelay $0x1  }
0x1bb: {  	v2 =	vsub.f32 $1.000000000e+00, v2;
	_ =	sdelay $0x1  }
0x1bc: {  	v2 =	vsub.f32 v2, v2;
	_ =	sdelay $0x1  }
0x1bd: {  	v2 =	vmul.f32 $1.442695020e+00, v2;
	_ =	sdelay $0x1  }
0x1be: {  	(erf) = vpow2.f32 v2;
	_ =	sdelay $0x8  }
0x1bf: {  	v2 =	vpop (erf)  }
0x1c0: {  	(erf) = vrcp.f32 v2;
	_ =	sdelay $0x8  }
0x1c1: {  	v3 =	vpop (erf)  }
0x1c2: {  	s18 =	simm.s32 $0x10;
	s9 =	simm.s32 $0x80;
	v2 =	vmul.f32 v3, v2  }
0x1c3: {  	s10 =	sand.u32 $0x70, s18;
	s11 =	sand.u32 $0x7C00, s9;
	s8 =	simm.s32 $0x19C80  }
0x1c4: {  	s11 =	sor.u32 s10, s11;
	s10 =	simm.s32 $0x20;
	[tilespmem:s8+$0x0] =	vst v2  }
.LBB2_66:
0x1c5: {  	p0 =	sne.s32 s10, $0xC70;
	v2 =	vld [tilespmem:s11+$0x80]  }
0x1c6: {  	v3 =	vld [tilespmem:s11+$0x0]  }
0x1c7: {  	v4 =	vld [tilespmem:s11+$0x100]  }
0x1c8: {  	v5 =	vld [tilespmem:s11+$0x180]  }
0x1c9: {  	v6 =	vld [tilespmem:s11+$0x200]  }
0x1ca: {  	v7 =	vld [tilespmem:s11+$0x280]  }
0x1cb: {  	v2 =	vmax.f32 v3, v2;
	v3 =	vld [tilespmem:s11+$0x300]  }
0x1cc: {  	v2 =	vmax.f32 v2, v4;
	v4 =	vld [tilespmem:s11+$0x380]  }
0x1cd: {  	v2 =	vmax.f32 v2, v5;
	v5 =	vld [tilespmem:s11+$0x6400]  }
0x1ce: {  	v2 =	vmax.f32 v2, v6;
	v6 =	vld [tilespmem:s11+$0x6480]  }
0x1cf: {  	v2 =	vmax.f32 v2, v7;
	v7 =	vld [tilespmem:s11+$0x6500]  }
0x1d0: {  	v2 =	vmax.f32 v2, v3;
	v3 =	vld [tilespmem:s11+$0x6580]  }
0x1d1: {  	v2 =	vmax.f32 v2, v4;
	v4 =	vld [tilespmem:s11+$0x6600]  }
0x1d2: {  	v2 =	vmax.f32 v2, v5;
	v5 =	vld [tilespmem:s11+$0x6680]  }
0x1d3: {  	v2 =	vmax.f32 v2, v6;
	v6 =	vld [tilespmem:s11+$0x6700]  }
0x1d4: {  	v2 =	vmax.f32 v2, v7;
	v7 =	vld [tilespmem:s11+$0x6780]  }
0x1d5: {  	v2 =	vmax.f32 v2, v3;
	v3 =	vld [tilespmem:s11+$0xC800]  }
0x1d6: {  	v2 =	vmax.f32 v2, v4;
	v4 =	vld [tilespmem:s11+$0xC880]  }
0x1d7: {  	v2 =	vmax.f32 v2, v5;
	v5 =	vld [tilespmem:s11+$0xC900]  }
0x1d8: {  	v2 =	vmax.f32 v2, v6;
	v6 =	vld [tilespmem:s11+$0xC980]  }
0x1d9: {  	v2 =	vmax.f32 v2, v7;
	v7 =	vld [tilespmem:s11+$0xCA00]  }
0x1da: {  	v2 =	vmax.f32 v2, v3;
	v3 =	vld [tilespmem:s11+$0xCA80]  }
0x1db: {  	v2 =	vmax.f32 v2, v4;
	v4 =	vld [tilespmem:s11+$0xCB00]  }
0x1dc: {  	v2 =	vmax.f32 v2, v5;
	v5 =	vld [tilespmem:s11+$0xCB80]  }
0x1dd: {  	v2 =	vmax.f32 v2, v6;
	v6 =	vld [tilespmem:s11+$0x12C00]  }
0x1de: {  	v2 =	vmax.f32 v2, v7;
	v7 =	vld [tilespmem:s11+$0x12C80]  }
0x1df: {  	v2 =	vmax.f32 v2, v3;
	v3 =	vld [tilespmem:s11+$0x12D00]  }
0x1e0: {  	v2 =	vmax.f32 v2, v4;
	v4 =	vld [tilespmem:s11+$0x12D80]  }
0x1e1: {  	v2 =	vmax.f32 v2, v5;
	v5 =	vld [tilespmem:s11+$0x12E00]  }
0x1e2: {  	v2 =	vmax.f32 v2, v6;
	v6 =	vld [tilespmem:s11+$0x12E80]  }
0x1e3: {  	v2 =	vmax.f32 v2, v7;
	v7 =	vld [tilespmem:s11+$0x12F00]  }
0x1e4: {  	s7 =	sadd.s32 $0x10, s7;
	v2 =	vmax.f32 v2, v3;
	v3 =	vld [tilespmem:s11+$0x12F80]  }
0x1e5: {  	v2 =	vmax.f32 v2, v4;
	v4 =	vld [tilespmem:s7+$0x0]  }
0x1e6: {  	v2 =	vmax.f32 v2, v5  }
0x1e7: {  	v2 =	vmax.f32 v2, v6  }
0x1e8: {  	v2 =	vmax.f32 v2, v7  }
0x1e9: {  	v2 =	vmax.f32 v2, v3  }
0x1ea: {  	v3 =	vmul.f32 v4, v0;
	v2 =	vmul.f32 v2, v1;
	_ =	sdelay $0x1  }
0x1eb: {  	v2 =	vadd.f32 v2, v3;
	_ =	sdelay $0x1  }
0x1ec: {  	v2 =	vadd.f32 v2, v2;
	_ =	sdelay $0x1  }
0x1ed: {  	v2 =	vmul.f32 $1.442695020e+00, v2;
	_ =	sdelay $0x1  }
0x1ee: {  	(erf) = vpow2.f32 v2;
	_ =	sdelay $0x8  }
0x1ef: {  	v2 =	vpop (erf)  }
0x1f0: {  	v2 =	vadd.f32 $1.000000000e+00, v2;
	_ =	sdelay $0x1  }
0x1f1: {  	(erf) = vrcp.f32 v2;
	_ =	sdelay $0x8  }
0x1f2: {  	v2 =	vpop (erf)  }
0x1f3: {  	v2 =	vadd.f32 v2, v2;
	_ =	sdelay $0x1  }
0x1f4: {  	v2 =	vsub.f32 $1.000000000e+00, v2;
	_ =	sdelay $0x1  }
0x1f5: {  	v2 =	vsub.f32 v2, v2;
	_ =	sdelay $0x1  }
0x1f6: {  	v2 =	vmul.f32 $1.442695020e+00, v2;
	_ =	sdelay $0x1  }
0x1f7: {  	(erf) = vpow2.f32 v2;
	_ =	sdelay $0x8  }
0x1f8: {  	v2 =	vpop (erf)  }
0x1f9: {  	(erf) = vrcp.f32 v2;
	_ =	sdelay $0x7  }
.Ltmp32:
0x1fa: {  	(pc) =	sbr.rel @p0 .LBB2_66-.Ltmp32, $4  }
0x1fb: {  	v3 =	vpop (erf)  }
0x1fc: {  	s9 =	sadd.s32 $0x80, s9;
	v2 =	vmul.f32 v3, v2  }
0x1fd: {  	s8 =	sadd.s32 $0x10, s8;
	s12 =	sand.u32 $0x7C00, s9;
	s11 =	sand.u32 $0x70, s10  }
0x1fe: {  	s10 =	sadd.s32 $0x10, s10;
	s11 =	sor.u32 s11, s12;
	[tilespmem:s8+$0x0] =	vst v2  }
0x1ff: {  	v2 =	vld [tilespmem:s11+$0x80]  }
0x200: {  	v3 =	vld [tilespmem:s11+$0x0]  }
0x201: {  	v4 =	vld [tilespmem:s11+$0x100]  }
0x202: {  	v5 =	vld [tilespmem:s11+$0x180]  }
0x203: {  	v6 =	vld [tilespmem:s11+$0x200]  }
0x204: {  	v7 =	vld [tilespmem:s11+$0x280]  }
0x205: {  	v36 =	vld [tilespmem:s11+$0x300];
	v2 =	vmax.f32 v3, v2  }
0x206: {  	v37 =	vld [tilespmem:s11+$0x380];
	v2 =	vmax.f32 v2, v4  }
0x207: {  	v38 =	vld [tilespmem:s11+$0x6400];
	v2 =	vmax.f32 v2, v5  }
0x208: {  	v39 =	vld [tilespmem:s11+$0x6480];
	v2 =	vmax.f32 v2, v6  }
0x209: {  	v40 =	vld [tilespmem:s11+$0x6500];
	v2 =	vmax.f32 v2, v7  }
0x20a: {  	v41 =	vld [tilespmem:s11+$0x6580];
	v2 =	vmax.f32 v2, v36  }
0x20b: {  	v42 =	vld [tilespmem:s11+$0x6600];
	v2 =	vmax.f32 v2, v37  }
0x20c: {  	v43 =	vld [tilespmem:s11+$0x6680];
	v2 =	vmax.f32 v2, v38  }
0x20d: {  	v44 =	vld [tilespmem:s11+$0x6700];
	v2 =	vmax.f32 v2, v39  }
0x20e: {  	v45 =	vld [tilespmem:s11+$0x6780];
	v2 =	vmax.f32 v2, v40  }
0x20f: {  	v46 =	vld [tilespmem:s11+$0xC800];
	v2 =	vmax.f32 v2, v41  }
0x210: {  	v47 =	vld [tilespmem:s11+$0xC880];
	v2 =	vmax.f32 v2, v42  }
0x211: {  	v48 =	vld [tilespmem:s11+$0xC900];
	v2 =	vmax.f32 v2, v43  }
0x212: {  	v49 =	vld [tilespmem:s11+$0xC980];
	v2 =	vmax.f32 v2, v44  }
0x213: {  	v50 =	vld [tilespmem:s11+$0xCA00];
	v2 =	vmax.f32 v2, v45  }
0x214: {  	v51 =	vld [tilespmem:s11+$0xCA80];
	v2 =	vmax.f32 v2, v46  }
0x215: {  	v52 =	vld [tilespmem:s11+$0xCB00];
	v2 =	vmax.f32 v2, v47  }
0x216: {  	v53 =	vld [tilespmem:s11+$0xCB80];
	v2 =	vmax.f32 v2, v48  }
0x217: {  	v54 =	vld [tilespmem:s11+$0x12C00];
	v2 =	vmax.f32 v2, v49  }
0x218: {  	v55 =	vld [tilespmem:s11+$0x12C80];
	v2 =	vmax.f32 v2, v50  }
0x219: {  	v56 =	vld [tilespmem:s11+$0x12D00];
	v2 =	vmax.f32 v2, v51  }
0x21a: {  	v57 =	vld [tilespmem:s11+$0x12D80];
	v2 =	vmax.f32 v2, v52  }
0x21b: {  	v58 =	vld [tilespmem:s11+$0x12E00];
	v2 =	vmax.f32 v2, v53  }
0x21c: {  	v59 =	vld [tilespmem:s11+$0x12E80];
	v2 =	vmax.f32 v2, v54  }
0x21d: {  	v60 =	vld [tilespmem:s11+$0x12F00];
	v2 =	vmax.f32 v2, v55  }
0x21e: {  	v61 =	vld [tilespmem:s11+$0x12F80];
	s7 =	sadd.s32 $0x10, s7;
	v2 =	vmax.f32 v2, v56  }
0x21f: {  	v62 =	vld [tilespmem:s7+$0x0];
	v2 =	vmax.f32 v2, v57  }
0x220: {  	v2 =	vmax.f32 v2, v58  }
0x221: {  	v2 =	vmax.f32 v2, v59  }
0x222: {  	v2 =	vmax.f32 v2, v60  }
0x223: {  	v2 =	vmax.f32 v2, v61  }
0x224: {  	v0 =	vmul.f32 v62, v0;
	v1 =	vmul.f32 v2, v1;
	_ =	sdelay $0x1  }
0x225: {  	v0 =	vadd.f32 v1, v0;
	_ =	sdelay $0x1  }
0x226: {  	v0 =	vadd.f32 v0, v0;
	_ =	sdelay $0x1  }
0x227: {  	v0 =	vmul.f32 $1.442695020e+00, v0;
	_ =	sdelay $0x1  }
0x228: {  	(erf) = vpow2.f32 v0;
	_ =	sdelay $0x8  }
0x229: {  	v0 =	vpop (erf)  }
0x22a: {  	v0 =	vadd.f32 $1.000000000e+00, v0;
	_ =	sdelay $0x1  }
0x22b: {  	(erf) = vrcp.f32 v0;
	_ =	sdelay $0x8  }
0x22c: {  	v0 =	vpop (erf)  }
0x22d: {  	v0 =	vadd.f32 v0, v0;
	_ =	sdelay $0x1  }
0x22e: {  	v0 =	vsub.f32 $1.000000000e+00, v0;
	_ =	sdelay $0x1  }
0x22f: {  	v0 =	vsub.f32 v0, v0;
	_ =	sdelay $0x1  }
0x230: {  	v0 =	vmul.f32 $1.442695020e+00, v0;
	_ =	sdelay $0x1  }
0x231: {  	(erf) = vpow2.f32 v0;
	_ =	sdelay $0x8  }
0x232: {  	v0 =	vpop (erf)  }
0x233: {  	(erf) = vrcp.f32 v0;
	_ =	sdelay $0x8  }
0x234: {  	v63 =	vpop (erf)  }
0x235: {  	v0 =	vmul.f32 v63, v0  }
0x236: {  	s14 =	sadd.s32 $0x10, s8  }
0x237: {  	s15 =	rddreg [dreg:$0x13];
	s16 =	simm.s32 $0x19C80;
	s9 =	simm.s32 $0x2;
	[tilespmem:s14+$0x0] =	vst v0  }
0x238: {  	[hbm4b:s15+s2] =	stream.linear.scatter [tilespmem:s16], [sflag:$0x2], $0xC80, $0x38;
	[tilespmem:$0x1AA00] =	vst v63  }
0x239: {  	_ =	swait.ge [sflag:s9], $0xC80  }
0x23a: {  	s17 =	rddreg [dreg:$0x15]  }
0x23b: {  	s18 =	rddreg [dreg:$0x14];
	s8 =	sadd.s32 $0x1, s17  }
0x23c: {  	p0 =	sne.s32 s8, s18  }
.Ltmp33:
0x23d: {  	_ = 	snop;
	(pc) =	sbr.rel @p0 .LBB2_1-.Ltmp33, $3  }
0x23e: {  	_ =	sdelay $0x1  }
0x23f: {  	[sflag:s9] =	ssyncset.done $0x0;
	s11 =	rddreg [dreg:$0x4]  }
0x240: {  	s12 =	rddreg [dreg:$0x5];
	[sflag:s9] =	ssyncadd.s32 $0xFFFFF380  }
0x241: {  	_ =	sfence.sel $0x180000  }
0x242: {  	[bflag:$0x0] =	sbarrier.arrive $0xFFFF  }
0x243: {  	_ =	strace $0x9000004D  }
0x244: {  	s0 =	stileid.u32;
	[bflag:$0x2] =	sbarrier.arrive $0xFFFF  }
0x245: {  	p0 =	sne.s32 s0, $0x0;
	s0 =	rddreg [dreg:$0x1]  }
0x246: {  	s0 =	sadd.s32 @!p0 $0x100000, s0  }
0x247: {  	[sflag:s0] =	ssyncadd.tile.s32 @!p0 $0x1;
	_ =	shalt  }
.Lfunc_end2:
_tile_overlayer_lowered:
.L_overlay_start_2:
0x248: {  	(tag) =	ssettag $0x2  }
0x249: {  	s0 =	rddreg [dreg:$0x0];
	s2 =	stileid.u32  }
0x24a: {  	s1 =	rddreg [dreg:$0x1];
	p0 =	sne.s32 s2, $0x0  }
0x24b: {  	s3 =	rddreg [dreg:$0x2];
	[bflag:$0x3] =	sbarrier.arrive $0xFFFF;
	s2 =	simm.s32 @!p0 $0x1C02  }
0x24c: {  	[timem:s3], [sflag:s2] =	dma.local @!p0 [hbm:s0], s1  }
0x24d: {  	s0 =	simm.s32 @!p0 $0x2  }
0x24e: {  	_ =	swait.ge @!p0 [sflag:s0], s1  }
0x24f: {  	s1 =	ssub.s32 @!p0 $0x0, s1;
	[sflag:s0] =	ssyncset.done @!p0 $0x0  }
0x250: {  	[sflag:s0] =	ssyncadd.s32 @!p0 s1  }
0x251: {  	[bflag:$0x3] =	sbarrier.arrive $0xFFFF  }
0x252: {  	_ =	shalt  }

// kernel: sparse-core-data-format-call.cloned.1.call-start
scs
called_computation_lowered:
.L_overlay_start_0:
0x0: {  	s2 =	sld [smem:$0x3FD9]  }
0x1: {  	s3 =	sld [smem:$0x3FFE];
	_ =	sdelay $0x1  }
0x2: {  	s1 =	srdreg.scid  }
0x3: {  	s0 =	sand.u32 $0x1, s1  }
0x4: {  	s18 =	sshll.u32 s0, $0xA;
	s2 =	sadd.s32 s3, s2  }
0x5: {  	s2 =	sadd.s32 s2, s18  }
0x6: {  	[smem:$0x3FC5] =	sst s2  }
0x7: {  	_ = 	snop  }
0x8: {  	s2 =	sld [smem:$0x3FC8];
	(tm) =	ssettm $0x1  }
0x9: {  	s19 =	sld [smem:$0x3FFB];
	_ =	sdelay $0x3  }
0xa: {  	_ =	strace s19  }
0xb: {  	s3 =	sld [smem:$0x3FFC];
	_ =	sdelay $0x3  }
0xc: {  	_ =	strace s3  }
0xd: {  	s3 =	sld [smem:$0x3FFD];
	_ =	sdelay $0x3  }
0xe: {  	_ =	strace s3  }
0xf: {  	_ =	strace $0x8FFFFFFF  }
0x10: {  	s20 =	sld [smem:$0x3FDB];
	_ =	sdelay $0x1  }
0x11: {  	s4 =	simm.s32 $_scs_section_size  }
0x12: {  	s5 =	simm.s32 $_size__tile_overlayer_lowered;
	s6 =	simm.s32 $_tile_overlayer_lowered  }
0x13: {  	s23 =	simm.s32 $0x1BFF;
	s22 =	sshll.u32 s6, $0x1;
	s3 =	sadd.s32 s4, s20  }
0x14: {  	s7 =	simm.s32 $0x0;
	s21 =	sshll.u32 s5, $0x1;
	s5 =	sadd.s32 s22, s3  }
0x15: {  	[timem:s7], [sflag:s23] =	dma.local [hbm:s5], s21  }
0x16: {  	_ =	swait.ge [sflag:s23], s21  }
0x17: {  	s4 =	ssub.s32 $0x0, s21;
	[sflag:s23] =	ssyncset.done $0x0  }
0x18: {  	[sflag:s23] =	ssyncadd.s32 s4;
	_ =	sdelay $0x1  }
0x19: {  	s24 =	simm.s32 $0x1B8B  }
0x1a: {  	_ =	swait.ge [sflag:s24], $0x1  }
0x1b: {  	[sflag:s24] =	ssyncset.done $0x0  }
0x1c: {  	s26 =	simm.s32 $0x1B8E;
	s25 =	sld [smem:$0x3FFE];
	[sflag:s24] =	ssyncadd.s32 $0xFFFFFFFF  }
0x1d: {  	s27 =	simm.s32 $execute0_lowered;
	[smem:$0x3FD2] =	sst s26  }
0x1e: {  	s5 =	sshll.u32 s27, $0x1;
	_ =	strace $0x80000046;
	[dreg:$0x1] =	wrdreg $0xFFFFFFFF  }
0x1f: {  	s28 =	simm.s32 $_size_execute0_lowered;
	s3 =	sadd.s32 s3, s5;
	[dreg:$0x0] =	wrdreg $0x0  }
0x20: {  	s5 =	sshll.u32 s28, $0x1;
	[dreg:$0x2] =	wrdreg s3  }
0x21: {  	[dreg:$0x3] =	wrdreg s5  }
0x22: {  	[dreg:$0x4] =	wrdreg $0xC0  }
0x23: {  	_ =	task [dreg:s7], $0x5FFFF  }
0x24: {  	[dreg:$0x1] =	wrdreg $0xFFFFFFFF  }
0x25: {  	[dreg:$0x0] =	wrdreg $0x60  }
0x26: {  	[dreg:$0x2] =	wrdreg s2  }
0x27: {  	[dreg:$0x3] =	wrdreg s25  }
0x28: {  	[dreg:$0x4] =	wrdreg $0x9  }
0x29: {  	_ =	task.clear_ibuf [dreg:s7], $0x5FFFF;
	_ =	strace $0x90000046  }
0x2a: {  	s29 =	simm.s32 $0x9;
	_ =	strace $0x80000048  }
0x2b: {  	_ =	swait.ge [sflag:s29], $0x1  }
0x2c: {  	[sflag:s29] =	ssyncadd.s32 $0xFFFFFFFF  }
0x2d: {  	_ =	strace $0x90000048  }
0x2e: {  	_ =	sfence  }
0x2f: {  	s30 =	sld [smem:$0x0];
	_ =	sdelay $0x2  }
0x30: {  	s31 =	sshll.u32 s1, $0xD;
	s1 =	sshrl.u32 s1, $0x2  }
0x31: {  	s3 =	sand.u32 $0x4000, s31;
	s1 =	sadd.s32 s1, s30  }
0x32: {  	s0 =	sor.u32 s3, s0;
	s1 =	sshll.u32 s1, $0x11  }
0x33: {  	s0 =	sor.u32 s1, s0  }
0x34: {  	s0 =	sadd.s32 $0x8F2B, s0  }
0x35: {  	[sflag:s0] =	ssyncadd.remote.s32 $0x1  }
0x36: {  	_ =	sfence.sel $0xFFFF  }
0x37: {  	[dreg:$0x0] =	wrdreg $0xFFFFFFFF;
	(pc) =	sbr.abs _section_cstart, $3  }
0x38: {  	[dreg:$0x1] =	wrdreg $0xFFFFFFFF  }
0x39: {  	_ =	task.clear_ibuf [dreg:s7], $0x2FFFF;
	_ =	strace $0x9FFFFFFF  }
0x3a: {  	(tm) =	ssettm $0x7FFFFFFF  }
0x3b: {  	_ =	shalt  }
tec
execute0_lowered:
.L_overlay_start_1:
0x0: {  	(tag) =	ssettag $0x1  }
0x1: {  	s0 =	stileid.u32;
	s7 =	rddreg [dreg:$0x0]  }
0x2: {  	s1 =	srdreg.scid;
	s4 =	rddreg [dreg:$0x1]  }
0x3: {  	s30 =	simm.s32 $0x2;
	s10 =	simm.s32 $0x0;
	s14 =	simm.s32 $0x0  }
0x4: {  	s15 =	simm.s32 $0x0;
	s11 =	simm.s32 $0x0;
	s13 =	simm.s32 $0x0  }
0x5: {  	s2 =	sand.u32 $0x1, s1;
	s3 =	sshll.u32 s0, $0x7;
	s1 =	rddreg [dreg:$0x2]  }
0x6: {  	_ =	strace $0x80000047;
	s5 =	ssub.s32 $0xC300, s3;
	s6 =	ssub.s32 $0x2, s2  }
.Ltmp0:
0x7: {  	s5 =	sshrl.u32 s5, $0xB;
	s8 =	sshrl.u32 s6, $0x1;
	(pc) =	sbr.rel .LBB1_1-.Ltmp0, $4  }
0x8: {  	s4 =	sadd.s32 $0xE00, s4;
	s9 =	sadd.s32 $0x1, s5;
	s6 =	ssub.s32 s6, s8  }
0x9: {  	s31 =	sshll.u32 s2, $0x4;
	s5 =	simm.s32 $0x1;
	s6 =	smul.u32 s9, s6  }
0xa: {  	s12 =	smov.u32 s3;
	s7 =	sadd.s32 s7, s31;
	[sflag:s5] =	ssyncpa.u1 $0x0  }
0xb: {  	s9 =	simm.s32 $0x0;
	[sflag:s30] =	ssyncpa.u1 $0x0;
	s8 =	sadd.s32 $0x1, s6  }
.LBB1_4:
0xc: {  	s21 =	simm.s32 $0x0  }
.LBB1_8:
0xd: {  	_ =	sdelay $0x3  }
0xe: {  	v6 =	vld [tilespmem:s18+$0xFFFFFFC0];
	[tilespmem:v0+s20+$0x30 ss:$0x1] =	vst.idx.msk @p0 $0xffff, v2  }
0xf: {  	v58 =	vld [tilespmem:s18+$0xFFFFFFD0];
	[tilespmem:v0+s20+$0x40 ss:$0x1] =	vst.idx.msk @p0 $0xffff, v3;
	s21 =	sadd.s32 @p0 $0x80, s21  }
0x10: {  	v59 =	vld [tilespmem:s18+$0xFFFFFFE0];
	[tilespmem:v0+s20+$0x50 ss:$0x1] =	vst.idx.msk @p0 $0xffff, v5;
	s19 =	smov.u32 @p0 s21  }
0x11: {  	v60 =	vld [tilespmem:s18+$0xFFFFFFF0];
	[tilespmem:v0+s20+$0x60 ss:$0x1] =	vst.idx.msk @p0 $0xffff, v4;
	s19 =	sand.u32 $0x3F80, s19  }
0x12: {  	v61 =	vld [tilespmem:s18+$0x0];
	[tilespmem:v0+s19+$0x70 ss:$0x1] =	vst.idx.msk $0xffff, v1  }
0x13: {  	v62 =	vld [tilespmem:s18+$0x10];
	[tilespmem:v0+s19+$0x0 ss:$0x1] =	vst.idx.msk $0xffff, v6  }
0x14: {  	v63 =	vld [tilespmem:s18+$0x20];
	[tilespmem:v0+s19+$0x10 ss:$0x1] =	vst.idx.msk $0xffff, v58  }
0x15: {  	[tilespmem:v0+s19+$0x20 ss:$0x1] =	vst.idx.msk $0xffff, v59  }
0x16: {  	[tilespmem:v0+s19+$0x30 ss:$0x1] =	vst.idx.msk $0xffff, v60  }
0x17: {  	[tilespmem:v0+s19+$0x40 ss:$0x1] =	vst.idx.msk $0xffff, v61  }
0x18: {  	[tilespmem:v0+s19+$0x50 ss:$0x1] =	vst.idx.msk $0xffff, v62  }
0x19: {  	[tilespmem:v0+s19+$0x60 ss:$0x1] =	vst.idx.msk $0xffff, v63  }
.LBB1_9:
0x1a: {  	s18 =	sand.u32 $0x1FFFFFF, s11  }
0x1b: {  	s19 =	smulhi.u32 $0x14F8B59, s18;
	_ =	sdelay $0x1  }
0x1c: {  	s19 =	sshrl.u32 s19, $0x8  }
0x1d: {  	s19 =	smul.u32 $0xC350, s19  }
0x1e: {  	s15 =	smul.u32 $0xC3500, s15  }
0x1f: {  	s18 =	ssub.s32 s18, s19  }
0x20: {  	s15 =	sadd.s32 s4, s15;
	s18 =	sshll.u32 s18, $0x4  }
0x21: {  	s15 =	sadd.s32 s18, s15  }
0x22: {  	[hbm4b:s15+s9] =	stream.linear.scatter [tilespmem:s17], [sflag:$0x2], s16, $0x38;
	[tilespmem:$0x10000] =	vst v63  }
.LBB1_10:
0x23: {  	p0 =	slt.u32 s13, $0x2  }
0x24: {  	p1 =	sgt.s32 @!p0 s14, $0xC2D0  }
0x25: {  	s15 =	smov.u32 s14;
	s16 =	sshra.s32 @!p0 s14, $0x1F;
	p1 =	por !p1, p0  }
0x26: {  	s14 =	sand.u32 @!p0 s16, s14;
	s15 =	simm.s32 @p1 $0xC2D0  }
0x27: {  	s14 =	ssub.s32 @!p0 s15, s14  }
0x28: {  	s14 =	sadd.s32 @!p0 $0xFFFF3D30, s14  }
0x29: {  	s15 =	sshll.u32 @!p0 s14, $0x7  }
0x2a: {  	p1 =	sgt.s32 @!p0 s14, $0x7F;
	s14 =	ssub.s32 @!p0 $0x4000, s15  }
0x2b: {  	s16 =	sadd.s32 $0x800, s12;
	p1 =	por !p1, p0;
	s14 =	sand.u32 @!p0 $0x3FFFFF80, s14  }
0x2c: {  	s14 =	simm.s32 @!p1 $0x0;
	p1 =	sgt.s32 s16, $0xC34F  }
0x2d: {  	s16 =	smov.u32 @p1 s3;
	p1 =	sne.s32 s13, s8  }
.Ltmp1:
0x2e: {  	_ = 	snop;
	(pc) =	sbr.rel @!p1 .LBB1_11-.Ltmp1, $4  }
0x2f: {  	s10 =	sadd.s32 $0x4000, s10;
	s15 =	simm.s32 @!p0 $0x2  }
0x30: {  	_ =	swait.ge @!p0 [sflag:s15], s14;
	s17 =	ssub.s32 @!p0 $0x0, s14;
	s14 =	smov.u32 s11  }
0x31: {  	s13 =	sadd.s32 $0x1, s13;
	s11 =	smov.u32 s12;
	[sflag:s15] =	ssyncset.done @!p0 $0x0  }
0x32: {  	s12 =	smov.u32 s16;
	[sflag:s15] =	ssyncadd.s32 @!p0 s17;
	s15 =	smov.u32 s2  }
.LBB1_1:
0x33: {  	p0 =	sge.u32 s13, s6  }
0x34: {  	p1 =	sgt.s32 @!p0 s12, $0xC2D0  }
0x35: {  	s16 =	smov.u32 s12;
	s17 =	sshra.s32 @!p0 s12, $0x1F;
	p1 =	por !p1, p0  }
0x36: {  	s17 =	sand.u32 @!p0 s17, s12;
	s16 =	simm.s32 @p1 $0xC2D0  }
0x37: {  	s16 =	ssub.s32 @!p0 s16, s17  }
0x38: {  	s31 =	sadd.s32 $0xFFFFFFFF, s13;
	s18 =	sxor.u32 @!p0 $0xFFFFFFFF, s13;
	s16 =	sadd.s32 @!p0 $0xFFFF3D30, s16  }
0x39: {  	s19 =	simm.s32 @!p0 $0x80;
	s20 =	simm.s32 @!p0 $0x100;
	s17 =	sshll.u32 @!p0 s16, $0x7  }
0x3a: {  	p1 =	sgt.s32 @!p0 s16, $0x7F;
	s16 =	ssub.s32 @!p0 $0x4000, s17;
	s17 =	sshll.u32 @!p0 s18, $0xE  }
0x3b: {  	p1 =	por !p1, p0;
	s18 =	sshll.u32 @!p0 s12, $0x5;
	s16 =	sand.u32 @!p0 $0x3FFFFF80, s16  }
0x3c: {  	s17 =	sand.u32 @!p0 $0x4000, s17;
	s18 =	sadd.s32 @!p0 s18, s7;
	s16 =	simm.s32 @!p1 $0x0  }
0x3d: {  	[tilespmem:s17], [sflag:$0x1] =	stream.strided.gather @!p0 [hbm4b:s18+s19], s16, s20, s19, $0x38;
	[tilespmem:$0x10000] =	vst v63  }
0x3e: {  	p0 =	sge.u32 s31, s6  }
.Ltmp2:
0x3f: {  	_ = 	snop;
	(pc) =	sbr.rel @p0 .LBB1_10-.Ltmp2, $1  }
0x40: {  	_ =	sdelay $0x3  }
0x41: {  	p0 =	sgt.s32 s11, $0xC2D0;
	s16 =	smov.u32 s11;
	s17 =	sshra.s32 s11, $0x1F  }
0x42: {  	s16 =	simm.s32 @!p0 $0xC2D0;
	s17 =	sand.u32 s17, s11  }
0x43: {  	s16 =	ssub.s32 s16, s17  }
0x44: {  	s16 =	sadd.s32 $0xFFFF3D30, s16  }
0x45: {  	s30 =	sshll.u32 s16, $0x7  }
0x46: {  	s17 =	ssub.s32 $0x4000, s30  }
0x47: {  	p0 =	sgt.s32 s16, $0x7F;
	s16 =	sand.u32 $0x3FFFFF80, s17;
	s17 =	sadd.s32 $0x80, s11  }
0x48: {  	s16 =	simm.s32 @p0 $0x0;
	p0 =	slt.s32 s17, $0xC350  }
0x49: {  	s17 =	simm.s32 @!p0 $0xC350  }
0x4a: {  	s20 =	ssub.s32 s17, s11  }
0x4b: {  	p0 =	slt.s32 s20, $0x1  }
.Ltmp3:
0x4c: {  	_ = 	snop;
	(pc) =	sbr.rel @p0 .LBB1_9-.Ltmp3, $4  }
0x4d: {  	_ = 	snop  }
0x4e: {  	s19 =	sshll.u32 s13, $0xE;
	_ =	swait.ge [sflag:s5], s16  }
0x4f: {  	s31 =	sand.u32 $0x4000, s19;
	s18 =	ssub.s32 $0x0, s16;
	[sflag:s5] =	ssyncset.done $0x0  }
0x50: {  	s17 =	sor.u32 $0x8000, s31;
	[sflag:s5] =	ssyncadd.s32 s18  }
0x51: {  	p1 =	sne.s32 s20, $0x1  }
.Ltmp4:
0x52: {  	v0 =	vmov s17;
	(pc) =	sbr.rel @!p1 .LBB1_4-.Ltmp4, $4  }
0x53: {  	_ = 	snop  }
0x54: {  	s18 =	sand.u32 $0x4000, s10  }
0x55: {  	s18 =	sor.u32 $0x40, s18  }
0x56: {  	s19 =	simm.s32 $0x0;
	s21 =	sadd.s32 $0xFFFFFFFF, s20;
	p0 =	por $0x0, $0x0;
	v1 =	vld [tilespmem:s18+$0x30]  }
0x57: {  	v4 =	vld [tilespmem:s18+$0xFFFFFFC0]  }
0x58: {  	v6 =	vld [tilespmem:s18+$0xFFFFFFD0]  }
0x59: {  	v7 =	vld [tilespmem:s18+$0xFFFFFFE0];
	p1 =	sne.s32 s21, $0x1  }
.Ltmp5:
0x5a: {  	v2 =	vld [tilespmem:s18+$0xFFFFFFF0];
	s20 =	sand.u32 $0x3F80, s19;
	(pc) =	sbr.rel @!p1 .LBB1_6-.Ltmp5, $4  }
0x5b: {  	v3 =	vld [tilespmem:s18+$0x0];
	[tilespmem:v0+s20+$0x70 ss:$0x1] =	vst.idx.msk $0xffff, v1  }
0x5c: {  	v5 =	vld [tilespmem:s18+$0x10];
	[tilespmem:v0+s20+$0x0 ss:$0x1] =	vst.idx.msk $0xffff, v4  }
0x5d: {  	v4 =	vld [tilespmem:s18+$0x20];
	[tilespmem:v0+s20+$0x10 ss:$0x1] =	vst.idx.msk $0xffff, v6;
	s18 =	sadd.s32 $0x80, s18  }
0x5e: {  	s22 =	sadd.s32 $0xFFFFFFFF, s21;
	p0 =	por $0x1, $0x1;
	s21 =	simm.s32 $0x0;
	[tilespmem:v0+s20+$0x20 ss:$0x1] =	vst.idx.msk $0xffff, v7;
	v1 =	vld [tilespmem:s18+$0x30]  }
.LBB1_7:
0x5f: {  	p1 =	sne.s32 s22, $0x1;
	v6 =	vld [tilespmem:s18+$0xFFFFFFC0];
	[tilespmem:v0+s20+$0x30 ss:$0x1] =	vst.idx.msk $0xffff, v2  }
0x60: {  	v7 =	vld [tilespmem:s18+$0xFFFFFFD0];
	[tilespmem:v0+s20+$0x40 ss:$0x1] =	vst.idx.msk $0xffff, v3  }
0x61: {  	s21 =	sadd.s32 $0x80, s21;
	v8 =	vld [tilespmem:s18+$0xFFFFFFE0];
	[tilespmem:v0+s20+$0x50 ss:$0x1] =	vst.idx.msk $0xffff, v5  }
.Ltmp6:
0x62: {  	v2 =	vld [tilespmem:s18+$0xFFFFFFF0];
	[tilespmem:v0+s20+$0x60 ss:$0x1] =	vst.idx.msk $0xffff, v4;
	s20 =	sand.u32 $0x3F80, s21;
	(pc) =	sbr.rel @p1 .LBB1_7-.Ltmp6, $4  }
0x63: {  	v3 =	vld [tilespmem:s18+$0x0];
	[tilespmem:v0+s20+$0x70 ss:$0x1] =	vst.idx.msk $0xffff, v1  }
0x64: {  	[tilespmem:v0+s20+$0x0 ss:$0x1] =	vst.idx.msk $0xffff, v6;
	v5 =	vld [tilespmem:s18+$0x10]  }
0x65: {  	[tilespmem:v0+s20+$0x10 ss:$0x1] =	vst.idx.msk $0xffff, v7;
	v4 =	vld [tilespmem:s18+$0x20];
	s18 =	sadd.s32 $0x80, s18  }
0x66: {  	s22 =	sadd.s32 $0xFFFFFFFF, s22;
	v1 =	vld [tilespmem:s18+$0x30];
	[tilespmem:v0+s20+$0x20 ss:$0x1] =	vst.idx.msk $0xffff, v8  }
.Ltmp7:
0x67: {  	_ = 	snop;
	(pc) =	sbr.rel .LBB1_8-.Ltmp7, $1  }
0x68: {  	_ =	sdelay $0x3  }
.LBB1_6:
.Ltmp8:
0x69: {  	(pc) =	sbr.rel .LBB1_8-.Ltmp8, $2  }
0x6a: {  	_ =	sdelay $0x2  }
0x6b: {  	s21 =	simm.s32 $0x0  }
.LBB1_11:
0x6c: {  	_ =	sfence.sel $0x180000  }
0x6d: {  	s2 =	simm.s32 $0x1;
	[bflag:$0x0] =	sbarrier.arrive $0xFFFF  }
0x6e: {  	s31 =	simm.s32 $0x2;
	[sflag:s2] =	ssyncpa.u1 $0x1  }
0x6f: {  	[sflag:s31] =	ssyncpa.u1 $0x1  }
0x70: {  	p0 =	sne.s32 s0, $0x0;
	_ =	strace $0x90000047  }
0x71: {  	s0 =	sadd.s32 @!p0 $0x100000, s1;
	[bflag:$0x2] =	sbarrier.arrive $0xFFFF  }
0x72: {  	[sflag:s0] =	ssyncadd.tile.s32 @!p0 $0x1;
	_ =	shalt  }
.Lfunc_end1:
_tile_overlayer_lowered:
.L_overlay_start_2:
0x73: {  	(tag) =	ssettag $0x2  }
0x74: {  	s0 =	rddreg [dreg:$0x0];
	s2 =	stileid.u32  }
0x75: {  	s1 =	rddreg [dreg:$0x1];
	p0 =	sne.s32 s2, $0x0  }
0x76: {  	s3 =	rddreg [dreg:$0x2];
	[bflag:$0x3] =	sbarrier.arrive $0xFFFF;
	s2 =	simm.s32 @!p0 $0x1C01  }
0x77: {  	[timem:s3], [sflag:s2] =	dma.local @!p0 [hbm:s0], s1  }
0x78: {  	s0 =	simm.s32 @!p0 $0x1  }
0x79: {  	_ =	swait.ge @!p0 [sflag:s0], s1  }
0x7a: {  	s1 =	ssub.s32 @!p0 $0x0, s1;
	[sflag:s0] =	ssyncset.done @!p0 $0x0  }
0x7b: {  	[sflag:s0] =	ssyncadd.s32 @!p0 s1  }
0x7c: {  	[bflag:$0x3] =	sbarrier.arrive $0xFFFF  }
0x7d: {  	_ =	shalt  }

</sc_bundles>
